<compile_context>
chip_gen: v7x
topology: tpu7x:2x2x1
jax: 0.10.2.dev20260603
libtpu: 0.0.44.dev20260713+nightly
codegen_flags: <defaults>
</compile_context>

<pallas_src>
import dataclasses
import functools

import jax
import jax.numpy as jnp
from jax import lax
from jax.experimental import pallas as pl
from jax.experimental.pallas import tpu as pltpu
from jax.experimental.pallas import tpu_sc as plsc

N = 10000
D = 256
E = 160000
NC, NS, L = 2, 16, 16
CH = 128
E_PAD = 163840
ROWS = E_PAD // CH
ROWS_T32 = ROWS // (NC * NS)
ROWS_T16 = ROWS // NS
HALF = N // 2
ACC_ROWS = 5120
SLAB = ACC_ROWS // NS
DH = D // 2
DEG_LEN = 10240
DEG_SLAB = DEG_LEN // NS

_mesh = plsc.VectorSubcoreMesh(core_axis_name="c", subcore_axis_name="s",
                               num_cores=NC, num_subcores=NS)

_cp_no_layout = pltpu.CompilerParams()
if "needs_layout_passes" in pltpu.CompilerParams.__dataclass_fields__:
    _cp_no_layout = dataclasses.replace(_cp_no_layout, needs_layout_passes=False)


CAP = ROWS_T16 * CH
CAP_PAD = CAP + CH
CH2 = 64
NCH2 = CAP // CH2


def _sc_compact(src_rows, dst_rows, val_rows):

    @functools.partial(
        pl.kernel,
        out_type=[jax.ShapeDtypeStruct((NC, NS, CAP), jnp.int32),
                  jax.ShapeDtypeStruct((NC, NS, CAP), jnp.int32),
                  jax.ShapeDtypeStruct((NC, DEG_LEN), jnp.float32)],
        mesh=_mesh,
        scratch_types=[
            pltpu.VMEM((ROWS_T16, CH), jnp.int32),
            pltpu.VMEM((ROWS_T16, CH), jnp.int32),
            pltpu.VMEM((CAP_PAD,), jnp.int32),
            pltpu.VMEM((CAP_PAD,), jnp.int32),
            pltpu.VMEM((ROWS_T32, CH), jnp.float32),
            pltpu.VMEM((DEG_SLAB,), jnp.float32),
            pltpu.VMEM_SHARED((DEG_LEN,), jnp.float32),
        ],
        compiler_params=_cp_no_layout,
    )
    def k(src_hbm, dst_hbm, val_hbm, srcc_hbm, dstc_hbm, deg_hbm,
          src_v, dst_v, src_c, dst_c, val_v, zbuf, deg_sh):
        c = lax.axis_index("c")
        s = lax.axis_index("s")
        wid = c * NS + s
        lo = c * HALF

        @pl.loop(0, DEG_SLAB, step=L)
        def _(i):
            zbuf[pl.ds(i, L)] = jnp.zeros((L,), jnp.float32)

        pltpu.sync_copy(zbuf, deg_sh.at[pl.ds(s * DEG_SLAB, DEG_SLAB)])
        pltpu.sync_copy(src_hbm.at[pl.ds(s * ROWS_T16, ROWS_T16)], src_v)
        pltpu.sync_copy(dst_hbm.at[pl.ds(s * ROWS_T16, ROWS_T16)], dst_v)
        pltpu.sync_copy(
            val_hbm.at[pl.ds(s * ROWS_T16 + c * ROWS_T32, ROWS_T32)], val_v)
        plsc.subcore_barrier()

        d0 = c * ROWS_T32
        @pl.loop(0, ROWS_T32)
        def _(j):
            pltpu.sync_copy(val_v.at[j], deg_sh.at[src_v.at[d0 + j]],
                            add=True)

        @pl.loop(0, CAP_PAD, step=L)
        def _(i):
            src_c[pl.ds(i, L)] = jnp.zeros((L,), jnp.int32)
            dst_c[pl.ds(i, L)] = jnp.full((L,), HALF, jnp.int32)

        def _compact_group(i, off, j):
            sv = src_v[j, pl.ds(i, L)]
            dv = dst_v[j, pl.ds(i, L)] - lo
            ok = (dv >= 0) & (dv < HALF)
            plsc.store_compressed(src_c.at[pl.ds(off, L)], sv, mask=ok)
            plsc.store_compressed(dst_c.at[pl.ds(off, L)], dv, mask=ok)
            return off + jnp.sum(ok.astype(jnp.int32))

        def _compact_row(j, off):
            return pl.loop(0, CH, step=L, init_carry=off)(
                lambda i, o: _compact_group(i, o, j))

        pl.loop(0, ROWS_T16, init_carry=jnp.int32(0))(_compact_row)
        pltpu.sync_copy(src_c.at[pl.ds(0, CAP)], srcc_hbm.at[c, s])
        pltpu.sync_copy(dst_c.at[pl.ds(0, CAP)], dstc_hbm.at[c, s])
        plsc.subcore_barrier()
        pltpu.sync_copy(deg_sh.at[pl.ds(s * DEG_SLAB, DEG_SLAB)],
                        deg_hbm.at[c, pl.ds(s * DEG_SLAB, DEG_SLAB)])

    return k(src_rows, dst_rows, val_rows)


def _sc_scatter(y0, y1, srcc, dstc):

    @functools.partial(
        pl.kernel,
        out_type=[jax.ShapeDtypeStruct((NC, ACC_ROWS, DH), jnp.float32),
                  jax.ShapeDtypeStruct((NC, ACC_ROWS, DH), jnp.float32)],
        mesh=_mesh,
        scratch_types=[
            pltpu.VMEM((NCH2, CH2), jnp.int32),
            pltpu.VMEM((NCH2, CH2), jnp.int32),
            pltpu.VMEM((CH2, DH), jnp.float32),
            pltpu.VMEM((CH2, DH), jnp.float32),
            [pltpu.SemaphoreType.DMA] * 2,
            [pltpu.SemaphoreType.DMA] * 2,
            pltpu.VMEM_SHARED((ACC_ROWS, DH), jnp.float32),
        ],
        compiler_params=_cp_no_layout,
    )
    def k(y0_hbm, y1_hbm, srcc_hbm, dstc_hbm, o0_hbm, o1_hbm,
          src_c, dst_c,
          buf0, buf1, gsems, ssems, acc_sh):
        c = lax.axis_index("c")
        s = lax.axis_index("s")
        base = s * SLAB

        def zero_buf0():
            @pl.loop(0, CH2)
            def _(i):
                @pl.loop(0, DH, step=L)
                def _(k2):
                    buf0[i, pl.ds(k2, L)] = jnp.zeros((L,), jnp.float32)

        def zero_slab():
            for r in range(0, SLAB, CH2):
                pltpu.sync_copy(buf0, acc_sh.at[pl.ds(base + r, CH2)])

        zero_buf0()
        zero_slab()
        pltpu.sync_copy(srcc_hbm.at[c, s], src_c)
        pltpu.sync_copy(dstc_hbm.at[c, s], dst_c)

        def _count_row(j, m):
            t = jnp.zeros((L,), jnp.int32)
            for i in range(0, CH2, L):
                t = t + (dst_c[j, pl.ds(i, L)] < HALF).astype(jnp.int32)
            return m + jnp.sum(t)

        off = pl.loop(0, NCH2, init_carry=jnp.int32(0))(_count_row)

        nch = (off + CH2 - 1) // CH2
        bound = jnp.maximum((nch + 1) // 2 * 2, 2)
        bufs = (buf0, buf1)

        for p, (y_hbm, o_hbm) in enumerate(((y0_hbm, o0_hbm),
                                            (y1_hbm, o1_hbm))):
            plsc.subcore_barrier()

            def start_gather(j, k2):
                pltpu.async_copy(y_hbm.at[src_c.at[j]], bufs[k2], gsems[k2])

            def wait_gather(k2):
                pltpu.make_async_copy(y_hbm.at[pl.ds(0, CH2)], bufs[k2],
                                      gsems[k2]).wait()

            def start_scatter(j, k2):
                pltpu.async_copy(bufs[k2], acc_sh.at[dst_c.at[j]], ssems[k2],
                                 add=True)

            def wait_scatter(k2):
                pltpu.make_async_copy(bufs[k2], acc_sh.at[pl.ds(0, CH2)],
                                      ssems[k2]).wait()

            start_gather(0, 0)

            @pl.loop(0, bound, step=2)
            def _(j):
                start_gather(j + 1, 1)
                wait_gather(0)
                start_scatter(j, 0)
                wait_scatter(0)

                @pl.when(j + 2 < bound)
                def _():
                    start_gather(j + 2, 0)

                wait_gather(1)
                start_scatter(j + 1, 1)
                wait_scatter(1)

            plsc.subcore_barrier()
            pltpu.sync_copy(acc_sh.at[pl.ds(base, SLAB)],
                            o_hbm.at[c, pl.ds(base, SLAB)])
            if p == 0:
                zero_buf0()
                zero_slab()

    return k(y0, y1, srcc, dstc)


CH_S = 64
SROWS = E_PAD // CH_S
NCH_S = SROWS // (NC * NS)


def _sc_score(u, hr, s_rows, t_rows):

    @functools.partial(
        pl.kernel,
        out_type=jax.ShapeDtypeStruct((SROWS, CH_S), jnp.float32),
        mesh=_mesh,
        scratch_types=[
            pltpu.VMEM((NCH_S, CH_S), jnp.int32),
            pltpu.VMEM((NCH_S, CH_S), jnp.int32),
            pltpu.VMEM((CH_S, D), jnp.float32),
            pltpu.VMEM((CH_S, D), jnp.float32),
            pltpu.VMEM((CH_S, D), jnp.float32),
            pltpu.VMEM((CH_S, D), jnp.float32),
            pltpu.VMEM((NCH_S, CH_S), jnp.float32),
            pltpu.VMEM((L, L), jnp.float32),
            pltpu.SemaphoreType.DMA,
            pltpu.SemaphoreType.DMA,
            pltpu.SemaphoreType.DMA,
            pltpu.SemaphoreType.DMA,
        ],
        compiler_params=_cp_no_layout,
    )
    def k(u_hbm, hr_hbm, s_hbm, t_hbm, out_hbm,
          s_v, t_v, bufA0, bufB0, bufA1, bufB1, pbuf, pstage,
          semA0, semB0, semA1, semB1):
        c = lax.axis_index("c")
        s = lax.axis_index("s")
        wid = c * NS + s
        pltpu.sync_copy(s_hbm.at[pl.ds(wid * NCH_S, NCH_S)], s_v)
        pltpu.sync_copy(t_hbm.at[pl.ds(wid * NCH_S, NCH_S)], t_v)
        rows16 = lax.iota(jnp.int32, L)

        def start(j, bA, bB, sA, sB):
            pltpu.async_copy(u_hbm.at[s_v.at[j]], bA, sA)
            pltpu.async_copy(hr_hbm.at[t_v.at[j]], bB, sB)

        def wait(bA, bB, sA, sB):
            pltpu.make_async_copy(u_hbm.at[pl.ds(0, CH_S)], bA, sA).wait()
            pltpu.make_async_copy(hr_hbm.at[pl.ds(0, CH_S)], bB, sB).wait()

        def compute(j, bA, bB):
            @pl.loop(0, CH_S, step=L)
            def _(g):
                @pl.loop(0, L)
                def _(e):
                    ea = g + e
                    acc0 = jnp.zeros((L,), jnp.float32)
                    acc1 = jnp.zeros((L,), jnp.float32)
                    for kk in range(0, L, 2):
                        acc0 = acc0 + (bA[ea, pl.ds(kk * L, L)] *
                                       bB[ea, pl.ds(kk * L, L)])
                        acc1 = acc1 + (bA[ea, pl.ds((kk + 1) * L, L)] *
                                       bB[ea, pl.ds((kk + 1) * L, L)])
                    pstage[e, pl.ds(0, L)] = acc0 + acc1

                accT = jnp.zeros((L,), jnp.float32)
                for kk in range(L):
                    cols = jnp.full((L,), kk, jnp.int32)
                    accT = accT + plsc.load_gather(pstage, [rows16, cols])
                pbuf[j, pl.ds(g, L)] = accT

        start(0, bufA0, bufB0, semA0, semB0)

        @pl.loop(0, NCH_S, step=2)
        def _(j):
            start(j + 1, bufA1, bufB1, semA1, semB1)
            wait(bufA0, bufB0, semA0, semB0)
            compute(j, bufA0, bufB0)

            @pl.when(j + 2 < NCH_S)
            def _():
                start(j + 2, bufA0, bufB0, semA0, semB0)

            wait(bufA1, bufB1, semA1, semB1)
            compute(j + 1, bufA1, bufB1)

        pltpu.sync_copy(pbuf, out_hbm.at[pl.ds(wid * NCH_S, NCH_S)])

    return k(u, hr, s_rows, t_rows)


def _tc_prescale(degsum, x):
    BR = 1000

    def body(deg_ref, x_ref, dis_ref, y0_ref, y1_ref):
        dv = deg_ref[...]
        dis = jnp.where(dv > 0, lax.rsqrt(dv), 0.0)
        dis_ref[...] = dis
        y = dis * x_ref[...]
        y0_ref[...] = y[:, :DH]
        y1_ref[...] = y[:, DH:]

    return pl.pallas_call(
        body,
        grid=(N // BR,),
        in_specs=[pl.BlockSpec((BR, 1), lambda i: (i, 0)),
                  pl.BlockSpec((BR, D), lambda i: (i, 0))],
        out_specs=[pl.BlockSpec((BR, 1), lambda i: (i, 0)),
                   pl.BlockSpec((BR, DH), lambda i: (i, 0)),
                   pl.BlockSpec((BR, DH), lambda i: (i, 0))],
        out_shape=[jax.ShapeDtypeStruct((N, 1), jnp.float32),
                   jax.ShapeDtypeStruct((N, DH), jnp.float32),
                   jax.ShapeDtypeStruct((N, DH), jnp.float32)],
    )(degsum, x)


def _tc_main(x, acc0, acc1, dis, Wx, Wt, bc, wpost):
    BR = 1000

    def body(x_ref, a0_ref, a1_ref, dis_ref, wx_ref, wt_ref, b_ref, wp_ref,
             h_ref, u_ref, hr_ref):
        t1 = jnp.concatenate([a0_ref[0], a1_ref[0]], axis=1) * (-dis_ref[...])
        A = (jnp.dot(x_ref[...], wx_ref[...],
                     preferred_element_type=jnp.float32) +
             jnp.dot(t1, wt_ref[...], preferred_element_type=jnp.float32) +
             b_ref[...])
        z = jax.nn.sigmoid(A[:, :D])
        ht = jnp.tanh(A[:, D:])
        h = (1.0 - z) * ht
        h_ref[...] = h
        hrv = jnp.maximum(h, 0.0)
        hr_ref[...] = hrv
        u_ref[...] = hrv * wp_ref[...]

    return pl.pallas_call(
        body,
        grid=(N // BR,),
        in_specs=[pl.BlockSpec((BR, D), lambda i: (i, 0)),
                  pl.BlockSpec((1, BR, DH), lambda i: (i // 5, i % 5, 0)),
                  pl.BlockSpec((1, BR, DH), lambda i: (i // 5, i % 5, 0)),
                  pl.BlockSpec((BR, 1), lambda i: (i, 0)),
                  pl.BlockSpec((D, 2 * D), lambda i: (0, 0)),
                  pl.BlockSpec((D, 2 * D), lambda i: (0, 0)),
                  pl.BlockSpec((1, 2 * D), lambda i: (0, 0)),
                  pl.BlockSpec((1, D), lambda i: (0, 0))],
        out_specs=[pl.BlockSpec((BR, D), lambda i: (i, 0)),
                   pl.BlockSpec((BR, D), lambda i: (i, 0)),
                   pl.BlockSpec((BR, D), lambda i: (i, 0))],
        out_shape=[jax.ShapeDtypeStruct((N, D), jnp.float32),
                   jax.ShapeDtypeStruct((N, D), jnp.float32),
                   jax.ShapeDtypeStruct((N, D), jnp.float32)],
    )(x, acc0, acc1, dis, Wx, Wt, bc, wpost)


def kernel(x, edge_index, edge_label_index, W_xz, b_xz, W_hz, b_hz,
           W_xr, b_xr, W_hr, b_hr, W_xh, b_xh, W_hh, b_hh, W_post, b_post):
    pad = E_PAD - E
    i32 = jnp.int32
    src = edge_index[0].astype(i32)
    dst = edge_index[1].astype(i32)
    src_rows = jnp.concatenate([src, jnp.zeros((pad,), i32)]).reshape(ROWS, CH)
    dst_rows = jnp.concatenate([dst, jnp.full((pad,), -1, i32)]).reshape(ROWS, CH)
    val_rows = jnp.concatenate([jnp.ones((E,), jnp.float32),
                                jnp.zeros((pad,), jnp.float32)]).reshape(ROWS, CH)
    s_rows = jnp.concatenate([edge_label_index[0].astype(i32),
                              jnp.zeros((pad,), i32)]).reshape(SROWS, CH_S)
    t_rows = jnp.concatenate([edge_label_index[1].astype(i32),
                              jnp.zeros((pad,), i32)]).reshape(SROWS, CH_S)

    srcc, dstc, degp = _sc_compact(src_rows, dst_rows, val_rows)
    degsum = (degp[0] + degp[1])[:N].reshape(N, 1)
    dis, y0, y1 = _tc_prescale(degsum, x)

    srcc = srcc.reshape(NC, NS, NCH2, CH2)
    dstc = dstc.reshape(NC, NS, NCH2, CH2)
    acc0, acc1 = _sc_scatter(y0, y1, srcc, dstc)

    Wx = jnp.concatenate([W_xz[0], W_xh[0]], axis=1)
    Wt = jnp.concatenate([W_xz[1], W_xh[1]], axis=1)
    bc = jnp.concatenate([b_xz + b_hz, b_xh + b_hh]).reshape(1, 2 * D)
    wpost = W_post.sum(axis=1).reshape(1, D)
    h, u, hr = _tc_main(x, acc0, acc1, dis, Wx, Wt, bc, wpost)

    sc = _sc_score(u, hr, s_rows, t_rows)
    pred = sc.reshape(-1)[:E] + b_post.sum()
    return (pred, h)

# --- scband reference (transcript-rebuilt; emitter-appended) ---
"""Pipeline reference for scband-t3-gconv-gru-6442450944065 (READ-ONLY COPY).

The authoritative reference and input builder live on the scoring server;
editing this copy changes nothing except your own understanding.
"""

import jax, jax.numpy as jnp
import numpy as np

N = 10000
E = 160000
D_IN = 256
D_H = 256


def setup_inputs(seed: int = 0):
    key = jax.random.key(seed)
    ks = jax.random.split(key, 24)
    inp = {}
    inp["x"] = jax.random.normal(ks[0], (N, D_IN), dtype=jnp.float32)
    inp["edge_index"] = jax.random.randint(ks[1], (2, E), 0, N)
    inp["edge_label_index"] = jax.random.randint(ks[2], (2, E), 0, N)
    names = ["xz", "hz", "xr", "hr", "xh", "hh"]
    for i, nm in enumerate(names):
        d_in = D_IN if nm[0] == "x" else D_H
        inp["W_" + nm] = jax.random.normal(ks[3 + 2 * i], (2, d_in, D_H), dtype=jnp.float32) * 0.05
        inp["b_" + nm] = jnp.zeros((D_H,), dtype=jnp.float32)
    inp["W_post"] = jax.random.normal(ks[16], (D_H, 2), dtype=jnp.float32) * 0.05
    inp["b_post"] = jnp.zeros((2,), dtype=jnp.float32)
    return inp


def _cheb_norm(edge_index, num_nodes):
    # ChebConv K=2, sym normalization, lambda_max=2 -> scaled Laplacian off-diagonal
    # weights are -deg^{-1/2}[src] * deg^{-1/2}[dst]; diagonal becomes 0.
    src, dst = edge_index[0], edge_index[1]
    ones = jnp.ones(src.shape[0], dtype=jnp.float32)
    deg = jnp.zeros((num_nodes,), dtype=jnp.float32).at[src].add(ones)
    dis = jnp.where(deg > 0, deg ** -0.5, 0.0)
    return -dis[src] * dis[dst]


def _cheb_conv(x, edge_index, norm, W, b):
    # Tx_0 = x ; Tx_1 = L_hat @ x (message passing: gather at src, scatter-add at dst)
    src, dst = edge_index[0], edge_index[1]
    Tx1 = jnp.zeros_like(x).at[dst].add(norm[:, None] * x[src])
    return x @ W[0] + Tx1 @ W[1] + b


def _gconv_gru(x, edge_index, H, p):
    norm = _cheb_norm(edge_index, x.shape[0])
    Z = jax.nn.sigmoid(_cheb_conv(x, edge_index, norm, p["W_xz"], p["b_xz"]) + _cheb_conv(H, edge_index, norm, p["W_hz"], p["b_hz"]))
    R = jax.nn.sigmoid(_cheb_conv(x, edge_index, norm, p["W_xr"], p["b_xr"]) + _cheb_conv(H, edge_index, norm, p["W_hr"], p["b_hr"]))
    Ht = jnp.tanh(_cheb_conv(x, edge_index, norm, p["W_xh"], p["b_xh"]) + _cheb_conv(H * R, edge_index, norm, p["W_hh"], p["b_hh"]))
    return Z * H + (1.0 - Z) * Ht


def reference(x, edge_index, edge_label_index, W_xz, b_xz, W_hz, b_hz, W_xr, b_xr, W_hr, b_hr, W_xh, b_xh, W_hh, b_hh, W_post, b_post):
    p = {"W_xz": W_xz, "b_xz": b_xz, "W_hz": W_hz, "b_hz": b_hz,
         "W_xr": W_xr, "b_xr": b_xr, "W_hr": W_hr, "b_hr": b_hr,
         "W_xh": W_xh, "b_xh": b_xh, "W_hh": W_hh, "b_hh": b_hh}
    H0 = jnp.zeros((x.shape[0], W_hz.shape[2]), dtype=x.dtype)
    h = _gconv_gru(x, edge_index, H0, p)
    hidden = jax.lax.stop_gradient(h)
    hr = jax.nn.relu(h)
    h_src = hr[edge_label_index[0]]
    h_dst = hr[edge_label_index[1]]
    h_hadamard = h_src * h_dst
    out = h_hadamard @ W_post + b_post
    pred = jnp.sum(out, axis=-1)
    return (pred, hidden)

if __name__ == "__main__":
    import jax
    _d = setup_inputs()
    print(jax.jit(kernel)(*tuple(_d.values())))

</pallas_src>

<mosaic_0001>
#map = affine_map<(d0, d1) -> (0, 0)>
#map1 = affine_map<(d0, d1) -> (0, 0, 0)>
module attributes {stable_mosaic.version = 14 : i64} {
  func.func @k(%arg0: i32, %arg1: i32, %arg2: memref<1280x128xi32, #tpu.memory_space<hbm>>, %arg3: memref<1280x128xi32, #tpu.memory_space<hbm>>, %arg4: memref<1280x128xf32, #tpu.memory_space<hbm>>, %arg5: memref<2x16x10240xi32, #tpu.memory_space<hbm>>, %arg6: memref<2x16x10240xi32, #tpu.memory_space<hbm>>, %arg7: memref<2x10240xf32, #tpu.memory_space<hbm>>, %arg8: memref<80x128xi32, #tpu.memory_space<vmem>>, %arg9: memref<80x128xi32, #tpu.memory_space<vmem>>, %arg10: memref<10368xi32, #tpu.memory_space<vmem>>, %arg11: memref<10368xi32, #tpu.memory_space<vmem>>, %arg12: memref<40x128xf32, #tpu.memory_space<vmem>>, %arg13: memref<640xf32, #tpu.memory_space<vmem>>, %arg14: memref<10240xf32, #tpu.memory_space<vmem_shared>>) attributes {dimension_semantics = [#tpu.dimension_semantics<core_parallel>, #tpu.dimension_semantics<subcore_parallel>], iteration_bounds = array<i64: 2, 16>, scalar_prefetch = 0 : i64, scratch_operands = 7 : i64, tpu.core_type = #tpu.core_type<sc_vector_subcore>, window_params = [{transform_indices = #map}, {transform_indices = #map}, {transform_indices = #map}, {transform_indices = #map1}, {transform_indices = #map1}, {transform_indices = #map}]} {
    %mul3A = arith.constant 16 : i32
    %mul3A_0 = arith.muli %arg0, %mul3A : i32
    %add3A = arith.addi %mul3A_0, %arg1 : i32
    %mul3A_1 = arith.constant 5000 : i32
    %mul3A_2 = arith.muli %arg0, %mul3A_1 : i32
    %scan3A = arith.constant 0 : i32
    %scan3A_3 = arith.constant 40 : i32
    %scan3A_4 = arith.addi %scan3A, %scan3A_3 : i32
    %scan3A_5 = arith.constant 1 : i32
    scf.for %scan3A_42 = %scan3A to %scan3A_4 step %scan3A_5  : i32 {
      %mul3A_43 = arith.constant 16 : i32
      %mul3A_44 = arith.muli %scan3A_42, %mul3A_43 : i32
      %add3A_45 = arith.constant 0 : i32
      %add3A_46 = arith.addi %add3A_45, %mul3A_44 : i32
      %broadcast_in_dim3A = arith.constant 0.000000e+00 : f32
      %broadcast_in_dim3A_47 = vector.broadcast %broadcast_in_dim3A : f32 to vector<16xf32>
      %swap3A = arith.index_cast %add3A_46 : i32 to index
      %swap3A_48 = tpu.vector_load %arg13[%swap3A] {strides = array<i32>} : memref<640xf32, #tpu.memory_space<vmem>>, vector<16xf32>,
      tpu.vector_store %arg13[%swap3A], %broadcast_in_dim3A_47 {strides = array<i32>} : memref<640xf32, #tpu.memory_space<vmem>>, vector<16xf32>,
    }
    %scan3A_6 = arith.constant 40 : i32
    %mul3A_7 = arith.constant 640 : i32
    %mul3A_8 = arith.muli %arg1, %mul3A_7 : i32
    "tpu.region"() ({
      %run_scoped3A = tpu.sem_alloc : memref<!tpu.dma_semaphore, #tpu.memory_space<semaphore_mem>>
      %dma_start3A = tpu.memref_slice %arg14[%mul3A_8] : memref<10240xf32, #tpu.memory_space<vmem_shared>> -> memref<640xf32, #tpu.memory_space<vmem_shared>>
      %dma_start3A_42 = tpu.memref_slice %arg14[%mul3A_8] : memref<10240xf32, #tpu.memory_space<vmem_shared>> -> memref<640xf32, #tpu.memory_space<vmem_shared>>
      tpu.enqueue_dma source(%arg13 : memref<640xf32, #tpu.memory_space<vmem>>) target(%dma_start3A_42 : memref<640xf32, #tpu.memory_space<vmem_shared>>) target_semaphore(%run_scoped3A : memref<!tpu.dma_semaphore, #tpu.memory_space<semaphore_mem>>)
      %dma_wait3A = tpu.memref_slice %arg14[%mul3A_8] : memref<10240xf32, #tpu.memory_space<vmem_shared>> -> memref<640xf32, #tpu.memory_space<vmem_shared>>
      %dma_wait3A_43 = tpu.memref_slice %arg14[%mul3A_8] : memref<10240xf32, #tpu.memory_space<vmem_shared>> -> memref<640xf32, #tpu.memory_space<vmem_shared>>
      tpu.wait_dma2 semaphore(%run_scoped3A : memref<!tpu.dma_semaphore, #tpu.memory_space<semaphore_mem>>) src(%arg13 : memref<640xf32, #tpu.memory_space<vmem>>) dst(%dma_wait3A_43 : memref<640xf32, #tpu.memory_space<vmem_shared>>)
      tpu.yield
    }) : () -> ()
    %mul3A_9 = arith.constant 80 : i32
    %mul3A_10 = arith.muli %arg1, %mul3A_9 : i32
    "tpu.region"() ({
      %run_scoped3A = tpu.sem_alloc : memref<!tpu.dma_semaphore, #tpu.memory_space<semaphore_mem>>
      %dma_start3A = arith.constant 0 : i32
      %dma_start3A_42 = tpu.memref_slice %arg2[%mul3A_10, %dma_start3A] : memref<1280x128xi32, #tpu.memory_space<hbm>> -> memref<80x128xi32, #tpu.memory_space<hbm>>
      %dma_start3A_43 = arith.constant 0 : i32
      %dma_start3A_44 = tpu.memref_slice %arg2[%mul3A_10, %dma_start3A_43] : memref<1280x128xi32, #tpu.memory_space<hbm>> -> memref<80x128xi32, #tpu.memory_space<hbm>>
      tpu.enqueue_dma source(%dma_start3A_44 : memref<80x128xi32, #tpu.memory_space<hbm>>) target(%arg8 : memref<80x128xi32, #tpu.memory_space<vmem>>) target_semaphore(%run_scoped3A : memref<!tpu.dma_semaphore, #tpu.memory_space<semaphore_mem>>)
      %dma_wait3A = arith.constant 0 : i32
      %dma_wait3A_45 = tpu.memref_slice %arg2[%mul3A_10, %dma_wait3A] : memref<1280x128xi32, #tpu.memory_space<hbm>> -> memref<80x128xi32, #tpu.memory_space<hbm>>
      %dma_wait3A_46 = arith.constant 0 : i32
      %dma_wait3A_47 = tpu.memref_slice %arg2[%mul3A_10, %dma_wait3A_46] : memref<1280x128xi32, #tpu.memory_space<hbm>> -> memref<80x128xi32, #tpu.memory_space<hbm>>
      tpu.wait_dma2 semaphore(%run_scoped3A : memref<!tpu.dma_semaphore, #tpu.memory_space<semaphore_mem>>) src(%dma_wait3A_47 : memref<80x128xi32, #tpu.memory_space<hbm>>) dst(%arg8 : memref<80x128xi32, #tpu.memory_space<vmem>>)
      tpu.yield
    }) : () -> ()
    %mul3A_11 = arith.constant 80 : i32
    %mul3A_12 = arith.muli %arg1, %mul3A_11 : i32
    "tpu.region"() ({
      %run_scoped3A = tpu.sem_alloc : memref<!tpu.dma_semaphore, #tpu.memory_space<semaphore_mem>>
      %dma_start3A = arith.constant 0 : i32
      %dma_start3A_42 = tpu.memref_slice %arg3[%mul3A_12, %dma_start3A] : memref<1280x128xi32, #tpu.memory_space<hbm>> -> memref<80x128xi32, #tpu.memory_space<hbm>>
      %dma_start3A_43 = arith.constant 0 : i32
      %dma_start3A_44 = tpu.memref_slice %arg3[%mul3A_12, %dma_start3A_43] : memref<1280x128xi32, #tpu.memory_space<hbm>> -> memref<80x128xi32, #tpu.memory_space<hbm>>
      tpu.enqueue_dma source(%dma_start3A_44 : memref<80x128xi32, #tpu.memory_space<hbm>>) target(%arg9 : memref<80x128xi32, #tpu.memory_space<vmem>>) target_semaphore(%run_scoped3A : memref<!tpu.dma_semaphore, #tpu.memory_space<semaphore_mem>>)
      %dma_wait3A = arith.constant 0 : i32
      %dma_wait3A_45 = tpu.memref_slice %arg3[%mul3A_12, %dma_wait3A] : memref<1280x128xi32, #tpu.memory_space<hbm>> -> memref<80x128xi32, #tpu.memory_space<hbm>>
      %dma_wait3A_46 = arith.constant 0 : i32
      %dma_wait3A_47 = tpu.memref_slice %arg3[%mul3A_12, %dma_wait3A_46] : memref<1280x128xi32, #tpu.memory_space<hbm>> -> memref<80x128xi32, #tpu.memory_space<hbm>>
      tpu.wait_dma2 semaphore(%run_scoped3A : memref<!tpu.dma_semaphore, #tpu.memory_space<semaphore_mem>>) src(%dma_wait3A_47 : memref<80x128xi32, #tpu.memory_space<hbm>>) dst(%arg9 : memref<80x128xi32, #tpu.memory_space<vmem>>)
      tpu.yield
    }) : () -> ()
    %mul3A_13 = arith.constant 80 : i32
    %mul3A_14 = arith.muli %arg1, %mul3A_13 : i32
    %mul3A_15 = arith.constant 40 : i32
    %mul3A_16 = arith.muli %arg0, %mul3A_15 : i32
    %add3A_17 = arith.addi %mul3A_14, %mul3A_16 : i32
    "tpu.region"() ({
      %run_scoped3A = tpu.sem_alloc : memref<!tpu.dma_semaphore, #tpu.memory_space<semaphore_mem>>
      %dma_start3A = arith.constant 0 : i32
      %dma_start3A_42 = tpu.memref_slice %arg4[%add3A_17, %dma_start3A] : memref<1280x128xf32, #tpu.memory_space<hbm>> -> memref<40x128xf32, #tpu.memory_space<hbm>>
      %dma_start3A_43 = arith.constant 0 : i32
      %dma_start3A_44 = tpu.memref_slice %arg4[%add3A_17, %dma_start3A_43] : memref<1280x128xf32, #tpu.memory_space<hbm>> -> memref<40x128xf32, #tpu.memory_space<hbm>>
      tpu.enqueue_dma source(%dma_start3A_44 : memref<40x128xf32, #tpu.memory_space<hbm>>) target(%arg12 : memref<40x128xf32, #tpu.memory_space<vmem>>) target_semaphore(%run_scoped3A : memref<!tpu.dma_semaphore, #tpu.memory_space<semaphore_mem>>)
      %dma_wait3A = arith.constant 0 : i32
      %dma_wait3A_45 = tpu.memref_slice %arg4[%add3A_17, %dma_wait3A] : memref<1280x128xf32, #tpu.memory_space<hbm>> -> memref<40x128xf32, #tpu.memory_space<hbm>>
      %dma_wait3A_46 = arith.constant 0 : i32
      %dma_wait3A_47 = tpu.memref_slice %arg4[%add3A_17, %dma_wait3A_46] : memref<1280x128xf32, #tpu.memory_space<hbm>> -> memref<40x128xf32, #tpu.memory_space<hbm>>
      tpu.wait_dma2 semaphore(%run_scoped3A : memref<!tpu.dma_semaphore, #tpu.memory_space<semaphore_mem>>) src(%dma_wait3A_47 : memref<40x128xf32, #tpu.memory_space<hbm>>) dst(%arg12 : memref<40x128xf32, #tpu.memory_space<vmem>>)
      tpu.yield
    }) : () -> ()
    %barrier3A = arith.constant 0 : index
    tpu.barrier barrier_id(%barrier3A)
    %mul3A_18 = arith.constant 40 : i32
    %mul3A_19 = arith.muli %arg0, %mul3A_18 : i32
    %scan3A_20 = arith.constant 0 : i32
    %scan3A_21 = arith.constant 40 : i32
    %scan3A_22 = arith.addi %scan3A_20, %scan3A_21 : i32
    %scan3A_23 = arith.constant 1 : i32
    scf.for %scan3A_42 = %scan3A_20 to %scan3A_22 step %scan3A_23  : i32 {
      %mul3A_43 = arith.constant 1 : i32
      %mul3A_44 = arith.muli %scan3A_42, %mul3A_43 : i32
      %add3A_45 = arith.constant 0 : i32
      %add3A_46 = arith.addi %add3A_45, %mul3A_44 : i32
      %add3A_47 = arith.addi %mul3A_19, %add3A_46 : i32
      "tpu.region"() ({
        %run_scoped3A = tpu.sem_alloc : memref<!tpu.dma_semaphore, #tpu.memory_space<semaphore_mem>>
        %dma_start3A = arith.constant 0 : i32
        %dma_start3A_48 = tpu.memref_slice %arg12[%add3A_46, %dma_start3A] : memref<40x128xf32, #tpu.memory_space<vmem>> -> memref<1x128xf32, #tpu.memory_space<vmem>>
        %dma_start3A_49 = tpu.memref_squeeze %dma_start3A_48 : memref<1x128xf32, #tpu.memory_space<vmem>> -> memref<128xf32, #tpu.memory_space<vmem>>
        %dma_start3A_50 = arith.constant 0 : i32
        %dma_start3A_51 = tpu.memref_slice %arg8[%add3A_47, %dma_start3A_50] : memref<80x128xi32, #tpu.memory_space<vmem>> -> memref<1x128xi32, #tpu.memory_space<vmem>>
        %dma_start3A_52 = tpu.memref_squeeze %dma_start3A_51 : memref<1x128xi32, #tpu.memory_space<vmem>> -> memref<128xi32, #tpu.memory_space<vmem>>
        %dma_start3A_53 = arith.constant 0 : i32
        %dma_start3A_54 = tpu.memref_slice %arg14[%dma_start3A_53] : memref<10240xf32, #tpu.memory_space<vmem_shared>> -> memref<10240xf32, #tpu.memory_space<vmem_shared>>
        tpu.enqueue_indirect_dma source(%dma_start3A_49 : memref<128xf32, #tpu.memory_space<vmem>>) target(%dma_start3A_54 : memref<10240xf32, #tpu.memory_space<vmem_shared>>) offsets(%dma_start3A_52 : memref<128xi32, #tpu.memory_space<vmem>>) semaphore(%run_scoped3A : memref<!tpu.dma_semaphore, #tpu.memory_space<semaphore_mem>>) {add = true}
        %dma_wait3A = arith.constant 0 : i32
        %dma_wait3A_55 = tpu.memref_slice %arg12[%add3A_46, %dma_wait3A] : memref<40x128xf32, #tpu.memory_space<vmem>> -> memref<1x128xf32, #tpu.memory_space<vmem>>
        %dma_wait3A_56 = tpu.memref_squeeze %dma_wait3A_55 : memref<1x128xf32, #tpu.memory_space<vmem>> -> memref<128xf32, #tpu.memory_space<vmem>>
        %dma_wait3A_57 = arith.constant 0 : i32
        %dma_wait3A_58 = tpu.memref_slice %arg8[%add3A_47, %dma_wait3A_57] : memref<80x128xi32, #tpu.memory_space<vmem>> -> memref<1x128xi32, #tpu.memory_space<vmem>>
        %dma_wait3A_59 = tpu.memref_squeeze %dma_wait3A_58 : memref<1x128xi32, #tpu.memory_space<vmem>> -> memref<128xi32, #tpu.memory_space<vmem>>
        %dma_wait3A_60 = arith.constant 0 : i32
        %dma_wait3A_61 = tpu.memref_slice %arg14[%dma_wait3A_60] : memref<10240xf32, #tpu.memory_space<vmem_shared>> -> memref<10240xf32, #tpu.memory_space<vmem_shared>>
        tpu.wait_indirect_dma semaphore(%run_scoped3A : memref<!tpu.dma_semaphore, #tpu.memory_space<semaphore_mem>>) src(%dma_wait3A_56 : memref<128xf32, #tpu.memory_space<vmem>>) dst(%dma_wait3A_61 : memref<10240xf32, #tpu.memory_space<vmem_shared>>)
        tpu.yield
      }) : () -> ()
    }
    %scan3A_24 = arith.constant 40 : i32
    %scan3A_25 = arith.constant 0 : i32
    %scan3A_26 = arith.constant 648 : i32
    %scan3A_27 = arith.addi %scan3A_25, %scan3A_26 : i32
    %scan3A_28 = arith.constant 1 : i32
    scf.for %scan3A_42 = %scan3A_25 to %scan3A_27 step %scan3A_28  : i32 {
      %mul3A_43 = arith.constant 16 : i32
      %mul3A_44 = arith.muli %scan3A_42, %mul3A_43 : i32
      %add3A_45 = arith.constant 0 : i32
      %add3A_46 = arith.addi %add3A_45, %mul3A_44 : i32
      %broadcast_in_dim3A = arith.constant 0 : i32
      %broadcast_in_dim3A_47 = vector.broadcast %broadcast_in_dim3A : i32 to vector<16xi32>
      %swap3A = arith.index_cast %add3A_46 : i32 to index
      %swap3A_48 = tpu.vector_load %arg10[%swap3A] {strides = array<i32>} : memref<10368xi32, #tpu.memory_space<vmem>>, vector<16xi32>,
      tpu.vector_store %arg10[%swap3A], %broadcast_in_dim3A_47 {strides = array<i32>} : memref<10368xi32, #tpu.memory_space<vmem>>, vector<16xi32>,
      %broadcast_in_dim3A_49 = arith.constant 5000 : i32
      %broadcast_in_dim3A_50 = vector.broadcast %broadcast_in_dim3A_49 : i32 to vector<16xi32>
      %swap3A_51 = arith.index_cast %add3A_46 : i32 to index
      %swap3A_52 = tpu.vector_load %arg11[%swap3A_51] {strides = array<i32>} : memref<10368xi32, #tpu.memory_space<vmem>>, vector<16xi32>,
      tpu.vector_store %arg11[%swap3A_51], %broadcast_in_dim3A_50 {strides = array<i32>} : memref<10368xi32, #tpu.memory_space<vmem>>, vector<16xi32>,
    }
    %scan3A_29 = arith.constant 648 : i32
    %scan3A_30 = arith.constant 0 : i32
    %scan3A_31 = arith.constant 0 : i32
    %scan3A_32 = arith.constant 80 : i32
    %scan3A_33 = arith.addi %scan3A_31, %scan3A_32 : i32
    %scan3A_34 = arith.constant 1 : i32
    %scan3A_35 = scf.for %scan3A_42 = %scan3A_31 to %scan3A_33 step %scan3A_34 iter_args(%scan3A_43 = %scan3A_30) -> (i32)  : i32 {
      %mul3A_44 = arith.constant 1 : i32
      %mul3A_45 = arith.muli %scan3A_42, %mul3A_44 : i32
      %add3A_46 = arith.constant 0 : i32
      %add3A_47 = arith.addi %add3A_46, %mul3A_45 : i32
      %scan3A_48 = arith.constant 0 : i32
      %scan3A_49 = arith.constant 8 : i32
      %scan3A_50 = arith.addi %scan3A_48, %scan3A_49 : i32
      %scan3A_51 = arith.constant 1 : i32
      %scan3A_52 = scf.for %scan3A_54 = %scan3A_48 to %scan3A_50 step %scan3A_51 iter_args(%scan3A_55 = %scan3A_43) -> (i32)  : i32 {
        %mul3A_56 = arith.constant 16 : i32
        %mul3A_57 = arith.muli %scan3A_54, %mul3A_56 : i32
        %add3A_58 = arith.constant 0 : i32
        %add3A_59 = arith.addi %add3A_58, %mul3A_57 : i32
        %get3A = arith.index_cast %add3A_47 : i32 to index
        %get3A_60 = arith.index_cast %add3A_59 : i32 to index
        %get3A_61 = tpu.vector_load %arg8[%get3A, %get3A_60] {strides = array<i32>} : memref<80x128xi32, #tpu.memory_space<vmem>>, vector<16xi32>,
        %get3A_62 = arith.index_cast %add3A_47 : i32 to index
        %get3A_63 = arith.index_cast %add3A_59 : i32 to index
        %get3A_64 = tpu.vector_load %arg9[%get3A_62, %get3A_63] {strides = array<i32>} : memref<80x128xi32, #tpu.memory_space<vmem>>, vector<16xi32>,
        %sub3A = vector.broadcast %mul3A_2 : i32 to vector<16xi32>
        %sub3A_65 = arith.subi %get3A_64, %sub3A : vector<16xi32>
        %ge3A = arith.constant 0 : i32
        %ge3A_66 = vector.broadcast %ge3A : i32 to vector<16xi32>
        %ge3A_67 = arith.cmpi sge, %sub3A_65, %ge3A_66 : vector<16xi32>
        %lt3A = arith.constant 5000 : i32
        %lt3A_68 = vector.broadcast %lt3A : i32 to vector<16xi32>
        %lt3A_69 = arith.cmpi slt, %sub3A_65, %lt3A_68 : vector<16xi32>
        %and3A = arith.andi %ge3A_67, %lt3A_69 : vector<16xi1>
        %swap3A = arith.index_cast %scan3A_55 : i32 to index
        %swap3A_70 = tpu.vector_load %arg10[%swap3A] masked %and3A {strides = array<i32>} : memref<10368xi32, #tpu.memory_space<vmem>>, vector<16xi32>, vector<16xi1>
        tpu.vector_store %arg10[%swap3A], %get3A_61 masked %and3A {strides = array<i32>} : memref<10368xi32, #tpu.memory_space<vmem>>, vector<16xi32>, vector<16xi1>
        %swap3A_71 = arith.index_cast %scan3A_55 : i32 to index
        %swap3A_72 = tpu.vector_load %arg11[%swap3A_71] masked %and3A {strides = array<i32>} : memref<10368xi32, #tpu.memory_space<vmem>>, vector<16xi32>, vector<16xi1>
        tpu.vector_store %arg11[%swap3A_71], %sub3A_65 masked %and3A {strides = array<i32>} : memref<10368xi32, #tpu.memory_space<vmem>>, vector<16xi32>, vector<16xi1>
        %convert_element_type3A = arith.extui %and3A : vector<16xi1> to vector<16xi32>
        %reduce_sum3A = arith.constant true
        %reduce_sum3A_73 = vector.broadcast %reduce_sum3A : i1 to vector<16xi1>
        %reduce_sum3A_74 = tpu.scan <sum>, %convert_element_type3A masked %reduce_sum3A_73 : vector<16xi32>, vector<16xi1> -> vector<16xi32>
        %reduce_sum3A_75 = vector.extract %reduce_sum3A_74[15] : i32 from vector<16xi32>
        %add3A_76 = arith.addi %scan3A_55, %reduce_sum3A_75 : i32
        scf.yield %add3A_76 : i32
      }
      %scan3A_53 = arith.constant 8 : i32
      scf.yield %scan3A_52 : i32
    }
    %scan3A_36 = arith.constant 80 : i32
    "tpu.region"() ({
      %run_scoped3A = tpu.sem_alloc : memref<!tpu.dma_semaphore, #tpu.memory_space<semaphore_mem>>
      %dma_start3A = arith.constant 0 : i32
      %dma_start3A_42 = tpu.memref_slice %arg10[%dma_start3A] : memref<10368xi32, #tpu.memory_space<vmem>> -> memref<10240xi32, #tpu.memory_space<vmem>>
      %dma_start3A_43 = arith.constant 0 : i32
      %dma_start3A_44 = tpu.memref_slice %arg5[%arg0, %arg1, %dma_start3A_43] : memref<2x16x10240xi32, #tpu.memory_space<hbm>> -> memref<1x1x10240xi32, #tpu.memory_space<hbm>>
      %dma_start3A_45 = tpu.memref_squeeze %dma_start3A_44 : memref<1x1x10240xi32, #tpu.memory_space<hbm>> -> memref<10240xi32, #tpu.memory_space<hbm>>
      %dma_start3A_46 = arith.constant 0 : i32
      %dma_start3A_47 = tpu.memref_slice %arg5[%arg0, %arg1, %dma_start3A_46] : memref<2x16x10240xi32, #tpu.memory_space<hbm>> -> memref<1x1x10240xi32, #tpu.memory_space<hbm>>
      %dma_start3A_48 = tpu.memref_squeeze %dma_start3A_47 : memref<1x1x10240xi32, #tpu.memory_space<hbm>> -> memref<10240xi32, #tpu.memory_space<hbm>>
      %dma_start3A_49 = arith.constant 0 : i32
      %dma_start3A_50 = tpu.memref_slice %arg10[%dma_start3A_49] : memref<10368xi32, #tpu.memory_space<vmem>> -> memref<10240xi32, #tpu.memory_space<vmem>>
      tpu.enqueue_dma source(%dma_start3A_50 : memref<10240xi32, #tpu.memory_space<vmem>>) target(%dma_start3A_48 : memref<10240xi32, #tpu.memory_space<hbm>>) target_semaphore(%run_scoped3A : memref<!tpu.dma_semaphore, #tpu.memory_space<semaphore_mem>>)
      %dma_wait3A = arith.constant 0 : i32
      %dma_wait3A_51 = tpu.memref_slice %arg10[%dma_wait3A] : memref<10368xi32, #tpu.memory_space<vmem>> -> memref<10240xi32, #tpu.memory_space<vmem>>
      %dma_wait3A_52 = arith.constant 0 : i32
      %dma_wait3A_53 = tpu.memref_slice %arg5[%arg0, %arg1, %dma_wait3A_52] : memref<2x16x10240xi32, #tpu.memory_space<hbm>> -> memref<1x1x10240xi32, #tpu.memory_space<hbm>>
      %dma_wait3A_54 = tpu.memref_squeeze %dma_wait3A_53 : memref<1x1x10240xi32, #tpu.memory_space<hbm>> -> memref<10240xi32, #tpu.memory_space<hbm>>
      %dma_wait3A_55 = arith.constant 0 : i32
      %dma_wait3A_56 = tpu.memref_slice %arg5[%arg0, %arg1, %dma_wait3A_55] : memref<2x16x10240xi32, #tpu.memory_space<hbm>> -> memref<1x1x10240xi32, #tpu.memory_space<hbm>>
      %dma_wait3A_57 = tpu.memref_squeeze %dma_wait3A_56 : memref<1x1x10240xi32, #tpu.memory_space<hbm>> -> memref<10240xi32, #tpu.memory_space<hbm>>
      %dma_wait3A_58 = arith.constant 0 : i32
      %dma_wait3A_59 = tpu.memref_slice %arg10[%dma_wait3A_58] : memref<10368xi32, #tpu.memory_space<vmem>> -> memref<10240xi32, #tpu.memory_space<vmem>>
      tpu.wait_dma2 semaphore(%run_scoped3A : memref<!tpu.dma_semaphore, #tpu.memory_space<semaphore_mem>>) src(%dma_wait3A_59 : memref<10240xi32, #tpu.memory_space<vmem>>) dst(%dma_wait3A_57 : memref<10240xi32, #tpu.memory_space<hbm>>)
      tpu.yield
    }) : () -> ()
    "tpu.region"() ({
      %run_scoped3A = tpu.sem_alloc : memref<!tpu.dma_semaphore, #tpu.memory_space<semaphore_mem>>
      %dma_start3A = arith.constant 0 : i32
      %dma_start3A_42 = tpu.memref_slice %arg11[%dma_start3A] : memref<10368xi32, #tpu.memory_space<vmem>> -> memref<10240xi32, #tpu.memory_space<vmem>>
      %dma_start3A_43 = arith.constant 0 : i32
      %dma_start3A_44 = tpu.memref_slice %arg6[%arg0, %arg1, %dma_start3A_43] : memref<2x16x10240xi32, #tpu.memory_space<hbm>> -> memref<1x1x10240xi32, #tpu.memory_space<hbm>>
      %dma_start3A_45 = tpu.memref_squeeze %dma_start3A_44 : memref<1x1x10240xi32, #tpu.memory_space<hbm>> -> memref<10240xi32, #tpu.memory_space<hbm>>
      %dma_start3A_46 = arith.constant 0 : i32
      %dma_start3A_47 = tpu.memref_slice %arg6[%arg0, %arg1, %dma_start3A_46] : memref<2x16x10240xi32, #tpu.memory_space<hbm>> -> memref<1x1x10240xi32, #tpu.memory_space<hbm>>
      %dma_start3A_48 = tpu.memref_squeeze %dma_start3A_47 : memref<1x1x10240xi32, #tpu.memory_space<hbm>> -> memref<10240xi32, #tpu.memory_space<hbm>>
      %dma_start3A_49 = arith.constant 0 : i32
      %dma_start3A_50 = tpu.memref_slice %arg11[%dma_start3A_49] : memref<10368xi32, #tpu.memory_space<vmem>> -> memref<10240xi32, #tpu.memory_space<vmem>>
      tpu.enqueue_dma source(%dma_start3A_50 : memref<10240xi32, #tpu.memory_space<vmem>>) target(%dma_start3A_48 : memref<10240xi32, #tpu.memory_space<hbm>>) target_semaphore(%run_scoped3A : memref<!tpu.dma_semaphore, #tpu.memory_space<semaphore_mem>>)
      %dma_wait3A = arith.constant 0 : i32
      %dma_wait3A_51 = tpu.memref_slice %arg11[%dma_wait3A] : memref<10368xi32, #tpu.memory_space<vmem>> -> memref<10240xi32, #tpu.memory_space<vmem>>
      %dma_wait3A_52 = arith.constant 0 : i32
      %dma_wait3A_53 = tpu.memref_slice %arg6[%arg0, %arg1, %dma_wait3A_52] : memref<2x16x10240xi32, #tpu.memory_space<hbm>> -> memref<1x1x10240xi32, #tpu.memory_space<hbm>>
      %dma_wait3A_54 = tpu.memref_squeeze %dma_wait3A_53 : memref<1x1x10240xi32, #tpu.memory_space<hbm>> -> memref<10240xi32, #tpu.memory_space<hbm>>
      %dma_wait3A_55 = arith.constant 0 : i32
      %dma_wait3A_56 = tpu.memref_slice %arg6[%arg0, %arg1, %dma_wait3A_55] : memref<2x16x10240xi32, #tpu.memory_space<hbm>> -> memref<1x1x10240xi32, #tpu.memory_space<hbm>>
      %dma_wait3A_57 = tpu.memref_squeeze %dma_wait3A_56 : memref<1x1x10240xi32, #tpu.memory_space<hbm>> -> memref<10240xi32, #tpu.memory_space<hbm>>
      %dma_wait3A_58 = arith.constant 0 : i32
      %dma_wait3A_59 = tpu.memref_slice %arg11[%dma_wait3A_58] : memref<10368xi32, #tpu.memory_space<vmem>> -> memref<10240xi32, #tpu.memory_space<vmem>>
      tpu.wait_dma2 semaphore(%run_scoped3A : memref<!tpu.dma_semaphore, #tpu.memory_space<semaphore_mem>>) src(%dma_wait3A_59 : memref<10240xi32, #tpu.memory_space<vmem>>) dst(%dma_wait3A_57 : memref<10240xi32, #tpu.memory_space<hbm>>)
      tpu.yield
    }) : () -> ()
    %barrier3A_37 = arith.constant 0 : index
    tpu.barrier barrier_id(%barrier3A_37)
    %mul3A_38 = arith.constant 640 : i32
    %mul3A_39 = arith.muli %arg1, %mul3A_38 : i32
    %mul3A_40 = arith.constant 640 : i32
    %mul3A_41 = arith.muli %arg1, %mul3A_40 : i32
    "tpu.region"() ({
      %run_scoped3A = tpu.sem_alloc : memref<!tpu.dma_semaphore, #tpu.memory_space<semaphore_mem>>
      %dma_start3A = tpu.memref_slice %arg7[%arg0, %mul3A_41] : memref<2x10240xf32, #tpu.memory_space<hbm>> -> memref<1x640xf32, #tpu.memory_space<hbm>>
      %dma_start3A_42 = tpu.memref_squeeze %dma_start3A : memref<1x640xf32, #tpu.memory_space<hbm>> -> memref<640xf32, #tpu.memory_space<hbm>>
      %dma_start3A_43 = tpu.memref_slice %arg14[%mul3A_39] : memref<10240xf32, #tpu.memory_space<vmem_shared>> -> memref<640xf32, #tpu.memory_space<vmem_shared>>
      tpu.enqueue_dma source(%dma_start3A_43 : memref<640xf32, #tpu.memory_space<vmem_shared>>) target(%dma_start3A_42 : memref<640xf32, #tpu.memory_space<hbm>>) target_semaphore(%run_scoped3A : memref<!tpu.dma_semaphore, #tpu.memory_space<semaphore_mem>>)
      %dma_wait3A = tpu.memref_slice %arg7[%arg0, %mul3A_41] : memref<2x10240xf32, #tpu.memory_space<hbm>> -> memref<1x640xf32, #tpu.memory_space<hbm>>
      %dma_wait3A_44 = tpu.memref_squeeze %dma_wait3A : memref<1x640xf32, #tpu.memory_space<hbm>> -> memref<640xf32, #tpu.memory_space<hbm>>
      %dma_wait3A_45 = tpu.memref_slice %arg14[%mul3A_39] : memref<10240xf32, #tpu.memory_space<vmem_shared>> -> memref<640xf32, #tpu.memory_space<vmem_shared>>
      tpu.wait_dma2 semaphore(%run_scoped3A : memref<!tpu.dma_semaphore, #tpu.memory_space<semaphore_mem>>) src(%dma_wait3A_45 : memref<640xf32, #tpu.memory_space<vmem_shared>>) dst(%dma_wait3A_44 : memref<640xf32, #tpu.memory_space<hbm>>)
      tpu.yield
    }) : () -> ()
    return
  }
}

#map = affine_map<(d0, d1) -> (0, 0)>
module attributes {stable_mosaic.version = 14 : i64} {
  func.func @k(%arg0: i32, %arg1: i32, %arg2: memref<10000x256xf32, #tpu.memory_space<hbm>>, %arg3: memref<10000x256xf32, #tpu.memory_space<hbm>>, %arg4: memref<2560x64xi32, #tpu.memory_space<hbm>>, %arg5: memref<2560x64xi32, #tpu.memory_space<hbm>>, %arg6: memref<2560x64xf32, #tpu.memory_space<hbm>>, %arg7: memref<80x64xi32, #tpu.memory_space<vmem>>, %arg8: memref<80x64xi32, #tpu.memory_space<vmem>>, %arg9: memref<64x256xf32, #tpu.memory_space<vmem>>, %arg10: memref<64x256xf32, #tpu.memory_space<vmem>>, %arg11: memref<64x256xf32, #tpu.memory_space<vmem>>, %arg12: memref<64x256xf32, #tpu.memory_space<vmem>>, %arg13: memref<80x64xf32, #tpu.memory_space<vmem>>, %arg14: memref<16x16xf32, #tpu.memory_space<vmem>>, %arg15: memref<!tpu.dma_semaphore, #tpu.memory_space<semaphore_mem>>, %arg16: memref<!tpu.dma_semaphore, #tpu.memory_space<semaphore_mem>>, %arg17: memref<!tpu.dma_semaphore, #tpu.memory_space<semaphore_mem>>, %arg18: memref<!tpu.dma_semaphore, #tpu.memory_space<semaphore_mem>>) attributes {dimension_semantics = [#tpu.dimension_semantics<core_parallel>, #tpu.dimension_semantics<subcore_parallel>], iteration_bounds = array<i64: 2, 16>, scalar_prefetch = 0 : i64, scratch_operands = 12 : i64, tpu.core_type = #tpu.core_type<sc_vector_subcore>, window_params = [{transform_indices = #map}, {transform_indices = #map}, {transform_indices = #map}, {transform_indices = #map}, {transform_indices = #map}]} {
    %mul3A = arith.constant 16 : i32
    %mul3A_0 = arith.muli %arg0, %mul3A : i32
    %add3A = arith.addi %mul3A_0, %arg1 : i32
    %mul3A_1 = arith.constant 80 : i32
    %mul3A_2 = arith.muli %add3A, %mul3A_1 : i32
    "tpu.region"() ({
      %run_scoped3A = tpu.sem_alloc : memref<!tpu.dma_semaphore, #tpu.memory_space<semaphore_mem>>
      %dma_start3A_24 = arith.constant 0 : i32
      %dma_start3A_25 = tpu.memref_slice %arg4[%mul3A_2, %dma_start3A_24] : memref<2560x64xi32, #tpu.memory_space<hbm>> -> memref<80x64xi32, #tpu.memory_space<hbm>>
      %dma_start3A_26 = arith.constant 0 : i32
      %dma_start3A_27 = tpu.memref_slice %arg4[%mul3A_2, %dma_start3A_26] : memref<2560x64xi32, #tpu.memory_space<hbm>> -> memref<80x64xi32, #tpu.memory_space<hbm>>
      tpu.enqueue_dma source(%dma_start3A_27 : memref<80x64xi32, #tpu.memory_space<hbm>>) target(%arg7 : memref<80x64xi32, #tpu.memory_space<vmem>>) target_semaphore(%run_scoped3A : memref<!tpu.dma_semaphore, #tpu.memory_space<semaphore_mem>>)
      %dma_wait3A = arith.constant 0 : i32
      %dma_wait3A_28 = tpu.memref_slice %arg4[%mul3A_2, %dma_wait3A] : memref<2560x64xi32, #tpu.memory_space<hbm>> -> memref<80x64xi32, #tpu.memory_space<hbm>>
      %dma_wait3A_29 = arith.constant 0 : i32
      %dma_wait3A_30 = tpu.memref_slice %arg4[%mul3A_2, %dma_wait3A_29] : memref<2560x64xi32, #tpu.memory_space<hbm>> -> memref<80x64xi32, #tpu.memory_space<hbm>>
      tpu.wait_dma2 semaphore(%run_scoped3A : memref<!tpu.dma_semaphore, #tpu.memory_space<semaphore_mem>>) src(%dma_wait3A_30 : memref<80x64xi32, #tpu.memory_space<hbm>>) dst(%arg7 : memref<80x64xi32, #tpu.memory_space<vmem>>)
      tpu.yield
    }) : () -> ()
    %mul3A_3 = arith.constant 80 : i32
    %mul3A_4 = arith.muli %add3A, %mul3A_3 : i32
    "tpu.region"() ({
      %run_scoped3A = tpu.sem_alloc : memref<!tpu.dma_semaphore, #tpu.memory_space<semaphore_mem>>
      %dma_start3A_24 = arith.constant 0 : i32
      %dma_start3A_25 = tpu.memref_slice %arg5[%mul3A_4, %dma_start3A_24] : memref<2560x64xi32, #tpu.memory_space<hbm>> -> memref<80x64xi32, #tpu.memory_space<hbm>>
      %dma_start3A_26 = arith.constant 0 : i32
      %dma_start3A_27 = tpu.memref_slice %arg5[%mul3A_4, %dma_start3A_26] : memref<2560x64xi32, #tpu.memory_space<hbm>> -> memref<80x64xi32, #tpu.memory_space<hbm>>
      tpu.enqueue_dma source(%dma_start3A_27 : memref<80x64xi32, #tpu.memory_space<hbm>>) target(%arg8 : memref<80x64xi32, #tpu.memory_space<vmem>>) target_semaphore(%run_scoped3A : memref<!tpu.dma_semaphore, #tpu.memory_space<semaphore_mem>>)
      %dma_wait3A = arith.constant 0 : i32
      %dma_wait3A_28 = tpu.memref_slice %arg5[%mul3A_4, %dma_wait3A] : memref<2560x64xi32, #tpu.memory_space<hbm>> -> memref<80x64xi32, #tpu.memory_space<hbm>>
      %dma_wait3A_29 = arith.constant 0 : i32
      %dma_wait3A_30 = tpu.memref_slice %arg5[%mul3A_4, %dma_wait3A_29] : memref<2560x64xi32, #tpu.memory_space<hbm>> -> memref<80x64xi32, #tpu.memory_space<hbm>>
      tpu.wait_dma2 semaphore(%run_scoped3A : memref<!tpu.dma_semaphore, #tpu.memory_space<semaphore_mem>>) src(%dma_wait3A_30 : memref<80x64xi32, #tpu.memory_space<hbm>>) dst(%arg8 : memref<80x64xi32, #tpu.memory_space<vmem>>)
      tpu.yield
    }) : () -> ()
    %iota3A = tpu.iota {dimensions = array<i32: 0>} : vector<16xi32>
    %dma_start3A = arith.constant 0 : i32
    %dma_start3A_5 = arith.constant 0 : i32
    %dma_start3A_6 = tpu.memref_slice %arg7[%dma_start3A, %dma_start3A_5] : memref<80x64xi32, #tpu.memory_space<vmem>> -> memref<1x64xi32, #tpu.memory_space<vmem>>
    %dma_start3A_7 = tpu.memref_squeeze %dma_start3A_6 : memref<1x64xi32, #tpu.memory_space<vmem>> -> memref<64xi32, #tpu.memory_space<vmem>>
    %dma_start3A_8 = arith.constant 0 : i32
    %dma_start3A_9 = arith.constant 0 : i32
    %dma_start3A_10 = tpu.memref_slice %arg2[%dma_start3A_8, %dma_start3A_9] : memref<10000x256xf32, #tpu.memory_space<hbm>> -> memref<10000x256xf32, #tpu.memory_space<hbm>>
    tpu.enqueue_indirect_dma source(%dma_start3A_10 : memref<10000x256xf32, #tpu.memory_space<hbm>>) target(%arg9 : memref<64x256xf32, #tpu.memory_space<vmem>>) offsets(%dma_start3A_7 : memref<64xi32, #tpu.memory_space<vmem>>) semaphore(%arg15 : memref<!tpu.dma_semaphore, #tpu.memory_space<semaphore_mem>>)
    %dma_start3A_11 = arith.constant 0 : i32
    %dma_start3A_12 = arith.constant 0 : i32
    %dma_start3A_13 = tpu.memref_slice %arg8[%dma_start3A_11, %dma_start3A_12] : memref<80x64xi32, #tpu.memory_space<vmem>> -> memref<1x64xi32, #tpu.memory_space<vmem>>
    %dma_start3A_14 = tpu.memref_squeeze %dma_start3A_13 : memref<1x64xi32, #tpu.memory_space<vmem>> -> memref<64xi32, #tpu.memory_space<vmem>>
    %dma_start3A_15 = arith.constant 0 : i32
    %dma_start3A_16 = arith.constant 0 : i32
    %dma_start3A_17 = tpu.memref_slice %arg3[%dma_start3A_15, %dma_start3A_16] : memref<10000x256xf32, #tpu.memory_space<hbm>> -> memref<10000x256xf32, #tpu.memory_space<hbm>>
    tpu.enqueue_indirect_dma source(%dma_start3A_17 : memref<10000x256xf32, #tpu.memory_space<hbm>>) target(%arg10 : memref<64x256xf32, #tpu.memory_space<vmem>>) offsets(%dma_start3A_14 : memref<64xi32, #tpu.memory_space<vmem>>) semaphore(%arg16 : memref<!tpu.dma_semaphore, #tpu.memory_space<semaphore_mem>>)
    %scan3A = arith.constant 0 : i32
    %scan3A_18 = arith.constant 40 : i32
    %scan3A_19 = arith.addi %scan3A, %scan3A_18 : i32
    %scan3A_20 = arith.constant 1 : i32
    scf.for %scan3A_24 = %scan3A to %scan3A_19 step %scan3A_20  : i32 {
      %mul3A_25 = arith.constant 2 : i32
      %mul3A_26 = arith.muli %scan3A_24, %mul3A_25 : i32
      %add3A_27 = arith.constant 0 : i32
      %add3A_28 = arith.addi %add3A_27, %mul3A_26 : i32
      %add3A_29 = arith.constant 1 : i32
      %add3A_30 = arith.addi %add3A_28, %add3A_29 : i32
      %dma_start3A_31 = arith.constant 0 : i32
      %dma_start3A_32 = tpu.memref_slice %arg7[%add3A_30, %dma_start3A_31] : memref<80x64xi32, #tpu.memory_space<vmem>> -> memref<1x64xi32, #tpu.memory_space<vmem>>
      %dma_start3A_33 = tpu.memref_squeeze %dma_start3A_32 : memref<1x64xi32, #tpu.memory_space<vmem>> -> memref<64xi32, #tpu.memory_space<vmem>>
      %dma_start3A_34 = arith.constant 0 : i32
      %dma_start3A_35 = arith.constant 0 : i32
      %dma_start3A_36 = tpu.memref_slice %arg2[%dma_start3A_34, %dma_start3A_35] : memref<10000x256xf32, #tpu.memory_space<hbm>> -> memref<10000x256xf32, #tpu.memory_space<hbm>>
      tpu.enqueue_indirect_dma source(%dma_start3A_36 : memref<10000x256xf32, #tpu.memory_space<hbm>>) target(%arg11 : memref<64x256xf32, #tpu.memory_space<vmem>>) offsets(%dma_start3A_33 : memref<64xi32, #tpu.memory_space<vmem>>) semaphore(%arg17 : memref<!tpu.dma_semaphore, #tpu.memory_space<semaphore_mem>>)
      %dma_start3A_37 = arith.constant 0 : i32
      %dma_start3A_38 = tpu.memref_slice %arg8[%add3A_30, %dma_start3A_37] : memref<80x64xi32, #tpu.memory_space<vmem>> -> memref<1x64xi32, #tpu.memory_space<vmem>>
      %dma_start3A_39 = tpu.memref_squeeze %dma_start3A_38 : memref<1x64xi32, #tpu.memory_space<vmem>> -> memref<64xi32, #tpu.memory_space<vmem>>
      %dma_start3A_40 = arith.constant 0 : i32
      %dma_start3A_41 = arith.constant 0 : i32
      %dma_start3A_42 = tpu.memref_slice %arg3[%dma_start3A_40, %dma_start3A_41] : memref<10000x256xf32, #tpu.memory_space<hbm>> -> memref<10000x256xf32, #tpu.memory_space<hbm>>
      tpu.enqueue_indirect_dma source(%dma_start3A_42 : memref<10000x256xf32, #tpu.memory_space<hbm>>) target(%arg12 : memref<64x256xf32, #tpu.memory_space<vmem>>) offsets(%dma_start3A_39 : memref<64xi32, #tpu.memory_space<vmem>>) semaphore(%arg18 : memref<!tpu.dma_semaphore, #tpu.memory_space<semaphore_mem>>)
      %dma_wait3A = arith.constant 0 : i32
      %dma_wait3A_43 = arith.constant 0 : i32
      %dma_wait3A_44 = tpu.memref_slice %arg2[%dma_wait3A, %dma_wait3A_43] : memref<10000x256xf32, #tpu.memory_space<hbm>> -> memref<64x256xf32, #tpu.memory_space<hbm>>
      %dma_wait3A_45 = arith.constant 0 : i32
      %dma_wait3A_46 = arith.constant 0 : i32
      %dma_wait3A_47 = tpu.memref_slice %arg2[%dma_wait3A_45, %dma_wait3A_46] : memref<10000x256xf32, #tpu.memory_space<hbm>> -> memref<64x256xf32, #tpu.memory_space<hbm>>
      tpu.wait_dma2 semaphore(%arg15 : memref<!tpu.dma_semaphore, #tpu.memory_space<semaphore_mem>>) src(%dma_wait3A_47 : memref<64x256xf32, #tpu.memory_space<hbm>>) dst(%arg9 : memref<64x256xf32, #tpu.memory_space<vmem>>)
      %dma_wait3A_48 = arith.constant 0 : i32
      %dma_wait3A_49 = arith.constant 0 : i32
      %dma_wait3A_50 = tpu.memref_slice %arg3[%dma_wait3A_48, %dma_wait3A_49] : memref<10000x256xf32, #tpu.memory_space<hbm>> -> memref<64x256xf32, #tpu.memory_space<hbm>>
      %dma_wait3A_51 = arith.constant 0 : i32
      %dma_wait3A_52 = arith.constant 0 : i32
      %dma_wait3A_53 = tpu.memref_slice %arg3[%dma_wait3A_51, %dma_wait3A_52] : memref<10000x256xf32, #tpu.memory_space<hbm>> -> memref<64x256xf32, #tpu.memory_space<hbm>>
      tpu.wait_dma2 semaphore(%arg16 : memref<!tpu.dma_semaphore, #tpu.memory_space<semaphore_mem>>) src(%dma_wait3A_53 : memref<64x256xf32, #tpu.memory_space<hbm>>) dst(%arg10 : memref<64x256xf32, #tpu.memory_space<vmem>>)
      %scan3A_54 = arith.constant 0 : i32
      %scan3A_55 = arith.constant 4 : i32
      %scan3A_56 = arith.addi %scan3A_54, %scan3A_55 : i32
      %scan3A_57 = arith.constant 1 : i32
      scf.for %scan3A_82 = %scan3A_54 to %scan3A_56 step %scan3A_57  : i32 {
        %mul3A_83 = arith.constant 16 : i32
        %mul3A_84 = arith.muli %scan3A_82, %mul3A_83 : i32
        %add3A_85 = arith.constant 0 : i32
        %add3A_86 = arith.addi %add3A_85, %mul3A_84 : i32
        %scan3A_87 = arith.constant 0 : i32
        %scan3A_88 = arith.constant 16 : i32
        %scan3A_89 = arith.addi %scan3A_87, %scan3A_88 : i32
        %scan3A_90 = arith.constant 1 : i32
        scf.for %scan3A_158 = %scan3A_87 to %scan3A_89 step %scan3A_90  : i32 {
          %mul3A_159 = arith.constant 1 : i32
          %mul3A_160 = arith.muli %scan3A_158, %mul3A_159 : i32
          %add3A_161 = arith.constant 0 : i32
          %add3A_162 = arith.addi %add3A_161, %mul3A_160 : i32
          %add3A_163 = arith.addi %add3A_86, %add3A_162 : i32
          %broadcast_in_dim3A_164 = arith.constant 0.000000e+00 : f32
          %broadcast_in_dim3A_165 = vector.broadcast %broadcast_in_dim3A_164 : f32 to vector<16xf32>
          %broadcast_in_dim3A_166 = arith.constant 0.000000e+00 : f32
          %broadcast_in_dim3A_167 = vector.broadcast %broadcast_in_dim3A_166 : f32 to vector<16xf32>
          %get3A = arith.index_cast %add3A_163 : i32 to index
          %get3A_168 = arith.constant 0 : index
          %get3A_169 = tpu.vector_load %arg9[%get3A, %get3A_168] {strides = array<i32>} : memref<64x256xf32, #tpu.memory_space<vmem>>, vector<16xf32>,
          %get3A_170 = arith.index_cast %add3A_163 : i32 to index
          %get3A_171 = arith.constant 0 : index
          %get3A_172 = tpu.vector_load %arg10[%get3A_170, %get3A_171] {strides = array<i32>} : memref<64x256xf32, #tpu.memory_space<vmem>>, vector<16xf32>,
          %mul3A_173 = arith.mulf %get3A_169, %get3A_172 : vector<16xf32>
          %add3A_174 = arith.addf %broadcast_in_dim3A_165, %mul3A_173 : vector<16xf32>
          %get3A_175 = arith.index_cast %add3A_163 : i32 to index
          %get3A_176 = arith.constant 16 : index
          %get3A_177 = tpu.vector_load %arg9[%get3A_175, %get3A_176] {strides = array<i32>} : memref<64x256xf32, #tpu.memory_space<vmem>>, vector<16xf32>,
          %get3A_178 = arith.index_cast %add3A_163 : i32 to index
          %get3A_179 = arith.constant 16 : index
          %get3A_180 = tpu.vector_load %arg10[%get3A_178, %get3A_179] {strides = array<i32>} : memref<64x256xf32, #tpu.memory_space<vmem>>, vector<16xf32>,
          %mul3A_181 = arith.mulf %get3A_177, %get3A_180 : vector<16xf32>
          %add3A_182 = arith.addf %broadcast_in_dim3A_167, %mul3A_181 : vector<16xf32>
          %get3A_183 = arith.index_cast %add3A_163 : i32 to index
          %get3A_184 = arith.constant 32 : index
          %get3A_185 = tpu.vector_load %arg9[%get3A_183, %get3A_184] {strides = array<i32>} : memref<64x256xf32, #tpu.memory_space<vmem>>, vector<16xf32>,
          %get3A_186 = arith.index_cast %add3A_163 : i32 to index
          %get3A_187 = arith.constant 32 : index
          %get3A_188 = tpu.vector_load %arg10[%get3A_186, %get3A_187] {strides = array<i32>} : memref<64x256xf32, #tpu.memory_space<vmem>>, vector<16xf32>,
          %mul3A_189 = arith.mulf %get3A_185, %get3A_188 : vector<16xf32>
          %add3A_190 = arith.addf %add3A_174, %mul3A_189 : vector<16xf32>
          %get3A_191 = arith.index_cast %add3A_163 : i32 to index
          %get3A_192 = arith.constant 48 : index
          %get3A_193 = tpu.vector_load %arg9[%get3A_191, %get3A_192] {strides = array<i32>} : memref<64x256xf32, #tpu.memory_space<vmem>>, vector<16xf32>,
          %get3A_194 = arith.index_cast %add3A_163 : i32 to index
          %get3A_195 = arith.constant 48 : index
          %get3A_196 = tpu.vector_load %arg10[%get3A_194, %get3A_195] {strides = array<i32>} : memref<64x256xf32, #tpu.memory_space<vmem>>, vector<16xf32>,
          %mul3A_197 = arith.mulf %get3A_193, %get3A_196 : vector<16xf32>
          %add3A_198 = arith.addf %add3A_182, %mul3A_197 : vector<16xf32>
          %get3A_199 = arith.index_cast %add3A_163 : i32 to index
          %get3A_200 = arith.constant 64 : index
          %get3A_201 = tpu.vector_load %arg9[%get3A_199, %get3A_200] {strides = array<i32>} : memref<64x256xf32, #tpu.memory_space<vmem>>, vector<16xf32>,
          %get3A_202 = arith.index_cast %add3A_163 : i32 to index
          %get3A_203 = arith.constant 64 : index
          %get3A_204 = tpu.vector_load %arg10[%get3A_202, %get3A_203] {strides = array<i32>} : memref<64x256xf32, #tpu.memory_space<vmem>>, vector<16xf32>,
          %mul3A_205 = arith.mulf %get3A_201, %get3A_204 : vector<16xf32>
          %add3A_206 = arith.addf %add3A_190, %mul3A_205 : vector<16xf32>
          %get3A_207 = arith.index_cast %add3A_163 : i32 to index
          %get3A_208 = arith.constant 80 : index
          %get3A_209 = tpu.vector_load %arg9[%get3A_207, %get3A_208] {strides = array<i32>} : memref<64x256xf32, #tpu.memory_space<vmem>>, vector<16xf32>,
          %get3A_210 = arith.index_cast %add3A_163 : i32 to index
          %get3A_211 = arith.constant 80 : index
          %get3A_212 = tpu.vector_load %arg10[%get3A_210, %get3A_211] {strides = array<i32>} : memref<64x256xf32, #tpu.memory_space<vmem>>, vector<16xf32>,
          %mul3A_213 = arith.mulf %get3A_209, %get3A_212 : vector<16xf32>
          %add3A_214 = arith.addf %add3A_198, %mul3A_213 : vector<16xf32>
          %get3A_215 = arith.index_cast %add3A_163 : i32 to index
          %get3A_216 = arith.constant 96 : index
          %get3A_217 = tpu.vector_load %arg9[%get3A_215, %get3A_216] {strides = array<i32>} : memref<64x256xf32, #tpu.memory_space<vmem>>, vector<16xf32>,
          %get3A_218 = arith.index_cast %add3A_163 : i32 to index
          %get3A_219 = arith.constant 96 : index
          %get3A_220 = tpu.vector_load %arg10[%get3A_218, %get3A_219] {strides = array<i32>} : memref<64x256xf32, #tpu.memory_space<vmem>>, vector<16xf32>,
          %mul3A_221 = arith.mulf %get3A_217, %get3A_220 : vector<16xf32>
          %add3A_222 = arith.addf %add3A_206, %mul3A_221 : vector<16xf32>
          %get3A_223 = arith.index_cast %add3A_163 : i32 to index
          %get3A_224 = arith.constant 112 : index
          %get3A_225 = tpu.vector_load %arg9[%get3A_223, %get3A_224] {strides = array<i32>} : memref<64x256xf32, #tpu.memory_space<vmem>>, vector<16xf32>,
          %get3A_226 = arith.index_cast %add3A_163 : i32 to index
          %get3A_227 = arith.constant 112 : index
          %get3A_228 = tpu.vector_load %arg10[%get3A_226, %get3A_227] {strides = array<i32>} : memref<64x256xf32, #tpu.memory_space<vmem>>, vector<16xf32>,
          %mul3A_229 = arith.mulf %get3A_225, %get3A_228 : vector<16xf32>
          %add3A_230 = arith.addf %add3A_214, %mul3A_229 : vector<16xf32>
          %get3A_231 = arith.index_cast %add3A_163 : i32 to index
          %get3A_232 = arith.constant 128 : index
          %get3A_233 = tpu.vector_load %arg9[%get3A_231, %get3A_232] {strides = array<i32>} : memref<64x256xf32, #tpu.memory_space<vmem>>, vector<16xf32>,
          %get3A_234 = arith.index_cast %add3A_163 : i32 to index
          %get3A_235 = arith.constant 128 : index
          %get3A_236 = tpu.vector_load %arg10[%get3A_234, %get3A_235] {strides = array<i32>} : memref<64x256xf32, #tpu.memory_space<vmem>>, vector<16xf32>,
          %mul3A_237 = arith.mulf %get3A_233, %get3A_236 : vector<16xf32>
          %add3A_238 = arith.addf %add3A_222, %mul3A_237 : vector<16xf32>
          %get3A_239 = arith.index_cast %add3A_163 : i32 to index
          %get3A_240 = arith.constant 144 : index
          %get3A_241 = tpu.vector_load %arg9[%get3A_239, %get3A_240] {strides = array<i32>} : memref<64x256xf32, #tpu.memory_space<vmem>>, vector<16xf32>,
          %get3A_242 = arith.index_cast %add3A_163 : i32 to index
          %get3A_243 = arith.constant 144 : index
          %get3A_244 = tpu.vector_load %arg10[%get3A_242, %get3A_243] {strides = array<i32>} : memref<64x256xf32, #tpu.memory_space<vmem>>, vector<16xf32>,
          %mul3A_245 = arith.mulf %get3A_241, %get3A_244 : vector<16xf32>
          %add3A_246 = arith.addf %add3A_230, %mul3A_245 : vector<16xf32>
          %get3A_247 = arith.index_cast %add3A_163 : i32 to index
          %get3A_248 = arith.constant 160 : index
          %get3A_249 = tpu.vector_load %arg9[%get3A_247, %get3A_248] {strides = array<i32>} : memref<64x256xf32, #tpu.memory_space<vmem>>, vector<16xf32>,
          %get3A_250 = arith.index_cast %add3A_163 : i32 to index
          %get3A_251 = arith.constant 160 : index
          %get3A_252 = tpu.vector_load %arg10[%get3A_250, %get3A_251] {strides = array<i32>} : memref<64x256xf32, #tpu.memory_space<vmem>>, vector<16xf32>,
          %mul3A_253 = arith.mulf %get3A_249, %get3A_252 : vector<16xf32>
          %add3A_254 = arith.addf %add3A_238, %mul3A_253 : vector<16xf32>
          %get3A_255 = arith.index_cast %add3A_163 : i32 to index
          %get3A_256 = arith.constant 176 : index
          %get3A_257 = tpu.vector_load %arg9[%get3A_255, %get3A_256] {strides = array<i32>} : memref<64x256xf32, #tpu.memory_space<vmem>>, vector<16xf32>,
          %get3A_258 = arith.index_cast %add3A_163 : i32 to index
          %get3A_259 = arith.constant 176 : index
          %get3A_260 = tpu.vector_load %arg10[%get3A_258, %get3A_259] {strides = array<i32>} : memref<64x256xf32, #tpu.memory_space<vmem>>, vector<16xf32>,
          %mul3A_261 = arith.mulf %get3A_257, %get3A_260 : vector<16xf32>
          %add3A_262 = arith.addf %add3A_246, %mul3A_261 : vector<16xf32>
          %get3A_263 = arith.index_cast %add3A_163 : i32 to index
          %get3A_264 = arith.constant 192 : index
          %get3A_265 = tpu.vector_load %arg9[%get3A_263, %get3A_264] {strides = array<i32>} : memref<64x256xf32, #tpu.memory_space<vmem>>, vector<16xf32>,
          %get3A_266 = arith.index_cast %add3A_163 : i32 to index
          %get3A_267 = arith.constant 192 : index
          %get3A_268 = tpu.vector_load %arg10[%get3A_266, %get3A_267] {strides = array<i32>} : memref<64x256xf32, #tpu.memory_space<vmem>>, vector<16xf32>,
          %mul3A_269 = arith.mulf %get3A_265, %get3A_268 : vector<16xf32>
          %add3A_270 = arith.addf %add3A_254, %mul3A_269 : vector<16xf32>
          %get3A_271 = arith.index_cast %add3A_163 : i32 to index
          %get3A_272 = arith.constant 208 : index
          %get3A_273 = tpu.vector_load %arg9[%get3A_271, %get3A_272] {strides = array<i32>} : memref<64x256xf32, #tpu.memory_space<vmem>>, vector<16xf32>,
          %get3A_274 = arith.index_cast %add3A_163 : i32 to index
          %get3A_275 = arith.constant 208 : index
          %get3A_276 = tpu.vector_load %arg10[%get3A_274, %get3A_275] {strides = array<i32>} : memref<64x256xf32, #tpu.memory_space<vmem>>, vector<16xf32>,
          %mul3A_277 = arith.mulf %get3A_273, %get3A_276 : vector<16xf32>
          %add3A_278 = arith.addf %add3A_262, %mul3A_277 : vector<16xf32>
          %get3A_279 = arith.index_cast %add3A_163 : i32 to index
          %get3A_280 = arith.constant 224 : index
          %get3A_281 = tpu.vector_load %arg9[%get3A_279, %get3A_280] {strides = array<i32>} : memref<64x256xf32, #tpu.memory_space<vmem>>, vector<16xf32>,
          %get3A_282 = arith.index_cast %add3A_163 : i32 to index
          %get3A_283 = arith.constant 224 : index
          %get3A_284 = tpu.vector_load %arg10[%get3A_282, %get3A_283] {strides = array<i32>} : memref<64x256xf32, #tpu.memory_space<vmem>>, vector<16xf32>,
          %mul3A_285 = arith.mulf %get3A_281, %get3A_284 : vector<16xf32>
          %add3A_286 = arith.addf %add3A_270, %mul3A_285 : vector<16xf32>
          %get3A_287 = arith.index_cast %add3A_163 : i32 to index
          %get3A_288 = arith.constant 240 : index
          %get3A_289 = tpu.vector_load %arg9[%get3A_287, %get3A_288] {strides = array<i32>} : memref<64x256xf32, #tpu.memory_space<vmem>>, vector<16xf32>,
          %get3A_290 = arith.index_cast %add3A_163 : i32 to index
          %get3A_291 = arith.constant 240 : index
          %get3A_292 = tpu.vector_load %arg10[%get3A_290, %get3A_291] {strides = array<i32>} : memref<64x256xf32, #tpu.memory_space<vmem>>, vector<16xf32>,
          %mul3A_293 = arith.mulf %get3A_289, %get3A_292 : vector<16xf32>
          %add3A_294 = arith.addf %add3A_278, %mul3A_293 : vector<16xf32>
          %add3A_295 = arith.addf %add3A_286, %add3A_294 : vector<16xf32>
          %swap3A_296 = arith.index_cast %add3A_162 : i32 to index
          %swap3A_297 = arith.constant 0 : index
          %swap3A_298 = tpu.vector_load %arg14[%swap3A_296, %swap3A_297] {strides = array<i32>} : memref<16x16xf32, #tpu.memory_space<vmem>>, vector<16xf32>,
          tpu.vector_store %arg14[%swap3A_296, %swap3A_297], %add3A_295 {strides = array<i32>} : memref<16x16xf32, #tpu.memory_space<vmem>>, vector<16xf32>,
        }
        %scan3A_91 = arith.constant 16 : i32
        %broadcast_in_dim3A = arith.constant 0.000000e+00 : f32
        %broadcast_in_dim3A_92 = vector.broadcast %broadcast_in_dim3A : f32 to vector<16xf32>
        %broadcast_in_dim3A_93 = arith.constant 0 : i32
        %broadcast_in_dim3A_94 = vector.broadcast %broadcast_in_dim3A_93 : i32 to vector<16xi32>
        %gather3A = tpu.vector_load_idx %arg14[%iota3A, %broadcast_in_dim3A_94] : memref<16x16xf32, #tpu.memory_space<vmem>>[vector<16xi32>, vector<16xi32>], vector<16xf32>,
        %add3A_95 = arith.addf %broadcast_in_dim3A_92, %gather3A : vector<16xf32>
        %broadcast_in_dim3A_96 = arith.constant 1 : i32
        %broadcast_in_dim3A_97 = vector.broadcast %broadcast_in_dim3A_96 : i32 to vector<16xi32>
        %gather3A_98 = tpu.vector_load_idx %arg14[%iota3A, %broadcast_in_dim3A_97] : memref<16x16xf32, #tpu.memory_space<vmem>>[vector<16xi32>, vector<16xi32>], vector<16xf32>,
        %add3A_99 = arith.addf %add3A_95, %gather3A_98 : vector<16xf32>
        %broadcast_in_dim3A_100 = arith.constant 2 : i32
        %broadcast_in_dim3A_101 = vector.broadcast %broadcast_in_dim3A_100 : i32 to vector<16xi32>
        %gather3A_102 = tpu.vector_load_idx %arg14[%iota3A, %broadcast_in_dim3A_101] : memref<16x16xf32, #tpu.memory_space<vmem>>[vector<16xi32>, vector<16xi32>], vector<16xf32>,
        %add3A_103 = arith.addf %add3A_99, %gather3A_102 : vector<16xf32>
        %broadcast_in_dim3A_104 = arith.constant 3 : i32
        %broadcast_in_dim3A_105 = vector.broadcast %broadcast_in_dim3A_104 : i32 to vector<16xi32>
        %gather3A_106 = tpu.vector_load_idx %arg14[%iota3A, %broadcast_in_dim3A_105] : memref<16x16xf32, #tpu.memory_space<vmem>>[vector<16xi32>, vector<16xi32>], vector<16xf32>,
        %add3A_107 = arith.addf %add3A_103, %gather3A_106 : vector<16xf32>
        %broadcast_in_dim3A_108 = arith.constant 4 : i32
        %broadcast_in_dim3A_109 = vector.broadcast %broadcast_in_dim3A_108 : i32 to vector<16xi32>
        %gather3A_110 = tpu.vector_load_idx %arg14[%iota3A, %broadcast_in_dim3A_109] : memref<16x16xf32, #tpu.memory_space<vmem>>[vector<16xi32>, vector<16xi32>], vector<16xf32>,
        %add3A_111 = arith.addf %add3A_107, %gather3A_110 : vector<16xf32>
        %broadcast_in_dim3A_112 = arith.constant 5 : i32
        %broadcast_in_dim3A_113 = vector.broadcast %broadcast_in_dim3A_112 : i32 to vector<16xi32>
        %gather3A_114 = tpu.vector_load_idx %arg14[%iota3A, %broadcast_in_dim3A_113] : memref<16x16xf32, #tpu.memory_space<vmem>>[vector<16xi32>, vector<16xi32>], vector<16xf32>,
        %add3A_115 = arith.addf %add3A_111, %gather3A_114 : vector<16xf32>
        %broadcast_in_dim3A_116 = arith.constant 6 : i32
        %broadcast_in_dim3A_117 = vector.broadcast %broadcast_in_dim3A_116 : i32 to vector<16xi32>
        %gather3A_118 = tpu.vector_load_idx %arg14[%iota3A, %broadcast_in_dim3A_117] : memref<16x16xf32, #tpu.memory_space<vmem>>[vector<16xi32>, vector<16xi32>], vector<16xf32>,
        %add3A_119 = arith.addf %add3A_115, %gather3A_118 : vector<16xf32>
        %broadcast_in_dim3A_120 = arith.constant 7 : i32
        %broadcast_in_dim3A_121 = vector.broadcast %broadcast_in_dim3A_120 : i32 to vector<16xi32>
        %gather3A_122 = tpu.vector_load_idx %arg14[%iota3A, %broadcast_in_dim3A_121] : memref<16x16xf32, #tpu.memory_space<vmem>>[vector<16xi32>, vector<16xi32>], vector<16xf32>,
        %add3A_123 = arith.addf %add3A_119, %gather3A_122 : vector<16xf32>
        %broadcast_in_dim3A_124 = arith.constant 8 : i32
        %broadcast_in_dim3A_125 = vector.broadcast %broadcast_in_dim3A_124 : i32 to vector<16xi32>
        %gather3A_126 = tpu.vector_load_idx %arg14[%iota3A, %broadcast_in_dim3A_125] : memref<16x16xf32, #tpu.memory_space<vmem>>[vector<16xi32>, vector<16xi32>], vector<16xf32>,
        %add3A_127 = arith.addf %add3A_123, %gather3A_126 : vector<16xf32>
        %broadcast_in_dim3A_128 = arith.constant 9 : i32
        %broadcast_in_dim3A_129 = vector.broadcast %broadcast_in_dim3A_128 : i32 to vector<16xi32>
        %gather3A_130 = tpu.vector_load_idx %arg14[%iota3A, %broadcast_in_dim3A_129] : memref<16x16xf32, #tpu.memory_space<vmem>>[vector<16xi32>, vector<16xi32>], vector<16xf32>,
        %add3A_131 = arith.addf %add3A_127, %gather3A_130 : vector<16xf32>
        %broadcast_in_dim3A_132 = arith.constant 10 : i32
        %broadcast_in_dim3A_133 = vector.broadcast %broadcast_in_dim3A_132 : i32 to vector<16xi32>
        %gather3A_134 = tpu.vector_load_idx %arg14[%iota3A, %broadcast_in_dim3A_133] : memref<16x16xf32, #tpu.memory_space<vmem>>[vector<16xi32>, vector<16xi32>], vector<16xf32>,
        %add3A_135 = arith.addf %add3A_131, %gather3A_134 : vector<16xf32>
        %broadcast_in_dim3A_136 = arith.constant 11 : i32
        %broadcast_in_dim3A_137 = vector.broadcast %broadcast_in_dim3A_136 : i32 to vector<16xi32>
        %gather3A_138 = tpu.vector_load_idx %arg14[%iota3A, %broadcast_in_dim3A_137] : memref<16x16xf32, #tpu.memory_space<vmem>>[vector<16xi32>, vector<16xi32>], vector<16xf32>,
        %add3A_139 = arith.addf %add3A_135, %gather3A_138 : vector<16xf32>
        %broadcast_in_dim3A_140 = arith.constant 12 : i32
        %broadcast_in_dim3A_141 = vector.broadcast %broadcast_in_dim3A_140 : i32 to vector<16xi32>
        %gather3A_142 = tpu.vector_load_idx %arg14[%iota3A, %broadcast_in_dim3A_141] : memref<16x16xf32, #tpu.memory_space<vmem>>[vector<16xi32>, vector<16xi32>], vector<16xf32>,
        %add3A_143 = arith.addf %add3A_139, %gather3A_142 : vector<16xf32>
        %broadcast_in_dim3A_144 = arith.constant 13 : i32
        %broadcast_in_dim3A_145 = vector.broadcast %broadcast_in_dim3A_144 : i32 to vector<16xi32>
        %gather3A_146 = tpu.vector_load_idx %arg14[%iota3A, %broadcast_in_dim3A_145] : memref<16x16xf32, #tpu.memory_space<vmem>>[vector<16xi32>, vector<16xi32>], vector<16xf32>,
        %add3A_147 = arith.addf %add3A_143, %gather3A_146 : vector<16xf32>
        %broadcast_in_dim3A_148 = arith.constant 14 : i32
        %broadcast_in_dim3A_149 = vector.broadcast %broadcast_in_dim3A_148 : i32 to vector<16xi32>
        %gather3A_150 = tpu.vector_load_idx %arg14[%iota3A, %broadcast_in_dim3A_149] : memref<16x16xf32, #tpu.memory_space<vmem>>[vector<16xi32>, vector<16xi32>], vector<16xf32>,
        %add3A_151 = arith.addf %add3A_147, %gather3A_150 : vector<16xf32>
        %broadcast_in_dim3A_152 = arith.constant 15 : i32
        %broadcast_in_dim3A_153 = vector.broadcast %broadcast_in_dim3A_152 : i32 to vector<16xi32>
        %gather3A_154 = tpu.vector_load_idx %arg14[%iota3A, %broadcast_in_dim3A_153] : memref<16x16xf32, #tpu.memory_space<vmem>>[vector<16xi32>, vector<16xi32>], vector<16xf32>,
        %add3A_155 = arith.addf %add3A_151, %gather3A_154 : vector<16xf32>
        %swap3A = arith.index_cast %add3A_28 : i32 to index
        %swap3A_156 = arith.index_cast %add3A_86 : i32 to index
        %swap3A_157 = tpu.vector_load %arg13[%swap3A, %swap3A_156] {strides = array<i32>} : memref<80x64xf32, #tpu.memory_space<vmem>>, vector<16xf32>,
        tpu.vector_store %arg13[%swap3A, %swap3A_156], %add3A_155 {strides = array<i32>} : memref<80x64xf32, #tpu.memory_space<vmem>>, vector<16xf32>,
      }
      %scan3A_58 = arith.constant 4 : i32
      %add3A_59 = arith.constant 2 : i32
      %add3A_60 = arith.addi %add3A_28, %add3A_59 : i32
      %lt3A = arith.constant 80 : i32
      %lt3A_61 = arith.cmpi slt, %add3A_60, %lt3A : i32
      %convert_element_type3A = arith.extui %lt3A_61 : i1 to i32
      %cond3A = arith.constant 0 : i32
      %cond3A_62 = arith.cmpi ne, %convert_element_type3A, %cond3A : i32
      scf.if %cond3A_62 {
        %add3A_82 = arith.constant 2 : i32
        %add3A_83 = arith.addi %add3A_28, %add3A_82 : i32
        %dma_start3A_84 = arith.constant 0 : i32
        %dma_start3A_85 = tpu.memref_slice %arg7[%add3A_83, %dma_start3A_84] : memref<80x64xi32, #tpu.memory_space<vmem>> -> memref<1x64xi32, #tpu.memory_space<vmem>>
        %dma_start3A_86 = tpu.memref_squeeze %dma_start3A_85 : memref<1x64xi32, #tpu.memory_space<vmem>> -> memref<64xi32, #tpu.memory_space<vmem>>
        %dma_start3A_87 = arith.constant 0 : i32
        %dma_start3A_88 = arith.constant 0 : i32
        %dma_start3A_89 = tpu.memref_slice %arg2[%dma_start3A_87, %dma_start3A_88] : memref<10000x256xf32, #tpu.memory_space<hbm>> -> memref<10000x256xf32, #tpu.memory_space<hbm>>
        tpu.enqueue_indirect_dma source(%dma_start3A_89 : memref<10000x256xf32, #tpu.memory_space<hbm>>) target(%arg9 : memref<64x256xf32, #tpu.memory_space<vmem>>) offsets(%dma_start3A_86 : memref<64xi32, #tpu.memory_space<vmem>>) semaphore(%arg15 : memref<!tpu.dma_semaphore, #tpu.memory_space<semaphore_mem>>)
        %dma_start3A_90 = arith.constant 0 : i32
        %dma_start3A_91 = tpu.memref_slice %arg8[%add3A_83, %dma_start3A_90] : memref<80x64xi32, #tpu.memory_space<vmem>> -> memref<1x64xi32, #tpu.memory_space<vmem>>
        %dma_start3A_92 = tpu.memref_squeeze %dma_start3A_91 : memref<1x64xi32, #tpu.memory_space<vmem>> -> memref<64xi32, #tpu.memory_space<vmem>>
        %dma_start3A_93 = arith.constant 0 : i32
        %dma_start3A_94 = arith.constant 0 : i32
        %dma_start3A_95 = tpu.memref_slice %arg3[%dma_start3A_93, %dma_start3A_94] : memref<10000x256xf32, #tpu.memory_space<hbm>> -> memref<10000x256xf32, #tpu.memory_space<hbm>>
        tpu.enqueue_indirect_dma source(%dma_start3A_95 : memref<10000x256xf32, #tpu.memory_space<hbm>>) target(%arg10 : memref<64x256xf32, #tpu.memory_space<vmem>>) offsets(%dma_start3A_92 : memref<64xi32, #tpu.memory_space<vmem>>) semaphore(%arg16 : memref<!tpu.dma_semaphore, #tpu.memory_space<semaphore_mem>>)
      } else {
      }
      %dma_wait3A_63 = arith.constant 0 : i32
      %dma_wait3A_64 = arith.constant 0 : i32
      %dma_wait3A_65 = tpu.memref_slice %arg2[%dma_wait3A_63, %dma_wait3A_64] : memref<10000x256xf32, #tpu.memory_space<hbm>> -> memref<64x256xf32, #tpu.memory_space<hbm>>
      %dma_wait3A_66 = arith.constant 0 : i32
      %dma_wait3A_67 = arith.constant 0 : i32
      %dma_wait3A_68 = tpu.memref_slice %arg2[%dma_wait3A_66, %dma_wait3A_67] : memref<10000x256xf32, #tpu.memory_space<hbm>> -> memref<64x256xf32, #tpu.memory_space<hbm>>
      tpu.wait_dma2 semaphore(%arg17 : memref<!tpu.dma_semaphore, #tpu.memory_space<semaphore_mem>>) src(%dma_wait3A_68 : memref<64x256xf32, #tpu.memory_space<hbm>>) dst(%arg11 : memref<64x256xf32, #tpu.memory_space<vmem>>)
      %dma_wait3A_69 = arith.constant 0 : i32
      %dma_wait3A_70 = arith.constant 0 : i32
      %dma_wait3A_71 = tpu.memref_slice %arg3[%dma_wait3A_69, %dma_wait3A_70] : memref<10000x256xf32, #tpu.memory_space<hbm>> -> memref<64x256xf32, #tpu.memory_space<hbm>>
      %dma_wait3A_72 = arith.constant 0 : i32
      %dma_wait3A_73 = arith.constant 0 : i32
      %dma_wait3A_74 = tpu.memref_slice %arg3[%dma_wait3A_72, %dma_wait3A_73] : memref<10000x256xf32, #tpu.memory_space<hbm>> -> memref<64x256xf32, #tpu.memory_space<hbm>>
      tpu.wait_dma2 semaphore(%arg18 : memref<!tpu.dma_semaphore, #tpu.memory_space<semaphore_mem>>) src(%dma_wait3A_74 : memref<64x256xf32, #tpu.memory_space<hbm>>) dst(%arg12 : memref<64x256xf32, #tpu.memory_space<vmem>>)
      %add3A_75 = arith.constant 1 : i32
      %add3A_76 = arith.addi %add3A_28, %add3A_75 : i32
      %scan3A_77 = arith.constant 0 : i32
      %scan3A_78 = arith.constant 4 : i32
      %scan3A_79 = arith.addi %scan3A_77, %scan3A_78 : i32
      %scan3A_80 = arith.constant 1 : i32
      scf.for %scan3A_82 = %scan3A_77 to %scan3A_79 step %scan3A_80  : i32 {
        %mul3A_83 = arith.constant 16 : i32
        %mul3A_84 = arith.muli %scan3A_82, %mul3A_83 : i32
        %add3A_85 = arith.constant 0 : i32
        %add3A_86 = arith.addi %add3A_85, %mul3A_84 : i32
        %scan3A_87 = arith.constant 0 : i32
        %scan3A_88 = arith.constant 16 : i32
        %scan3A_89 = arith.addi %scan3A_87, %scan3A_88 : i32
        %scan3A_90 = arith.constant 1 : i32
        scf.for %scan3A_158 = %scan3A_87 to %scan3A_89 step %scan3A_90  : i32 {
          %mul3A_159 = arith.constant 1 : i32
          %mul3A_160 = arith.muli %scan3A_158, %mul3A_159 : i32
          %add3A_161 = arith.constant 0 : i32
          %add3A_162 = arith.addi %add3A_161, %mul3A_160 : i32
          %add3A_163 = arith.addi %add3A_86, %add3A_162 : i32
          %broadcast_in_dim3A_164 = arith.constant 0.000000e+00 : f32
          %broadcast_in_dim3A_165 = vector.broadcast %broadcast_in_dim3A_164 : f32 to vector<16xf32>
          %broadcast_in_dim3A_166 = arith.constant 0.000000e+00 : f32
          %broadcast_in_dim3A_167 = vector.broadcast %broadcast_in_dim3A_166 : f32 to vector<16xf32>
          %get3A = arith.index_cast %add3A_163 : i32 to index
          %get3A_168 = arith.constant 0 : index
          %get3A_169 = tpu.vector_load %arg11[%get3A, %get3A_168] {strides = array<i32>} : memref<64x256xf32, #tpu.memory_space<vmem>>, vector<16xf32>,
          %get3A_170 = arith.index_cast %add3A_163 : i32 to index
          %get3A_171 = arith.constant 0 : index
          %get3A_172 = tpu.vector_load %arg12[%get3A_170, %get3A_171] {strides = array<i32>} : memref<64x256xf32, #tpu.memory_space<vmem>>, vector<16xf32>,
          %mul3A_173 = arith.mulf %get3A_169, %get3A_172 : vector<16xf32>
          %add3A_174 = arith.addf %broadcast_in_dim3A_165, %mul3A_173 : vector<16xf32>
          %get3A_175 = arith.index_cast %add3A_163 : i32 to index
          %get3A_176 = arith.constant 16 : index
          %get3A_177 = tpu.vector_load %arg11[%get3A_175, %get3A_176] {strides = array<i32>} : memref<64x256xf32, #tpu.memory_space<vmem>>, vector<16xf32>,
          %get3A_178 = arith.index_cast %add3A_163 : i32 to index
          %get3A_179 = arith.constant 16 : index
          %get3A_180 = tpu.vector_load %arg12[%get3A_178, %get3A_179] {strides = array<i32>} : memref<64x256xf32, #tpu.memory_space<vmem>>, vector<16xf32>,
          %mul3A_181 = arith.mulf %get3A_177, %get3A_180 : vector<16xf32>
          %add3A_182 = arith.addf %broadcast_in_dim3A_167, %mul3A_181 : vector<16xf32>
          %get3A_183 = arith.index_cast %add3A_163 : i32 to index
          %get3A_184 = arith.constant 32 : index
          %get3A_185 = tpu.vector_load %arg11[%get3A_183, %get3A_184] {strides = array<i32>} : memref<64x256xf32, #tpu.memory_space<vmem>>, vector<16xf32>,
          %get3A_186 = arith.index_cast %add3A_163 : i32 to index
          %get3A_187 = arith.constant 32 : index
          %get3A_188 = tpu.vector_load %arg12[%get3A_186, %get3A_187] {strides = array<i32>} : memref<64x256xf32, #tpu.memory_space<vmem>>, vector<16xf32>,
          %mul3A_189 = arith.mulf %get3A_185, %get3A_188 : vector<16xf32>
          %add3A_190 = arith.addf %add3A_174, %mul3A_189 : vector<16xf32>
          %get3A_191 = arith.index_cast %add3A_163 : i32 to index
          %get3A_192 = arith.constant 48 : index
          %get3A_193 = tpu.vector_load %arg11[%get3A_191, %get3A_192] {strides = array<i32>} : memref<64x256xf32, #tpu.memory_space<vmem>>, vector<16xf32>,
          %get3A_194 = arith.index_cast %add3A_163 : i32 to index
          %get3A_195 = arith.constant 48 : index
          %get3A_196 = tpu.vector_load %arg12[%get3A_194, %get3A_195] {strides = array<i32>} : memref<64x256xf32, #tpu.memory_space<vmem>>, vector<16xf32>,
          %mul3A_197 = arith.mulf %get3A_193, %get3A_196 : vector<16xf32>
          %add3A_198 = arith.addf %add3A_182, %mul3A_197 : vector<16xf32>
          %get3A_199 = arith.index_cast %add3A_163 : i32 to index
          %get3A_200 = arith.constant 64 : index
          %get3A_201 = tpu.vector_load %arg11[%get3A_199, %get3A_200] {strides = array<i32>} : memref<64x256xf32, #tpu.memory_space<vmem>>, vector<16xf32>,
          %get3A_202 = arith.index_cast %add3A_163 : i32 to index
          %get3A_203 = arith.constant 64 : index
          %get3A_204 = tpu.vector_load %arg12[%get3A_202, %get3A_203] {strides = array<i32>} : memref<64x256xf32, #tpu.memory_space<vmem>>, vector<16xf32>,
          %mul3A_205 = arith.mulf %get3A_201, %get3A_204 : vector<16xf32>
          %add3A_206 = arith.addf %add3A_190, %mul3A_205 : vector<16xf32>
          %get3A_207 = arith.index_cast %add3A_163 : i32 to index
          %get3A_208 = arith.constant 80 : index
          %get3A_209 = tpu.vector_load %arg11[%get3A_207, %get3A_208] {strides = array<i32>} : memref<64x256xf32, #tpu.memory_space<vmem>>, vector<16xf32>,
          %get3A_210 = arith.index_cast %add3A_163 : i32 to index
          %get3A_211 = arith.constant 80 : index
          %get3A_212 = tpu.vector_load %arg12[%get3A_210, %get3A_211] {strides = array<i32>} : memref<64x256xf32, #tpu.memory_space<vmem>>, vector<16xf32>,
          %mul3A_213 = arith.mulf %get3A_209, %get3A_212 : vector<16xf32>
          %add3A_214 = arith.addf %add3A_198, %mul3A_213 : vector<16xf32>
          %get3A_215 = arith.index_cast %add3A_163 : i32 to index
          %get3A_216 = arith.constant 96 : index
          %get3A_217 = tpu.vector_load %arg11[%get3A_215, %get3A_216] {strides = array<i32>} : memref<64x256xf32, #tpu.memory_space<vmem>>, vector<16xf32>,
          %get3A_218 = arith.index_cast %add3A_163 : i32 to index
          %get3A_219 = arith.constant 96 : index
          %get3A_220 = tpu.vector_load %arg12[%get3A_218, %get3A_219] {strides = array<i32>} : memref<64x256xf32, #tpu.memory_space<vmem>>, vector<16xf32>,
          %mul3A_221 = arith.mulf %get3A_217, %get3A_220 : vector<16xf32>
          %add3A_222 = arith.addf %add3A_206, %mul3A_221 : vector<16xf32>
          %get3A_223 = arith.index_cast %add3A_163 : i32 to index
          %get3A_224 = arith.constant 112 : index
          %get3A_225 = tpu.vector_load %arg11[%get3A_223, %get3A_224] {strides = array<i32>} : memref<64x256xf32, #tpu.memory_space<vmem>>, vector<16xf32>,
          %get3A_226 = arith.index_cast %add3A_163 : i32 to index
          %get3A_227 = arith.constant 112 : index
          %get3A_228 = tpu.vector_load %arg12[%get3A_226, %get3A_227] {strides = array<i32>} : memref<64x256xf32, #tpu.memory_space<vmem>>, vector<16xf32>,
          %mul3A_229 = arith.mulf %get3A_225, %get3A_228 : vector<16xf32>
          %add3A_230 = arith.addf %add3A_214, %mul3A_229 : vector<16xf32>
          %get3A_231 = arith.index_cast %add3A_163 : i32 to index
          %get3A_232 = arith.constant 128 : index
          %get3A_233 = tpu.vector_load %arg11[%get3A_231, %get3A_232] {strides = array<i32>} : memref<64x256xf32, #tpu.memory_space<vmem>>, vector<16xf32>,
          %get3A_234 = arith.index_cast %add3A_163 : i32 to index
          %get3A_235 = arith.constant 128 : index
          %get3A_236 = tpu.vector_load %arg12[%get3A_234, %get3A_235] {strides = array<i32>} : memref<64x256xf32, #tpu.memory_space<vmem>>, vector<16xf32>,
          %mul3A_237 = arith.mulf %get3A_233, %get3A_236 : vector<16xf32>
          %add3A_238 = arith.addf %add3A_222, %mul3A_237 : vector<16xf32>
          %get3A_239 = arith.index_cast %add3A_163 : i32 to index
          %get3A_240 = arith.constant 144 : index
          %get3A_241 = tpu.vector_load %arg11[%get3A_239, %get3A_240] {strides = array<i32>} : memref<64x256xf32, #tpu.memory_space<vmem>>, vector<16xf32>,
          %get3A_242 = arith.index_cast %add3A_163 : i32 to index
          %get3A_243 = arith.constant 144 : index
          %get3A_244 = tpu.vector_load %arg12[%get3A_242, %get3A_243] {strides = array<i32>} : memref<64x256xf32, #tpu.memory_space<vmem>>, vector<16xf32>,
          %mul3A_245 = arith.mulf %get3A_241, %get3A_244 : vector<16xf32>
          %add3A_246 = arith.addf %add3A_230, %mul3A_245 : vector<16xf32>
          %get3A_247 = arith.index_cast %add3A_163 : i32 to index
          %get3A_248 = arith.constant 160 : index
          %get3A_249 = tpu.vector_load %arg11[%get3A_247, %get3A_248] {strides = array<i32>} : memref<64x256xf32, #tpu.memory_space<vmem>>, vector<16xf32>,
          %get3A_250 = arith.index_cast %add3A_163 : i32 to index
          %get3A_251 = arith.constant 160 : index
          %get3A_252 = tpu.vector_load %arg12[%get3A_250, %get3A_251] {strides = array<i32>} : memref<64x256xf32, #tpu.memory_space<vmem>>, vector<16xf32>,
          %mul3A_253 = arith.mulf %get3A_249, %get3A_252 : vector<16xf32>
          %add3A_254 = arith.addf %add3A_238, %mul3A_253 : vector<16xf32>
          %get3A_255 = arith.index_cast %add3A_163 : i32 to index
          %get3A_256 = arith.constant 176 : index
          %get3A_257 = tpu.vector_load %arg11[%get3A_255, %get3A_256] {strides = array<i32>} : memref<64x256xf32, #tpu.memory_space<vmem>>, vector<16xf32>,
          %get3A_258 = arith.index_cast %add3A_163 : i32 to index
          %get3A_259 = arith.constant 176 : index
          %get3A_260 = tpu.vector_load %arg12[%get3A_258, %get3A_259] {strides = array<i32>} : memref<64x256xf32, #tpu.memory_space<vmem>>, vector<16xf32>,
          %mul3A_261 = arith.mulf %get3A_257, %get3A_260 : vector<16xf32>
          %add3A_262 = arith.addf %add3A_246, %mul3A_261 : vector<16xf32>
          %get3A_263 = arith.index_cast %add3A_163 : i32 to index
          %get3A_264 = arith.constant 192 : index
          %get3A_265 = tpu.vector_load %arg11[%get3A_263, %get3A_264] {strides = array<i32>} : memref<64x256xf32, #tpu.memory_space<vmem>>, vector<16xf32>,
          %get3A_266 = arith.index_cast %add3A_163 : i32 to index
          %get3A_267 = arith.constant 192 : index
          %get3A_268 = tpu.vector_load %arg12[%get3A_266, %get3A_267] {strides = array<i32>} : memref<64x256xf32, #tpu.memory_space<vmem>>, vector<16xf32>,
          %mul3A_269 = arith.mulf %get3A_265, %get3A_268 : vector<16xf32>
          %add3A_270 = arith.addf %add3A_254, %mul3A_269 : vector<16xf32>
          %get3A_271 = arith.index_cast %add3A_163 : i32 to index
          %get3A_272 = arith.constant 208 : index
          %get3A_273 = tpu.vector_load %arg11[%get3A_271, %get3A_272] {strides = array<i32>} : memref<64x256xf32, #tpu.memory_space<vmem>>, vector<16xf32>,
          %get3A_274 = arith.index_cast %add3A_163 : i32 to index
          %get3A_275 = arith.constant 208 : index
          %get3A_276 = tpu.vector_load %arg12[%get3A_274, %get3A_275] {strides = array<i32>} : memref<64x256xf32, #tpu.memory_space<vmem>>, vector<16xf32>,
          %mul3A_277 = arith.mulf %get3A_273, %get3A_276 : vector<16xf32>
          %add3A_278 = arith.addf %add3A_262, %mul3A_277 : vector<16xf32>
          %get3A_279 = arith.index_cast %add3A_163 : i32 to index
          %get3A_280 = arith.constant 224 : index
          %get3A_281 = tpu.vector_load %arg11[%get3A_279, %get3A_280] {strides = array<i32>} : memref<64x256xf32, #tpu.memory_space<vmem>>, vector<16xf32>,
          %get3A_282 = arith.index_cast %add3A_163 : i32 to index
          %get3A_283 = arith.constant 224 : index
          %get3A_284 = tpu.vector_load %arg12[%get3A_282, %get3A_283] {strides = array<i32>} : memref<64x256xf32, #tpu.memory_space<vmem>>, vector<16xf32>,
          %mul3A_285 = arith.mulf %get3A_281, %get3A_284 : vector<16xf32>
          %add3A_286 = arith.addf %add3A_270, %mul3A_285 : vector<16xf32>
          %get3A_287 = arith.index_cast %add3A_163 : i32 to index
          %get3A_288 = arith.constant 240 : index
          %get3A_289 = tpu.vector_load %arg11[%get3A_287, %get3A_288] {strides = array<i32>} : memref<64x256xf32, #tpu.memory_space<vmem>>, vector<16xf32>,
          %get3A_290 = arith.index_cast %add3A_163 : i32 to index
          %get3A_291 = arith.constant 240 : index
          %get3A_292 = tpu.vector_load %arg12[%get3A_290, %get3A_291] {strides = array<i32>} : memref<64x256xf32, #tpu.memory_space<vmem>>, vector<16xf32>,
          %mul3A_293 = arith.mulf %get3A_289, %get3A_292 : vector<16xf32>
          %add3A_294 = arith.addf %add3A_278, %mul3A_293 : vector<16xf32>
          %add3A_295 = arith.addf %add3A_286, %add3A_294 : vector<16xf32>
          %swap3A_296 = arith.index_cast %add3A_162 : i32 to index
          %swap3A_297 = arith.constant 0 : index
          %swap3A_298 = tpu.vector_load %arg14[%swap3A_296, %swap3A_297] {strides = array<i32>} : memref<16x16xf32, #tpu.memory_space<vmem>>, vector<16xf32>,
          tpu.vector_store %arg14[%swap3A_296, %swap3A_297], %add3A_295 {strides = array<i32>} : memref<16x16xf32, #tpu.memory_space<vmem>>, vector<16xf32>,
        }
        %scan3A_91 = arith.constant 16 : i32
        %broadcast_in_dim3A = arith.constant 0.000000e+00 : f32
        %broadcast_in_dim3A_92 = vector.broadcast %broadcast_in_dim3A : f32 to vector<16xf32>
        %broadcast_in_dim3A_93 = arith.constant 0 : i32
        %broadcast_in_dim3A_94 = vector.broadcast %broadcast_in_dim3A_93 : i32 to vector<16xi32>
        %gather3A = tpu.vector_load_idx %arg14[%iota3A, %broadcast_in_dim3A_94] : memref<16x16xf32, #tpu.memory_space<vmem>>[vector<16xi32>, vector<16xi32>], vector<16xf32>,
        %add3A_95 = arith.addf %broadcast_in_dim3A_92, %gather3A : vector<16xf32>
        %broadcast_in_dim3A_96 = arith.constant 1 : i32
        %broadcast_in_dim3A_97 = vector.broadcast %broadcast_in_dim3A_96 : i32 to vector<16xi32>
        %gather3A_98 = tpu.vector_load_idx %arg14[%iota3A, %broadcast_in_dim3A_97] : memref<16x16xf32, #tpu.memory_space<vmem>>[vector<16xi32>, vector<16xi32>], vector<16xf32>,
        %add3A_99 = arith.addf %add3A_95, %gather3A_98 : vector<16xf32>
        %broadcast_in_dim3A_100 = arith.constant 2 : i32
        %broadcast_in_dim3A_101 = vector.broadcast %broadcast_in_dim3A_100 : i32 to vector<16xi32>
        %gather3A_102 = tpu.vector_load_idx %arg14[%iota3A, %broadcast_in_dim3A_101] : memref<16x16xf32, #tpu.memory_space<vmem>>[vector<16xi32>, vector<16xi32>], vector<16xf32>,
        %add3A_103 = arith.addf %add3A_99, %gather3A_102 : vector<16xf32>
        %broadcast_in_dim3A_104 = arith.constant 3 : i32
        %broadcast_in_dim3A_105 = vector.broadcast %broadcast_in_dim3A_104 : i32 to vector<16xi32>
        %gather3A_106 = tpu.vector_load_idx %arg14[%iota3A, %broadcast_in_dim3A_105] : memref<16x16xf32, #tpu.memory_space<vmem>>[vector<16xi32>, vector<16xi32>], vector<16xf32>,
        %add3A_107 = arith.addf %add3A_103, %gather3A_106 : vector<16xf32>
        %broadcast_in_dim3A_108 = arith.constant 4 : i32
        %broadcast_in_dim3A_109 = vector.broadcast %broadcast_in_dim3A_108 : i32 to vector<16xi32>
        %gather3A_110 = tpu.vector_load_idx %arg14[%iota3A, %broadcast_in_dim3A_109] : memref<16x16xf32, #tpu.memory_space<vmem>>[vector<16xi32>, vector<16xi32>], vector<16xf32>,
        %add3A_111 = arith.addf %add3A_107, %gather3A_110 : vector<16xf32>
        %broadcast_in_dim3A_112 = arith.constant 5 : i32
        %broadcast_in_dim3A_113 = vector.broadcast %broadcast_in_dim3A_112 : i32 to vector<16xi32>
        %gather3A_114 = tpu.vector_load_idx %arg14[%iota3A, %broadcast_in_dim3A_113] : memref<16x16xf32, #tpu.memory_space<vmem>>[vector<16xi32>, vector<16xi32>], vector<16xf32>,
        %add3A_115 = arith.addf %add3A_111, %gather3A_114 : vector<16xf32>
        %broadcast_in_dim3A_116 = arith.constant 6 : i32
        %broadcast_in_dim3A_117 = vector.broadcast %broadcast_in_dim3A_116 : i32 to vector<16xi32>
        %gather3A_118 = tpu.vector_load_idx %arg14[%iota3A, %broadcast_in_dim3A_117] : memref<16x16xf32, #tpu.memory_space<vmem>>[vector<16xi32>, vector<16xi32>], vector<16xf32>,
        %add3A_119 = arith.addf %add3A_115, %gather3A_118 : vector<16xf32>
        %broadcast_in_dim3A_120 = arith.constant 7 : i32
        %broadcast_in_dim3A_121 = vector.broadcast %broadcast_in_dim3A_120 : i32 to vector<16xi32>
        %gather3A_122 = tpu.vector_load_idx %arg14[%iota3A, %broadcast_in_dim3A_121] : memref<16x16xf32, #tpu.memory_space<vmem>>[vector<16xi32>, vector<16xi32>], vector<16xf32>,
        %add3A_123 = arith.addf %add3A_119, %gather3A_122 : vector<16xf32>
        %broadcast_in_dim3A_124 = arith.constant 8 : i32
        %broadcast_in_dim3A_125 = vector.broadcast %broadcast_in_dim3A_124 : i32 to vector<16xi32>
        %gather3A_126 = tpu.vector_load_idx %arg14[%iota3A, %broadcast_in_dim3A_125] : memref<16x16xf32, #tpu.memory_space<vmem>>[vector<16xi32>, vector<16xi32>], vector<16xf32>,
        %add3A_127 = arith.addf %add3A_123, %gather3A_126 : vector<16xf32>
        %broadcast_in_dim3A_128 = arith.constant 9 : i32
        %broadcast_in_dim3A_129 = vector.broadcast %broadcast_in_dim3A_128 : i32 to vector<16xi32>
        %gather3A_130 = tpu.vector_load_idx %arg14[%iota3A, %broadcast_in_dim3A_129] : memref<16x16xf32, #tpu.memory_space<vmem>>[vector<16xi32>, vector<16xi32>], vector<16xf32>,
        %add3A_131 = arith.addf %add3A_127, %gather3A_130 : vector<16xf32>
        %broadcast_in_dim3A_132 = arith.constant 10 : i32
        %broadcast_in_dim3A_133 = vector.broadcast %broadcast_in_dim3A_132 : i32 to vector<16xi32>
        %gather3A_134 = tpu.vector_load_idx %arg14[%iota3A, %broadcast_in_dim3A_133] : memref<16x16xf32, #tpu.memory_space<vmem>>[vector<16xi32>, vector<16xi32>], vector<16xf32>,
        %add3A_135 = arith.addf %add3A_131, %gather3A_134 : vector<16xf32>
        %broadcast_in_dim3A_136 = arith.constant 11 : i32
        %broadcast_in_dim3A_137 = vector.broadcast %broadcast_in_dim3A_136 : i32 to vector<16xi32>
        %gather3A_138 = tpu.vector_load_idx %arg14[%iota3A, %broadcast_in_dim3A_137] : memref<16x16xf32, #tpu.memory_space<vmem>>[vector<16xi32>, vector<16xi32>], vector<16xf32>,
        %add3A_139 = arith.addf %add3A_135, %gather3A_138 : vector<16xf32>
        %broadcast_in_dim3A_140 = arith.constant 12 : i32
        %broadcast_in_dim3A_141 = vector.broadcast %broadcast_in_dim3A_140 : i32 to vector<16xi32>
        %gather3A_142 = tpu.vector_load_idx %arg14[%iota3A, %broadcast_in_dim3A_141] : memref<16x16xf32, #tpu.memory_space<vmem>>[vector<16xi32>, vector<16xi32>], vector<16xf32>,
        %add3A_143 = arith.addf %add3A_139, %gather3A_142 : vector<16xf32>
        %broadcast_in_dim3A_144 = arith.constant 13 : i32
        %broadcast_in_dim3A_145 = vector.broadcast %broadcast_in_dim3A_144 : i32 to vector<16xi32>
        %gather3A_146 = tpu.vector_load_idx %arg14[%iota3A, %broadcast_in_dim3A_145] : memref<16x16xf32, #tpu.memory_space<vmem>>[vector<16xi32>, vector<16xi32>], vector<16xf32>,
        %add3A_147 = arith.addf %add3A_143, %gather3A_146 : vector<16xf32>
        %broadcast_in_dim3A_148 = arith.constant 14 : i32
        %broadcast_in_dim3A_149 = vector.broadcast %broadcast_in_dim3A_148 : i32 to vector<16xi32>
        %gather3A_150 = tpu.vector_load_idx %arg14[%iota3A, %broadcast_in_dim3A_149] : memref<16x16xf32, #tpu.memory_space<vmem>>[vector<16xi32>, vector<16xi32>], vector<16xf32>,
        %add3A_151 = arith.addf %add3A_147, %gather3A_150 : vector<16xf32>
        %broadcast_in_dim3A_152 = arith.constant 15 : i32
        %broadcast_in_dim3A_153 = vector.broadcast %broadcast_in_dim3A_152 : i32 to vector<16xi32>
        %gather3A_154 = tpu.vector_load_idx %arg14[%iota3A, %broadcast_in_dim3A_153] : memref<16x16xf32, #tpu.memory_space<vmem>>[vector<16xi32>, vector<16xi32>], vector<16xf32>,
        %add3A_155 = arith.addf %add3A_151, %gather3A_154 : vector<16xf32>
        %swap3A = arith.index_cast %add3A_76 : i32 to index
        %swap3A_156 = arith.index_cast %add3A_86 : i32 to index
        %swap3A_157 = tpu.vector_load %arg13[%swap3A, %swap3A_156] {strides = array<i32>} : memref<80x64xf32, #tpu.memory_space<vmem>>, vector<16xf32>,
        tpu.vector_store %arg13[%swap3A, %swap3A_156], %add3A_155 {strides = array<i32>} : memref<80x64xf32, #tpu.memory_space<vmem>>, vector<16xf32>,
      }
      %scan3A_81 = arith.constant 4 : i32
    }
    %scan3A_21 = arith.constant 40 : i32
    %mul3A_22 = arith.constant 80 : i32
    %mul3A_23 = arith.muli %add3A, %mul3A_22 : i32
    "tpu.region"() ({
      %run_scoped3A = tpu.sem_alloc : memref<!tpu.dma_semaphore, #tpu.memory_space<semaphore_mem>>
      %dma_start3A_24 = arith.constant 0 : i32
      %dma_start3A_25 = tpu.memref_slice %arg6[%mul3A_23, %dma_start3A_24] : memref<2560x64xf32, #tpu.memory_space<hbm>> -> memref<80x64xf32, #tpu.memory_space<hbm>>
      %dma_start3A_26 = arith.constant 0 : i32
      %dma_start3A_27 = tpu.memref_slice %arg6[%mul3A_23, %dma_start3A_26] : memref<2560x64xf32, #tpu.memory_space<hbm>> -> memref<80x64xf32, #tpu.memory_space<hbm>>
      tpu.enqueue_dma source(%arg13 : memref<80x64xf32, #tpu.memory_space<vmem>>) target(%dma_start3A_27 : memref<80x64xf32, #tpu.memory_space<hbm>>) target_semaphore(%run_scoped3A : memref<!tpu.dma_semaphore, #tpu.memory_space<semaphore_mem>>)
      %dma_wait3A = arith.constant 0 : i32
      %dma_wait3A_28 = tpu.memref_slice %arg6[%mul3A_23, %dma_wait3A] : memref<2560x64xf32, #tpu.memory_space<hbm>> -> memref<80x64xf32, #tpu.memory_space<hbm>>
      %dma_wait3A_29 = arith.constant 0 : i32
      %dma_wait3A_30 = tpu.memref_slice %arg6[%mul3A_23, %dma_wait3A_29] : memref<2560x64xf32, #tpu.memory_space<hbm>> -> memref<80x64xf32, #tpu.memory_space<hbm>>
      tpu.wait_dma2 semaphore(%run_scoped3A : memref<!tpu.dma_semaphore, #tpu.memory_space<semaphore_mem>>) src(%arg13 : memref<80x64xf32, #tpu.memory_space<vmem>>) dst(%dma_wait3A_30 : memref<80x64xf32, #tpu.memory_space<hbm>>)
      tpu.yield
    }) : () -> ()
    return
  }
}

#map = affine_map<(d0, d1) -> (0, 0)>
#map1 = affine_map<(d0, d1) -> (0, 0, 0, 0)>
#map2 = affine_map<(d0, d1) -> (0, 0, 0)>
module attributes {stable_mosaic.version = 14 : i64} {
  func.func @k(%arg0: i32, %arg1: i32, %arg2: memref<10000x128xf32, #tpu.memory_space<hbm>>, %arg3: memref<10000x128xf32, #tpu.memory_space<hbm>>, %arg4: memref<2x16x160x64xi32, #tpu.memory_space<hbm>>, %arg5: memref<2x16x160x64xi32, #tpu.memory_space<hbm>>, %arg6: memref<2x5120x128xf32, #tpu.memory_space<hbm>>, %arg7: memref<2x5120x128xf32, #tpu.memory_space<hbm>>, %arg8: memref<160x64xi32, #tpu.memory_space<vmem>>, %arg9: memref<160x64xi32, #tpu.memory_space<vmem>>, %arg10: memref<64x128xf32, #tpu.memory_space<vmem>>, %arg11: memref<64x128xf32, #tpu.memory_space<vmem>>, %arg12: memref<!tpu.dma_semaphore, #tpu.memory_space<semaphore_mem>>, %arg13: memref<!tpu.dma_semaphore, #tpu.memory_space<semaphore_mem>>, %arg14: memref<!tpu.dma_semaphore, #tpu.memory_space<semaphore_mem>>, %arg15: memref<!tpu.dma_semaphore, #tpu.memory_space<semaphore_mem>>, %arg16: memref<5120x128xf32, #tpu.memory_space<vmem_shared>>) attributes {dimension_semantics = [#tpu.dimension_semantics<core_parallel>, #tpu.dimension_semantics<subcore_parallel>], iteration_bounds = array<i64: 2, 16>, scalar_prefetch = 0 : i64, scratch_operands = 9 : i64, tpu.core_type = #tpu.core_type<sc_vector_subcore>, window_params = [{transform_indices = #map}, {transform_indices = #map}, {transform_indices = #map1}, {transform_indices = #map1}, {transform_indices = #map2}, {transform_indices = #map2}]} {
    %mul3A = arith.constant 320 : i32
    %mul3A_0 = arith.muli %arg1, %mul3A : i32
    %scan3A = arith.constant 0 : i32
    %scan3A_1 = arith.constant 64 : i32
    %scan3A_2 = arith.addi %scan3A, %scan3A_1 : i32
    %scan3A_3 = arith.constant 1 : i32
    scf.for %scan3A_138 = %scan3A to %scan3A_2 step %scan3A_3  : i32 {
      %mul3A_139 = arith.constant 1 : i32
      %mul3A_140 = arith.muli %scan3A_138, %mul3A_139 : i32
      %add3A_141 = arith.constant 0 : i32
      %add3A_142 = arith.addi %add3A_141, %mul3A_140 : i32
      %scan3A_143 = arith.constant 0 : i32
      %scan3A_144 = arith.constant 8 : i32
      %scan3A_145 = arith.addi %scan3A_143, %scan3A_144 : i32
      %scan3A_146 = arith.constant 1 : i32
      scf.for %scan3A_148 = %scan3A_143 to %scan3A_145 step %scan3A_146  : i32 {
        %mul3A_149 = arith.constant 16 : i32
        %mul3A_150 = arith.muli %scan3A_148, %mul3A_149 : i32
        %add3A_151 = arith.constant 0 : i32
        %add3A_152 = arith.addi %add3A_151, %mul3A_150 : i32
        %broadcast_in_dim3A = arith.constant 0.000000e+00 : f32
        %broadcast_in_dim3A_153 = vector.broadcast %broadcast_in_dim3A : f32 to vector<16xf32>
        %swap3A = arith.index_cast %add3A_142 : i32 to index
        %swap3A_154 = arith.index_cast %add3A_152 : i32 to index
        %swap3A_155 = tpu.vector_load %arg10[%swap3A, %swap3A_154] {strides = array<i32>} : memref<64x128xf32, #tpu.memory_space<vmem>>, vector<16xf32>,
        tpu.vector_store %arg10[%swap3A, %swap3A_154], %broadcast_in_dim3A_153 {strides = array<i32>} : memref<64x128xf32, #tpu.memory_space<vmem>>, vector<16xf32>,
      }
      %scan3A_147 = arith.constant 8 : i32
    }
    %scan3A_4 = arith.constant 64 : i32
    %add3A = arith.constant 0 : i32
    %add3A_5 = arith.addi %mul3A_0, %add3A : i32
    "tpu.region"() ({
      %run_scoped3A = tpu.sem_alloc : memref<!tpu.dma_semaphore, #tpu.memory_space<semaphore_mem>>
      %dma_start3A_138 = arith.constant 0 : i32
      %dma_start3A_139 = tpu.memref_slice %arg16[%add3A_5, %dma_start3A_138] : memref<5120x128xf32, #tpu.memory_space<vmem_shared>> -> memref<64x128xf32, #tpu.memory_space<vmem_shared>>
      %dma_start3A_140 = arith.constant 0 : i32
      %dma_start3A_141 = tpu.memref_slice %arg16[%add3A_5, %dma_start3A_140] : memref<5120x128xf32, #tpu.memory_space<vmem_shared>> -> memref<64x128xf32, #tpu.memory_space<vmem_shared>>
      tpu.enqueue_dma source(%arg10 : memref<64x128xf32, #tpu.memory_space<vmem>>) target(%dma_start3A_141 : memref<64x128xf32, #tpu.memory_space<vmem_shared>>) target_semaphore(%run_scoped3A : memref<!tpu.dma_semaphore, #tpu.memory_space<semaphore_mem>>)
      %dma_wait3A = arith.constant 0 : i32
      %dma_wait3A_142 = tpu.memref_slice %arg16[%add3A_5, %dma_wait3A] : memref<5120x128xf32, #tpu.memory_space<vmem_shared>> -> memref<64x128xf32, #tpu.memory_space<vmem_shared>>
      %dma_wait3A_143 = arith.constant 0 : i32
      %dma_wait3A_144 = tpu.memref_slice %arg16[%add3A_5, %dma_wait3A_143] : memref<5120x128xf32, #tpu.memory_space<vmem_shared>> -> memref<64x128xf32, #tpu.memory_space<vmem_shared>>
      tpu.wait_dma2 semaphore(%run_scoped3A : memref<!tpu.dma_semaphore, #tpu.memory_space<semaphore_mem>>) src(%arg10 : memref<64x128xf32, #tpu.memory_space<vmem>>) dst(%dma_wait3A_144 : memref<64x128xf32, #tpu.memory_space<vmem_shared>>)
      tpu.yield
    }) : () -> ()
    %add3A_6 = arith.constant 64 : i32
    %add3A_7 = arith.addi %mul3A_0, %add3A_6 : i32
    "tpu.region"() ({
      %run_scoped3A = tpu.sem_alloc : memref<!tpu.dma_semaphore, #tpu.memory_space<semaphore_mem>>
      %dma_start3A_138 = arith.constant 0 : i32
      %dma_start3A_139 = tpu.memref_slice %arg16[%add3A_7, %dma_start3A_138] : memref<5120x128xf32, #tpu.memory_space<vmem_shared>> -> memref<64x128xf32, #tpu.memory_space<vmem_shared>>
      %dma_start3A_140 = arith.constant 0 : i32
      %dma_start3A_141 = tpu.memref_slice %arg16[%add3A_7, %dma_start3A_140] : memref<5120x128xf32, #tpu.memory_space<vmem_shared>> -> memref<64x128xf32, #tpu.memory_space<vmem_shared>>
      tpu.enqueue_dma source(%arg10 : memref<64x128xf32, #tpu.memory_space<vmem>>) target(%dma_start3A_141 : memref<64x128xf32, #tpu.memory_space<vmem_shared>>) target_semaphore(%run_scoped3A : memref<!tpu.dma_semaphore, #tpu.memory_space<semaphore_mem>>)
      %dma_wait3A = arith.constant 0 : i32
      %dma_wait3A_142 = tpu.memref_slice %arg16[%add3A_7, %dma_wait3A] : memref<5120x128xf32, #tpu.memory_space<vmem_shared>> -> memref<64x128xf32, #tpu.memory_space<vmem_shared>>
      %dma_wait3A_143 = arith.constant 0 : i32
      %dma_wait3A_144 = tpu.memref_slice %arg16[%add3A_7, %dma_wait3A_143] : memref<5120x128xf32, #tpu.memory_space<vmem_shared>> -> memref<64x128xf32, #tpu.memory_space<vmem_shared>>
      tpu.wait_dma2 semaphore(%run_scoped3A : memref<!tpu.dma_semaphore, #tpu.memory_space<semaphore_mem>>) src(%arg10 : memref<64x128xf32, #tpu.memory_space<vmem>>) dst(%dma_wait3A_144 : memref<64x128xf32, #tpu.memory_space<vmem_shared>>)
      tpu.yield
    }) : () -> ()
    %add3A_8 = arith.constant 128 : i32
    %add3A_9 = arith.addi %mul3A_0, %add3A_8 : i32
    "tpu.region"() ({
      %run_scoped3A = tpu.sem_alloc : memref<!tpu.dma_semaphore, #tpu.memory_space<semaphore_mem>>
      %dma_start3A_138 = arith.constant 0 : i32
      %dma_start3A_139 = tpu.memref_slice %arg16[%add3A_9, %dma_start3A_138] : memref<5120x128xf32, #tpu.memory_space<vmem_shared>> -> memref<64x128xf32, #tpu.memory_space<vmem_shared>>
      %dma_start3A_140 = arith.constant 0 : i32
      %dma_start3A_141 = tpu.memref_slice %arg16[%add3A_9, %dma_start3A_140] : memref<5120x128xf32, #tpu.memory_space<vmem_shared>> -> memref<64x128xf32, #tpu.memory_space<vmem_shared>>
      tpu.enqueue_dma source(%arg10 : memref<64x128xf32, #tpu.memory_space<vmem>>) target(%dma_start3A_141 : memref<64x128xf32, #tpu.memory_space<vmem_shared>>) target_semaphore(%run_scoped3A : memref<!tpu.dma_semaphore, #tpu.memory_space<semaphore_mem>>)
      %dma_wait3A = arith.constant 0 : i32
      %dma_wait3A_142 = tpu.memref_slice %arg16[%add3A_9, %dma_wait3A] : memref<5120x128xf32, #tpu.memory_space<vmem_shared>> -> memref<64x128xf32, #tpu.memory_space<vmem_shared>>
      %dma_wait3A_143 = arith.constant 0 : i32
      %dma_wait3A_144 = tpu.memref_slice %arg16[%add3A_9, %dma_wait3A_143] : memref<5120x128xf32, #tpu.memory_space<vmem_shared>> -> memref<64x128xf32, #tpu.memory_space<vmem_shared>>
      tpu.wait_dma2 semaphore(%run_scoped3A : memref<!tpu.dma_semaphore, #tpu.memory_space<semaphore_mem>>) src(%arg10 : memref<64x128xf32, #tpu.memory_space<vmem>>) dst(%dma_wait3A_144 : memref<64x128xf32, #tpu.memory_space<vmem_shared>>)
      tpu.yield
    }) : () -> ()
    %add3A_10 = arith.constant 192 : i32
    %add3A_11 = arith.addi %mul3A_0, %add3A_10 : i32
    "tpu.region"() ({
      %run_scoped3A = tpu.sem_alloc : memref<!tpu.dma_semaphore, #tpu.memory_space<semaphore_mem>>
      %dma_start3A_138 = arith.constant 0 : i32
      %dma_start3A_139 = tpu.memref_slice %arg16[%add3A_11, %dma_start3A_138] : memref<5120x128xf32, #tpu.memory_space<vmem_shared>> -> memref<64x128xf32, #tpu.memory_space<vmem_shared>>
      %dma_start3A_140 = arith.constant 0 : i32
      %dma_start3A_141 = tpu.memref_slice %arg16[%add3A_11, %dma_start3A_140] : memref<5120x128xf32, #tpu.memory_space<vmem_shared>> -> memref<64x128xf32, #tpu.memory_space<vmem_shared>>
      tpu.enqueue_dma source(%arg10 : memref<64x128xf32, #tpu.memory_space<vmem>>) target(%dma_start3A_141 : memref<64x128xf32, #tpu.memory_space<vmem_shared>>) target_semaphore(%run_scoped3A : memref<!tpu.dma_semaphore, #tpu.memory_space<semaphore_mem>>)
      %dma_wait3A = arith.constant 0 : i32
      %dma_wait3A_142 = tpu.memref_slice %arg16[%add3A_11, %dma_wait3A] : memref<5120x128xf32, #tpu.memory_space<vmem_shared>> -> memref<64x128xf32, #tpu.memory_space<vmem_shared>>
      %dma_wait3A_143 = arith.constant 0 : i32
      %dma_wait3A_144 = tpu.memref_slice %arg16[%add3A_11, %dma_wait3A_143] : memref<5120x128xf32, #tpu.memory_space<vmem_shared>> -> memref<64x128xf32, #tpu.memory_space<vmem_shared>>
      tpu.wait_dma2 semaphore(%run_scoped3A : memref<!tpu.dma_semaphore, #tpu.memory_space<semaphore_mem>>) src(%arg10 : memref<64x128xf32, #tpu.memory_space<vmem>>) dst(%dma_wait3A_144 : memref<64x128xf32, #tpu.memory_space<vmem_shared>>)
      tpu.yield
    }) : () -> ()
    %add3A_12 = arith.constant 256 : i32
    %add3A_13 = arith.addi %mul3A_0, %add3A_12 : i32
    "tpu.region"() ({
      %run_scoped3A = tpu.sem_alloc : memref<!tpu.dma_semaphore, #tpu.memory_space<semaphore_mem>>
      %dma_start3A_138 = arith.constant 0 : i32
      %dma_start3A_139 = tpu.memref_slice %arg16[%add3A_13, %dma_start3A_138] : memref<5120x128xf32, #tpu.memory_space<vmem_shared>> -> memref<64x128xf32, #tpu.memory_space<vmem_shared>>
      %dma_start3A_140 = arith.constant 0 : i32
      %dma_start3A_141 = tpu.memref_slice %arg16[%add3A_13, %dma_start3A_140] : memref<5120x128xf32, #tpu.memory_space<vmem_shared>> -> memref<64x128xf32, #tpu.memory_space<vmem_shared>>
      tpu.enqueue_dma source(%arg10 : memref<64x128xf32, #tpu.memory_space<vmem>>) target(%dma_start3A_141 : memref<64x128xf32, #tpu.memory_space<vmem_shared>>) target_semaphore(%run_scoped3A : memref<!tpu.dma_semaphore, #tpu.memory_space<semaphore_mem>>)
      %dma_wait3A = arith.constant 0 : i32
      %dma_wait3A_142 = tpu.memref_slice %arg16[%add3A_13, %dma_wait3A] : memref<5120x128xf32, #tpu.memory_space<vmem_shared>> -> memref<64x128xf32, #tpu.memory_space<vmem_shared>>
      %dma_wait3A_143 = arith.constant 0 : i32
      %dma_wait3A_144 = tpu.memref_slice %arg16[%add3A_13, %dma_wait3A_143] : memref<5120x128xf32, #tpu.memory_space<vmem_shared>> -> memref<64x128xf32, #tpu.memory_space<vmem_shared>>
      tpu.wait_dma2 semaphore(%run_scoped3A : memref<!tpu.dma_semaphore, #tpu.memory_space<semaphore_mem>>) src(%arg10 : memref<64x128xf32, #tpu.memory_space<vmem>>) dst(%dma_wait3A_144 : memref<64x128xf32, #tpu.memory_space<vmem_shared>>)
      tpu.yield
    }) : () -> ()
    "tpu.region"() ({
      %run_scoped3A = tpu.sem_alloc : memref<!tpu.dma_semaphore, #tpu.memory_space<semaphore_mem>>
      %dma_start3A_138 = arith.constant 0 : i32
      %dma_start3A_139 = arith.constant 0 : i32
      %dma_start3A_140 = tpu.memref_slice %arg4[%arg0, %arg1, %dma_start3A_138, %dma_start3A_139] : memref<2x16x160x64xi32, #tpu.memory_space<hbm>> -> memref<1x1x160x64xi32, #tpu.memory_space<hbm>>
      %dma_start3A_141 = tpu.memref_squeeze %dma_start3A_140 : memref<1x1x160x64xi32, #tpu.memory_space<hbm>> -> memref<160x64xi32, #tpu.memory_space<hbm>>
      %dma_start3A_142 = arith.constant 0 : i32
      %dma_start3A_143 = arith.constant 0 : i32
      %dma_start3A_144 = tpu.memref_slice %arg4[%arg0, %arg1, %dma_start3A_142, %dma_start3A_143] : memref<2x16x160x64xi32, #tpu.memory_space<hbm>> -> memref<1x1x160x64xi32, #tpu.memory_space<hbm>>
      %dma_start3A_145 = tpu.memref_squeeze %dma_start3A_144 : memref<1x1x160x64xi32, #tpu.memory_space<hbm>> -> memref<160x64xi32, #tpu.memory_space<hbm>>
      tpu.enqueue_dma source(%dma_start3A_145 : memref<160x64xi32, #tpu.memory_space<hbm>>) target(%arg8 : memref<160x64xi32, #tpu.memory_space<vmem>>) target_semaphore(%run_scoped3A : memref<!tpu.dma_semaphore, #tpu.memory_space<semaphore_mem>>)
      %dma_wait3A = arith.constant 0 : i32
      %dma_wait3A_146 = arith.constant 0 : i32
      %dma_wait3A_147 = tpu.memref_slice %arg4[%arg0, %arg1, %dma_wait3A, %dma_wait3A_146] : memref<2x16x160x64xi32, #tpu.memory_space<hbm>> -> memref<1x1x160x64xi32, #tpu.memory_space<hbm>>
      %dma_wait3A_148 = tpu.memref_squeeze %dma_wait3A_147 : memref<1x1x160x64xi32, #tpu.memory_space<hbm>> -> memref<160x64xi32, #tpu.memory_space<hbm>>
      %dma_wait3A_149 = arith.constant 0 : i32
      %dma_wait3A_150 = arith.constant 0 : i32
      %dma_wait3A_151 = tpu.memref_slice %arg4[%arg0, %arg1, %dma_wait3A_149, %dma_wait3A_150] : memref<2x16x160x64xi32, #tpu.memory_space<hbm>> -> memref<1x1x160x64xi32, #tpu.memory_space<hbm>>
      %dma_wait3A_152 = tpu.memref_squeeze %dma_wait3A_151 : memref<1x1x160x64xi32, #tpu.memory_space<hbm>> -> memref<160x64xi32, #tpu.memory_space<hbm>>
      tpu.wait_dma2 semaphore(%run_scoped3A : memref<!tpu.dma_semaphore, #tpu.memory_space<semaphore_mem>>) src(%dma_wait3A_152 : memref<160x64xi32, #tpu.memory_space<hbm>>) dst(%arg8 : memref<160x64xi32, #tpu.memory_space<vmem>>)
      tpu.yield
    }) : () -> ()
    "tpu.region"() ({
      %run_scoped3A = tpu.sem_alloc : memref<!tpu.dma_semaphore, #tpu.memory_space<semaphore_mem>>
      %dma_start3A_138 = arith.constant 0 : i32
      %dma_start3A_139 = arith.constant 0 : i32
      %dma_start3A_140 = tpu.memref_slice %arg5[%arg0, %arg1, %dma_start3A_138, %dma_start3A_139] : memref<2x16x160x64xi32, #tpu.memory_space<hbm>> -> memref<1x1x160x64xi32, #tpu.memory_space<hbm>>
      %dma_start3A_141 = tpu.memref_squeeze %dma_start3A_140 : memref<1x1x160x64xi32, #tpu.memory_space<hbm>> -> memref<160x64xi32, #tpu.memory_space<hbm>>
      %dma_start3A_142 = arith.constant 0 : i32
      %dma_start3A_143 = arith.constant 0 : i32
      %dma_start3A_144 = tpu.memref_slice %arg5[%arg0, %arg1, %dma_start3A_142, %dma_start3A_143] : memref<2x16x160x64xi32, #tpu.memory_space<hbm>> -> memref<1x1x160x64xi32, #tpu.memory_space<hbm>>
      %dma_start3A_145 = tpu.memref_squeeze %dma_start3A_144 : memref<1x1x160x64xi32, #tpu.memory_space<hbm>> -> memref<160x64xi32, #tpu.memory_space<hbm>>
      tpu.enqueue_dma source(%dma_start3A_145 : memref<160x64xi32, #tpu.memory_space<hbm>>) target(%arg9 : memref<160x64xi32, #tpu.memory_space<vmem>>) target_semaphore(%run_scoped3A : memref<!tpu.dma_semaphore, #tpu.memory_space<semaphore_mem>>)
      %dma_wait3A = arith.constant 0 : i32
      %dma_wait3A_146 = arith.constant 0 : i32
      %dma_wait3A_147 = tpu.memref_slice %arg5[%arg0, %arg1, %dma_wait3A, %dma_wait3A_146] : memref<2x16x160x64xi32, #tpu.memory_space<hbm>> -> memref<1x1x160x64xi32, #tpu.memory_space<hbm>>
      %dma_wait3A_148 = tpu.memref_squeeze %dma_wait3A_147 : memref<1x1x160x64xi32, #tpu.memory_space<hbm>> -> memref<160x64xi32, #tpu.memory_space<hbm>>
      %dma_wait3A_149 = arith.constant 0 : i32
      %dma_wait3A_150 = arith.constant 0 : i32
      %dma_wait3A_151 = tpu.memref_slice %arg5[%arg0, %arg1, %dma_wait3A_149, %dma_wait3A_150] : memref<2x16x160x64xi32, #tpu.memory_space<hbm>> -> memref<1x1x160x64xi32, #tpu.memory_space<hbm>>
      %dma_wait3A_152 = tpu.memref_squeeze %dma_wait3A_151 : memref<1x1x160x64xi32, #tpu.memory_space<hbm>> -> memref<160x64xi32, #tpu.memory_space<hbm>>
      tpu.wait_dma2 semaphore(%run_scoped3A : memref<!tpu.dma_semaphore, #tpu.memory_space<semaphore_mem>>) src(%dma_wait3A_152 : memref<160x64xi32, #tpu.memory_space<hbm>>) dst(%arg9 : memref<160x64xi32, #tpu.memory_space<vmem>>)
      tpu.yield
    }) : () -> ()
    %scan3A_14 = arith.constant 0 : i32
    %scan3A_15 = arith.constant 0 : i32
    %scan3A_16 = arith.constant 160 : i32
    %scan3A_17 = arith.addi %scan3A_15, %scan3A_16 : i32
    %scan3A_18 = arith.constant 1 : i32
    %scan3A_19 = scf.for %scan3A_138 = %scan3A_15 to %scan3A_17 step %scan3A_18 iter_args(%scan3A_139 = %scan3A_14) -> (i32)  : i32 {
      %mul3A_140 = arith.constant 1 : i32
      %mul3A_141 = arith.muli %scan3A_138, %mul3A_140 : i32
      %add3A_142 = arith.constant 0 : i32
      %add3A_143 = arith.addi %add3A_142, %mul3A_141 : i32
      %broadcast_in_dim3A = arith.constant 0 : i32
      %broadcast_in_dim3A_144 = vector.broadcast %broadcast_in_dim3A : i32 to vector<16xi32>
      %get3A = arith.index_cast %add3A_143 : i32 to index
      %get3A_145 = arith.constant 0 : index
      %get3A_146 = tpu.vector_load %arg9[%get3A, %get3A_145] {strides = array<i32>} : memref<160x64xi32, #tpu.memory_space<vmem>>, vector<16xi32>,
      %lt3A = arith.constant 5000 : i32
      %lt3A_147 = vector.broadcast %lt3A : i32 to vector<16xi32>
      %lt3A_148 = arith.cmpi slt, %get3A_146, %lt3A_147 : vector<16xi32>
      %convert_element_type3A = arith.extui %lt3A_148 : vector<16xi1> to vector<16xi32>
      %add3A_149 = arith.addi %broadcast_in_dim3A_144, %convert_element_type3A : vector<16xi32>
      %get3A_150 = arith.index_cast %add3A_143 : i32 to index
      %get3A_151 = arith.constant 16 : index
      %get3A_152 = tpu.vector_load %arg9[%get3A_150, %get3A_151] {strides = array<i32>} : memref<160x64xi32, #tpu.memory_space<vmem>>, vector<16xi32>,
      %lt3A_153 = arith.constant 5000 : i32
      %lt3A_154 = vector.broadcast %lt3A_153 : i32 to vector<16xi32>
      %lt3A_155 = arith.cmpi slt, %get3A_152, %lt3A_154 : vector<16xi32>
      %convert_element_type3A_156 = arith.extui %lt3A_155 : vector<16xi1> to vector<16xi32>
      %add3A_157 = arith.addi %add3A_149, %convert_element_type3A_156 : vector<16xi32>
      %get3A_158 = arith.index_cast %add3A_143 : i32 to index
      %get3A_159 = arith.constant 32 : index
      %get3A_160 = tpu.vector_load %arg9[%get3A_158, %get3A_159] {strides = array<i32>} : memref<160x64xi32, #tpu.memory_space<vmem>>, vector<16xi32>,
      %lt3A_161 = arith.constant 5000 : i32
      %lt3A_162 = vector.broadcast %lt3A_161 : i32 to vector<16xi32>
      %lt3A_163 = arith.cmpi slt, %get3A_160, %lt3A_162 : vector<16xi32>
      %convert_element_type3A_164 = arith.extui %lt3A_163 : vector<16xi1> to vector<16xi32>
      %add3A_165 = arith.addi %add3A_157, %convert_element_type3A_164 : vector<16xi32>
      %get3A_166 = arith.index_cast %add3A_143 : i32 to index
      %get3A_167 = arith.constant 48 : index
      %get3A_168 = tpu.vector_load %arg9[%get3A_166, %get3A_167] {strides = array<i32>} : memref<160x64xi32, #tpu.memory_space<vmem>>, vector<16xi32>,
      %lt3A_169 = arith.constant 5000 : i32
      %lt3A_170 = vector.broadcast %lt3A_169 : i32 to vector<16xi32>
      %lt3A_171 = arith.cmpi slt, %get3A_168, %lt3A_170 : vector<16xi32>
      %convert_element_type3A_172 = arith.extui %lt3A_171 : vector<16xi1> to vector<16xi32>
      %add3A_173 = arith.addi %add3A_165, %convert_element_type3A_172 : vector<16xi32>
      %reduce_sum3A = arith.constant true
      %reduce_sum3A_174 = vector.broadcast %reduce_sum3A : i1 to vector<16xi1>
      %reduce_sum3A_175 = tpu.scan <sum>, %add3A_173 masked %reduce_sum3A_174 : vector<16xi32>, vector<16xi1> -> vector<16xi32>
      %reduce_sum3A_176 = vector.extract %reduce_sum3A_175[15] : i32 from vector<16xi32>
      %add3A_177 = arith.addi %scan3A_139, %reduce_sum3A_176 : i32
      scf.yield %add3A_177 : i32
    }
    %scan3A_20 = arith.constant 160 : i32
    %add3A_21 = arith.constant 64 : i32
    %add3A_22 = arith.addi %scan3A_19, %add3A_21 : i32
    %sub3A = arith.constant 1 : i32
    %sub3A_23 = arith.subi %add3A_22, %sub3A : i32
    %jit3A = arith.constant 64 : i32
    %div3A = arith.divsi %sub3A_23, %jit3A : i32
    %sign3A = arith.constant 0 : i32
    %sign3A_24 = arith.cmpi sgt, %sub3A_23, %sign3A : i32
    %sign3A_25 = arith.extui %sign3A_24 : i1 to i32
    %sign3A_26 = arith.constant 0 : i32
    %sign3A_27 = arith.cmpi slt, %sub3A_23, %sign3A_26 : i32
    %sign3A_28 = arith.extui %sign3A_27 : i1 to i32
    %sign3A_29 = arith.subi %sign3A_25, %sign3A_28 : i32
    %sign3A_30 = arith.constant 0 : i32
    %sign3A_31 = arith.cmpi sgt, %jit3A, %sign3A_30 : i32
    %sign3A_32 = arith.extui %sign3A_31 : i1 to i32
    %sign3A_33 = arith.constant 0 : i32
    %sign3A_34 = arith.cmpi slt, %jit3A, %sign3A_33 : i32
    %sign3A_35 = arith.extui %sign3A_34 : i1 to i32
    %sign3A_36 = arith.subi %sign3A_32, %sign3A_35 : i32
    %ne3A = arith.cmpi ne, %sign3A_29, %sign3A_36 : i32
    %rem3A = arith.remsi %sub3A_23, %jit3A : i32
    %ne3A_37 = arith.constant 0 : i32
    %ne3A_38 = arith.cmpi ne, %rem3A, %ne3A_37 : i32
    %and3A = arith.andi %ne3A, %ne3A_38 : i1
    %sub3A_39 = arith.constant 1 : i32
    %sub3A_40 = arith.subi %div3A, %sub3A_39 : i32
    %select_n3A = arith.select %and3A, %sub3A_40, %div3A : i32
    %add3A_41 = arith.constant 1 : i32
    %add3A_42 = arith.addi %select_n3A, %add3A_41 : i32
    %jit3A_43 = arith.constant 2 : i32
    %div3A_44 = arith.divsi %add3A_42, %jit3A_43 : i32
    %sign3A_45 = arith.constant 0 : i32
    %sign3A_46 = arith.cmpi sgt, %add3A_42, %sign3A_45 : i32
    %sign3A_47 = arith.extui %sign3A_46 : i1 to i32
    %sign3A_48 = arith.constant 0 : i32
    %sign3A_49 = arith.cmpi slt, %add3A_42, %sign3A_48 : i32
    %sign3A_50 = arith.extui %sign3A_49 : i1 to i32
    %sign3A_51 = arith.subi %sign3A_47, %sign3A_50 : i32
    %sign3A_52 = arith.constant 0 : i32
    %sign3A_53 = arith.cmpi sgt, %jit3A_43, %sign3A_52 : i32
    %sign3A_54 = arith.extui %sign3A_53 : i1 to i32
    %sign3A_55 = arith.constant 0 : i32
    %sign3A_56 = arith.cmpi slt, %jit3A_43, %sign3A_55 : i32
    %sign3A_57 = arith.extui %sign3A_56 : i1 to i32
    %sign3A_58 = arith.subi %sign3A_54, %sign3A_57 : i32
    %ne3A_59 = arith.cmpi ne, %sign3A_51, %sign3A_58 : i32
    %rem3A_60 = arith.remsi %add3A_42, %jit3A_43 : i32
    %ne3A_61 = arith.constant 0 : i32
    %ne3A_62 = arith.cmpi ne, %rem3A_60, %ne3A_61 : i32
    %and3A_63 = arith.andi %ne3A_59, %ne3A_62 : i1
    %sub3A_64 = arith.constant 1 : i32
    %sub3A_65 = arith.subi %div3A_44, %sub3A_64 : i32
    %select_n3A_66 = arith.select %and3A_63, %sub3A_65, %div3A_44 : i32
    %mul3A_67 = arith.constant 2 : i32
    %mul3A_68 = arith.muli %select_n3A_66, %mul3A_67 : i32
    %max3A = arith.constant 2 : i32
    %max3A_69 = arith.maxsi %mul3A_68, %max3A : i32
    %barrier3A = arith.constant 0 : index
    tpu.barrier barrier_id(%barrier3A)
    %dma_start3A = arith.constant 0 : i32
    %dma_start3A_70 = arith.constant 0 : i32
    %dma_start3A_71 = tpu.memref_slice %arg8[%dma_start3A, %dma_start3A_70] : memref<160x64xi32, #tpu.memory_space<vmem>> -> memref<1x64xi32, #tpu.memory_space<vmem>>
    %dma_start3A_72 = tpu.memref_squeeze %dma_start3A_71 : memref<1x64xi32, #tpu.memory_space<vmem>> -> memref<64xi32, #tpu.memory_space<vmem>>
    %dma_start3A_73 = arith.constant 0 : i32
    %dma_start3A_74 = arith.constant 0 : i32
    %dma_start3A_75 = tpu.memref_slice %arg2[%dma_start3A_73, %dma_start3A_74] : memref<10000x128xf32, #tpu.memory_space<hbm>> -> memref<10000x128xf32, #tpu.memory_space<hbm>>
    tpu.enqueue_indirect_dma source(%dma_start3A_75 : memref<10000x128xf32, #tpu.memory_space<hbm>>) target(%arg10 : memref<64x128xf32, #tpu.memory_space<vmem>>) offsets(%dma_start3A_72 : memref<64xi32, #tpu.memory_space<vmem>>) semaphore(%arg12 : memref<!tpu.dma_semaphore, #tpu.memory_space<semaphore_mem>>)
    %sub3A_76 = arith.constant 0 : i32
    %sub3A_77 = arith.subi %max3A_69, %sub3A_76 : i32
    %sub3A_78 = arith.constant 2 : i32
    %sub3A_79 = arith.constant 1 : i32
    %sub3A_80 = arith.subi %sub3A_78, %sub3A_79 : i32
    %add3A_81 = arith.addi %sub3A_77, %sub3A_80 : i32
    %div3A_82 = arith.constant 2 : i32
    %div3A_83 = arith.divsi %add3A_81, %div3A_82 : i32
    %while3A = arith.constant 2 : i32
    %while3A_84 = arith.constant 0 : i32
    %while3A_85 = arith.constant 0 : i32
    %while3A_86 = arith.subi %div3A_83, %while3A_85 : i32
    %while3A_87 = arith.addi %while3A_85, %while3A_86 : i32
    %while3A_88 = arith.constant 1 : i32
    %while3A_89 = arith.divsi %while3A_86, %while3A_88 : i32
    %while3A_90 = arith.muli %while3A_89, %while3A_88 : i32
    %while3A_91 = arith.addi %while3A_85, %while3A_90 : i32
    %while3A_92 = arith.constant 1 : i32
    scf.for %while3A_138 = %while3A_85 to %while3A_91 step %while3A_92  : i32 {
      %mul3A_139 = arith.muli %while3A_138, %while3A : i32
      %add3A_140 = arith.addi %while3A_84, %mul3A_139 : i32
      %add3A_141 = arith.constant 1 : i32
      %add3A_142 = arith.addi %add3A_140, %add3A_141 : i32
      %dma_start3A_143 = arith.constant 0 : i32
      %dma_start3A_144 = tpu.memref_slice %arg8[%add3A_142, %dma_start3A_143] : memref<160x64xi32, #tpu.memory_space<vmem>> -> memref<1x64xi32, #tpu.memory_space<vmem>>
      %dma_start3A_145 = tpu.memref_squeeze %dma_start3A_144 : memref<1x64xi32, #tpu.memory_space<vmem>> -> memref<64xi32, #tpu.memory_space<vmem>>
      %dma_start3A_146 = arith.constant 0 : i32
      %dma_start3A_147 = arith.constant 0 : i32
      %dma_start3A_148 = tpu.memref_slice %arg2[%dma_start3A_146, %dma_start3A_147] : memref<10000x128xf32, #tpu.memory_space<hbm>> -> memref<10000x128xf32, #tpu.memory_space<hbm>>
      tpu.enqueue_indirect_dma source(%dma_start3A_148 : memref<10000x128xf32, #tpu.memory_space<hbm>>) target(%arg11 : memref<64x128xf32, #tpu.memory_space<vmem>>) offsets(%dma_start3A_145 : memref<64xi32, #tpu.memory_space<vmem>>) semaphore(%arg13 : memref<!tpu.dma_semaphore, #tpu.memory_space<semaphore_mem>>)
      %dma_wait3A = arith.constant 0 : i32
      %dma_wait3A_149 = arith.constant 0 : i32
      %dma_wait3A_150 = tpu.memref_slice %arg2[%dma_wait3A, %dma_wait3A_149] : memref<10000x128xf32, #tpu.memory_space<hbm>> -> memref<64x128xf32, #tpu.memory_space<hbm>>
      %dma_wait3A_151 = arith.constant 0 : i32
      %dma_wait3A_152 = arith.constant 0 : i32
      %dma_wait3A_153 = tpu.memref_slice %arg2[%dma_wait3A_151, %dma_wait3A_152] : memref<10000x128xf32, #tpu.memory_space<hbm>> -> memref<64x128xf32, #tpu.memory_space<hbm>>
      tpu.wait_dma2 semaphore(%arg12 : memref<!tpu.dma_semaphore, #tpu.memory_space<semaphore_mem>>) src(%dma_wait3A_153 : memref<64x128xf32, #tpu.memory_space<hbm>>) dst(%arg10 : memref<64x128xf32, #tpu.memory_space<vmem>>)
      %dma_start3A_154 = arith.constant 0 : i32
      %dma_start3A_155 = tpu.memref_slice %arg9[%add3A_140, %dma_start3A_154] : memref<160x64xi32, #tpu.memory_space<vmem>> -> memref<1x64xi32, #tpu.memory_space<vmem>>
      %dma_start3A_156 = tpu.memref_squeeze %dma_start3A_155 : memref<1x64xi32, #tpu.memory_space<vmem>> -> memref<64xi32, #tpu.memory_space<vmem>>
      %dma_start3A_157 = arith.constant 0 : i32
      %dma_start3A_158 = arith.constant 0 : i32
      %dma_start3A_159 = tpu.memref_slice %arg16[%dma_start3A_157, %dma_start3A_158] : memref<5120x128xf32, #tpu.memory_space<vmem_shared>> -> memref<5120x128xf32, #tpu.memory_space<vmem_shared>>
      tpu.enqueue_indirect_dma source(%arg10 : memref<64x128xf32, #tpu.memory_space<vmem>>) target(%dma_start3A_159 : memref<5120x128xf32, #tpu.memory_space<vmem_shared>>) offsets(%dma_start3A_156 : memref<64xi32, #tpu.memory_space<vmem>>) semaphore(%arg14 : memref<!tpu.dma_semaphore, #tpu.memory_space<semaphore_mem>>) {add = true}
      %dma_wait3A_160 = arith.constant 0 : i32
      %dma_wait3A_161 = arith.constant 0 : i32
      %dma_wait3A_162 = tpu.memref_slice %arg16[%dma_wait3A_160, %dma_wait3A_161] : memref<5120x128xf32, #tpu.memory_space<vmem_shared>> -> memref<64x128xf32, #tpu.memory_space<vmem_shared>>
      %dma_wait3A_163 = arith.constant 0 : i32
      %dma_wait3A_164 = arith.constant 0 : i32
      %dma_wait3A_165 = tpu.memref_slice %arg16[%dma_wait3A_163, %dma_wait3A_164] : memref<5120x128xf32, #tpu.memory_space<vmem_shared>> -> memref<64x128xf32, #tpu.memory_space<vmem_shared>>
      tpu.wait_dma2 semaphore(%arg14 : memref<!tpu.dma_semaphore, #tpu.memory_space<semaphore_mem>>) src(%arg10 : memref<64x128xf32, #tpu.memory_space<vmem>>) dst(%dma_wait3A_165 : memref<64x128xf32, #tpu.memory_space<vmem_shared>>)
      %add3A_166 = arith.constant 2 : i32
      %add3A_167 = arith.addi %add3A_140, %add3A_166 : i32
      %lt3A = arith.cmpi slt, %add3A_167, %max3A_69 : i32
      %convert_element_type3A = arith.extui %lt3A : i1 to i32
      %cond3A = arith.constant 0 : i32
      %cond3A_168 = arith.cmpi ne, %convert_element_type3A, %cond3A : i32
      scf.if %cond3A_168 {
        %add3A_189 = arith.constant 2 : i32
        %add3A_190 = arith.addi %add3A_140, %add3A_189 : i32
        %dma_start3A_191 = arith.constant 0 : i32
        %dma_start3A_192 = tpu.memref_slice %arg8[%add3A_190, %dma_start3A_191] : memref<160x64xi32, #tpu.memory_space<vmem>> -> memref<1x64xi32, #tpu.memory_space<vmem>>
        %dma_start3A_193 = tpu.memref_squeeze %dma_start3A_192 : memref<1x64xi32, #tpu.memory_space<vmem>> -> memref<64xi32, #tpu.memory_space<vmem>>
        %dma_start3A_194 = arith.constant 0 : i32
        %dma_start3A_195 = arith.constant 0 : i32
        %dma_start3A_196 = tpu.memref_slice %arg2[%dma_start3A_194, %dma_start3A_195] : memref<10000x128xf32, #tpu.memory_space<hbm>> -> memref<10000x128xf32, #tpu.memory_space<hbm>>
        tpu.enqueue_indirect_dma source(%dma_start3A_196 : memref<10000x128xf32, #tpu.memory_space<hbm>>) target(%arg10 : memref<64x128xf32, #tpu.memory_space<vmem>>) offsets(%dma_start3A_193 : memref<64xi32, #tpu.memory_space<vmem>>) semaphore(%arg12 : memref<!tpu.dma_semaphore, #tpu.memory_space<semaphore_mem>>)
      } else {
      }
      %dma_wait3A_169 = arith.constant 0 : i32
      %dma_wait3A_170 = arith.constant 0 : i32
      %dma_wait3A_171 = tpu.memref_slice %arg2[%dma_wait3A_169, %dma_wait3A_170] : memref<10000x128xf32, #tpu.memory_space<hbm>> -> memref<64x128xf32, #tpu.memory_space<hbm>>
      %dma_wait3A_172 = arith.constant 0 : i32
      %dma_wait3A_173 = arith.constant 0 : i32
      %dma_wait3A_174 = tpu.memref_slice %arg2[%dma_wait3A_172, %dma_wait3A_173] : memref<10000x128xf32, #tpu.memory_space<hbm>> -> memref<64x128xf32, #tpu.memory_space<hbm>>
      tpu.wait_dma2 semaphore(%arg13 : memref<!tpu.dma_semaphore, #tpu.memory_space<semaphore_mem>>) src(%dma_wait3A_174 : memref<64x128xf32, #tpu.memory_space<hbm>>) dst(%arg11 : memref<64x128xf32, #tpu.memory_space<vmem>>)
      %add3A_175 = arith.constant 1 : i32
      %add3A_176 = arith.addi %add3A_140, %add3A_175 : i32
      %dma_start3A_177 = arith.constant 0 : i32
      %dma_start3A_178 = tpu.memref_slice %arg9[%add3A_176, %dma_start3A_177] : memref<160x64xi32, #tpu.memory_space<vmem>> -> memref<1x64xi32, #tpu.memory_space<vmem>>
      %dma_start3A_179 = tpu.memref_squeeze %dma_start3A_178 : memref<1x64xi32, #tpu.memory_space<vmem>> -> memref<64xi32, #tpu.memory_space<vmem>>
      %dma_start3A_180 = arith.constant 0 : i32
      %dma_start3A_181 = arith.constant 0 : i32
      %dma_start3A_182 = tpu.memref_slice %arg16[%dma_start3A_180, %dma_start3A_181] : memref<5120x128xf32, #tpu.memory_space<vmem_shared>> -> memref<5120x128xf32, #tpu.memory_space<vmem_shared>>
      tpu.enqueue_indirect_dma source(%arg11 : memref<64x128xf32, #tpu.memory_space<vmem>>) target(%dma_start3A_182 : memref<5120x128xf32, #tpu.memory_space<vmem_shared>>) offsets(%dma_start3A_179 : memref<64xi32, #tpu.memory_space<vmem>>) semaphore(%arg15 : memref<!tpu.dma_semaphore, #tpu.memory_space<semaphore_mem>>) {add = true}
      %dma_wait3A_183 = arith.constant 0 : i32
      %dma_wait3A_184 = arith.constant 0 : i32
      %dma_wait3A_185 = tpu.memref_slice %arg16[%dma_wait3A_183, %dma_wait3A_184] : memref<5120x128xf32, #tpu.memory_space<vmem_shared>> -> memref<64x128xf32, #tpu.memory_space<vmem_shared>>
      %dma_wait3A_186 = arith.constant 0 : i32
      %dma_wait3A_187 = arith.constant 0 : i32
      %dma_wait3A_188 = tpu.memref_slice %arg16[%dma_wait3A_186, %dma_wait3A_187] : memref<5120x128xf32, #tpu.memory_space<vmem_shared>> -> memref<64x128xf32, #tpu.memory_space<vmem_shared>>
      tpu.wait_dma2 semaphore(%arg15 : memref<!tpu.dma_semaphore, #tpu.memory_space<semaphore_mem>>) src(%arg11 : memref<64x128xf32, #tpu.memory_space<vmem>>) dst(%dma_wait3A_188 : memref<64x128xf32, #tpu.memory_space<vmem_shared>>)
    }
    %while3A_93 = arith.constant 1 : i32
    scf.for %while3A_138 = %while3A_91 to %while3A_87 step %while3A_93  : i32 {
      %mul3A_139 = arith.muli %while3A_138, %while3A : i32
      %add3A_140 = arith.addi %while3A_84, %mul3A_139 : i32
      %add3A_141 = arith.constant 1 : i32
      %add3A_142 = arith.addi %add3A_140, %add3A_141 : i32
      %dma_start3A_143 = arith.constant 0 : i32
      %dma_start3A_144 = tpu.memref_slice %arg8[%add3A_142, %dma_start3A_143] : memref<160x64xi32, #tpu.memory_space<vmem>> -> memref<1x64xi32, #tpu.memory_space<vmem>>
      %dma_start3A_145 = tpu.memref_squeeze %dma_start3A_144 : memref<1x64xi32, #tpu.memory_space<vmem>> -> memref<64xi32, #tpu.memory_space<vmem>>
      %dma_start3A_146 = arith.constant 0 : i32
      %dma_start3A_147 = arith.constant 0 : i32
      %dma_start3A_148 = tpu.memref_slice %arg2[%dma_start3A_146, %dma_start3A_147] : memref<10000x128xf32, #tpu.memory_space<hbm>> -> memref<10000x128xf32, #tpu.memory_space<hbm>>
      tpu.enqueue_indirect_dma source(%dma_start3A_148 : memref<10000x128xf32, #tpu.memory_space<hbm>>) target(%arg11 : memref<64x128xf32, #tpu.memory_space<vmem>>) offsets(%dma_start3A_145 : memref<64xi32, #tpu.memory_space<vmem>>) semaphore(%arg13 : memref<!tpu.dma_semaphore, #tpu.memory_space<semaphore_mem>>)
      %dma_wait3A = arith.constant 0 : i32
      %dma_wait3A_149 = arith.constant 0 : i32
      %dma_wait3A_150 = tpu.memref_slice %arg2[%dma_wait3A, %dma_wait3A_149] : memref<10000x128xf32, #tpu.memory_space<hbm>> -> memref<64x128xf32, #tpu.memory_space<hbm>>
      %dma_wait3A_151 = arith.constant 0 : i32
      %dma_wait3A_152 = arith.constant 0 : i32
      %dma_wait3A_153 = tpu.memref_slice %arg2[%dma_wait3A_151, %dma_wait3A_152] : memref<10000x128xf32, #tpu.memory_space<hbm>> -> memref<64x128xf32, #tpu.memory_space<hbm>>
      tpu.wait_dma2 semaphore(%arg12 : memref<!tpu.dma_semaphore, #tpu.memory_space<semaphore_mem>>) src(%dma_wait3A_153 : memref<64x128xf32, #tpu.memory_space<hbm>>) dst(%arg10 : memref<64x128xf32, #tpu.memory_space<vmem>>)
      %dma_start3A_154 = arith.constant 0 : i32
      %dma_start3A_155 = tpu.memref_slice %arg9[%add3A_140, %dma_start3A_154] : memref<160x64xi32, #tpu.memory_space<vmem>> -> memref<1x64xi32, #tpu.memory_space<vmem>>
      %dma_start3A_156 = tpu.memref_squeeze %dma_start3A_155 : memref<1x64xi32, #tpu.memory_space<vmem>> -> memref<64xi32, #tpu.memory_space<vmem>>
      %dma_start3A_157 = arith.constant 0 : i32
      %dma_start3A_158 = arith.constant 0 : i32
      %dma_start3A_159 = tpu.memref_slice %arg16[%dma_start3A_157, %dma_start3A_158] : memref<5120x128xf32, #tpu.memory_space<vmem_shared>> -> memref<5120x128xf32, #tpu.memory_space<vmem_shared>>
      tpu.enqueue_indirect_dma source(%arg10 : memref<64x128xf32, #tpu.memory_space<vmem>>) target(%dma_start3A_159 : memref<5120x128xf32, #tpu.memory_space<vmem_shared>>) offsets(%dma_start3A_156 : memref<64xi32, #tpu.memory_space<vmem>>) semaphore(%arg14 : memref<!tpu.dma_semaphore, #tpu.memory_space<semaphore_mem>>) {add = true}
      %dma_wait3A_160 = arith.constant 0 : i32
      %dma_wait3A_161 = arith.constant 0 : i32
      %dma_wait3A_162 = tpu.memref_slice %arg16[%dma_wait3A_160, %dma_wait3A_161] : memref<5120x128xf32, #tpu.memory_space<vmem_shared>> -> memref<64x128xf32, #tpu.memory_space<vmem_shared>>
      %dma_wait3A_163 = arith.constant 0 : i32
      %dma_wait3A_164 = arith.constant 0 : i32
      %dma_wait3A_165 = tpu.memref_slice %arg16[%dma_wait3A_163, %dma_wait3A_164] : memref<5120x128xf32, #tpu.memory_space<vmem_shared>> -> memref<64x128xf32, #tpu.memory_space<vmem_shared>>
      tpu.wait_dma2 semaphore(%arg14 : memref<!tpu.dma_semaphore, #tpu.memory_space<semaphore_mem>>) src(%arg10 : memref<64x128xf32, #tpu.memory_space<vmem>>) dst(%dma_wait3A_165 : memref<64x128xf32, #tpu.memory_space<vmem_shared>>)
      %add3A_166 = arith.constant 2 : i32
      %add3A_167 = arith.addi %add3A_140, %add3A_166 : i32
      %lt3A = arith.cmpi slt, %add3A_167, %max3A_69 : i32
      %convert_element_type3A = arith.extui %lt3A : i1 to i32
      %cond3A = arith.constant 0 : i32
      %cond3A_168 = arith.cmpi ne, %convert_element_type3A, %cond3A : i32
      scf.if %cond3A_168 {
        %add3A_189 = arith.constant 2 : i32
        %add3A_190 = arith.addi %add3A_140, %add3A_189 : i32
        %dma_start3A_191 = arith.constant 0 : i32
        %dma_start3A_192 = tpu.memref_slice %arg8[%add3A_190, %dma_start3A_191] : memref<160x64xi32, #tpu.memory_space<vmem>> -> memref<1x64xi32, #tpu.memory_space<vmem>>
        %dma_start3A_193 = tpu.memref_squeeze %dma_start3A_192 : memref<1x64xi32, #tpu.memory_space<vmem>> -> memref<64xi32, #tpu.memory_space<vmem>>
        %dma_start3A_194 = arith.constant 0 : i32
        %dma_start3A_195 = arith.constant 0 : i32
        %dma_start3A_196 = tpu.memref_slice %arg2[%dma_start3A_194, %dma_start3A_195] : memref<10000x128xf32, #tpu.memory_space<hbm>> -> memref<10000x128xf32, #tpu.memory_space<hbm>>
        tpu.enqueue_indirect_dma source(%dma_start3A_196 : memref<10000x128xf32, #tpu.memory_space<hbm>>) target(%arg10 : memref<64x128xf32, #tpu.memory_space<vmem>>) offsets(%dma_start3A_193 : memref<64xi32, #tpu.memory_space<vmem>>) semaphore(%arg12 : memref<!tpu.dma_semaphore, #tpu.memory_space<semaphore_mem>>)
      } else {
      }
      %dma_wait3A_169 = arith.constant 0 : i32
      %dma_wait3A_170 = arith.constant 0 : i32
      %dma_wait3A_171 = tpu.memref_slice %arg2[%dma_wait3A_169, %dma_wait3A_170] : memref<10000x128xf32, #tpu.memory_space<hbm>> -> memref<64x128xf32, #tpu.memory_space<hbm>>
      %dma_wait3A_172 = arith.constant 0 : i32
      %dma_wait3A_173 = arith.constant 0 : i32
      %dma_wait3A_174 = tpu.memref_slice %arg2[%dma_wait3A_172, %dma_wait3A_173] : memref<10000x128xf32, #tpu.memory_space<hbm>> -> memref<64x128xf32, #tpu.memory_space<hbm>>
      tpu.wait_dma2 semaphore(%arg13 : memref<!tpu.dma_semaphore, #tpu.memory_space<semaphore_mem>>) src(%dma_wait3A_174 : memref<64x128xf32, #tpu.memory_space<hbm>>) dst(%arg11 : memref<64x128xf32, #tpu.memory_space<vmem>>)
      %add3A_175 = arith.constant 1 : i32
      %add3A_176 = arith.addi %add3A_140, %add3A_175 : i32
      %dma_start3A_177 = arith.constant 0 : i32
      %dma_start3A_178 = tpu.memref_slice %arg9[%add3A_176, %dma_start3A_177] : memref<160x64xi32, #tpu.memory_space<vmem>> -> memref<1x64xi32, #tpu.memory_space<vmem>>
      %dma_start3A_179 = tpu.memref_squeeze %dma_start3A_178 : memref<1x64xi32, #tpu.memory_space<vmem>> -> memref<64xi32, #tpu.memory_space<vmem>>
      %dma_start3A_180 = arith.constant 0 : i32
      %dma_start3A_181 = arith.constant 0 : i32
      %dma_start3A_182 = tpu.memref_slice %arg16[%dma_start3A_180, %dma_start3A_181] : memref<5120x128xf32, #tpu.memory_space<vmem_shared>> -> memref<5120x128xf32, #tpu.memory_space<vmem_shared>>
      tpu.enqueue_indirect_dma source(%arg11 : memref<64x128xf32, #tpu.memory_space<vmem>>) target(%dma_start3A_182 : memref<5120x128xf32, #tpu.memory_space<vmem_shared>>) offsets(%dma_start3A_179 : memref<64xi32, #tpu.memory_space<vmem>>) semaphore(%arg15 : memref<!tpu.dma_semaphore, #tpu.memory_space<semaphore_mem>>) {add = true}
      %dma_wait3A_183 = arith.constant 0 : i32
      %dma_wait3A_184 = arith.constant 0 : i32
      %dma_wait3A_185 = tpu.memref_slice %arg16[%dma_wait3A_183, %dma_wait3A_184] : memref<5120x128xf32, #tpu.memory_space<vmem_shared>> -> memref<64x128xf32, #tpu.memory_space<vmem_shared>>
      %dma_wait3A_186 = arith.constant 0 : i32
      %dma_wait3A_187 = arith.constant 0 : i32
      %dma_wait3A_188 = tpu.memref_slice %arg16[%dma_wait3A_186, %dma_wait3A_187] : memref<5120x128xf32, #tpu.memory_space<vmem_shared>> -> memref<64x128xf32, #tpu.memory_space<vmem_shared>>
      tpu.wait_dma2 semaphore(%arg15 : memref<!tpu.dma_semaphore, #tpu.memory_space<semaphore_mem>>) src(%arg11 : memref<64x128xf32, #tpu.memory_space<vmem>>) dst(%dma_wait3A_188 : memref<64x128xf32, #tpu.memory_space<vmem_shared>>)
    }
    %barrier3A_94 = arith.constant 0 : index
    tpu.barrier barrier_id(%barrier3A_94)
    "tpu.region"() ({
      %run_scoped3A = tpu.sem_alloc : memref<!tpu.dma_semaphore, #tpu.memory_space<semaphore_mem>>
      %dma_start3A_138 = arith.constant 0 : i32
      %dma_start3A_139 = tpu.memref_slice %arg6[%arg0, %mul3A_0, %dma_start3A_138] : memref<2x5120x128xf32, #tpu.memory_space<hbm>> -> memref<1x320x128xf32, #tpu.memory_space<hbm>>
      %dma_start3A_140 = tpu.memref_squeeze %dma_start3A_139 : memref<1x320x128xf32, #tpu.memory_space<hbm>> -> memref<320x128xf32, #tpu.memory_space<hbm>>
      %dma_start3A_141 = arith.constant 0 : i32
      %dma_start3A_142 = tpu.memref_slice %arg16[%mul3A_0, %dma_start3A_141] : memref<5120x128xf32, #tpu.memory_space<vmem_shared>> -> memref<320x128xf32, #tpu.memory_space<vmem_shared>>
      tpu.enqueue_dma source(%dma_start3A_142 : memref<320x128xf32, #tpu.memory_space<vmem_shared>>) target(%dma_start3A_140 : memref<320x128xf32, #tpu.memory_space<hbm>>) target_semaphore(%run_scoped3A : memref<!tpu.dma_semaphore, #tpu.memory_space<semaphore_mem>>)
      %dma_wait3A = arith.constant 0 : i32
      %dma_wait3A_143 = tpu.memref_slice %arg6[%arg0, %mul3A_0, %dma_wait3A] : memref<2x5120x128xf32, #tpu.memory_space<hbm>> -> memref<1x320x128xf32, #tpu.memory_space<hbm>>
      %dma_wait3A_144 = tpu.memref_squeeze %dma_wait3A_143 : memref<1x320x128xf32, #tpu.memory_space<hbm>> -> memref<320x128xf32, #tpu.memory_space<hbm>>
      %dma_wait3A_145 = arith.constant 0 : i32
      %dma_wait3A_146 = tpu.memref_slice %arg16[%mul3A_0, %dma_wait3A_145] : memref<5120x128xf32, #tpu.memory_space<vmem_shared>> -> memref<320x128xf32, #tpu.memory_space<vmem_shared>>
      tpu.wait_dma2 semaphore(%run_scoped3A : memref<!tpu.dma_semaphore, #tpu.memory_space<semaphore_mem>>) src(%dma_wait3A_146 : memref<320x128xf32, #tpu.memory_space<vmem_shared>>) dst(%dma_wait3A_144 : memref<320x128xf32, #tpu.memory_space<hbm>>)
      tpu.yield
    }) : () -> ()
    %scan3A_95 = arith.constant 0 : i32
    %scan3A_96 = arith.constant 64 : i32
    %scan3A_97 = arith.addi %scan3A_95, %scan3A_96 : i32
    %scan3A_98 = arith.constant 1 : i32
    scf.for %scan3A_138 = %scan3A_95 to %scan3A_97 step %scan3A_98  : i32 {
      %mul3A_139 = arith.constant 1 : i32
      %mul3A_140 = arith.muli %scan3A_138, %mul3A_139 : i32
      %add3A_141 = arith.constant 0 : i32
      %add3A_142 = arith.addi %add3A_141, %mul3A_140 : i32
      %scan3A_143 = arith.constant 0 : i32
      %scan3A_144 = arith.constant 8 : i32
      %scan3A_145 = arith.addi %scan3A_143, %scan3A_144 : i32
      %scan3A_146 = arith.constant 1 : i32
      scf.for %scan3A_148 = %scan3A_143 to %scan3A_145 step %scan3A_146  : i32 {
        %mul3A_149 = arith.constant 16 : i32
        %mul3A_150 = arith.muli %scan3A_148, %mul3A_149 : i32
        %add3A_151 = arith.constant 0 : i32
        %add3A_152 = arith.addi %add3A_151, %mul3A_150 : i32
        %broadcast_in_dim3A = arith.constant 0.000000e+00 : f32
        %broadcast_in_dim3A_153 = vector.broadcast %broadcast_in_dim3A : f32 to vector<16xf32>
        %swap3A = arith.index_cast %add3A_142 : i32 to index
        %swap3A_154 = arith.index_cast %add3A_152 : i32 to index
        %swap3A_155 = tpu.vector_load %arg10[%swap3A, %swap3A_154] {strides = array<i32>} : memref<64x128xf32, #tpu.memory_space<vmem>>, vector<16xf32>,
        tpu.vector_store %arg10[%swap3A, %swap3A_154], %broadcast_in_dim3A_153 {strides = array<i32>} : memref<64x128xf32, #tpu.memory_space<vmem>>, vector<16xf32>,
      }
      %scan3A_147 = arith.constant 8 : i32
    }
    %scan3A_99 = arith.constant 64 : i32
    %add3A_100 = arith.constant 0 : i32
    %add3A_101 = arith.addi %mul3A_0, %add3A_100 : i32
    "tpu.region"() ({
      %run_scoped3A = tpu.sem_alloc : memref<!tpu.dma_semaphore, #tpu.memory_space<semaphore_mem>>
      %dma_start3A_138 = arith.constant 0 : i32
      %dma_start3A_139 = tpu.memref_slice %arg16[%add3A_101, %dma_start3A_138] : memref<5120x128xf32, #tpu.memory_space<vmem_shared>> -> memref<64x128xf32, #tpu.memory_space<vmem_shared>>
      %dma_start3A_140 = arith.constant 0 : i32
      %dma_start3A_141 = tpu.memref_slice %arg16[%add3A_101, %dma_start3A_140] : memref<5120x128xf32, #tpu.memory_space<vmem_shared>> -> memref<64x128xf32, #tpu.memory_space<vmem_shared>>
      tpu.enqueue_dma source(%arg10 : memref<64x128xf32, #tpu.memory_space<vmem>>) target(%dma_start3A_141 : memref<64x128xf32, #tpu.memory_space<vmem_shared>>) target_semaphore(%run_scoped3A : memref<!tpu.dma_semaphore, #tpu.memory_space<semaphore_mem>>)
      %dma_wait3A = arith.constant 0 : i32
      %dma_wait3A_142 = tpu.memref_slice %arg16[%add3A_101, %dma_wait3A] : memref<5120x128xf32, #tpu.memory_space<vmem_shared>> -> memref<64x128xf32, #tpu.memory_space<vmem_shared>>
      %dma_wait3A_143 = arith.constant 0 : i32
      %dma_wait3A_144 = tpu.memref_slice %arg16[%add3A_101, %dma_wait3A_143] : memref<5120x128xf32, #tpu.memory_space<vmem_shared>> -> memref<64x128xf32, #tpu.memory_space<vmem_shared>>
      tpu.wait_dma2 semaphore(%run_scoped3A : memref<!tpu.dma_semaphore, #tpu.memory_space<semaphore_mem>>) src(%arg10 : memref<64x128xf32, #tpu.memory_space<vmem>>) dst(%dma_wait3A_144 : memref<64x128xf32, #tpu.memory_space<vmem_shared>>)
      tpu.yield
    }) : () -> ()
    %add3A_102 = arith.constant 64 : i32
    %add3A_103 = arith.addi %mul3A_0, %add3A_102 : i32
    "tpu.region"() ({
      %run_scoped3A = tpu.sem_alloc : memref<!tpu.dma_semaphore, #tpu.memory_space<semaphore_mem>>
      %dma_start3A_138 = arith.constant 0 : i32
      %dma_start3A_139 = tpu.memref_slice %arg16[%add3A_103, %dma_start3A_138] : memref<5120x128xf32, #tpu.memory_space<vmem_shared>> -> memref<64x128xf32, #tpu.memory_space<vmem_shared>>
      %dma_start3A_140 = arith.constant 0 : i32
      %dma_start3A_141 = tpu.memref_slice %arg16[%add3A_103, %dma_start3A_140] : memref<5120x128xf32, #tpu.memory_space<vmem_shared>> -> memref<64x128xf32, #tpu.memory_space<vmem_shared>>
      tpu.enqueue_dma source(%arg10 : memref<64x128xf32, #tpu.memory_space<vmem>>) target(%dma_start3A_141 : memref<64x128xf32, #tpu.memory_space<vmem_shared>>) target_semaphore(%run_scoped3A : memref<!tpu.dma_semaphore, #tpu.memory_space<semaphore_mem>>)
      %dma_wait3A = arith.constant 0 : i32
      %dma_wait3A_142 = tpu.memref_slice %arg16[%add3A_103, %dma_wait3A] : memref<5120x128xf32, #tpu.memory_space<vmem_shared>> -> memref<64x128xf32, #tpu.memory_space<vmem_shared>>
      %dma_wait3A_143 = arith.constant 0 : i32
      %dma_wait3A_144 = tpu.memref_slice %arg16[%add3A_103, %dma_wait3A_143] : memref<5120x128xf32, #tpu.memory_space<vmem_shared>> -> memref<64x128xf32, #tpu.memory_space<vmem_shared>>
      tpu.wait_dma2 semaphore(%run_scoped3A : memref<!tpu.dma_semaphore, #tpu.memory_space<semaphore_mem>>) src(%arg10 : memref<64x128xf32, #tpu.memory_space<vmem>>) dst(%dma_wait3A_144 : memref<64x128xf32, #tpu.memory_space<vmem_shared>>)
      tpu.yield
    }) : () -> ()
    %add3A_104 = arith.constant 128 : i32
    %add3A_105 = arith.addi %mul3A_0, %add3A_104 : i32
    "tpu.region"() ({
      %run_scoped3A = tpu.sem_alloc : memref<!tpu.dma_semaphore, #tpu.memory_space<semaphore_mem>>
      %dma_start3A_138 = arith.constant 0 : i32
      %dma_start3A_139 = tpu.memref_slice %arg16[%add3A_105, %dma_start3A_138] : memref<5120x128xf32, #tpu.memory_space<vmem_shared>> -> memref<64x128xf32, #tpu.memory_space<vmem_shared>>
      %dma_start3A_140 = arith.constant 0 : i32
      %dma_start3A_141 = tpu.memref_slice %arg16[%add3A_105, %dma_start3A_140] : memref<5120x128xf32, #tpu.memory_space<vmem_shared>> -> memref<64x128xf32, #tpu.memory_space<vmem_shared>>
      tpu.enqueue_dma source(%arg10 : memref<64x128xf32, #tpu.memory_space<vmem>>) target(%dma_start3A_141 : memref<64x128xf32, #tpu.memory_space<vmem_shared>>) target_semaphore(%run_scoped3A : memref<!tpu.dma_semaphore, #tpu.memory_space<semaphore_mem>>)
      %dma_wait3A = arith.constant 0 : i32
      %dma_wait3A_142 = tpu.memref_slice %arg16[%add3A_105, %dma_wait3A] : memref<5120x128xf32, #tpu.memory_space<vmem_shared>> -> memref<64x128xf32, #tpu.memory_space<vmem_shared>>
      %dma_wait3A_143 = arith.constant 0 : i32
      %dma_wait3A_144 = tpu.memref_slice %arg16[%add3A_105, %dma_wait3A_143] : memref<5120x128xf32, #tpu.memory_space<vmem_shared>> -> memref<64x128xf32, #tpu.memory_space<vmem_shared>>
      tpu.wait_dma2 semaphore(%run_scoped3A : memref<!tpu.dma_semaphore, #tpu.memory_space<semaphore_mem>>) src(%arg10 : memref<64x128xf32, #tpu.memory_space<vmem>>) dst(%dma_wait3A_144 : memref<64x128xf32, #tpu.memory_space<vmem_shared>>)
      tpu.yield
    }) : () -> ()
    %add3A_106 = arith.constant 192 : i32
    %add3A_107 = arith.addi %mul3A_0, %add3A_106 : i32
    "tpu.region"() ({
      %run_scoped3A = tpu.sem_alloc : memref<!tpu.dma_semaphore, #tpu.memory_space<semaphore_mem>>
      %dma_start3A_138 = arith.constant 0 : i32
      %dma_start3A_139 = tpu.memref_slice %arg16[%add3A_107, %dma_start3A_138] : memref<5120x128xf32, #tpu.memory_space<vmem_shared>> -> memref<64x128xf32, #tpu.memory_space<vmem_shared>>
      %dma_start3A_140 = arith.constant 0 : i32
      %dma_start3A_141 = tpu.memref_slice %arg16[%add3A_107, %dma_start3A_140] : memref<5120x128xf32, #tpu.memory_space<vmem_shared>> -> memref<64x128xf32, #tpu.memory_space<vmem_shared>>
      tpu.enqueue_dma source(%arg10 : memref<64x128xf32, #tpu.memory_space<vmem>>) target(%dma_start3A_141 : memref<64x128xf32, #tpu.memory_space<vmem_shared>>) target_semaphore(%run_scoped3A : memref<!tpu.dma_semaphore, #tpu.memory_space<semaphore_mem>>)
      %dma_wait3A = arith.constant 0 : i32
      %dma_wait3A_142 = tpu.memref_slice %arg16[%add3A_107, %dma_wait3A] : memref<5120x128xf32, #tpu.memory_space<vmem_shared>> -> memref<64x128xf32, #tpu.memory_space<vmem_shared>>
      %dma_wait3A_143 = arith.constant 0 : i32
      %dma_wait3A_144 = tpu.memref_slice %arg16[%add3A_107, %dma_wait3A_143] : memref<5120x128xf32, #tpu.memory_space<vmem_shared>> -> memref<64x128xf32, #tpu.memory_space<vmem_shared>>
      tpu.wait_dma2 semaphore(%run_scoped3A : memref<!tpu.dma_semaphore, #tpu.memory_space<semaphore_mem>>) src(%arg10 : memref<64x128xf32, #tpu.memory_space<vmem>>) dst(%dma_wait3A_144 : memref<64x128xf32, #tpu.memory_space<vmem_shared>>)
      tpu.yield
    }) : () -> ()
    %add3A_108 = arith.constant 256 : i32
    %add3A_109 = arith.addi %mul3A_0, %add3A_108 : i32
    "tpu.region"() ({
      %run_scoped3A = tpu.sem_alloc : memref<!tpu.dma_semaphore, #tpu.memory_space<semaphore_mem>>
      %dma_start3A_138 = arith.constant 0 : i32
      %dma_start3A_139 = tpu.memref_slice %arg16[%add3A_109, %dma_start3A_138] : memref<5120x128xf32, #tpu.memory_space<vmem_shared>> -> memref<64x128xf32, #tpu.memory_space<vmem_shared>>
      %dma_start3A_140 = arith.constant 0 : i32
      %dma_start3A_141 = tpu.memref_slice %arg16[%add3A_109, %dma_start3A_140] : memref<5120x128xf32, #tpu.memory_space<vmem_shared>> -> memref<64x128xf32, #tpu.memory_space<vmem_shared>>
      tpu.enqueue_dma source(%arg10 : memref<64x128xf32, #tpu.memory_space<vmem>>) target(%dma_start3A_141 : memref<64x128xf32, #tpu.memory_space<vmem_shared>>) target_semaphore(%run_scoped3A : memref<!tpu.dma_semaphore, #tpu.memory_space<semaphore_mem>>)
      %dma_wait3A = arith.constant 0 : i32
      %dma_wait3A_142 = tpu.memref_slice %arg16[%add3A_109, %dma_wait3A] : memref<5120x128xf32, #tpu.memory_space<vmem_shared>> -> memref<64x128xf32, #tpu.memory_space<vmem_shared>>
      %dma_wait3A_143 = arith.constant 0 : i32
      %dma_wait3A_144 = tpu.memref_slice %arg16[%add3A_109, %dma_wait3A_143] : memref<5120x128xf32, #tpu.memory_space<vmem_shared>> -> memref<64x128xf32, #tpu.memory_space<vmem_shared>>
      tpu.wait_dma2 semaphore(%run_scoped3A : memref<!tpu.dma_semaphore, #tpu.memory_space<semaphore_mem>>) src(%arg10 : memref<64x128xf32, #tpu.memory_space<vmem>>) dst(%dma_wait3A_144 : memref<64x128xf32, #tpu.memory_space<vmem_shared>>)
      tpu.yield
    }) : () -> ()
    %barrier3A_110 = arith.constant 0 : index
    tpu.barrier barrier_id(%barrier3A_110)
    %dma_start3A_111 = arith.constant 0 : i32
    %dma_start3A_112 = arith.constant 0 : i32
    %dma_start3A_113 = tpu.memref_slice %arg8[%dma_start3A_111, %dma_start3A_112] : memref<160x64xi32, #tpu.memory_space<vmem>> -> memref<1x64xi32, #tpu.memory_space<vmem>>
    %dma_start3A_114 = tpu.memref_squeeze %dma_start3A_113 : memref<1x64xi32, #tpu.memory_space<vmem>> -> memref<64xi32, #tpu.memory_space<vmem>>
    %dma_start3A_115 = arith.constant 0 : i32
    %dma_start3A_116 = arith.constant 0 : i32
    %dma_start3A_117 = tpu.memref_slice %arg3[%dma_start3A_115, %dma_start3A_116] : memref<10000x128xf32, #tpu.memory_space<hbm>> -> memref<10000x128xf32, #tpu.memory_space<hbm>>
    tpu.enqueue_indirect_dma source(%dma_start3A_117 : memref<10000x128xf32, #tpu.memory_space<hbm>>) target(%arg10 : memref<64x128xf32, #tpu.memory_space<vmem>>) offsets(%dma_start3A_114 : memref<64xi32, #tpu.memory_space<vmem>>) semaphore(%arg12 : memref<!tpu.dma_semaphore, #tpu.memory_space<semaphore_mem>>)
    %sub3A_118 = arith.constant 0 : i32
    %sub3A_119 = arith.subi %max3A_69, %sub3A_118 : i32
    %sub3A_120 = arith.constant 2 : i32
    %sub3A_121 = arith.constant 1 : i32
    %sub3A_122 = arith.subi %sub3A_120, %sub3A_121 : i32
    %add3A_123 = arith.addi %sub3A_119, %sub3A_122 : i32
    %div3A_124 = arith.constant 2 : i32
    %div3A_125 = arith.divsi %add3A_123, %div3A_124 : i32
    %while3A_126 = arith.constant 2 : i32
    %while3A_127 = arith.constant 0 : i32
    %while3A_128 = arith.constant 0 : i32
    %while3A_129 = arith.subi %div3A_125, %while3A_128 : i32
    %while3A_130 = arith.addi %while3A_128, %while3A_129 : i32
    %while3A_131 = arith.constant 1 : i32
    %while3A_132 = arith.divsi %while3A_129, %while3A_131 : i32
    %while3A_133 = arith.muli %while3A_132, %while3A_131 : i32
    %while3A_134 = arith.addi %while3A_128, %while3A_133 : i32
    %while3A_135 = arith.constant 1 : i32
    scf.for %while3A_138 = %while3A_128 to %while3A_134 step %while3A_135  : i32 {
      %mul3A_139 = arith.muli %while3A_138, %while3A_126 : i32
      %add3A_140 = arith.addi %while3A_127, %mul3A_139 : i32
      %add3A_141 = arith.constant 1 : i32
      %add3A_142 = arith.addi %add3A_140, %add3A_141 : i32
      %dma_start3A_143 = arith.constant 0 : i32
      %dma_start3A_144 = tpu.memref_slice %arg8[%add3A_142, %dma_start3A_143] : memref<160x64xi32, #tpu.memory_space<vmem>> -> memref<1x64xi32, #tpu.memory_space<vmem>>
      %dma_start3A_145 = tpu.memref_squeeze %dma_start3A_144 : memref<1x64xi32, #tpu.memory_space<vmem>> -> memref<64xi32, #tpu.memory_space<vmem>>
      %dma_start3A_146 = arith.constant 0 : i32
      %dma_start3A_147 = arith.constant 0 : i32
      %dma_start3A_148 = tpu.memref_slice %arg3[%dma_start3A_146, %dma_start3A_147] : memref<10000x128xf32, #tpu.memory_space<hbm>> -> memref<10000x128xf32, #tpu.memory_space<hbm>>
      tpu.enqueue_indirect_dma source(%dma_start3A_148 : memref<10000x128xf32, #tpu.memory_space<hbm>>) target(%arg11 : memref<64x128xf32, #tpu.memory_space<vmem>>) offsets(%dma_start3A_145 : memref<64xi32, #tpu.memory_space<vmem>>) semaphore(%arg13 : memref<!tpu.dma_semaphore, #tpu.memory_space<semaphore_mem>>)
      %dma_wait3A = arith.constant 0 : i32
      %dma_wait3A_149 = arith.constant 0 : i32
      %dma_wait3A_150 = tpu.memref_slice %arg3[%dma_wait3A, %dma_wait3A_149] : memref<10000x128xf32, #tpu.memory_space<hbm>> -> memref<64x128xf32, #tpu.memory_space<hbm>>
      %dma_wait3A_151 = arith.constant 0 : i32
      %dma_wait3A_152 = arith.constant 0 : i32
      %dma_wait3A_153 = tpu.memref_slice %arg3[%dma_wait3A_151, %dma_wait3A_152] : memref<10000x128xf32, #tpu.memory_space<hbm>> -> memref<64x128xf32, #tpu.memory_space<hbm>>
      tpu.wait_dma2 semaphore(%arg12 : memref<!tpu.dma_semaphore, #tpu.memory_space<semaphore_mem>>) src(%dma_wait3A_153 : memref<64x128xf32, #tpu.memory_space<hbm>>) dst(%arg10 : memref<64x128xf32, #tpu.memory_space<vmem>>)
      %dma_start3A_154 = arith.constant 0 : i32
      %dma_start3A_155 = tpu.memref_slice %arg9[%add3A_140, %dma_start3A_154] : memref<160x64xi32, #tpu.memory_space<vmem>> -> memref<1x64xi32, #tpu.memory_space<vmem>>
      %dma_start3A_156 = tpu.memref_squeeze %dma_start3A_155 : memref<1x64xi32, #tpu.memory_space<vmem>> -> memref<64xi32, #tpu.memory_space<vmem>>
      %dma_start3A_157 = arith.constant 0 : i32
      %dma_start3A_158 = arith.constant 0 : i32
      %dma_start3A_159 = tpu.memref_slice %arg16[%dma_start3A_157, %dma_start3A_158] : memref<5120x128xf32, #tpu.memory_space<vmem_shared>> -> memref<5120x128xf32, #tpu.memory_space<vmem_shared>>
      tpu.enqueue_indirect_dma source(%arg10 : memref<64x128xf32, #tpu.memory_space<vmem>>) target(%dma_start3A_159 : memref<5120x128xf32, #tpu.memory_space<vmem_shared>>) offsets(%dma_start3A_156 : memref<64xi32, #tpu.memory_space<vmem>>) semaphore(%arg14 : memref<!tpu.dma_semaphore, #tpu.memory_space<semaphore_mem>>) {add = true}
      %dma_wait3A_160 = arith.constant 0 : i32
      %dma_wait3A_161 = arith.constant 0 : i32
      %dma_wait3A_162 = tpu.memref_slice %arg16[%dma_wait3A_160, %dma_wait3A_161] : memref<5120x128xf32, #tpu.memory_space<vmem_shared>> -> memref<64x128xf32, #tpu.memory_space<vmem_shared>>
      %dma_wait3A_163 = arith.constant 0 : i32
      %dma_wait3A_164 = arith.constant 0 : i32
      %dma_wait3A_165 = tpu.memref_slice %arg16[%dma_wait3A_163, %dma_wait3A_164] : memref<5120x128xf32, #tpu.memory_space<vmem_shared>> -> memref<64x128xf32, #tpu.memory_space<vmem_shared>>
      tpu.wait_dma2 semaphore(%arg14 : memref<!tpu.dma_semaphore, #tpu.memory_space<semaphore_mem>>) src(%arg10 : memref<64x128xf32, #tpu.memory_space<vmem>>) dst(%dma_wait3A_165 : memref<64x128xf32, #tpu.memory_space<vmem_shared>>)
      %add3A_166 = arith.constant 2 : i32
      %add3A_167 = arith.addi %add3A_140, %add3A_166 : i32
      %lt3A = arith.cmpi slt, %add3A_167, %max3A_69 : i32
      %convert_element_type3A = arith.extui %lt3A : i1 to i32
      %cond3A = arith.constant 0 : i32
      %cond3A_168 = arith.cmpi ne, %convert_element_type3A, %cond3A : i32
      scf.if %cond3A_168 {
        %add3A_189 = arith.constant 2 : i32
        %add3A_190 = arith.addi %add3A_140, %add3A_189 : i32
        %dma_start3A_191 = arith.constant 0 : i32
        %dma_start3A_192 = tpu.memref_slice %arg8[%add3A_190, %dma_start3A_191] : memref<160x64xi32, #tpu.memory_space<vmem>> -> memref<1x64xi32, #tpu.memory_space<vmem>>
        %dma_start3A_193 = tpu.memref_squeeze %dma_start3A_192 : memref<1x64xi32, #tpu.memory_space<vmem>> -> memref<64xi32, #tpu.memory_space<vmem>>
        %dma_start3A_194 = arith.constant 0 : i32
        %dma_start3A_195 = arith.constant 0 : i32
        %dma_start3A_196 = tpu.memref_slice %arg3[%dma_start3A_194, %dma_start3A_195] : memref<10000x128xf32, #tpu.memory_space<hbm>> -> memref<10000x128xf32, #tpu.memory_space<hbm>>
        tpu.enqueue_indirect_dma source(%dma_start3A_196 : memref<10000x128xf32, #tpu.memory_space<hbm>>) target(%arg10 : memref<64x128xf32, #tpu.memory_space<vmem>>) offsets(%dma_start3A_193 : memref<64xi32, #tpu.memory_space<vmem>>) semaphore(%arg12 : memref<!tpu.dma_semaphore, #tpu.memory_space<semaphore_mem>>)
      } else {
      }
      %dma_wait3A_169 = arith.constant 0 : i32
      %dma_wait3A_170 = arith.constant 0 : i32
      %dma_wait3A_171 = tpu.memref_slice %arg3[%dma_wait3A_169, %dma_wait3A_170] : memref<10000x128xf32, #tpu.memory_space<hbm>> -> memref<64x128xf32, #tpu.memory_space<hbm>>
      %dma_wait3A_172 = arith.constant 0 : i32
      %dma_wait3A_173 = arith.constant 0 : i32
      %dma_wait3A_174 = tpu.memref_slice %arg3[%dma_wait3A_172, %dma_wait3A_173] : memref<10000x128xf32, #tpu.memory_space<hbm>> -> memref<64x128xf32, #tpu.memory_space<hbm>>
      tpu.wait_dma2 semaphore(%arg13 : memref<!tpu.dma_semaphore, #tpu.memory_space<semaphore_mem>>) src(%dma_wait3A_174 : memref<64x128xf32, #tpu.memory_space<hbm>>) dst(%arg11 : memref<64x128xf32, #tpu.memory_space<vmem>>)
      %add3A_175 = arith.constant 1 : i32
      %add3A_176 = arith.addi %add3A_140, %add3A_175 : i32
      %dma_start3A_177 = arith.constant 0 : i32
      %dma_start3A_178 = tpu.memref_slice %arg9[%add3A_176, %dma_start3A_177] : memref<160x64xi32, #tpu.memory_space<vmem>> -> memref<1x64xi32, #tpu.memory_space<vmem>>
      %dma_start3A_179 = tpu.memref_squeeze %dma_start3A_178 : memref<1x64xi32, #tpu.memory_space<vmem>> -> memref<64xi32, #tpu.memory_space<vmem>>
      %dma_start3A_180 = arith.constant 0 : i32
      %dma_start3A_181 = arith.constant 0 : i32
      %dma_start3A_182 = tpu.memref_slice %arg16[%dma_start3A_180, %dma_start3A_181] : memref<5120x128xf32, #tpu.memory_space<vmem_shared>> -> memref<5120x128xf32, #tpu.memory_space<vmem_shared>>
      tpu.enqueue_indirect_dma source(%arg11 : memref<64x128xf32, #tpu.memory_space<vmem>>) target(%dma_start3A_182 : memref<5120x128xf32, #tpu.memory_space<vmem_shared>>) offsets(%dma_start3A_179 : memref<64xi32, #tpu.memory_space<vmem>>) semaphore(%arg15 : memref<!tpu.dma_semaphore, #tpu.memory_space<semaphore_mem>>) {add = true}
      %dma_wait3A_183 = arith.constant 0 : i32
      %dma_wait3A_184 = arith.constant 0 : i32
      %dma_wait3A_185 = tpu.memref_slice %arg16[%dma_wait3A_183, %dma_wait3A_184] : memref<5120x128xf32, #tpu.memory_space<vmem_shared>> -> memref<64x128xf32, #tpu.memory_space<vmem_shared>>
      %dma_wait3A_186 = arith.constant 0 : i32
      %dma_wait3A_187 = arith.constant 0 : i32
      %dma_wait3A_188 = tpu.memref_slice %arg16[%dma_wait3A_186, %dma_wait3A_187] : memref<5120x128xf32, #tpu.memory_space<vmem_shared>> -> memref<64x128xf32, #tpu.memory_space<vmem_shared>>
      tpu.wait_dma2 semaphore(%arg15 : memref<!tpu.dma_semaphore, #tpu.memory_space<semaphore_mem>>) src(%arg11 : memref<64x128xf32, #tpu.memory_space<vmem>>) dst(%dma_wait3A_188 : memref<64x128xf32, #tpu.memory_space<vmem_shared>>)
    }
    %while3A_136 = arith.constant 1 : i32
    scf.for %while3A_138 = %while3A_134 to %while3A_130 step %while3A_136  : i32 {
      %mul3A_139 = arith.muli %while3A_138, %while3A_126 : i32
      %add3A_140 = arith.addi %while3A_127, %mul3A_139 : i32
      %add3A_141 = arith.constant 1 : i32
      %add3A_142 = arith.addi %add3A_140, %add3A_141 : i32
      %dma_start3A_143 = arith.constant 0 : i32
      %dma_start3A_144 = tpu.memref_slice %arg8[%add3A_142, %dma_start3A_143] : memref<160x64xi32, #tpu.memory_space<vmem>> -> memref<1x64xi32, #tpu.memory_space<vmem>>
      %dma_start3A_145 = tpu.memref_squeeze %dma_start3A_144 : memref<1x64xi32, #tpu.memory_space<vmem>> -> memref<64xi32, #tpu.memory_space<vmem>>
      %dma_start3A_146 = arith.constant 0 : i32
      %dma_start3A_147 = arith.constant 0 : i32
      %dma_start3A_148 = tpu.memref_slice %arg3[%dma_start3A_146, %dma_start3A_147] : memref<10000x128xf32, #tpu.memory_space<hbm>> -> memref<10000x128xf32, #tpu.memory_space<hbm>>
      tpu.enqueue_indirect_dma source(%dma_start3A_148 : memref<10000x128xf32, #tpu.memory_space<hbm>>) target(%arg11 : memref<64x128xf32, #tpu.memory_space<vmem>>) offsets(%dma_start3A_145 : memref<64xi32, #tpu.memory_space<vmem>>) semaphore(%arg13 : memref<!tpu.dma_semaphore, #tpu.memory_space<semaphore_mem>>)
      %dma_wait3A = arith.constant 0 : i32
      %dma_wait3A_149 = arith.constant 0 : i32
      %dma_wait3A_150 = tpu.memref_slice %arg3[%dma_wait3A, %dma_wait3A_149] : memref<10000x128xf32, #tpu.memory_space<hbm>> -> memref<64x128xf32, #tpu.memory_space<hbm>>
      %dma_wait3A_151 = arith.constant 0 : i32
      %dma_wait3A_152 = arith.constant 0 : i32
      %dma_wait3A_153 = tpu.memref_slice %arg3[%dma_wait3A_151, %dma_wait3A_152] : memref<10000x128xf32, #tpu.memory_space<hbm>> -> memref<64x128xf32, #tpu.memory_space<hbm>>
      tpu.wait_dma2 semaphore(%arg12 : memref<!tpu.dma_semaphore, #tpu.memory_space<semaphore_mem>>) src(%dma_wait3A_153 : memref<64x128xf32, #tpu.memory_space<hbm>>) dst(%arg10 : memref<64x128xf32, #tpu.memory_space<vmem>>)
      %dma_start3A_154 = arith.constant 0 : i32
      %dma_start3A_155 = tpu.memref_slice %arg9[%add3A_140, %dma_start3A_154] : memref<160x64xi32, #tpu.memory_space<vmem>> -> memref<1x64xi32, #tpu.memory_space<vmem>>
      %dma_start3A_156 = tpu.memref_squeeze %dma_start3A_155 : memref<1x64xi32, #tpu.memory_space<vmem>> -> memref<64xi32, #tpu.memory_space<vmem>>
      %dma_start3A_157 = arith.constant 0 : i32
      %dma_start3A_158 = arith.constant 0 : i32
      %dma_start3A_159 = tpu.memref_slice %arg16[%dma_start3A_157, %dma_start3A_158] : memref<5120x128xf32, #tpu.memory_space<vmem_shared>> -> memref<5120x128xf32, #tpu.memory_space<vmem_shared>>
      tpu.enqueue_indirect_dma source(%arg10 : memref<64x128xf32, #tpu.memory_space<vmem>>) target(%dma_start3A_159 : memref<5120x128xf32, #tpu.memory_space<vmem_shared>>) offsets(%dma_start3A_156 : memref<64xi32, #tpu.memory_space<vmem>>) semaphore(%arg14 : memref<!tpu.dma_semaphore, #tpu.memory_space<semaphore_mem>>) {add = true}
      %dma_wait3A_160 = arith.constant 0 : i32
      %dma_wait3A_161 = arith.constant 0 : i32
      %dma_wait3A_162 = tpu.memref_slice %arg16[%dma_wait3A_160, %dma_wait3A_161] : memref<5120x128xf32, #tpu.memory_space<vmem_shared>> -> memref<64x128xf32, #tpu.memory_space<vmem_shared>>
      %dma_wait3A_163 = arith.constant 0 : i32
      %dma_wait3A_164 = arith.constant 0 : i32
      %dma_wait3A_165 = tpu.memref_slice %arg16[%dma_wait3A_163, %dma_wait3A_164] : memref<5120x128xf32, #tpu.memory_space<vmem_shared>> -> memref<64x128xf32, #tpu.memory_space<vmem_shared>>
      tpu.wait_dma2 semaphore(%arg14 : memref<!tpu.dma_semaphore, #tpu.memory_space<semaphore_mem>>) src(%arg10 : memref<64x128xf32, #tpu.memory_space<vmem>>) dst(%dma_wait3A_165 : memref<64x128xf32, #tpu.memory_space<vmem_shared>>)
      %add3A_166 = arith.constant 2 : i32
      %add3A_167 = arith.addi %add3A_140, %add3A_166 : i32
      %lt3A = arith.cmpi slt, %add3A_167, %max3A_69 : i32
      %convert_element_type3A = arith.extui %lt3A : i1 to i32
      %cond3A = arith.constant 0 : i32
      %cond3A_168 = arith.cmpi ne, %convert_element_type3A, %cond3A : i32
      scf.if %cond3A_168 {
        %add3A_189 = arith.constant 2 : i32
        %add3A_190 = arith.addi %add3A_140, %add3A_189 : i32
        %dma_start3A_191 = arith.constant 0 : i32
        %dma_start3A_192 = tpu.memref_slice %arg8[%add3A_190, %dma_start3A_191] : memref<160x64xi32, #tpu.memory_space<vmem>> -> memref<1x64xi32, #tpu.memory_space<vmem>>
        %dma_start3A_193 = tpu.memref_squeeze %dma_start3A_192 : memref<1x64xi32, #tpu.memory_space<vmem>> -> memref<64xi32, #tpu.memory_space<vmem>>
        %dma_start3A_194 = arith.constant 0 : i32
        %dma_start3A_195 = arith.constant 0 : i32
        %dma_start3A_196 = tpu.memref_slice %arg3[%dma_start3A_194, %dma_start3A_195] : memref<10000x128xf32, #tpu.memory_space<hbm>> -> memref<10000x128xf32, #tpu.memory_space<hbm>>
        tpu.enqueue_indirect_dma source(%dma_start3A_196 : memref<10000x128xf32, #tpu.memory_space<hbm>>) target(%arg10 : memref<64x128xf32, #tpu.memory_space<vmem>>) offsets(%dma_start3A_193 : memref<64xi32, #tpu.memory_space<vmem>>) semaphore(%arg12 : memref<!tpu.dma_semaphore, #tpu.memory_space<semaphore_mem>>)
      } else {
      }
      %dma_wait3A_169 = arith.constant 0 : i32
      %dma_wait3A_170 = arith.constant 0 : i32
      %dma_wait3A_171 = tpu.memref_slice %arg3[%dma_wait3A_169, %dma_wait3A_170] : memref<10000x128xf32, #tpu.memory_space<hbm>> -> memref<64x128xf32, #tpu.memory_space<hbm>>
      %dma_wait3A_172 = arith.constant 0 : i32
      %dma_wait3A_173 = arith.constant 0 : i32
      %dma_wait3A_174 = tpu.memref_slice %arg3[%dma_wait3A_172, %dma_wait3A_173] : memref<10000x128xf32, #tpu.memory_space<hbm>> -> memref<64x128xf32, #tpu.memory_space<hbm>>
      tpu.wait_dma2 semaphore(%arg13 : memref<!tpu.dma_semaphore, #tpu.memory_space<semaphore_mem>>) src(%dma_wait3A_174 : memref<64x128xf32, #tpu.memory_space<hbm>>) dst(%arg11 : memref<64x128xf32, #tpu.memory_space<vmem>>)
      %add3A_175 = arith.constant 1 : i32
      %add3A_176 = arith.addi %add3A_140, %add3A_175 : i32
      %dma_start3A_177 = arith.constant 0 : i32
      %dma_start3A_178 = tpu.memref_slice %arg9[%add3A_176, %dma_start3A_177] : memref<160x64xi32, #tpu.memory_space<vmem>> -> memref<1x64xi32, #tpu.memory_space<vmem>>
      %dma_start3A_179 = tpu.memref_squeeze %dma_start3A_178 : memref<1x64xi32, #tpu.memory_space<vmem>> -> memref<64xi32, #tpu.memory_space<vmem>>
      %dma_start3A_180 = arith.constant 0 : i32
      %dma_start3A_181 = arith.constant 0 : i32
      %dma_start3A_182 = tpu.memref_slice %arg16[%dma_start3A_180, %dma_start3A_181] : memref<5120x128xf32, #tpu.memory_space<vmem_shared>> -> memref<5120x128xf32, #tpu.memory_space<vmem_shared>>
      tpu.enqueue_indirect_dma source(%arg11 : memref<64x128xf32, #tpu.memory_space<vmem>>) target(%dma_start3A_182 : memref<5120x128xf32, #tpu.memory_space<vmem_shared>>) offsets(%dma_start3A_179 : memref<64xi32, #tpu.memory_space<vmem>>) semaphore(%arg15 : memref<!tpu.dma_semaphore, #tpu.memory_space<semaphore_mem>>) {add = true}
      %dma_wait3A_183 = arith.constant 0 : i32
      %dma_wait3A_184 = arith.constant 0 : i32
      %dma_wait3A_185 = tpu.memref_slice %arg16[%dma_wait3A_183, %dma_wait3A_184] : memref<5120x128xf32, #tpu.memory_space<vmem_shared>> -> memref<64x128xf32, #tpu.memory_space<vmem_shared>>
      %dma_wait3A_186 = arith.constant 0 : i32
      %dma_wait3A_187 = arith.constant 0 : i32
      %dma_wait3A_188 = tpu.memref_slice %arg16[%dma_wait3A_186, %dma_wait3A_187] : memref<5120x128xf32, #tpu.memory_space<vmem_shared>> -> memref<64x128xf32, #tpu.memory_space<vmem_shared>>
      tpu.wait_dma2 semaphore(%arg15 : memref<!tpu.dma_semaphore, #tpu.memory_space<semaphore_mem>>) src(%arg11 : memref<64x128xf32, #tpu.memory_space<vmem>>) dst(%dma_wait3A_188 : memref<64x128xf32, #tpu.memory_space<vmem_shared>>)
    }
    %barrier3A_137 = arith.constant 0 : index
    tpu.barrier barrier_id(%barrier3A_137)
    "tpu.region"() ({
      %run_scoped3A = tpu.sem_alloc : memref<!tpu.dma_semaphore, #tpu.memory_space<semaphore_mem>>
      %dma_start3A_138 = arith.constant 0 : i32
      %dma_start3A_139 = tpu.memref_slice %arg7[%arg0, %mul3A_0, %dma_start3A_138] : memref<2x5120x128xf32, #tpu.memory_space<hbm>> -> memref<1x320x128xf32, #tpu.memory_space<hbm>>
      %dma_start3A_140 = tpu.memref_squeeze %dma_start3A_139 : memref<1x320x128xf32, #tpu.memory_space<hbm>> -> memref<320x128xf32, #tpu.memory_space<hbm>>
      %dma_start3A_141 = arith.constant 0 : i32
      %dma_start3A_142 = tpu.memref_slice %arg16[%mul3A_0, %dma_start3A_141] : memref<5120x128xf32, #tpu.memory_space<vmem_shared>> -> memref<320x128xf32, #tpu.memory_space<vmem_shared>>
      tpu.enqueue_dma source(%dma_start3A_142 : memref<320x128xf32, #tpu.memory_space<vmem_shared>>) target(%dma_start3A_140 : memref<320x128xf32, #tpu.memory_space<hbm>>) target_semaphore(%run_scoped3A : memref<!tpu.dma_semaphore, #tpu.memory_space<semaphore_mem>>)
      %dma_wait3A = arith.constant 0 : i32
      %dma_wait3A_143 = tpu.memref_slice %arg7[%arg0, %mul3A_0, %dma_wait3A] : memref<2x5120x128xf32, #tpu.memory_space<hbm>> -> memref<1x320x128xf32, #tpu.memory_space<hbm>>
      %dma_wait3A_144 = tpu.memref_squeeze %dma_wait3A_143 : memref<1x320x128xf32, #tpu.memory_space<hbm>> -> memref<320x128xf32, #tpu.memory_space<hbm>>
      %dma_wait3A_145 = arith.constant 0 : i32
      %dma_wait3A_146 = tpu.memref_slice %arg16[%mul3A_0, %dma_wait3A_145] : memref<5120x128xf32, #tpu.memory_space<vmem_shared>> -> memref<320x128xf32, #tpu.memory_space<vmem_shared>>
      tpu.wait_dma2 semaphore(%run_scoped3A : memref<!tpu.dma_semaphore, #tpu.memory_space<semaphore_mem>>) src(%dma_wait3A_146 : memref<320x128xf32, #tpu.memory_space<vmem_shared>>) dst(%dma_wait3A_144 : memref<320x128xf32, #tpu.memory_space<hbm>>)
      tpu.yield
    }) : () -> ()
    return
  }
}

module attributes {stable_mosaic.version = 14 : i64} {
  func.func @body(%arg0: i32, %arg1: memref<1000x1xf32, #tpu.memory_space<vmem>>, %arg2: memref<1000x256xf32, #tpu.memory_space<vmem>>, %arg3: memref<1000x1xf32, #tpu.memory_space<vmem>>, %arg4: memref<1000x128xf32, #tpu.memory_space<vmem>>, %arg5: memref<1000x128xf32, #tpu.memory_space<vmem>>) attributes {dimension_semantics = [#tpu.dimension_semantics<arbitrary>], iteration_bounds = array<i64: 10>, scalar_prefetch = 0 : i64, scratch_operands = 0 : i64, tpu.core_type = #tpu.core_type<tc>, window_params = [{transform_indices = @transform_0, window_bounds = array<i64: 1000, 1>}, {transform_indices = @transform_1, window_bounds = array<i64: 1000, 256>}, {transform_indices = @transform_2, window_bounds = array<i64: 1000, 1>}, {transform_indices = @transform_3, window_bounds = array<i64: 1000, 128>}, {transform_indices = @transform_4, window_bounds = array<i64: 1000, 128>}]} {
    %get3A = arith.constant 0 : index
    %get3A_0 = arith.constant 0 : index
    %get3A_1 = vector.load %arg1[%get3A, %get3A_0] : memref<1000x1xf32, #tpu.memory_space<vmem>>, vector<1000x1xf32>
    %gt3A = arith.constant 0.000000e+00 : f32
    %gt3A_2 = vector.broadcast %gt3A : f32 to vector<1000x1xf32>
    %gt3A_3 = arith.cmpf ogt, %get3A_1, %gt3A_2 : vector<1000x1xf32>
    %rsqrt3A = math.rsqrt %get3A_1 : vector<1000x1xf32>
    %jit3A = arith.constant 0.000000e+00 : f32
    %broadcast_in_dim3A = vector.broadcast %jit3A : f32 to vector<1000x1xf32>
    %select_n3A = arith.select %gt3A_3, %rsqrt3A, %broadcast_in_dim3A : vector<1000x1xi1>, vector<1000x1xf32>
    %swap3A = arith.constant 0 : index
    %swap3A_4 = arith.constant 0 : index
    %swap3A_5 = vector.load %arg3[%swap3A, %swap3A_4] : memref<1000x1xf32, #tpu.memory_space<vmem>>, vector<1000x1xf32>
    tpu.vector_store %arg3[%swap3A, %swap3A_4], %select_n3A {strides = array<i32>} : memref<1000x1xf32, #tpu.memory_space<vmem>>, vector<1000x1xf32>,
    %get3A_6 = arith.constant 0 : index
    %get3A_7 = arith.constant 0 : index
    %get3A_8 = vector.load %arg2[%get3A_6, %get3A_7] : memref<1000x256xf32, #tpu.memory_space<vmem>>, vector<1000x256xf32>
    %mul3A = vector.broadcast %select_n3A : vector<1000x1xf32> to vector<1000x256xf32>
    %mul3A_9 = arith.mulf %mul3A, %get3A_8 : vector<1000x256xf32>
    %slice3A = vector.extract_strided_slice %mul3A_9 {offsets = [0, 0], sizes = [1000, 128], strides = [1, 1]} : vector<1000x256xf32> to vector<1000x128xf32>
    %swap3A_10 = arith.constant 0 : index
    %swap3A_11 = arith.constant 0 : index
    %swap3A_12 = vector.load %arg4[%swap3A_10, %swap3A_11] : memref<1000x128xf32, #tpu.memory_space<vmem>>, vector<1000x128xf32>
    tpu.vector_store %arg4[%swap3A_10, %swap3A_11], %slice3A {strides = array<i32>} : memref<1000x128xf32, #tpu.memory_space<vmem>>, vector<1000x128xf32>,
    %slice3A_13 = vector.extract_strided_slice %mul3A_9 {offsets = [0, 128], sizes = [1000, 128], strides = [1, 1]} : vector<1000x256xf32> to vector<1000x128xf32>
    %swap3A_14 = arith.constant 0 : index
    %swap3A_15 = arith.constant 0 : index
    %swap3A_16 = vector.load %arg5[%swap3A_14, %swap3A_15] : memref<1000x128xf32, #tpu.memory_space<vmem>>, vector<1000x128xf32>
    tpu.vector_store %arg5[%swap3A_14, %swap3A_15], %slice3A_13 {strides = array<i32>} : memref<1000x128xf32, #tpu.memory_space<vmem>>, vector<1000x128xf32>,
    return
  }
  func.func @transform_0(%arg0: i32) -> (i32, i32) {
    %c0_i32 = arith.constant 0 : i32
    %c0_i32_0 = arith.constant 0 : i32
    return %arg0, %c0_i32 : i32, i32
  }
  func.func @transform_1(%arg0: i32) -> (i32, i32) {
    %c0_i32 = arith.constant 0 : i32
    %c0_i32_0 = arith.constant 0 : i32
    return %arg0, %c0_i32 : i32, i32
  }
  func.func @transform_2(%arg0: i32) -> (i32, i32) {
    %c0_i32 = arith.constant 0 : i32
    %c0_i32_0 = arith.constant 0 : i32
    return %arg0, %c0_i32 : i32, i32
  }
  func.func @transform_3(%arg0: i32) -> (i32, i32) {
    %c0_i32 = arith.constant 0 : i32
    %c0_i32_0 = arith.constant 0 : i32
    return %arg0, %c0_i32 : i32, i32
  }
  func.func @transform_4(%arg0: i32) -> (i32, i32) {
    %c0_i32 = arith.constant 0 : i32
    %c0_i32_0 = arith.constant 0 : i32
    return %arg0, %c0_i32 : i32, i32
  }
}

module attributes {stable_mosaic.version = 14 : i64} {
  func.func @body(%arg0: i32, %arg1: memref<1000x256xf32, #tpu.memory_space<vmem>>, %arg2: memref<1x1000x128xf32, #tpu.memory_space<vmem>>, %arg3: memref<1x1000x128xf32, #tpu.memory_space<vmem>>, %arg4: memref<1000x1xf32, #tpu.memory_space<vmem>>, %arg5: memref<256x512xf32, #tpu.memory_space<vmem>>, %arg6: memref<256x512xf32, #tpu.memory_space<vmem>>, %arg7: memref<1x512xf32, #tpu.memory_space<vmem>>, %arg8: memref<1x256xf32, #tpu.memory_space<vmem>>, %arg9: memref<1000x256xf32, #tpu.memory_space<vmem>>, %arg10: memref<1000x256xf32, #tpu.memory_space<vmem>>, %arg11: memref<1000x256xf32, #tpu.memory_space<vmem>>) attributes {dimension_semantics = [#tpu.dimension_semantics<arbitrary>], iteration_bounds = array<i64: 10>, scalar_prefetch = 0 : i64, scratch_operands = 0 : i64, tpu.core_type = #tpu.core_type<tc>, window_params = [{transform_indices = @transform_0, window_bounds = array<i64: 1000, 256>}, {transform_indices = @transform_1, window_bounds = array<i64: 1, 1000, 128>}, {transform_indices = @transform_2, window_bounds = array<i64: 1, 1000, 128>}, {transform_indices = @transform_3, window_bounds = array<i64: 1000, 1>}, {pipeline_mode = #tpu.pipeline_mode<synchronous>, transform_indices = @transform_4, window_bounds = array<i64: 256, 512>}, {pipeline_mode = #tpu.pipeline_mode<synchronous>, transform_indices = @transform_5, window_bounds = array<i64: 256, 512>}, {pipeline_mode = #tpu.pipeline_mode<synchronous>, transform_indices = @transform_6, window_bounds = array<i64: 1, 512>}, {pipeline_mode = #tpu.pipeline_mode<synchronous>, transform_indices = @transform_7, window_bounds = array<i64: 1, 256>}, {transform_indices = @transform_8, window_bounds = array<i64: 1000, 256>}, {transform_indices = @transform_9, window_bounds = array<i64: 1000, 256>}, {transform_indices = @transform_10, window_bounds = array<i64: 1000, 256>}]} {
    %get3A = arith.constant 0 : index
    %get3A_0 = arith.constant 0 : index
    %get3A_1 = arith.constant 0 : index
    %get3A_2 = vector.load %arg2[%get3A, %get3A_0, %get3A_1] : memref<1x1000x128xf32, #tpu.memory_space<vmem>>, vector<1x1000x128xf32>
    %get3A_3 = vector.shape_cast %get3A_2 : vector<1x1000x128xf32> to vector<1000x128xf32>
    %get3A_4 = arith.constant 0 : index
    %get3A_5 = arith.constant 0 : index
    %get3A_6 = arith.constant 0 : index
    %get3A_7 = vector.load %arg3[%get3A_4, %get3A_5, %get3A_6] : memref<1x1000x128xf32, #tpu.memory_space<vmem>>, vector<1x1000x128xf32>
    %get3A_8 = vector.shape_cast %get3A_7 : vector<1x1000x128xf32> to vector<1000x128xf32>
    %concatenate3A = tpu.concatenate %get3A_3, %get3A_8 in 1 : vector<1000x128xf32>, vector<1000x128xf32> -> vector<1000x256xf32>
    %get3A_9 = arith.constant 0 : index
    %get3A_10 = arith.constant 0 : index
    %get3A_11 = vector.load %arg4[%get3A_9, %get3A_10] : memref<1000x1xf32, #tpu.memory_space<vmem>>, vector<1000x1xf32>
    %neg3A = arith.constant 0.000000e+00 : f32
    %neg3A_12 = vector.broadcast %neg3A : f32 to vector<1000x1xf32>
    %neg3A_13 = arith.subf %neg3A_12, %get3A_11 : vector<1000x1xf32>
    %mul3A = vector.broadcast %neg3A_13 : vector<1000x1xf32> to vector<1000x256xf32>
    %mul3A_14 = arith.mulf %concatenate3A, %mul3A : vector<1000x256xf32>
    %get3A_15 = arith.constant 0 : index
    %get3A_16 = arith.constant 0 : index
    %get3A_17 = vector.load %arg1[%get3A_15, %get3A_16] : memref<1000x256xf32, #tpu.memory_space<vmem>>, vector<1000x256xf32>
    %get3A_18 = arith.constant 0 : index
    %get3A_19 = arith.constant 0 : index
    %get3A_20 = vector.load %arg5[%get3A_18, %get3A_19] : memref<256x512xf32, #tpu.memory_space<vmem>>, vector<256x512xf32>
    %dot_general3A = arith.constant dense<0.000000e+00> : vector<1000x512xf32>
    %dot_general3A_21 = tpu.matmul %get3A_17, %get3A_20, %dot_general3A {dimension_numbers = #tpu.dot_dimension_numbers<[1], [0], [0], [1], [0, 0, 1, 1], [], []>, transpose_lhs_hint = false} : vector<1000x256xf32>, vector<256x512xf32>, vector<1000x512xf32> -> vector<1000x512xf32>
    %get3A_22 = arith.constant 0 : index
    %get3A_23 = arith.constant 0 : index
    %get3A_24 = vector.load %arg6[%get3A_22, %get3A_23] : memref<256x512xf32, #tpu.memory_space<vmem>>, vector<256x512xf32>
    %dot_general3A_25 = arith.constant dense<0.000000e+00> : vector<1000x512xf32>
    %dot_general3A_26 = tpu.matmul %mul3A_14, %get3A_24, %dot_general3A_25 {dimension_numbers = #tpu.dot_dimension_numbers<[1], [0], [0], [1], [0, 0, 1, 1], [], []>, transpose_lhs_hint = false} : vector<1000x256xf32>, vector<256x512xf32>, vector<1000x512xf32> -> vector<1000x512xf32>
    %add3A = arith.addf %dot_general3A_21, %dot_general3A_26 : vector<1000x512xf32>
    %get3A_27 = arith.constant 0 : index
    %get3A_28 = arith.constant 0 : index
    %get3A_29 = vector.load %arg7[%get3A_27, %get3A_28] : memref<1x512xf32, #tpu.memory_space<vmem>>, vector<1x512xf32>
    %add3A_30 = vector.broadcast %get3A_29 : vector<1x512xf32> to vector<1000x512xf32>
    %add3A_31 = arith.addf %add3A, %add3A_30 : vector<1000x512xf32>
    %slice3A = vector.extract_strided_slice %add3A_31 {offsets = [0, 0], sizes = [1000, 256], strides = [1, 1]} : vector<1000x512xf32> to vector<1000x256xf32>
    %logistic3A = arith.negf %slice3A : vector<1000x256xf32>
    %logistic3A_32 = math.exp %logistic3A : vector<1000x256xf32>
    %logistic3A_33 = arith.constant 1.000000e+00 : f32
    %logistic3A_34 = vector.broadcast %logistic3A_33 : f32 to vector<1000x256xf32>
    %logistic3A_35 = arith.addf %logistic3A_34, %logistic3A_32 : vector<1000x256xf32>
    %logistic3A_36 = arith.divf %logistic3A_34, %logistic3A_35 : vector<1000x256xf32>
    %slice3A_37 = vector.extract_strided_slice %add3A_31 {offsets = [0, 256], sizes = [1000, 256], strides = [1, 1]} : vector<1000x512xf32> to vector<1000x256xf32>
    %tanh3A = math.tanh %slice3A_37 : vector<1000x256xf32>
    %sub3A = arith.constant 1.000000e+00 : f32
    %sub3A_38 = vector.broadcast %sub3A : f32 to vector<1000x256xf32>
    %sub3A_39 = arith.subf %sub3A_38, %logistic3A_36 : vector<1000x256xf32>
    %mul3A_40 = arith.mulf %sub3A_39, %tanh3A : vector<1000x256xf32>
    %swap3A = arith.constant 0 : index
    %swap3A_41 = arith.constant 0 : index
    %swap3A_42 = vector.load %arg9[%swap3A, %swap3A_41] : memref<1000x256xf32, #tpu.memory_space<vmem>>, vector<1000x256xf32>
    tpu.vector_store %arg9[%swap3A, %swap3A_41], %mul3A_40 {strides = array<i32>} : memref<1000x256xf32, #tpu.memory_space<vmem>>, vector<1000x256xf32>,
    %max3A = arith.constant 0.000000e+00 : f32
    %max3A_43 = vector.broadcast %max3A : f32 to vector<1000x256xf32>
    %max3A_44 = arith.maximumf %mul3A_40, %max3A_43 : vector<1000x256xf32>
    %swap3A_45 = arith.constant 0 : index
    %swap3A_46 = arith.constant 0 : index
    %swap3A_47 = vector.load %arg11[%swap3A_45, %swap3A_46] : memref<1000x256xf32, #tpu.memory_space<vmem>>, vector<1000x256xf32>
    tpu.vector_store %arg11[%swap3A_45, %swap3A_46], %max3A_44 {strides = array<i32>} : memref<1000x256xf32, #tpu.memory_space<vmem>>, vector<1000x256xf32>,
    %get3A_48 = arith.constant 0 : index
    %get3A_49 = arith.constant 0 : index
    %get3A_50 = vector.load %arg8[%get3A_48, %get3A_49] : memref<1x256xf32, #tpu.memory_space<vmem>>, vector<1x256xf32>
    %mul3A_51 = vector.broadcast %get3A_50 : vector<1x256xf32> to vector<1000x256xf32>
    %mul3A_52 = arith.mulf %max3A_44, %mul3A_51 : vector<1000x256xf32>
    %swap3A_53 = arith.constant 0 : index
    %swap3A_54 = arith.constant 0 : index
    %swap3A_55 = vector.load %arg10[%swap3A_53, %swap3A_54] : memref<1000x256xf32, #tpu.memory_space<vmem>>, vector<1000x256xf32>
    tpu.vector_store %arg10[%swap3A_53, %swap3A_54], %mul3A_52 {strides = array<i32>} : memref<1000x256xf32, #tpu.memory_space<vmem>>, vector<1000x256xf32>,
    return
  }
  func.func @transform_0(%arg0: i32) -> (i32, i32) {
    %c0_i32 = arith.constant 0 : i32
    %c0_i32_0 = arith.constant 0 : i32
    return %arg0, %c0_i32 : i32, i32
  }
  func.func @transform_1(%arg0: i32) -> (i32, i32, i32) {
    %jit3A = arith.constant 5 : i32
    %div3A = arith.divsi %arg0, %jit3A : i32
    %sign3A = arith.constant 0 : i32
    %sign3A_0 = arith.cmpi sgt, %arg0, %sign3A : i32
    %sign3A_1 = arith.extui %sign3A_0 : i1 to i32
    %sign3A_2 = arith.constant 0 : i32
    %sign3A_3 = arith.cmpi slt, %arg0, %sign3A_2 : i32
    %sign3A_4 = arith.extui %sign3A_3 : i1 to i32
    %sign3A_5 = arith.subi %sign3A_1, %sign3A_4 : i32
    %sign3A_6 = arith.constant 0 : i32
    %sign3A_7 = arith.cmpi sgt, %jit3A, %sign3A_6 : i32
    %sign3A_8 = arith.extui %sign3A_7 : i1 to i32
    %sign3A_9 = arith.constant 0 : i32
    %sign3A_10 = arith.cmpi slt, %jit3A, %sign3A_9 : i32
    %sign3A_11 = arith.extui %sign3A_10 : i1 to i32
    %sign3A_12 = arith.subi %sign3A_8, %sign3A_11 : i32
    %ne3A = arith.cmpi ne, %sign3A_5, %sign3A_12 : i32
    %rem3A = arith.remsi %arg0, %jit3A : i32
    %ne3A_13 = arith.constant 0 : i32
    %ne3A_14 = arith.cmpi ne, %rem3A, %ne3A_13 : i32
    %and3A = arith.andi %ne3A, %ne3A_14 : i1
    %sub3A = arith.constant 1 : i32
    %sub3A_15 = arith.subi %div3A, %sub3A : i32
    %select_n3A = arith.select %and3A, %sub3A_15, %div3A : i32
    %jit3A_16 = arith.constant 5 : i32
    %eq3A = arith.constant 0 : i32
    %eq3A_17 = arith.cmpi eq, %jit3A_16, %eq3A : i32
    %jit3A_18 = arith.constant 1 : i32
    %select_n3A_19 = arith.select %eq3A_17, %jit3A_18, %jit3A_16 : i32
    %rem3A_20 = arith.remsi %arg0, %select_n3A_19 : i32
    %ne3A_21 = arith.constant 0 : i32
    %ne3A_22 = arith.cmpi ne, %rem3A_20, %ne3A_21 : i32
    %lt3A = arith.constant 0 : i32
    %lt3A_23 = arith.cmpi slt, %rem3A_20, %lt3A : i32
    %lt3A_24 = arith.constant 0 : i32
    %lt3A_25 = arith.cmpi slt, %select_n3A_19, %lt3A_24 : i32
    %ne3A_26 = arith.xori %lt3A_23, %lt3A_25 : i1
    %and3A_27 = arith.andi %ne3A_26, %ne3A_22 : i1
    %add3A = arith.addi %rem3A_20, %select_n3A_19 : i32
    %select_n3A_28 = arith.select %and3A_27, %add3A, %rem3A_20 : i32
    %c0_i32 = arith.constant 0 : i32
    %c0_i32_29 = arith.constant 0 : i32
    return %select_n3A, %select_n3A_28, %c0_i32 : i32, i32, i32
  }
  func.func @transform_2(%arg0: i32) -> (i32, i32, i32) {
    %jit3A = arith.constant 5 : i32
    %div3A = arith.divsi %arg0, %jit3A : i32
    %sign3A = arith.constant 0 : i32
    %sign3A_0 = arith.cmpi sgt, %arg0, %sign3A : i32
    %sign3A_1 = arith.extui %sign3A_0 : i1 to i32
    %sign3A_2 = arith.constant 0 : i32
    %sign3A_3 = arith.cmpi slt, %arg0, %sign3A_2 : i32
    %sign3A_4 = arith.extui %sign3A_3 : i1 to i32
    %sign3A_5 = arith.subi %sign3A_1, %sign3A_4 : i32
    %sign3A_6 = arith.constant 0 : i32
    %sign3A_7 = arith.cmpi sgt, %jit3A, %sign3A_6 : i32
    %sign3A_8 = arith.extui %sign3A_7 : i1 to i32
    %sign3A_9 = arith.constant 0 : i32
    %sign3A_10 = arith.cmpi slt, %jit3A, %sign3A_9 : i32
    %sign3A_11 = arith.extui %sign3A_10 : i1 to i32
    %sign3A_12 = arith.subi %sign3A_8, %sign3A_11 : i32
    %ne3A = arith.cmpi ne, %sign3A_5, %sign3A_12 : i32
    %rem3A = arith.remsi %arg0, %jit3A : i32
    %ne3A_13 = arith.constant 0 : i32
    %ne3A_14 = arith.cmpi ne, %rem3A, %ne3A_13 : i32
    %and3A = arith.andi %ne3A, %ne3A_14 : i1
    %sub3A = arith.constant 1 : i32
    %sub3A_15 = arith.subi %div3A, %sub3A : i32
    %select_n3A = arith.select %and3A, %sub3A_15, %div3A : i32
    %jit3A_16 = arith.constant 5 : i32
    %eq3A = arith.constant 0 : i32
    %eq3A_17 = arith.cmpi eq, %jit3A_16, %eq3A : i32
    %jit3A_18 = arith.constant 1 : i32
    %select_n3A_19 = arith.select %eq3A_17, %jit3A_18, %jit3A_16 : i32
    %rem3A_20 = arith.remsi %arg0, %select_n3A_19 : i32
    %ne3A_21 = arith.constant 0 : i32
    %ne3A_22 = arith.cmpi ne, %rem3A_20, %ne3A_21 : i32
    %lt3A = arith.constant 0 : i32
    %lt3A_23 = arith.cmpi slt, %rem3A_20, %lt3A : i32
    %lt3A_24 = arith.constant 0 : i32
    %lt3A_25 = arith.cmpi slt, %select_n3A_19, %lt3A_24 : i32
    %ne3A_26 = arith.xori %lt3A_23, %lt3A_25 : i1
    %and3A_27 = arith.andi %ne3A_26, %ne3A_22 : i1
    %add3A = arith.addi %rem3A_20, %select_n3A_19 : i32
    %select_n3A_28 = arith.select %and3A_27, %add3A, %rem3A_20 : i32
    %c0_i32 = arith.constant 0 : i32
    %c0_i32_29 = arith.constant 0 : i32
    return %select_n3A, %select_n3A_28, %c0_i32 : i32, i32, i32
  }
  func.func @transform_3(%arg0: i32) -> (i32, i32) {
    %c0_i32 = arith.constant 0 : i32
    %c0_i32_0 = arith.constant 0 : i32
    return %arg0, %c0_i32 : i32, i32
  }
  func.func @transform_4(%arg0: i32) -> (i32, i32) {
    %c0_i32 = arith.constant 0 : i32
    %c0_i32_0 = arith.constant 0 : i32
    %c0_i32_1 = arith.constant 0 : i32
    return %c0_i32, %c0_i32_0 : i32, i32
  }
  func.func @transform_5(%arg0: i32) -> (i32, i32) {
    %c0_i32 = arith.constant 0 : i32
    %c0_i32_0 = arith.constant 0 : i32
    %c0_i32_1 = arith.constant 0 : i32
    return %c0_i32, %c0_i32_0 : i32, i32
  }
  func.func @transform_6(%arg0: i32) -> (i32, i32) {
    %c0_i32 = arith.constant 0 : i32
    %c0_i32_0 = arith.constant 0 : i32
    %c0_i32_1 = arith.constant 0 : i32
    return %c0_i32, %c0_i32_0 : i32, i32
  }
  func.func @transform_7(%arg0: i32) -> (i32, i32) {
    %c0_i32 = arith.constant 0 : i32
    %c0_i32_0 = arith.constant 0 : i32
    %c0_i32_1 = arith.constant 0 : i32
    return %c0_i32, %c0_i32_0 : i32, i32
  }
  func.func @transform_8(%arg0: i32) -> (i32, i32) {
    %c0_i32 = arith.constant 0 : i32
    %c0_i32_0 = arith.constant 0 : i32
    return %arg0, %c0_i32 : i32, i32
  }
  func.func @transform_9(%arg0: i32) -> (i32, i32) {
    %c0_i32 = arith.constant 0 : i32
    %c0_i32_0 = arith.constant 0 : i32
    return %arg0, %c0_i32 : i32, i32
  }
  func.func @transform_10(%arg0: i32) -> (i32, i32) {
    %c0_i32 = arith.constant 0 : i32
    %c0_i32_0 = arith.constant 0 : i32
    return %arg0, %c0_i32 : i32, i32
  }
}

</mosaic_0001>

<sc_bundles>
// kernel: kernel.10.cloned.1.call-start
scs
__scs_entry_jumppad:
0x0: {  	(pc) =	sbr.rel $0x88, $3  }
0x1: {  	(tag) =	ssettag $0x0;
	lr =	simm.s32 $0x1  }
0x2: {  	[smem:$0x3F96] =	sst lr;
	_ =	strace $0xD0000000  }
0x3: {  	_ = 	snop  }
0x4: {  	_ = 	snop  }
0x5: {  	_ = 	snop  }
0x6: {  	_ = 	snop  }
0x7: {  	_ = 	snop  }
__scs_overlays_trampoline_lowered:
0x8: {  	[smem:$0x3FA5] =	sst s0  }
0x9: {  	[smem:$0x3FA6] =	sst s1  }
0xa: {  	[smem:$0x3FA7] =	sst s2  }
0xb: {  	[smem:$0x3FA8] =	sst s3  }
0xc: {  	[smem:$0x3FA9] =	sst s4  }
0xd: {  	[smem:$0x3FAA] =	sst s5  }
0xe: {  	[smem:$0x3FAB] =	sst s6  }
0xf: {  	[smem:$0x3FAC] =	sst s7  }
0x10: {  	[smem:$0x3FAD] =	sst s8  }
0x11: {  	[smem:$0x3FAE] =	sst s9;
	s0 =	simm.s32 @!p0 $0x0  }
0x12: {  	s1 =	sld [smem:$0x3F94];
	s0 =	simm.s32 @p0 $0x1  }
0x13: {  	[smem:$0x3FAF] =	sst s0;
	s0 =	simm.s32 @!p1 $0x0  }
0x14: {  	s2 =	sld [smem:$0x3F93];
	s0 =	simm.s32 @p1 $0x1  }
0x15: {  	[smem:$0x3FB0] =	sst s0;
	s0 =	simm.s32 @!p2 $0x0  }
0x16: {  	s3 =	sld [smem:$0x3FDB];
	s0 =	simm.s32 @p2 $0x1  }
0x17: {  	s4 =	simm.s32 $0x1BF5;
	[smem:$0x3FB2] =	sst s0  }
0x18: {  	s0 =	sld [smem:$0x3F95];
	_ =	swait.ge [sflag:s4], $0x0  }
0x19: {  	s7 =	sld [smem:$0x3F96]  }
0x1a: {  	s8 =	sadd.s32 $0xFFFFE003, lr  }
0x1b: {  	s9 =	sadd.s32 $0xFFFFFEF7, lr;
	s5 =	simm.s32 $0xFFFFFFFF;
	p2 =	slt.u32 s8, $0xFFFFF086  }
0x1c: {  	p1 =	slt.u32 s9, $0xF7A;
	s5 =	simm.s32 @!p2 $0x0  }
0x1d: {  	s5 =	simm.s32 @p1 $0x1;
	p0 =	seq.s32 s7, s2  }
0x1e: {  	s7 =	smul.u32 @!p0 $0xF7A, s2;
	p2 =	seq.s32 @!p0 s5, $0x0  }
0x1f: {  	s9 =	smul.u32 $0xF7A, s1;
	s8 =	simm.s32 @!p0 $0x1BF5;
	p2 =	por !p2, p0  }
0x20: {  	[sflag:s8] =	ssyncset.s32 @!p0 $0xFFFFF086;
	s6 =	sadd.s32 @!p0 s3, s7;
	s7 =	simm.s32 @!p0 $0x108  }
0x21: {  	s3 =	sadd.s32 s3, s9;
	s6 =	sadd.s32 @!p0 $0x88, s6;
	s7 =	simm.s32 @p2 $0x1082  }
0x22: {  	[simem:s7], [sflag:s8] =	dma.local @!p0 [hbm:s6], $0xF7A  }
0x23: {  	s9 =	sor.u32 $0xD0000000, s2;
	s6 =	simm.s32 $0x108;
	_ =	swait.ge @!p0 [sflag:s8], $0x0  }
0x24: {  	s3 =	sadd.s32 $0x88, s3;
	s6 =	simm.s32 @!p1 $0x1082;
	[sflag:s4] =	ssyncset.s32 $0xFFFFF086  }
0x25: {  	[simem:s6], [sflag:s4] =	dma.local [hbm:s3], $0xF7A  }
0x26: {  	[smem:$0x3F96] =	sst s1;
	(tag) =	ssettag s2;
	_ =	strace s9  }
0x27: {  	s1 =	sld [smem:$0x3FA6]  }
0x28: {  	s2 =	sld [smem:$0x3FA7]  }
0x29: {  	s4 =	sld [smem:$0x3FA9]  }
0x2a: {  	p0 =	seq.s32 s5, $0x0;
	s5 =	sld [smem:$0x3FAA]  }
0x2b: {  	s6 =	sld [smem:$0x3FAB]  }
0x2c: {  	s7 =	sld [smem:$0x3FAC]  }
0x2d: {  	s3 =	simm.s32 $0x108;
	s8 =	sld [smem:$0x3FAD]  }
0x2e: {  	s3 =	simm.s32 @!p0 $0x1082;
	s9 =	sld [smem:$0x3FAE]  }
0x2f: {  	lr =	sadd.s32 s0, s3;
	s0 =	sld [smem:$0x3FA5]  }
0x30: {  	s3 =	sld [smem:$0x3FA8]  }
0x31: {  	[smem:$0x3FB1] =	sst s10  }
0x32: {  	s10 =	sld [smem:$0x3FAF];
	_ =	sdelay $0x3  }
0x33: {  	p0 =	seq.s32 s10, $0x1;
	s10 =	sld [smem:$0x3FB1];
	_ =	sdelay $0x3  }
0x34: {  	[smem:$0x3FB1] =	sst s10  }
0x35: {  	s10 =	sld [smem:$0x3FB0];
	_ =	sdelay $0x3  }
0x36: {  	p1 =	seq.s32 s10, $0x1;
	s10 =	sld [smem:$0x3FB1];
	_ =	sdelay $0x3  }
0x37: {  	[smem:$0x3FB1] =	sst s10  }
0x38: {  	s10 =	sld [smem:$0x3FB2]  }
0x39: {  	_ = 	snop;
	(pc) =	sbr.ind lr, $3  }
0x3a: {  	_ = 	snop  }
0x3b: {  	_ = 	snop  }
0x3c: {  	p2 =	seq.s32 s10, $0x1;
	s10 =	sld [smem:$0x3FB1]  }
0x3d: {  	_ =	shalt  }
0x3e: {  	_ =	shalt  }
0x3f: {  	_ =	shalt  }
0x40: {  	_ =	shalt  }
0x41: {  	_ =	shalt  }
0x42: {  	_ =	shalt  }
0x43: {  	_ =	shalt  }
0x44: {  	_ =	shalt  }
0x45: {  	_ =	shalt  }
0x46: {  	_ =	shalt  }
0x47: {  	_ =	shalt  }
0x48: {  	_ =	shalt  }
0x49: {  	_ =	shalt  }
0x4a: {  	_ =	shalt  }
0x4b: {  	_ =	shalt  }
0x4c: {  	_ =	shalt  }
0x4d: {  	_ =	shalt  }
0x4e: {  	_ =	shalt  }
0x4f: {  	_ =	shalt  }
0x50: {  	_ =	shalt  }
0x51: {  	_ =	shalt  }
0x52: {  	_ =	shalt  }
0x53: {  	_ =	shalt  }
0x54: {  	_ =	shalt  }
0x55: {  	_ =	shalt  }
0x56: {  	_ =	shalt  }
0x57: {  	_ =	shalt  }
0x58: {  	_ =	shalt  }
0x59: {  	_ =	shalt  }
0x5a: {  	_ =	shalt  }
0x5b: {  	_ =	shalt  }
0x5c: {  	_ =	shalt  }
0x5d: {  	_ =	shalt  }
0x5e: {  	_ =	shalt  }
0x5f: {  	_ =	shalt  }
0x60: {  	_ =	shalt  }
0x61: {  	_ =	shalt  }
0x62: {  	_ =	shalt  }
0x63: {  	_ =	shalt  }
0x64: {  	_ =	shalt  }
0x65: {  	_ =	shalt  }
0x66: {  	_ =	shalt  }
0x67: {  	_ =	shalt  }
0x68: {  	_ =	shalt  }
0x69: {  	_ =	shalt  }
0x6a: {  	_ =	shalt  }
0x6b: {  	_ =	shalt  }
0x6c: {  	_ =	shalt  }
0x6d: {  	_ =	shalt  }
0x6e: {  	_ =	shalt  }
0x6f: {  	_ =	shalt  }
0x70: {  	_ =	shalt  }
0x71: {  	_ =	shalt  }
0x72: {  	_ =	shalt  }
0x73: {  	_ =	shalt  }
0x74: {  	_ =	shalt  }
0x75: {  	_ =	shalt  }
0x76: {  	_ =	shalt  }
0x77: {  	_ =	shalt  }
0x78: {  	_ =	shalt  }
0x79: {  	_ =	shalt  }
0x7a: {  	_ =	shalt  }
0x7b: {  	_ =	shalt  }
0x7c: {  	_ =	shalt  }
0x7d: {  	_ =	shalt  }
0x7e: {  	_ =	shalt  }
0x7f: {  	_ =	shalt  }
0x80: {  	_ =	shalt  }
0x81: {  	_ =	shalt  }
0x82: {  	_ =	shalt  }
0x83: {  	_ =	shalt  }
0x84: {  	_ =	shalt  }
0x85: {  	_ =	shalt  }
0x86: {  	_ =	shalt  }
0x87: {  	_ =	shalt  }
.Lfunc_end0:
.L_simem_size_0:
called_computation.1_lowered:
.L_overlay_start_0:
0x88: {  	s2 =	sld [smem:$0x3FD9]  }
0x89: {  	s3 =	sld [smem:$0x3FFE];
	_ =	sdelay $0x1  }
0x8a: {  	s1 =	srdreg.scid  }
0x8b: {  	s0 =	sand.u32 $0x1, s1  }
0x8c: {  	s14 =	sshll.u32 s0, $0xA;
	s2 =	sadd.s32 s3, s2  }
0x8d: {  	s2 =	sadd.s32 s2, s14  }
0x8e: {  	[smem:$0x3FBD] =	sst s2  }
0x8f: {  	_ = 	snop  }
0x90: {  	s2 =	sld [smem:$0x3FD0];
	_ =	sdelay $0x2  }
0x91: {  	s15 =	simm.s32 $0xA;
	s4 =	simm.s32 $0x10  }
0x92: {  	[smem:s4], [sflag:s15] =	dma.local [hbm:s2], $0x1  }
0x93: {  	_ =	swait.eq [sflag:s15], $0x1  }
0x94: {  	[sflag:s15] =	ssyncset.done $0x0  }
0x95: {  	[sflag:s15] =	ssyncadd.s32 $0xFFFFFFFF  }
0x96: {  	s16 =	sld [smem:$0x11];
	(tm) =	ssettm $0x1  }
0x97: {  	s17 =	sld [smem:$0x3FFB];
	_ =	sdelay $0x3  }
0x98: {  	_ =	strace s17  }
0x99: {  	s3 =	sld [smem:$0x3FFC];
	_ =	sdelay $0x3  }
0x9a: {  	_ =	strace s3  }
0x9b: {  	s3 =	sld [smem:$0x3FFD];
	_ =	sdelay $0x3  }
0x9c: {  	_ =	strace s3  }
0x9d: {  	_ =	strace $0x8FFFFFFF  }
0x9e: {  	s18 =	sld [smem:$0x3FDB];
	_ =	sdelay $0x1  }
0x9f: {  	s19 =	simm.s32 $_scs_section_size  }
0xa0: {  	s5 =	simm.s32 $_size__tile_overlayer_lowered;
	s6 =	simm.s32 $_tile_overlayer_lowered  }
0xa1: {  	s22 =	simm.s32 $0x1BFF;
	s21 =	sshll.u32 s6, $0x1;
	s3 =	sadd.s32 s19, s18  }
0xa2: {  	s7 =	simm.s32 $0x0;
	s20 =	sshll.u32 s5, $0x1;
	s5 =	sadd.s32 s21, s3  }
0xa3: {  	[timem:s7], [sflag:s22] =	dma.local [hbm:s5], s20  }
0xa4: {  	_ =	swait.ge [sflag:s22], s20  }
0xa5: {  	s4 =	ssub.s32 $0x0, s20;
	[sflag:s22] =	ssyncset.done $0x0  }
0xa6: {  	[sflag:s22] =	ssyncadd.s32 s4;
	_ =	sdelay $0x1  }
0xa7: {  	s23 =	simm.s32 $0x1B8B  }
0xa8: {  	_ =	swait.ge [sflag:s23], $0x1  }
0xa9: {  	[sflag:s23] =	ssyncset.done $0x0  }
0xaa: {  	s25 =	simm.s32 $0x1B8E;
	s24 =	sld [smem:$0x3FFE];
	[sflag:s23] =	ssyncadd.s32 $0xFFFFFFFF  }
0xab: {  	s26 =	simm.s32 $execute0_lowered;
	[smem:$0x3FD2] =	sst s25  }
0xac: {  	s5 =	sshll.u32 s26, $0x1;
	_ =	strace $0x80000049;
	[dreg:$0x1] =	wrdreg $0xFFFFFFFF  }
0xad: {  	s28 =	simm.s32 $_size_execute0_lowered;
	s3 =	sadd.s32 s3, s5;
	[dreg:$0x0] =	wrdreg $0x0  }
0xae: {  	s5 =	sshll.u32 s28, $0x1;
	[dreg:$0x2] =	wrdreg s3  }
0xaf: {  	[dreg:$0x3] =	wrdreg s5  }
0xb0: {  	[dreg:$0x4] =	wrdreg $0xC0  }
0xb1: {  	_ =	task [dreg:s7], $0x5FFFF  }
0xb2: {  	[dreg:$0x1] =	wrdreg $0xFFFFFFFF  }
0xb3: {  	[dreg:$0x0] =	wrdreg $0x60  }
0xb4: {  	[dreg:$0x2] =	wrdreg s24  }
0xb5: {  	[dreg:$0x3] =	wrdreg s16  }
0xb6: {  	[dreg:$0x4] =	wrdreg $0xE0000  }
0xb7: {  	[dreg:$0x5] =	wrdreg $0x9  }
0xb8: {  	_ =	task.clear_ibuf [dreg:s7], $0x6FFFF;
	_ =	strace $0x90000049  }
0xb9: {  	s29 =	simm.s32 $0x9;
	_ =	strace $0x8000004B  }
0xba: {  	_ =	swait.ge [sflag:s29], $0x1  }
0xbb: {  	[sflag:s29] =	ssyncadd.s32 $0xFFFFFFFF  }
0xbc: {  	_ =	strace $0x9000004B  }
0xbd: {  	_ =	sfence  }
0xbe: {  	s30 =	sld [smem:$0x0];
	_ =	sdelay $0x2  }
0xbf: {  	s31 =	sshll.u32 s1, $0xD;
	s1 =	sshrl.u32 s1, $0x2  }
0xc0: {  	s3 =	sand.u32 $0x4000, s31;
	s1 =	sadd.s32 s1, s30  }
0xc1: {  	s0 =	sor.u32 s3, s0;
	s1 =	sshll.u32 s1, $0x11  }
0xc2: {  	s0 =	sor.u32 s1, s0  }
0xc3: {  	s0 =	sadd.s32 $0x8F2B, s0  }
0xc4: {  	[sflag:s0] =	ssyncadd.remote.s32 $0x1  }
0xc5: {  	_ =	sfence.sel $0xFFFF  }
0xc6: {  	[dreg:$0x0] =	wrdreg $0xFFFFFFFF;
	(pc) =	sbr.abs _section_cstart, $3  }
0xc7: {  	[dreg:$0x1] =	wrdreg $0xFFFFFFFF  }
0xc8: {  	_ =	task.clear_ibuf [dreg:s7], $0x2FFFF;
	_ =	strace $0x9FFFFFFF  }
0xc9: {  	(tm) =	ssettm $0x7FFFFFFF  }
tec
execute0_lowered:
.L_overlay_start_1:
0x0: {  	(tag) =	ssettag $0x1  }
0x1: {  	s1 =	rddreg [dreg:$0x0];
	s0 =	srdreg.scid  }
0x2: {  	s13 =	rddreg [dreg:$0x1];
	s26 =	stileid.u32  }
0x3: {  	s2 =	rddreg [dreg:$0x2];
	s11 =	simm.s32 $0x0;
	s16 =	simm.s32 $0xA000  }
0x4: {  	s17 =	simm.s32 $0x5;
	s19 =	simm.s32 $0x1;
	s5 =	smul.u32 $0x5000, s26  }
0x5: {  	s20 =	simm.s32 $0x40;
	s21 =	simm.s32 $0xC000;
	s8 =	smul.u32 $0xA000, s26  }
0x6: {  	s22 =	simm.s32 $0x3;
	s6 =	sand.u32 $0x1, s0;
	s10 =	smul.u32 $0x28000, s26  }
0x7: {  	s23 =	simm.s32 $0x2;
	s24 =	simm.s32 $0x4;
	s4 =	smul.u32 $0x50000, s6  }
0x8: {  	s25 =	simm.s32 $0x0;
	[smem:$0x7FF] =	sst s11;
	s7 =	smul.u32 $0xA0000, s6  }
0x9: {  	_ =	strace $0x8000004A;
	s28 =	ssub.s32 $0x2, s6;
	s29 =	sshrl.u32 s10, $0x2  }
0xa: {  	s30 =	sshrl.u32 s28, $0x1;
	s4 =	sadd.s32 s5, s4;
	s5 =	sadd.s32 $0x56400, s1  }
0xb: {  	s7 =	sadd.s32 s8, s7;
	s6 =	sadd.s32 s29, s2;
	s15 =	ssub.s32 s28, s30  }
0xc: {  	s9 =	sshrl.u32 s4, $0x3;
	s4 =	sadd.s32 $0x2F200, s1;
	s14 =	sshrl.u32 s7, $0x3  }
0xd: {  	s7 =	sadd.s32 $0x2000, s6;
	s8 =	sadd.s32 $0x4000, s6;
	s10 =	sadd.s32 $0x8000, s6  }
0xe: {  	s15 =	smax.u32 s15, $0x1;
	s12 =	sadd.s32 s9, s1;
	s1 =	sadd.s32 s14, s1  }
0xf: {  	s9 =	sadd.s32 $0x6000, s6;
	s13 =	sadd.s32 s13, s14;
	s31 =	sadd.s32 $0x1B200, s12  }
0x10: {  	v0 =	vimm.f32 $0.0e+00;
	v1 =	vimm.s32 $0x0;
	s12 =	sadd.s32 $0x2200, s12;
	s14 =	sadd.s32 $0x7D600, s1;
	[dreg:$0x4] =	wrdreg s31  }
.LBB2_1:
0x11: {  	s1 =	simm.s32 $0x0;
	s18 =	simm.s32 $0x200  }
.LBB2_2:
0x12: {  	p0 =	sne.s32 s18, $0x7E00;
	[tilespmem:s1+$0xA070] =	vst v0  }
0x13: {  	[tilespmem:s1+$0xA000] =	vst v0  }
0x14: {  	[tilespmem:s1+$0xA010] =	vst v0  }
.Ltmp0:
0x15: {  	[tilespmem:s1+$0xA020] =	vst v0;
	(pc) =	sbr.rel @p0 .LBB2_2-.Ltmp0, $4  }
0x16: {  	[tilespmem:s1+$0xA030] =	vst v0  }
0x17: {  	[tilespmem:s1+$0xA040] =	vst v0  }
0x18: {  	[tilespmem:s1+$0xA050] =	vst v0  }
0x19: {  	[tilespmem:s1+$0xA060] =	vst v0;
	s1 =	sshra.s32 s18, $0x2;
	s18 =	sadd.s32 $0x200, s18  }
0x1a: {  	[tilespmem:s1+$0xA070] =	vst v0  }
0x1b: {  	[tilespmem:s1+$0xA000] =	vst v0  }
0x1c: {  	[tilespmem:s1+$0xA010] =	vst v0  }
0x1d: {  	[tilespmem:s1+$0xA020] =	vst v0  }
0x1e: {  	[tilespmem:s1+$0xA030] =	vst v0  }
0x1f: {  	[tilespmem:s1+$0xA040] =	vst v0  }
0x20: {  	[tilespmem:s1+$0xA050] =	vst v0  }
0x21: {  	[tilespmem:s1+$0xA060] =	vst v0  }
0x22: {  	[spmem:s6] =	stream.linear.scatter [tilespmem:s16], [sflag:$0x5], $0x2000, $0x38;
	[tilespmem:$0x18000] =	vst v63  }
0x23: {  	_ =	swait.ge [sflag:s17], $0x2000  }
0x24: {  	[sflag:s17] =	ssyncset.done $0x0  }
0x25: {  	[sflag:s17] =	ssyncadd.s32 $0xFFFFE000  }
0x26: {  	[spmem:s7] =	stream.linear.scatter [tilespmem:s16], [sflag:$0x5], $0x2000, $0x38;
	[tilespmem:$0x18000] =	vst v63  }
0x27: {  	_ =	swait.ge [sflag:s17], $0x2000  }
0x28: {  	[sflag:s17] =	ssyncset.done $0x0  }
0x29: {  	[sflag:s17] =	ssyncadd.s32 $0xFFFFE000  }
0x2a: {  	[spmem:s8] =	stream.linear.scatter [tilespmem:s16], [sflag:$0x5], $0x2000, $0x38;
	[tilespmem:$0x18000] =	vst v63  }
0x2b: {  	_ =	swait.ge [sflag:s17], $0x2000  }
0x2c: {  	[sflag:s17] =	ssyncset.done $0x0  }
0x2d: {  	[sflag:s17] =	ssyncadd.s32 $0xFFFFE000  }
0x2e: {  	[spmem:s9] =	stream.linear.scatter [tilespmem:s16], [sflag:$0x5], $0x2000, $0x38;
	[tilespmem:$0x18000] =	vst v63  }
0x2f: {  	_ =	swait.ge [sflag:s17], $0x2000  }
0x30: {  	[sflag:s17] =	ssyncset.done $0x0  }
0x31: {  	[sflag:s17] =	ssyncadd.s32 $0xFFFFE000  }
0x32: {  	[spmem:s10] =	stream.linear.scatter [tilespmem:s16], [sflag:$0x5], $0x2000, $0x38;
	[tilespmem:$0x18000] =	vst v63  }
0x33: {  	_ =	swait.ge [sflag:s17], $0x2000  }
0x34: {  	[sflag:s17] =	ssyncset.done $0x0  }
0x35: {  	s26 =	simm.s32 $0x0;
	s0 =	rddreg [dreg:$0x4];
	[sflag:s17] =	ssyncadd.s32 $0xFFFFE000  }
0x36: {  	[tilespmem:s26], [sflag:$0x5] =	stream.linear.gather [hbm4b:s0+s26], $0x5000, $0x38;
	[tilespmem:$0x18000] =	vst v63  }
0x37: {  	_ =	swait.ge [sflag:s17], $0x5000  }
0x38: {  	[sflag:s17] =	ssyncset.done $0x0  }
0x39: {  	s18 =	simm.s32 $0x5000;
	[sflag:s17] =	ssyncadd.s32 $0xFFFFB000  }
0x3a: {  	[tilespmem:s18], [sflag:$0x5] =	stream.linear.gather [hbm4b:s12+s26], $0x5000, $0x38;
	[tilespmem:$0x18000] =	vst v63  }
0x3b: {  	_ =	swait.ge [sflag:s17], $0x5000  }
0x3c: {  	[sflag:s17] =	ssyncset.done $0x0  }
0x3d: {  	s28 =	simm.s32 $0x0;
	[sflag:s17] =	ssyncadd.s32 $0xFFFFB000  }
0x3e: {  	v2 =	vld [tilespmem:s28+$0x5000]  }
0x3f: {  	v3 =	vld [tilespmem:s28+$0x5010]  }
0x40: {  	v4 =	vld [tilespmem:s28+$0x5020]  }
0x41: {  	v5 =	vld [tilespmem:s28+$0x5030]  }
0x42: {  	s29 =	simm.s32 $0x80  }
0x43: {  	v6 =	vld [tilespmem:s29+$0x5000]  }
0x44: {  	vm0 =	vlt.s32 v2, $0x1388;
	v2 =	vld [tilespmem:s29+$0x5010]  }
0x45: {  	vm1 =	vlt.s32 v3, $0x1388;
	vm14 =	vlt.s32 v4, $0x1388;
	v4 =	vld [tilespmem:s29+$0x5020]  }
0x46: {  	vm15 =	vlt.s32 v5, $0x1388;
	v5 =	vld [tilespmem:s29+$0x5030];
	v3 =	vsel vm0, $0x1, v1;
	v7 =	vsel vm1, $0x1, v1  }
0x47: {  	v3 =	vadd.s32 v3, v7;
	v7 =	vsel vm14, $0x1, v1  }
0x48: {  	v3 =	vadd.s32 v7, v3;
	v7 =	vsel vm15, $0x1, v1  }
0x49: {  	s30 =	simm.s32 $0x100;
	vm4 =	vlt.s32 v6, $0x1388;
	v3 =	vadd.s32 v7, v3;
	vm5 =	vlt.s32 v2, $0x1388  }
0x4a: {  	v8 =	vld [tilespmem:s30+$0x5000];
	(xrf0) =	vadd.scan.msk.s32 $0xffff, v3;
	v3 =	vsel vm4, $0x1, v1;
	vm6 =	vlt.s32 v4, $0x1388;
	v6 =	vsel vm5, $0x1, v1  }
0x4b: {  	vm7 =	vlt.s32 v5, $0x1388;
	v3 =	vadd.s32 v3, v6;
	v6 =	vsel vm6, $0x1, v1  }
0x4c: {  	v7 =	vld [tilespmem:s30+$0x5010];
	v3 =	vadd.s32 v6, v3;
	v6 =	vsel vm7, $0x1, v1  }
0x4d: {  	v3 =	vadd.s32 v6, v3  }
0x4e: {  	s31 =	simm.s32 $0x180;
	v2 =	vld [tilespmem:s30+$0x5020];
	(xrf0) =	vadd.scan.msk.s32 $0xffff, v3  }
0x4f: {  	vm8 =	vlt.s32 v8, $0x1388;
	v8 =	vld [tilespmem:s31+$0x5030]  }
0x50: {  	v3 =	vsel vm8, $0x1, v1  }
0x51: {  	v4 =	vld [tilespmem:s30+$0x5030];
	vm9 =	vlt.s32 v7, $0x1388  }
0x52: {  	v7 =	vsel vm9, $0x1, v1  }
0x53: {  	v9 =	vld [tilespmem:s31+$0x5010];
	vm10 =	vlt.s32 v2, $0x1388;
	v2 =	vadd.s32 v3, v7;
	v3, _, _ =	vpop (xrf0)  }
0x54: {  	v5 =	vld [tilespmem:s31+$0x5000];
	vm15 =	vlt.s32 v8, $0x1388;
	(v2sf) =	vpush v3, $0xF;
	v8, _, _ =	vpop (xrf0)  }
0x55: {  	(v2sf) =	vpush v8, $0xF  }
0x56: {  	v6 =	vld [tilespmem:s31+$0x5020];
	vm11 =	vlt.s32 v4, $0x1388;
	v7 =	vsel vm10, $0x1, v1  }
0x57: {  	v4 =	vadd.s32 v7, v2;
	v7 =	vsel vm11, $0x1, v1  }
0x58: {  	v7 =	vadd.s32 v7, v4  }
0x59: {  	s18 =	simm.s32 $0x200;
	vm13 =	vlt.s32 v9, $0x1388;
	vm12 =	vlt.s32 v5, $0x1388;
	(xrf0) =	vadd.scan.msk.s32 $0xffff, v7  }
0x5a: {  	v5 =	vsel vm13, $0x1, v1;
	v2 =	vld [tilespmem:s18+$0x5000];
	v3 =	vsel vm12, $0x1, v1  }
0x5b: {  	vm14 =	vlt.s32 v6, $0x1388;
	v5 =	vadd.s32 v3, v5;
	v3 =	vld [tilespmem:s18+$0x5010]  }
0x5c: {  	v4 =	vld [tilespmem:s18+$0x5020];
	v6 =	vsel vm14, $0x1, v1  }
0x5d: {  	v63 =	vsel vm15, $0x1, v1;
	v6 =	vadd.s32 v6, v5;
	v5 =	vld [tilespmem:s18+$0x5030]  }
0x5e: {  	s1 =	simm.s32 $0xA00;
	v6 =	vadd.s32 v63, v6  }
.LBB2_4:
0x5f: {  	s18 =	sshra.s32 s1, $0x2;
	(xrf0) =	vadd.scan.msk.s32 $0xffff, v6;
	v6, _, _ =	vpop (xrf0);
	p0 =	sne.s32 s1, $0x13E00  }
.Ltmp1:
0x60: {  	s1 =	sadd.s32 $0x200, s1;
	vm0 =	vlt.s32 v2, $0x1388;
	v2 =	vld [tilespmem:s18+$0x5000];
	vm1 =	vlt.s32 v3, $0x1388;
	(v2sf) =	vpush v6, $0xF;
	(pc) =	sbr.rel @p0 .LBB2_4-.Ltmp1, $4  }
0x61: {  	v6 =	vsel vm0, $0x1, v1;
	v3 =	vld [tilespmem:s18+$0x5010];
	v7 =	vsel vm1, $0x1, v1;
	vm0 =	vlt.s32 v4, $0x1388  }
0x62: {  	v4 =	vld [tilespmem:s18+$0x5020];
	v6 =	vadd.s32 v6, v7;
	v7 =	vsel vm0, $0x1, v1;
	vm0 =	vlt.s32 v5, $0x1388  }
0x63: {  	v5 =	vld [tilespmem:s18+$0x5030];
	v6 =	vadd.s32 v7, v6;
	v7 =	vsel vm0, $0x1, v1;
	s18 =	spop (v2sf)  }
0x64: {  	v6 =	vadd.s32 v7, v6;
	s26 =	sadd.s32 s26, s18  }
0x65: {  	_ = 	snop  }
0x66: {  	vm0 =	vlt.s32 v2, $0x1388;
	vm1 =	vlt.s32 v3, $0x1388  }
0x67: {  	v2 =	vsel vm0, $0x1, v1;
	v3 =	vsel vm1, $0x1, v1;
	vm14 =	vlt.s32 v4, $0x1388  }
0x68: {  	v2 =	vadd.s32 v2, v3;
	v3 =	vsel vm14, $0x1, v1;
	vm15 =	vlt.s32 v5, $0x1388  }
0x69: {  	v2 =	vadd.s32 v3, v2;
	v3 =	vsel vm15, $0x1, v1  }
0x6a: {  	(xrf0) =	vadd.scan.msk.s32 $0xffff, v6;
	v2 =	vadd.s32 v3, v2  }
0x6b: {  	(xrf0) =	vadd.scan.msk.s32 $0xffff, v2;
	_ =	sdelay $0x3  }
0x6c: {  	v2, _, _ =	vpop (xrf0)  }
0x6d: {  	(v2sf) =	vpush v2, $0xF;
	v2, _, _ =	vpop (xrf0)  }
0x6e: {  	(v2sf) =	vpush v2, $0xF;
	v2, _, _ =	vpop (xrf0)  }
0x6f: {  	(v2sf) =	vpush v2, $0xF;
	_ =	sdelay $0xa  }
0x70: {  	s1 =	spop (v2sf)  }
0x71: {  	s1 =	sadd.s32 s26, s1;
	s18 =	spop (v2sf)  }
0x72: {  	s1 =	sadd.s32 s1, s18;
	s0 =	spop (v2sf)  }
0x73: {  	s1 =	sadd.s32 s1, s0;
	s3 =	spop (v2sf)  }
0x74: {  	s1 =	sadd.s32 s1, s3;
	s26 =	spop (v2sf)  }
0x75: {  	s1 =	sadd.s32 s1, s26  }
0x76: {  	[bflag:$0x0] =	sbarrier.arrive $0xFFFF;
	s1 =	sadd.s32 $0x3F, s1  }
0x77: {  	[tilespmem:s16], [sflag:$0x1] =	stream.indirect.gather [hbm4b:s4+s20], $0x80, s11, s20, $0xb8;
	[tilespmem:$0x18000] =	vst v63  }
0x78: {  	s0 =	sand.u32 $0x3F, s1  }
0x79: {  	s3 =	sshra.s32 s1, $0x1F;
	p0 =	slt.s32 s1, $0x1;
	p1 =	sne.s32 s0, $0x0  }
0x7a: {  	s18 =	simm.s32 $0x1;
	s0 =	sshrl.u32 s3, $0x1A;
	p0 =	por !p0, !p1  }
0x7b: {  	s1 =	sadd.s32 s0, s1;
	s0 =	simm.s32 $0x80;
	p0 =	por !p0, !p0  }
0x7c: {  	[tilespmem:s21], [sflag:$0x2] =	stream.indirect.gather [hbm4b:s4+s20], $0x80, s0, s20, $0xb8;
	[tilespmem:$0x18000] =	vst v63  }
0x7d: {  	s1 =	sshra.s32 s1, $0x6;
	s18 =	simm.s32 @!p0 $0x0  }
0x7e: {  	_ =	swait.ge [sflag:s19], $0x2000;
	s1 =	ssub.s32 s1, s18  }
0x7f: {  	[sflag:s19] =	ssyncset.done $0x0;
	s18 =	sadd.s32 $0x1, s1  }
0x80: {  	s29 =	simm.s32 $0x5000;
	[sflag:s19] =	ssyncadd.s32 $0xFFFFE000;
	s3 =	sand.u32 $0x1, s18  }
0x81: {  	[spmem:s2] =	stream.indirect.scatter.add.f32 [tilespmem:s16], [sflag:$0x3], $0x80, s29, s20, $0xb8;
	[tilespmem:$0x18000] =	vst v63  }
0x82: {  	p5 =	slt.s32 s1, $0x0;
	p6 =	seq.s32 s3, $0x1  }
0x83: {  	s26 =	sshrl.u32 s18, $0x1F;
	p0 =	por !p5, !p6  }
0x84: {  	s1 =	sadd.s32 s26, s18;
	s18 =	simm.s32 $0x1;
	p0 =	por !p0, !p0  }
0x85: {  	s1 =	sshrl.u32 s1, $0x1;
	s18 =	simm.s32 @!p0 $0x0  }
0x86: {  	s1 =	ssub.s32 s1, s18  }
0x87: {  	s26 =	sshll.u32 s1, $0x1  }
0x88: {  	_ =	swait.ge [sflag:s22], $0x2000;
	p0 =	sgt.s32 s26, $0x2  }
0x89: {  	[sflag:s22] =	ssyncset.done $0x0;
	s26 =	simm.s32 @!p0 $0x2  }
0x8a: {  	[sflag:s22] =	ssyncadd.s32 $0xFFFFE000;
	p0 =	sle.u32 s26, $0x2;
	s3 =	sshrl.u32 s26, $0x1  }
0x8b: {  	s1 =	simm.s32 @!p0 $0x100;
	s18 =	simm.s32 @!p0 $0x40;
	s28 =	simm.s32 @!p0 $0xA000  }
0x8c: {  	[tilespmem:s28], [sflag:$0x1] =	stream.indirect.gather @!p0 [hbm4b:s4+s18], $0x80, s1, s18, $0xb8;
	[tilespmem:$0x18000] =	vst v63  }
0x8d: {  	s28 =	ssub.s32 $0x0, s3  }
0x8e: {  	s30 =	sadd.s32 $0x1, s28  }
0x8f: {  	p0 =	seq.s32 s30, $0x0  }
.Ltmp2:
0x90: {  	_ =	swait.ge [sflag:s23], $0x2000;
	(pc) =	sbr.rel @p0 .LBB2_7-.Ltmp2, $4  }
0x91: {  	[sflag:s23] =	ssyncset.done $0x0  }
0x92: {  	s18 =	simm.s32 $0x5080;
	[sflag:s23] =	ssyncadd.s32 $0xFFFFE000  }
0x93: {  	[spmem:s2] =	stream.indirect.scatter.add.f32 [tilespmem:s21], [sflag:$0x4], $0x80, s18, s20, $0xb8;
	[tilespmem:$0x18000] =	vst v63  }
0x94: {  	s31 =	simm.s32 $0x180;
	s1 =	simm.s32 $0x4;
	_ =	swait.ge [sflag:s24], $0x2000  }
.LBB2_6:
0x95: {  	s30 =	sadd.s32 $0x1, s30;
	[sflag:s24] =	ssyncset.done $0x0;
	s29 =	sadd.s32 $0x100, s29  }
0x96: {  	p0 =	seq.s32 s30, $0x0;
	[sflag:s24] =	ssyncadd.s32 $0xFFFFE000  }
0x97: {  	[tilespmem:s21], [sflag:$0x2] =	stream.indirect.gather [hbm4b:s4+s20], $0x80, s31, s20, $0xb8;
	[tilespmem:$0x18000] =	vst v63  }
0x98: {  	_ =	swait.ge [sflag:s19], $0x2000  }
0x99: {  	[sflag:s19] =	ssyncset.done $0x0  }
0x9a: {  	[sflag:s19] =	ssyncadd.s32 $0xFFFFE000  }
0x9b: {  	[spmem:s2] =	stream.indirect.scatter.add.f32 [tilespmem:s16], [sflag:$0x3], $0x80, s29, s20, $0xb8;
	[tilespmem:$0x18000] =	vst v63  }
0x9c: {  	p1 =	sge.u32 s1, s26;
	_ =	swait.ge [sflag:s22], $0x2000  }
0x9d: {  	s18 =	sadd.s32 @!p1 $0x80, s31;
	s0 =	simm.s32 @!p1 $0x40;
	[sflag:s22] =	ssyncset.done $0x0  }
0x9e: {  	s3 =	simm.s32 @!p1 $0xA000;
	[sflag:s22] =	ssyncadd.s32 $0xFFFFE000  }
0x9f: {  	[tilespmem:s3], [sflag:$0x1] =	stream.indirect.gather @!p1 [hbm4b:s4+s0], $0x80, s18, s0, $0xb8;
	[tilespmem:$0x18000] =	vst v63  }
.Ltmp3:
0xa0: {  	_ =	swait.ge [sflag:s23], $0x2000;
	(pc) =	sbr.rel @!p0 .LBB2_6-.Ltmp3, $4  }
0xa1: {  	s0 =	sadd.s32 $0x80, s29;
	[sflag:s23] =	ssyncset.done $0x0  }
0xa2: {  	[sflag:s23] =	ssyncadd.s32 $0xFFFFE000  }
0xa3: {  	[spmem:s2] =	stream.indirect.scatter.add.f32 [tilespmem:s21], [sflag:$0x4], $0x80, s0, s20, $0xb8;
	[tilespmem:$0x18000] =	vst v63  }
0xa4: {  	s1 =	sadd.s32 $0x2, s1;
	s31 =	sadd.s32 $0x100, s31;
	_ =	swait.ge [sflag:s24], $0x2000  }
.LBB2_7:
0xa5: {  	[sflag:s24] =	ssyncset.done $0x0;
	s0 =	stileid.u32  }
0xa6: {  	[sflag:s24] =	ssyncadd.s32 $0xFFFFE000;
	s0 =	sshll.u32 s0, $0x6  }
0xa7: {  	s30 =	sshrl.u32 s6, $0x3;
	[bflag:$0x0] =	sbarrier.arrive $0xFFFF;
	s29 =	sor.u32 $0x1C05, s0  }
0xa8: {  	[hbm:s13], [sflag:s29] =	dma.local [spmem:s30], $0x1400  }
0xa9: {  	_ =	swait.ge [sflag:s17], $0x1400  }
0xaa: {  	[sflag:s17] =	ssyncset.done $0x0  }
0xab: {  	s1 =	simm.s32 $0x0;
	s18 =	simm.s32 $0x200;
	[sflag:s17] =	ssyncadd.s32 $0xFFFFEC00  }
.LBB2_8:
0xac: {  	p0 =	sne.s32 s18, $0x7E00;
	[tilespmem:s1+$0xA070] =	vst v0  }
0xad: {  	[tilespmem:s1+$0xA000] =	vst v0  }
0xae: {  	[tilespmem:s1+$0xA010] =	vst v0  }
.Ltmp4:
0xaf: {  	[tilespmem:s1+$0xA020] =	vst v0;
	(pc) =	sbr.rel @p0 .LBB2_8-.Ltmp4, $4  }
0xb0: {  	[tilespmem:s1+$0xA030] =	vst v0  }
0xb1: {  	[tilespmem:s1+$0xA040] =	vst v0  }
0xb2: {  	[tilespmem:s1+$0xA050] =	vst v0  }
0xb3: {  	[tilespmem:s1+$0xA060] =	vst v0;
	s1 =	sshra.s32 s18, $0x2;
	s18 =	sadd.s32 $0x200, s18  }
0xb4: {  	[tilespmem:s1+$0xA070] =	vst v0  }
0xb5: {  	[tilespmem:s1+$0xA000] =	vst v0  }
0xb6: {  	[tilespmem:s1+$0xA010] =	vst v0  }
0xb7: {  	[tilespmem:s1+$0xA020] =	vst v0  }
0xb8: {  	[tilespmem:s1+$0xA030] =	vst v0  }
0xb9: {  	[tilespmem:s1+$0xA040] =	vst v0  }
0xba: {  	[tilespmem:s1+$0xA050] =	vst v0  }
0xbb: {  	[tilespmem:s1+$0xA060] =	vst v0  }
0xbc: {  	[spmem:s6] =	stream.linear.scatter [tilespmem:s16], [sflag:$0x5], $0x2000, $0x38;
	[tilespmem:$0x18000] =	vst v63  }
0xbd: {  	_ =	swait.ge [sflag:s17], $0x2000  }
0xbe: {  	[sflag:s17] =	ssyncset.done $0x0  }
0xbf: {  	[sflag:s17] =	ssyncadd.s32 $0xFFFFE000  }
0xc0: {  	[spmem:s7] =	stream.linear.scatter [tilespmem:s16], [sflag:$0x5], $0x2000, $0x38;
	[tilespmem:$0x18000] =	vst v63  }
0xc1: {  	_ =	swait.ge [sflag:s17], $0x2000  }
0xc2: {  	[sflag:s17] =	ssyncset.done $0x0  }
0xc3: {  	[sflag:s17] =	ssyncadd.s32 $0xFFFFE000  }
0xc4: {  	[spmem:s8] =	stream.linear.scatter [tilespmem:s16], [sflag:$0x5], $0x2000, $0x38;
	[tilespmem:$0x18000] =	vst v63  }
0xc5: {  	_ =	swait.ge [sflag:s17], $0x2000  }
0xc6: {  	[sflag:s17] =	ssyncset.done $0x0  }
0xc7: {  	[sflag:s17] =	ssyncadd.s32 $0xFFFFE000  }
0xc8: {  	[spmem:s9] =	stream.linear.scatter [tilespmem:s16], [sflag:$0x5], $0x2000, $0x38;
	[tilespmem:$0x18000] =	vst v63  }
0xc9: {  	_ =	swait.ge [sflag:s17], $0x2000  }
0xca: {  	[sflag:s17] =	ssyncset.done $0x0  }
0xcb: {  	[sflag:s17] =	ssyncadd.s32 $0xFFFFE000  }
0xcc: {  	[spmem:s10] =	stream.linear.scatter [tilespmem:s16], [sflag:$0x5], $0x2000, $0x38;
	[tilespmem:$0x18000] =	vst v63  }
0xcd: {  	_ =	swait.ge [sflag:s17], $0x2000  }
0xce: {  	[sflag:s17] =	ssyncset.done $0x0  }
0xcf: {  	[sflag:s17] =	ssyncadd.s32 $0xFFFFE000  }
0xd0: {  	[bflag:$0x0] =	sbarrier.arrive $0xFFFF  }
0xd1: {  	[tilespmem:s16], [sflag:$0x1] =	stream.indirect.gather [hbm4b:s5+s20], $0x80, s11, s20, $0xb8;
	[tilespmem:$0x18000] =	vst v63  }
0xd2: {  	s0 =	simm.s32 $0x80  }
0xd3: {  	[tilespmem:s21], [sflag:$0x2] =	stream.indirect.gather [hbm4b:s5+s20], $0x80, s0, s20, $0xb8;
	[tilespmem:$0x18000] =	vst v63  }
0xd4: {  	_ =	swait.ge [sflag:s19], $0x2000  }
0xd5: {  	[sflag:s19] =	ssyncset.done $0x0  }
0xd6: {  	s31 =	simm.s32 $0x5000;
	[sflag:s19] =	ssyncadd.s32 $0xFFFFE000  }
0xd7: {  	[spmem:s2] =	stream.indirect.scatter.add.f32 [tilespmem:s16], [sflag:$0x3], $0x80, s31, s20, $0xb8;
	[tilespmem:$0x18000] =	vst v63  }
0xd8: {  	p0 =	sle.u32 s26, $0x2;
	_ =	swait.ge [sflag:s22], $0x2000  }
0xd9: {  	s28 =	sadd.s32 $0x1, s28;
	s1 =	simm.s32 @!p0 $0x40;
	[sflag:s22] =	ssyncset.done $0x0  }
0xda: {  	s3 =	simm.s32 @!p0 $0xA000;
	s0 =	simm.s32 @!p0 $0x100;
	[sflag:s22] =	ssyncadd.s32 $0xFFFFE000  }
0xdb: {  	[tilespmem:s3], [sflag:$0x1] =	stream.indirect.gather @!p0 [hbm4b:s5+s1], $0x80, s0, s1, $0xb8;
	[tilespmem:$0x18000] =	vst v63  }
0xdc: {  	p0 =	seq.s32 s28, $0x0  }
.Ltmp5:
0xdd: {  	_ =	swait.ge [sflag:s23], $0x2000;
	(pc) =	sbr.rel @p0 .LBB2_11-.Ltmp5, $4  }
0xde: {  	[sflag:s23] =	ssyncset.done $0x0  }
0xdf: {  	s18 =	simm.s32 $0x5080;
	[sflag:s23] =	ssyncadd.s32 $0xFFFFE000  }
0xe0: {  	[spmem:s2] =	stream.indirect.scatter.add.f32 [tilespmem:s21], [sflag:$0x4], $0x80, s18, s20, $0xb8;
	[tilespmem:$0x18000] =	vst v63  }
0xe1: {  	s1 =	simm.s32 $0x180;
	s18 =	simm.s32 $0x4;
	_ =	swait.ge [sflag:s24], $0x2000  }
.LBB2_10:
0xe2: {  	s28 =	sadd.s32 $0x1, s28;
	[sflag:s24] =	ssyncset.done $0x0;
	s31 =	sadd.s32 $0x100, s31  }
0xe3: {  	p0 =	seq.s32 s28, $0x0;
	[sflag:s24] =	ssyncadd.s32 $0xFFFFE000  }
0xe4: {  	[tilespmem:s21], [sflag:$0x2] =	stream.indirect.gather [hbm4b:s5+s20], $0x80, s1, s20, $0xb8;
	[tilespmem:$0x18000] =	vst v63  }
0xe5: {  	_ =	swait.ge [sflag:s19], $0x2000  }
0xe6: {  	[sflag:s19] =	ssyncset.done $0x0  }
0xe7: {  	[sflag:s19] =	ssyncadd.s32 $0xFFFFE000  }
0xe8: {  	[spmem:s2] =	stream.indirect.scatter.add.f32 [tilespmem:s16], [sflag:$0x3], $0x80, s31, s20, $0xb8;
	[tilespmem:$0x18000] =	vst v63  }
0xe9: {  	p1 =	sge.u32 s18, s26;
	_ =	swait.ge [sflag:s22], $0x2000  }
0xea: {  	s0 =	sadd.s32 @!p1 $0x80, s1;
	s3 =	simm.s32 @!p1 $0x40;
	[sflag:s22] =	ssyncset.done $0x0  }
0xeb: {  	s11 =	simm.s32 @!p1 $0xA000;
	[sflag:s22] =	ssyncadd.s32 $0xFFFFE000  }
0xec: {  	[tilespmem:s11], [sflag:$0x1] =	stream.indirect.gather @!p1 [hbm4b:s5+s3], $0x80, s0, s3, $0xb8;
	[tilespmem:$0x18000] =	vst v63  }
.Ltmp6:
0xed: {  	_ =	swait.ge [sflag:s23], $0x2000;
	(pc) =	sbr.rel @!p0 .LBB2_10-.Ltmp6, $4  }
0xee: {  	s0 =	sadd.s32 $0x80, s31;
	[sflag:s23] =	ssyncset.done $0x0  }
0xef: {  	[sflag:s23] =	ssyncadd.s32 $0xFFFFE000  }
0xf0: {  	[spmem:s2] =	stream.indirect.scatter.add.f32 [tilespmem:s21], [sflag:$0x4], $0x80, s0, s20, $0xb8;
	[tilespmem:$0x18000] =	vst v63  }
0xf1: {  	s18 =	sadd.s32 $0x2, s18;
	s1 =	sadd.s32 $0x100, s1;
	_ =	swait.ge [sflag:s24], $0x2000  }
.LBB2_11:
0xf2: {  	[sflag:s24] =	ssyncset.done $0x0;
	s25 =	sadd.s32 $0x1, s25  }
0xf3: {  	[sflag:s24] =	ssyncadd.s32 $0xFFFFE000;
	p0 =	sne.s32 s25, s15  }
.Ltmp7:
0xf4: {  	[bflag:$0x0] =	sbarrier.arrive $0xFFFF;
	(pc) =	sbr.rel @p0 .LBB2_1-.Ltmp7, $4  }
0xf5: {  	[hbm:s14], [sflag:s29] =	dma.local [spmem:s30], $0x1400  }
0xf6: {  	_ =	swait.ge [sflag:s17], $0x1400  }
0xf7: {  	[sflag:s17] =	ssyncset.done $0x0  }
0xf8: {  	s11 =	simm.s32 $0x0;
	[sflag:s17] =	ssyncadd.s32 $0xFFFFEC00  }
0xf9: {  	_ =	sfence.sel $0x180000  }
0xfa: {  	[bflag:$0x0] =	sbarrier.arrive $0xFFFF  }
0xfb: {  	_ =	strace $0x9000004A  }
0xfc: {  	s0 =	stileid.u32;
	[bflag:$0x2] =	sbarrier.arrive $0xFFFF  }
0xfd: {  	p0 =	sne.s32 s0, $0x0;
	s0 =	rddreg [dreg:$0x3]  }
0xfe: {  	s0 =	sadd.s32 @!p0 $0x100000, s0  }
0xff: {  	[sflag:s0] =	ssyncadd.tile.s32 @!p0 $0x1;
	_ =	shalt  }
.Lfunc_end2:
_tile_overlayer_lowered:
.L_overlay_start_2:
0x100: {  	(tag) =	ssettag $0x2  }
0x101: {  	s0 =	rddreg [dreg:$0x0];
	s2 =	stileid.u32  }
0x102: {  	s1 =	rddreg [dreg:$0x1];
	p0 =	sne.s32 s2, $0x0  }
0x103: {  	s3 =	rddreg [dreg:$0x2];
	[bflag:$0x3] =	sbarrier.arrive $0xFFFF;
	s2 =	simm.s32 @!p0 $0x1C05  }
0x104: {  	[timem:s3], [sflag:s2] =	dma.local @!p0 [hbm:s0], s1  }
0x105: {  	s0 =	simm.s32 @!p0 $0x5  }
0x106: {  	_ =	swait.ge @!p0 [sflag:s0], s1  }
0x107: {  	s1 =	ssub.s32 @!p0 $0x0, s1;
	[sflag:s0] =	ssyncset.done @!p0 $0x0  }
0x108: {  	[sflag:s0] =	ssyncadd.s32 @!p0 s1  }
0x109: {  	[bflag:$0x3] =	sbarrier.arrive $0xFFFF  }
0x10a: {  	_ =	shalt  }

// kernel: kernel.13.cloned.1.call-start
scs
__scs_entry_jumppad:
0x0: {  	(pc) =	sbr.rel $0x88, $3  }
0x1: {  	(tag) =	ssettag $0x0;
	lr =	simm.s32 $0x1  }
0x2: {  	[smem:$0x3F96] =	sst lr;
	_ =	strace $0xD0000000  }
0x3: {  	_ = 	snop  }
0x4: {  	_ = 	snop  }
0x5: {  	_ = 	snop  }
0x6: {  	_ = 	snop  }
0x7: {  	_ = 	snop  }
__scs_overlays_trampoline_lowered:
0x8: {  	[smem:$0x3FA5] =	sst s0  }
0x9: {  	[smem:$0x3FA6] =	sst s1  }
0xa: {  	[smem:$0x3FA7] =	sst s2  }
0xb: {  	[smem:$0x3FA8] =	sst s3  }
0xc: {  	[smem:$0x3FA9] =	sst s4  }
0xd: {  	[smem:$0x3FAA] =	sst s5  }
0xe: {  	[smem:$0x3FAB] =	sst s6  }
0xf: {  	[smem:$0x3FAC] =	sst s7  }
0x10: {  	[smem:$0x3FAD] =	sst s8  }
0x11: {  	[smem:$0x3FAE] =	sst s9;
	s0 =	simm.s32 @!p0 $0x0  }
0x12: {  	s1 =	sld [smem:$0x3F94];
	s0 =	simm.s32 @p0 $0x1  }
0x13: {  	[smem:$0x3FAF] =	sst s0;
	s0 =	simm.s32 @!p1 $0x0  }
0x14: {  	s2 =	sld [smem:$0x3F93];
	s0 =	simm.s32 @p1 $0x1  }
0x15: {  	[smem:$0x3FB0] =	sst s0;
	s0 =	simm.s32 @!p2 $0x0  }
0x16: {  	s3 =	sld [smem:$0x3FDB];
	s0 =	simm.s32 @p2 $0x1  }
0x17: {  	s4 =	simm.s32 $0x1BF5;
	[smem:$0x3FB2] =	sst s0  }
0x18: {  	s0 =	sld [smem:$0x3F95];
	_ =	swait.ge [sflag:s4], $0x0  }
0x19: {  	s7 =	sld [smem:$0x3F96]  }
0x1a: {  	s8 =	sadd.s32 $0xFFFFE003, lr  }
0x1b: {  	s9 =	sadd.s32 $0xFFFFFEF7, lr;
	s5 =	simm.s32 $0xFFFFFFFF;
	p2 =	slt.u32 s8, $0xFFFFF086  }
0x1c: {  	p1 =	slt.u32 s9, $0xF7A;
	s5 =	simm.s32 @!p2 $0x0  }
0x1d: {  	s5 =	simm.s32 @p1 $0x1;
	p0 =	seq.s32 s7, s2  }
0x1e: {  	s7 =	smul.u32 @!p0 $0xF7A, s2;
	p2 =	seq.s32 @!p0 s5, $0x0  }
0x1f: {  	s9 =	smul.u32 $0xF7A, s1;
	s8 =	simm.s32 @!p0 $0x1BF5;
	p2 =	por !p2, p0  }
0x20: {  	[sflag:s8] =	ssyncset.s32 @!p0 $0xFFFFF086;
	s6 =	sadd.s32 @!p0 s3, s7;
	s7 =	simm.s32 @!p0 $0x108  }
0x21: {  	s3 =	sadd.s32 s3, s9;
	s6 =	sadd.s32 @!p0 $0x88, s6;
	s7 =	simm.s32 @p2 $0x1082  }
0x22: {  	[simem:s7], [sflag:s8] =	dma.local @!p0 [hbm:s6], $0xF7A  }
0x23: {  	s9 =	sor.u32 $0xD0000000, s2;
	s6 =	simm.s32 $0x108;
	_ =	swait.ge @!p0 [sflag:s8], $0x0  }
0x24: {  	s3 =	sadd.s32 $0x88, s3;
	s6 =	simm.s32 @!p1 $0x1082;
	[sflag:s4] =	ssyncset.s32 $0xFFFFF086  }
0x25: {  	[simem:s6], [sflag:s4] =	dma.local [hbm:s3], $0xF7A  }
0x26: {  	[smem:$0x3F96] =	sst s1;
	(tag) =	ssettag s2;
	_ =	strace s9  }
0x27: {  	s1 =	sld [smem:$0x3FA6]  }
0x28: {  	s2 =	sld [smem:$0x3FA7]  }
0x29: {  	s4 =	sld [smem:$0x3FA9]  }
0x2a: {  	p0 =	seq.s32 s5, $0x0;
	s5 =	sld [smem:$0x3FAA]  }
0x2b: {  	s6 =	sld [smem:$0x3FAB]  }
0x2c: {  	s7 =	sld [smem:$0x3FAC]  }
0x2d: {  	s3 =	simm.s32 $0x108;
	s8 =	sld [smem:$0x3FAD]  }
0x2e: {  	s3 =	simm.s32 @!p0 $0x1082;
	s9 =	sld [smem:$0x3FAE]  }
0x2f: {  	lr =	sadd.s32 s0, s3;
	s0 =	sld [smem:$0x3FA5]  }
0x30: {  	s3 =	sld [smem:$0x3FA8]  }
0x31: {  	[smem:$0x3FB1] =	sst s10  }
0x32: {  	s10 =	sld [smem:$0x3FAF];
	_ =	sdelay $0x3  }
0x33: {  	p0 =	seq.s32 s10, $0x1;
	s10 =	sld [smem:$0x3FB1];
	_ =	sdelay $0x3  }
0x34: {  	[smem:$0x3FB1] =	sst s10  }
0x35: {  	s10 =	sld [smem:$0x3FB0];
	_ =	sdelay $0x3  }
0x36: {  	p1 =	seq.s32 s10, $0x1;
	s10 =	sld [smem:$0x3FB1];
	_ =	sdelay $0x3  }
0x37: {  	[smem:$0x3FB1] =	sst s10  }
0x38: {  	s10 =	sld [smem:$0x3FB2]  }
0x39: {  	_ = 	snop;
	(pc) =	sbr.ind lr, $3  }
0x3a: {  	_ = 	snop  }
0x3b: {  	_ = 	snop  }
0x3c: {  	p2 =	seq.s32 s10, $0x1;
	s10 =	sld [smem:$0x3FB1]  }
0x3d: {  	_ =	shalt  }
0x3e: {  	_ =	shalt  }
0x3f: {  	_ =	shalt  }
0x40: {  	_ =	shalt  }
0x41: {  	_ =	shalt  }
0x42: {  	_ =	shalt  }
0x43: {  	_ =	shalt  }
0x44: {  	_ =	shalt  }
0x45: {  	_ =	shalt  }
0x46: {  	_ =	shalt  }
0x47: {  	_ =	shalt  }
0x48: {  	_ =	shalt  }
0x49: {  	_ =	shalt  }
0x4a: {  	_ =	shalt  }
0x4b: {  	_ =	shalt  }
0x4c: {  	_ =	shalt  }
0x4d: {  	_ =	shalt  }
0x4e: {  	_ =	shalt  }
0x4f: {  	_ =	shalt  }
0x50: {  	_ =	shalt  }
0x51: {  	_ =	shalt  }
0x52: {  	_ =	shalt  }
0x53: {  	_ =	shalt  }
0x54: {  	_ =	shalt  }
0x55: {  	_ =	shalt  }
0x56: {  	_ =	shalt  }
0x57: {  	_ =	shalt  }
0x58: {  	_ =	shalt  }
0x59: {  	_ =	shalt  }
0x5a: {  	_ =	shalt  }
0x5b: {  	_ =	shalt  }
0x5c: {  	_ =	shalt  }
0x5d: {  	_ =	shalt  }
0x5e: {  	_ =	shalt  }
0x5f: {  	_ =	shalt  }
0x60: {  	_ =	shalt  }
0x61: {  	_ =	shalt  }
0x62: {  	_ =	shalt  }
0x63: {  	_ =	shalt  }
0x64: {  	_ =	shalt  }
0x65: {  	_ =	shalt  }
0x66: {  	_ =	shalt  }
0x67: {  	_ =	shalt  }
0x68: {  	_ =	shalt  }
0x69: {  	_ =	shalt  }
0x6a: {  	_ =	shalt  }
0x6b: {  	_ =	shalt  }
0x6c: {  	_ =	shalt  }
0x6d: {  	_ =	shalt  }
0x6e: {  	_ =	shalt  }
0x6f: {  	_ =	shalt  }
0x70: {  	_ =	shalt  }
0x71: {  	_ =	shalt  }
0x72: {  	_ =	shalt  }
0x73: {  	_ =	shalt  }
0x74: {  	_ =	shalt  }
0x75: {  	_ =	shalt  }
0x76: {  	_ =	shalt  }
0x77: {  	_ =	shalt  }
0x78: {  	_ =	shalt  }
0x79: {  	_ =	shalt  }
0x7a: {  	_ =	shalt  }
0x7b: {  	_ =	shalt  }
0x7c: {  	_ =	shalt  }
0x7d: {  	_ =	shalt  }
0x7e: {  	_ =	shalt  }
0x7f: {  	_ =	shalt  }
0x80: {  	_ =	shalt  }
0x81: {  	_ =	shalt  }
0x82: {  	_ =	shalt  }
0x83: {  	_ =	shalt  }
0x84: {  	_ =	shalt  }
0x85: {  	_ =	shalt  }
0x86: {  	_ =	shalt  }
0x87: {  	_ =	shalt  }
.Lfunc_end0:
.L_simem_size_0:
called_computation.2_lowered:
.L_overlay_start_0:
0x88: {  	s2 =	sld [smem:$0x3FD9]  }
0x89: {  	s3 =	sld [smem:$0x3FFE];
	_ =	sdelay $0x1  }
0x8a: {  	s1 =	srdreg.scid  }
0x8b: {  	s0 =	sand.u32 $0x1, s1  }
0x8c: {  	s16 =	sshll.u32 s0, $0xA;
	s2 =	sadd.s32 s3, s2  }
0x8d: {  	s2 =	sadd.s32 s2, s16  }
0x8e: {  	[smem:$0x3FBD] =	sst s2  }
0x8f: {  	_ = 	snop  }
0x90: {  	(tm) =	ssettm $0x1  }
0x91: {  	s17 =	sld [smem:$0x3FFB];
	_ =	sdelay $0x3  }
0x92: {  	_ =	strace s17  }
0x93: {  	s2 =	sld [smem:$0x3FFC];
	_ =	sdelay $0x3  }
0x94: {  	_ =	strace s2  }
0x95: {  	s2 =	sld [smem:$0x3FFD];
	_ =	sdelay $0x3  }
0x96: {  	_ =	strace s2  }
0x97: {  	_ =	strace $0x8FFFFFFF  }
0x98: {  	s18 =	sld [smem:$0x3FDB];
	_ =	sdelay $0x1  }
0x99: {  	s19 =	simm.s32 $_scs_section_size  }
0x9a: {  	s4 =	simm.s32 $_size__tile_overlayer_lowered;
	s5 =	simm.s32 $_tile_overlayer_lowered  }
0x9b: {  	s22 =	simm.s32 $0x1BFF;
	s21 =	sshll.u32 s5, $0x1;
	s2 =	sadd.s32 s19, s18  }
0x9c: {  	s6 =	simm.s32 $0x0;
	s20 =	sshll.u32 s4, $0x1;
	s4 =	sadd.s32 s21, s2  }
0x9d: {  	[timem:s6], [sflag:s22] =	dma.local [hbm:s4], s20  }
0x9e: {  	_ =	swait.ge [sflag:s22], s20  }
0x9f: {  	s3 =	ssub.s32 $0x0, s20;
	[sflag:s22] =	ssyncset.done $0x0  }
0xa0: {  	[sflag:s22] =	ssyncadd.s32 s3;
	_ =	sdelay $0x1  }
0xa1: {  	s23 =	simm.s32 $0x1B8B  }
0xa2: {  	_ =	swait.ge [sflag:s23], $0x1  }
0xa3: {  	[sflag:s23] =	ssyncset.done $0x0  }
0xa4: {  	s25 =	simm.s32 $0x1B8E;
	s24 =	sld [smem:$0x3FFE];
	[sflag:s23] =	ssyncadd.s32 $0xFFFFFFFF  }
0xa5: {  	s26 =	simm.s32 $execute0_lowered;
	[smem:$0x3FD2] =	sst s25  }
0xa6: {  	s4 =	sshll.u32 s26, $0x1;
	_ =	strace $0x8000004C;
	[dreg:$0x1] =	wrdreg $0xFFFFFFFF  }
0xa7: {  	s28 =	simm.s32 $_size_execute0_lowered;
	s2 =	sadd.s32 s2, s4;
	[dreg:$0x0] =	wrdreg $0x0  }
0xa8: {  	s4 =	sshll.u32 s28, $0x1;
	[dreg:$0x2] =	wrdreg s2  }
0xa9: {  	[dreg:$0x3] =	wrdreg s4  }
0xaa: {  	[dreg:$0x4] =	wrdreg $0xC0  }
0xab: {  	_ =	task [dreg:s6], $0x5FFFF  }
0xac: {  	[dreg:$0x1] =	wrdreg $0xFFFFFFFF  }
0xad: {  	[dreg:$0x0] =	wrdreg $0x60  }
0xae: {  	[dreg:$0x2] =	wrdreg s24  }
0xaf: {  	[dreg:$0x3] =	wrdreg $0x9  }
0xb0: {  	_ =	task.clear_ibuf [dreg:s6], $0x4FFFF;
	_ =	strace $0x9000004C  }
0xb1: {  	s29 =	simm.s32 $0x9;
	_ =	strace $0x8000004E  }
0xb2: {  	_ =	swait.ge [sflag:s29], $0x1  }
0xb3: {  	[sflag:s29] =	ssyncadd.s32 $0xFFFFFFFF  }
0xb4: {  	_ =	strace $0x9000004E  }
0xb5: {  	_ =	sfence  }
0xb6: {  	s30 =	sld [smem:$0x0];
	_ =	sdelay $0x2  }
0xb7: {  	s31 =	sshll.u32 s1, $0xD;
	s1 =	sshrl.u32 s1, $0x2  }
0xb8: {  	s3 =	sand.u32 $0x4000, s31;
	s1 =	sadd.s32 s1, s30  }
0xb9: {  	s0 =	sor.u32 s3, s0;
	s1 =	sshll.u32 s1, $0x11  }
0xba: {  	s0 =	sor.u32 s1, s0  }
0xbb: {  	s0 =	sadd.s32 $0x8F2B, s0  }
0xbc: {  	[sflag:s0] =	ssyncadd.remote.s32 $0x1  }
0xbd: {  	_ =	sfence.sel $0xFFFF  }
0xbe: {  	[dreg:$0x0] =	wrdreg $0xFFFFFFFF;
	(pc) =	sbr.abs _section_cstart, $3  }
0xbf: {  	[dreg:$0x1] =	wrdreg $0xFFFFFFFF  }
0xc0: {  	_ =	task.clear_ibuf [dreg:s6], $0x2FFFF;
	_ =	strace $0x9FFFFFFF  }
0xc1: {  	(tm) =	ssettm $0x7FFFFFFF  }
tec
execute0_lowered:
.L_overlay_start_1:
0x0: {  	(tag) =	ssettag $0x1  }
0x1: {  	s0 =	srdreg.scid  }
0x2: {  	s1 =	rddreg [dreg:$0x0];
	s4 =	stileid.u32  }
0x3: {  	s2 =	simm.s32 $0x0;
	s20 =	simm.s32 $0x5;
	s10 =	simm.s32 $0x10000  }
0x4: {  	s7 =	simm.s32 $0x11800;
	s8 =	simm.s32 $0x12000;
	s9 =	simm.s32 $0x12800  }
0x5: {  	s11 =	simm.s32 $0x13000;
	s12 =	simm.s32 $0x13800;
	s13 =	simm.s32 $0x14000  }
0x6: {  	s14 =	simm.s32 $0x14800;
	s15 =	simm.s32 $0x1;
	s0 =	sand.u32 $0x1, s0  }
0x7: {  	s16 =	simm.s32 $0x2;
	s17 =	simm.s32 $0x17800;
	s3 =	sshll.u32 s0, $0x4  }
0x8: {  	v3 =	vlaneseq.u32;
	s18 =	simm.s32 $0x3;
	s0 =	ssub.s32 $0x2, s0;
	s3 =	sor.u32 s4, s3  }
0x9: {  	vm0 =	vmmov $0xffff;
	s19 =	simm.s32 $0x4;
	v2 =	vshrl.u32 v3, $0x3;
	v1 =	vmul.u32 $0x80, v3;
	s6 =	sshrl.u32 s0, $0x1;
	s5 =	smul.u32 $0x500, s3  }
0xa: {  	[smem:$0x7FF] =	sst s2;
	v0 =	vand.u32 $0x7, v3;
	v3 =	vor.u32 $0x8, v3;
	v2 =	vmul.u32 $0x8, v2;
	s4 =	sadd.s32 $0x50400, s1;
	s0 =	ssub.s32 s0, s6  }
0xb: {  	v4 =	vor.u32 $0x1, v1;
	v5 =	vor.u32 $0x2, v1;
	v6 =	vor.u32 $0x3, v1;
	s3 =	sadd.s32 $0x2200, s1;
	s0 =	smax.u32 s0, $0x1;
	s1 =	sadd.s32 s5, s1  }
0xc: {  	_ =	strace $0x8000004D;
	v7 =	vor.u32 $0x4, v1;
	v8 =	vor.u32 $0x5, v1;
	v9 =	vor.u32 $0x6, v1;
	[dreg:$0x5] =	wrdreg s0;
	s5 =	sadd.s32 $0xA5600, s1  }
0xd: {  	s21 =	simm.s32 $0x0;
	v10 =	vor.u32 $0x7, v1;
	v11 =	vor.u32 $0x8, v1;
	v12 =	vor.u32 $0x9, v1;
	s31 =	sadd.s32 $0xAF600, s1;
	[dreg:$0x2] =	wrdreg s5  }
0xe: {  	v13 =	vor.u32 $0xA, v1;
	v14 =	vor.u32 $0xB, v1;
	v15 =	vor.u32 $0xC, v1;
	s6 =	simm.s32 $0x11000;
	s1 =	sadd.s32 $0xB9600, s1;
	[dreg:$0x3] =	wrdreg s31  }
0xf: {  	v16 =	vor.u32 $0xD, v1;
	v17 =	vor.u32 $0xE, v1;
	v18 =	vor.u32 $0xF, v1;
	[dreg:$0x4] =	wrdreg s1;
	s1 =	simm.s32 $0xF800;
	s5 =	simm.s32 $0x10800  }
.LBB2_1:
0x10: {  	[dreg:$0x6] =	wrdreg s21  }
0x11: {  	s0 =	rddreg [dreg:$0x2]  }
0x12: {  	[tilespmem:s2], [sflag:$0x5] =	stream.linear.gather [hbm4b:s0+s2], $0x2800, $0x38;
	[tilespmem:$0x18000] =	vst v63  }
0x13: {  	_ =	swait.ge [sflag:s20], $0x2800  }
0x14: {  	[sflag:s20] =	ssyncset.done $0x0  }
0x15: {  	s25 =	simm.s32 $0x2800;
	s24 =	rddreg [dreg:$0x3];
	[sflag:s20] =	ssyncadd.s32 $0xFFFFD800  }
0x16: {  	[tilespmem:s25], [sflag:$0x5] =	stream.linear.gather [hbm4b:s24+s2], $0x2800, $0x38;
	[tilespmem:$0x18000] =	vst v63  }
0x17: {  	_ =	swait.ge [sflag:s20], $0x2800  }
0x18: {  	[sflag:s20] =	ssyncset.done $0x0  }
0x19: {  	[sflag:s20] =	ssyncadd.s32 $0xFFFFD800  }
0x1a: {  	v19 =	vld [tilespmem:$0x0];
	_ =	sdelay $0x4  }
0x1b: {  	v20 =	vshll.u32 v19, $0x1  }
0x1c: {  	v19 =	vand.u32 $0x7, v19;
	v20 =	vand.u32 $0xFFFFFFF0, v20  }
0x1d: {  	v19 =	vor.u32 v19, v20  }
0x1e: {  	v20 =	vperm.xlane v19, v0;
	_ =	sdelay $0x1  }
0x1f: {  	v19 =	vperm.xlane v19, v3;
	v20 =	vadd.s32 v2, v20;
	_ =	sdelay $0x1  }
0x20: {  	v19 =	vadd.s32 v2, v19;
	_ =	sdelay $0x1  }
0x21: {  	s26 =	simm.s32 $0x5000  }
0x22: {  	[tilespmem:s26], [sflag:$0x1] =	stream.indirect_vreg.gather [hbm4b:s3+s2], $0x80, v20, vm0, $0xb8;
	[tilespmem:$0x18000] =	vst v63  }
0x23: {  	s28 =	simm.s32 $0x5800  }
0x24: {  	[tilespmem:s28], [sflag:$0x1] =	stream.indirect_vreg.gather [hbm4b:s3+s2], $0x80, v19, vm0, $0xb8;
	[tilespmem:$0x18000] =	vst v63  }
0x25: {  	v19 =	vld [tilespmem:$0x10];
	_ =	sdelay $0x4  }
0x26: {  	v20 =	vshll.u32 v19, $0x1  }
0x27: {  	v19 =	vand.u32 $0x7, v19;
	v20 =	vand.u32 $0xFFFFFFF0, v20  }
0x28: {  	v19 =	vor.u32 v19, v20  }
0x29: {  	v20 =	vperm.xlane v19, v0;
	_ =	sdelay $0x1  }
0x2a: {  	v19 =	vperm.xlane v19, v3;
	v20 =	vadd.s32 v2, v20;
	_ =	sdelay $0x1  }
0x2b: {  	v19 =	vadd.s32 v2, v19;
	_ =	sdelay $0x1  }
0x2c: {  	s29 =	simm.s32 $0x6000  }
0x2d: {  	[tilespmem:s29], [sflag:$0x1] =	stream.indirect_vreg.gather [hbm4b:s3+s2], $0x80, v20, vm0, $0xb8;
	[tilespmem:$0x18000] =	vst v63  }
0x2e: {  	s30 =	simm.s32 $0x6800  }
0x2f: {  	[tilespmem:s30], [sflag:$0x1] =	stream.indirect_vreg.gather [hbm4b:s3+s2], $0x80, v19, vm0, $0xb8;
	[tilespmem:$0x18000] =	vst v63  }
0x30: {  	v19 =	vld [tilespmem:$0x20];
	_ =	sdelay $0x4  }
0x31: {  	v20 =	vshll.u32 v19, $0x1  }
0x32: {  	v19 =	vand.u32 $0x7, v19;
	v20 =	vand.u32 $0xFFFFFFF0, v20  }
0x33: {  	v19 =	vor.u32 v19, v20  }
0x34: {  	v20 =	vperm.xlane v19, v0;
	_ =	sdelay $0x1  }
0x35: {  	v19 =	vperm.xlane v19, v3;
	v20 =	vadd.s32 v2, v20;
	_ =	sdelay $0x1  }
0x36: {  	v19 =	vadd.s32 v2, v19;
	_ =	sdelay $0x1  }
0x37: {  	s31 =	simm.s32 $0x7000  }
0x38: {  	[tilespmem:s31], [sflag:$0x1] =	stream.indirect_vreg.gather [hbm4b:s3+s2], $0x80, v20, vm0, $0xb8;
	[tilespmem:$0x18000] =	vst v63  }
0x39: {  	s20 =	simm.s32 $0x7800  }
0x3a: {  	[tilespmem:s20], [sflag:$0x1] =	stream.indirect_vreg.gather [hbm4b:s3+s2], $0x80, v19, vm0, $0xb8;
	[tilespmem:$0x18000] =	vst v63  }
0x3b: {  	v19 =	vld [tilespmem:$0x30];
	_ =	sdelay $0x4  }
0x3c: {  	v20 =	vshll.u32 v19, $0x1  }
0x3d: {  	v19 =	vand.u32 $0x7, v19;
	v20 =	vand.u32 $0xFFFFFFF0, v20  }
0x3e: {  	v19 =	vor.u32 v19, v20  }
0x3f: {  	v20 =	vperm.xlane v19, v0;
	_ =	sdelay $0x1  }
0x40: {  	v19 =	vperm.xlane v19, v3;
	v20 =	vadd.s32 v2, v20;
	_ =	sdelay $0x1  }
0x41: {  	v19 =	vadd.s32 v2, v19;
	_ =	sdelay $0x1  }
0x42: {  	s21 =	simm.s32 $0x8000  }
0x43: {  	[tilespmem:s21], [sflag:$0x1] =	stream.indirect_vreg.gather [hbm4b:s3+s2], $0x80, v20, vm0, $0xb8;
	[tilespmem:$0x18000] =	vst v63  }
0x44: {  	s22 =	simm.s32 $0x8800  }
0x45: {  	[tilespmem:s22], [sflag:$0x1] =	stream.indirect_vreg.gather [hbm4b:s3+s2], $0x80, v19, vm0, $0xb8;
	[tilespmem:$0x18000] =	vst v63  }
0x46: {  	v19 =	vld [tilespmem:$0x2800];
	_ =	sdelay $0x4  }
0x47: {  	v20 =	vshll.u32 v19, $0x1  }
0x48: {  	v19 =	vand.u32 $0x7, v19;
	v20 =	vand.u32 $0xFFFFFFF0, v20  }
0x49: {  	v19 =	vor.u32 v19, v20  }
0x4a: {  	v20 =	vperm.xlane v19, v0;
	_ =	sdelay $0x1  }
0x4b: {  	v19 =	vperm.xlane v19, v3;
	v20 =	vadd.s32 v2, v20;
	_ =	sdelay $0x1  }
0x4c: {  	v19 =	vadd.s32 v2, v19;
	_ =	sdelay $0x1  }
0x4d: {  	s23 =	simm.s32 $0x9000  }
0x4e: {  	[tilespmem:s23], [sflag:$0x2] =	stream.indirect_vreg.gather [hbm4b:s4+s2], $0x80, v20, vm0, $0xb8;
	[tilespmem:$0x18000] =	vst v63  }
0x4f: {  	s24 =	simm.s32 $0x9800  }
0x50: {  	[tilespmem:s24], [sflag:$0x2] =	stream.indirect_vreg.gather [hbm4b:s4+s2], $0x80, v19, vm0, $0xb8;
	[tilespmem:$0x18000] =	vst v63  }
0x51: {  	v19 =	vld [tilespmem:$0x2810];
	_ =	sdelay $0x4  }
0x52: {  	v20 =	vshll.u32 v19, $0x1  }
0x53: {  	v19 =	vand.u32 $0x7, v19;
	v20 =	vand.u32 $0xFFFFFFF0, v20  }
0x54: {  	v19 =	vor.u32 v19, v20  }
0x55: {  	v20 =	vperm.xlane v19, v0;
	_ =	sdelay $0x1  }
0x56: {  	v19 =	vperm.xlane v19, v3;
	v20 =	vadd.s32 v2, v20;
	_ =	sdelay $0x1  }
0x57: {  	v19 =	vadd.s32 v2, v19;
	_ =	sdelay $0x1  }
0x58: {  	s25 =	simm.s32 $0xA000  }
0x59: {  	[tilespmem:s25], [sflag:$0x2] =	stream.indirect_vreg.gather [hbm4b:s4+s2], $0x80, v20, vm0, $0xb8;
	[tilespmem:$0x18000] =	vst v63  }
0x5a: {  	s26 =	simm.s32 $0xA800  }
0x5b: {  	[tilespmem:s26], [sflag:$0x2] =	stream.indirect_vreg.gather [hbm4b:s4+s2], $0x80, v19, vm0, $0xb8;
	[tilespmem:$0x18000] =	vst v63  }
0x5c: {  	v19 =	vld [tilespmem:$0x2820];
	_ =	sdelay $0x4  }
0x5d: {  	v20 =	vshll.u32 v19, $0x1  }
0x5e: {  	v19 =	vand.u32 $0x7, v19;
	v20 =	vand.u32 $0xFFFFFFF0, v20  }
0x5f: {  	v19 =	vor.u32 v19, v20  }
0x60: {  	v20 =	vperm.xlane v19, v0;
	_ =	sdelay $0x1  }
0x61: {  	v19 =	vperm.xlane v19, v3;
	v20 =	vadd.s32 v2, v20;
	_ =	sdelay $0x1  }
0x62: {  	v19 =	vadd.s32 v2, v19;
	_ =	sdelay $0x1  }
0x63: {  	s28 =	simm.s32 $0xB000  }
0x64: {  	[tilespmem:s28], [sflag:$0x2] =	stream.indirect_vreg.gather [hbm4b:s4+s2], $0x80, v20, vm0, $0xb8;
	[tilespmem:$0x18000] =	vst v63  }
0x65: {  	s29 =	simm.s32 $0xB800  }
0x66: {  	[tilespmem:s29], [sflag:$0x2] =	stream.indirect_vreg.gather [hbm4b:s4+s2], $0x80, v19, vm0, $0xb8;
	[tilespmem:$0x18000] =	vst v63  }
0x67: {  	v19 =	vld [tilespmem:$0x2830];
	_ =	sdelay $0x4  }
0x68: {  	v20 =	vshll.u32 v19, $0x1  }
0x69: {  	v19 =	vand.u32 $0x7, v19;
	v20 =	vand.u32 $0xFFFFFFF0, v20  }
0x6a: {  	v19 =	vor.u32 v19, v20  }
0x6b: {  	v20 =	vperm.xlane v19, v0;
	_ =	sdelay $0x1  }
0x6c: {  	v19 =	vperm.xlane v19, v3;
	v20 =	vadd.s32 v2, v20;
	_ =	sdelay $0x1  }
0x6d: {  	v19 =	vadd.s32 v2, v19;
	_ =	sdelay $0x1  }
0x6e: {  	s30 =	simm.s32 $0xC000  }
0x6f: {  	[tilespmem:s30], [sflag:$0x2] =	stream.indirect_vreg.gather [hbm4b:s4+s2], $0x80, v20, vm0, $0xb8;
	[tilespmem:$0x18000] =	vst v63  }
0x70: {  	s31 =	simm.s32 $0xC800;
	s20 =	simm.s32 $0x0  }
0x71: {  	[tilespmem:s31], [sflag:$0x2] =	stream.indirect_vreg.gather [hbm4b:s4+s2], $0x80, v19, vm0, $0xb8;
	[tilespmem:$0x18000] =	vst v63  }
.LBB2_2:
0x72: {  	s21 =	sshll.u32 s20, $0x8  }
0x73: {  	v19 =	vld [tilespmem:s21+$0x80];
	_ =	sdelay $0x4  }
0x74: {  	v20 =	vshll.u32 v19, $0x1  }
0x75: {  	v19 =	vand.u32 $0x7, v19;
	v20 =	vand.u32 $0xFFFFFFF0, v20  }
0x76: {  	v19 =	vor.u32 v19, v20  }
0x77: {  	v20 =	vperm.xlane v19, v0;
	_ =	sdelay $0x1  }
0x78: {  	v19 =	vperm.xlane v19, v3;
	v20 =	vadd.s32 v2, v20;
	_ =	sdelay $0x1  }
0x79: {  	v19 =	vadd.s32 v2, v19;
	_ =	sdelay $0x1  }
0x7a: {  	s23 =	simm.s32 $0x0;
	s0 =	simm.s32 $0xD000  }
0x7b: {  	[tilespmem:s0], [sflag:$0x3] =	stream.indirect_vreg.gather [hbm4b:s3+s23], $0x80, v20, vm0, $0xb8;
	[tilespmem:$0x18000] =	vst v63  }
0x7c: {  	s28 =	simm.s32 $0xD800  }
0x7d: {  	[tilespmem:s28], [sflag:$0x3] =	stream.indirect_vreg.gather [hbm4b:s3+s23], $0x80, v19, vm0, $0xb8;
	[tilespmem:$0x18000] =	vst v63  }
0x7e: {  	v19 =	vld [tilespmem:s21+$0x90];
	_ =	sdelay $0x4  }
0x7f: {  	v20 =	vshll.u32 v19, $0x1  }
0x80: {  	v19 =	vand.u32 $0x7, v19;
	v20 =	vand.u32 $0xFFFFFFF0, v20  }
0x81: {  	v19 =	vor.u32 v19, v20  }
0x82: {  	v20 =	vperm.xlane v19, v0;
	_ =	sdelay $0x1  }
0x83: {  	v19 =	vperm.xlane v19, v3;
	v20 =	vadd.s32 v2, v20;
	_ =	sdelay $0x1  }
0x84: {  	v19 =	vadd.s32 v2, v19;
	_ =	sdelay $0x1  }
0x85: {  	s29 =	simm.s32 $0xE000  }
0x86: {  	[tilespmem:s29], [sflag:$0x3] =	stream.indirect_vreg.gather [hbm4b:s3+s23], $0x80, v20, vm0, $0xb8;
	[tilespmem:$0x18000] =	vst v63  }
0x87: {  	s30 =	simm.s32 $0xE800  }
0x88: {  	[tilespmem:s30], [sflag:$0x3] =	stream.indirect_vreg.gather [hbm4b:s3+s23], $0x80, v19, vm0, $0xb8;
	[tilespmem:$0x18000] =	vst v63  }
0x89: {  	v19 =	vld [tilespmem:s21+$0xA0];
	_ =	sdelay $0x4  }
0x8a: {  	v20 =	vshll.u32 v19, $0x1  }
0x8b: {  	v19 =	vand.u32 $0x7, v19;
	v20 =	vand.u32 $0xFFFFFFF0, v20  }
0x8c: {  	v19 =	vor.u32 v19, v20  }
0x8d: {  	v20 =	vperm.xlane v19, v0;
	_ =	sdelay $0x1  }
0x8e: {  	v19 =	vperm.xlane v19, v3;
	v20 =	vadd.s32 v2, v20;
	_ =	sdelay $0x1  }
0x8f: {  	v19 =	vadd.s32 v2, v19;
	_ =	sdelay $0x1  }
0x90: {  	s31 =	simm.s32 $0xF000  }
0x91: {  	[tilespmem:s31], [sflag:$0x3] =	stream.indirect_vreg.gather [hbm4b:s3+s23], $0x80, v20, vm0, $0xb8;
	[tilespmem:$0x18000] =	vst v63  }
0x92: {  	_ = 	snop  }
0x93: {  	[tilespmem:s1], [sflag:$0x3] =	stream.indirect_vreg.gather [hbm4b:s3+s23], $0x80, v19, vm0, $0xb8;
	[tilespmem:$0x18000] =	vst v63  }
0x94: {  	v19 =	vld [tilespmem:s21+$0xB0];
	_ =	sdelay $0x4  }
0x95: {  	v20 =	vshll.u32 v19, $0x1  }
0x96: {  	v19 =	vand.u32 $0x7, v19;
	v20 =	vand.u32 $0xFFFFFFF0, v20  }
0x97: {  	v19 =	vor.u32 v19, v20  }
0x98: {  	v20 =	vperm.xlane v19, v0;
	_ =	sdelay $0x1  }
0x99: {  	v19 =	vperm.xlane v19, v3;
	v20 =	vadd.s32 v2, v20;
	_ =	sdelay $0x1  }
0x9a: {  	v19 =	vadd.s32 v2, v19;
	_ =	sdelay $0x2  }
0x9b: {  	[tilespmem:s10], [sflag:$0x3] =	stream.indirect_vreg.gather [hbm4b:s3+s23], $0x80, v20, vm0, $0xb8;
	[tilespmem:$0x18000] =	vst v63  }
0x9c: {  	_ = 	snop  }
0x9d: {  	[tilespmem:s5], [sflag:$0x3] =	stream.indirect_vreg.gather [hbm4b:s3+s23], $0x80, v19, vm0, $0xb8;
	[tilespmem:$0x18000] =	vst v63  }
0x9e: {  	v19 =	vld [tilespmem:s21+$0x2880];
	_ =	sdelay $0x4  }
0x9f: {  	v20 =	vshll.u32 v19, $0x1  }
0xa0: {  	v19 =	vand.u32 $0x7, v19;
	v20 =	vand.u32 $0xFFFFFFF0, v20  }
0xa1: {  	v19 =	vor.u32 v19, v20  }
0xa2: {  	v20 =	vperm.xlane v19, v0;
	_ =	sdelay $0x1  }
0xa3: {  	v19 =	vperm.xlane v19, v3;
	v20 =	vadd.s32 v2, v20;
	_ =	sdelay $0x1  }
0xa4: {  	v19 =	vadd.s32 v2, v19;
	_ =	sdelay $0x2  }
0xa5: {  	[tilespmem:s6], [sflag:$0x4] =	stream.indirect_vreg.gather [hbm4b:s4+s23], $0x80, v20, vm0, $0xb8;
	[tilespmem:$0x18000] =	vst v63  }
0xa6: {  	_ = 	snop  }
0xa7: {  	[tilespmem:s7], [sflag:$0x4] =	stream.indirect_vreg.gather [hbm4b:s4+s23], $0x80, v19, vm0, $0xb8;
	[tilespmem:$0x18000] =	vst v63  }
0xa8: {  	v19 =	vld [tilespmem:s21+$0x2890];
	_ =	sdelay $0x4  }
0xa9: {  	v20 =	vshll.u32 v19, $0x1  }
0xaa: {  	v19 =	vand.u32 $0x7, v19;
	v20 =	vand.u32 $0xFFFFFFF0, v20  }
0xab: {  	v19 =	vor.u32 v19, v20  }
0xac: {  	v20 =	vperm.xlane v19, v0;
	_ =	sdelay $0x1  }
0xad: {  	v19 =	vperm.xlane v19, v3;
	v20 =	vadd.s32 v2, v20;
	_ =	sdelay $0x1  }
0xae: {  	v19 =	vadd.s32 v2, v19;
	_ =	sdelay $0x2  }
0xaf: {  	[tilespmem:s8], [sflag:$0x4] =	stream.indirect_vreg.gather [hbm4b:s4+s23], $0x80, v20, vm0, $0xb8;
	[tilespmem:$0x18000] =	vst v63  }
0xb0: {  	_ = 	snop  }
0xb1: {  	[tilespmem:s9], [sflag:$0x4] =	stream.indirect_vreg.gather [hbm4b:s4+s23], $0x80, v19, vm0, $0xb8;
	[tilespmem:$0x18000] =	vst v63  }
0xb2: {  	v19 =	vld [tilespmem:s21+$0x28A0];
	_ =	sdelay $0x4  }
0xb3: {  	v20 =	vshll.u32 v19, $0x1  }
0xb4: {  	v19 =	vand.u32 $0x7, v19;
	v20 =	vand.u32 $0xFFFFFFF0, v20  }
0xb5: {  	v19 =	vor.u32 v19, v20  }
0xb6: {  	v20 =	vperm.xlane v19, v0;
	_ =	sdelay $0x1  }
0xb7: {  	v19 =	vperm.xlane v19, v3;
	v20 =	vadd.s32 v2, v20;
	_ =	sdelay $0x1  }
0xb8: {  	v19 =	vadd.s32 v2, v19;
	_ =	sdelay $0x2  }
0xb9: {  	[tilespmem:s11], [sflag:$0x4] =	stream.indirect_vreg.gather [hbm4b:s4+s23], $0x80, v20, vm0, $0xb8;
	[tilespmem:$0x18000] =	vst v63  }
0xba: {  	_ = 	snop  }
0xbb: {  	[tilespmem:s12], [sflag:$0x4] =	stream.indirect_vreg.gather [hbm4b:s4+s23], $0x80, v19, vm0, $0xb8;
	[tilespmem:$0x18000] =	vst v63  }
0xbc: {  	v19 =	vld [tilespmem:s21+$0x28B0];
	_ =	sdelay $0x4  }
0xbd: {  	v20 =	vshll.u32 v19, $0x1  }
0xbe: {  	v19 =	vand.u32 $0x7, v19;
	v20 =	vand.u32 $0xFFFFFFF0, v20  }
0xbf: {  	v19 =	vor.u32 v19, v20  }
0xc0: {  	v20 =	vperm.xlane v19, v0;
	_ =	sdelay $0x1  }
0xc1: {  	v19 =	vperm.xlane v19, v3;
	v20 =	vadd.s32 v2, v20;
	_ =	sdelay $0x1  }
0xc2: {  	v19 =	vadd.s32 v2, v19;
	_ =	sdelay $0x2  }
0xc3: {  	[tilespmem:s13], [sflag:$0x4] =	stream.indirect_vreg.gather [hbm4b:s4+s23], $0x80, v20, vm0, $0xb8;
	[tilespmem:$0x18000] =	vst v63  }
0xc4: {  	_ = 	snop  }
0xc5: {  	[tilespmem:s14], [sflag:$0x4] =	stream.indirect_vreg.gather [hbm4b:s4+s23], $0x80, v19, vm0, $0xb8;
	[tilespmem:$0x18000] =	vst v63  }
0xc6: {  	_ =	swait.ge [sflag:s15], $0x4000  }
0xc7: {  	[sflag:s15] =	ssyncset.done $0x0  }
0xc8: {  	[sflag:s15] =	ssyncadd.s32 $0xFFFFC000  }
0xc9: {  	s24 =	sand.u32 $0x3FFFFF00, s21;
	_ =	swait.ge [sflag:s16], $0x4000  }
0xca: {  	s25 =	simm.s32 $0x0;
	s24 =	sadd.s32 $0x15000, s24;
	[sflag:s16] =	ssyncset.done $0x0  }
0xcb: {  	s22 =	sor.u32 $0x80, s21;
	v19 =	vmov s24;
	s24 =	simm.s32 $0x0;
	[sflag:s16] =	ssyncadd.s32 $0xFFFFC000  }
.LBB2_3:
0xcc: {  	s26 =	sand.u32 $0x3800, s24;
	s28 =	sand.u32 $0x380, s23  }
0xcd: {  	s26 =	sor.u32 s28, s26  }
0xce: {  	v20 =	vld [tilespmem:s26+$0x5460]  }
0xcf: {  	v21 =	vld [tilespmem:s26+$0x9460]  }
0xd0: {  	v22 =	vld [tilespmem:s26+$0x5440]  }
0xd1: {  	v23 =	vld [tilespmem:s26+$0x9440]  }
0xd2: {  	v24 =	vld [tilespmem:s26+$0x5420]  }
0xd3: {  	v25 =	vld [tilespmem:s26+$0x9420]  }
0xd4: {  	v26 =	vld [tilespmem:s26+$0x5400]  }
0xd5: {  	v27 =	vld [tilespmem:s26+$0x9400]  }
0xd6: {  	v28 =	vld [tilespmem:s26+$0x5060]  }
0xd7: {  	v29 =	vld [tilespmem:s26+$0x9060]  }
0xd8: {  	v30 =	vld [tilespmem:s26+$0x5040]  }
0xd9: {  	v31 =	vld [tilespmem:s26+$0x9040]  }
0xda: {  	v32 =	vld [tilespmem:s26+$0x5020]  }
0xdb: {  	v33 =	vld [tilespmem:s26+$0x9020]  }
0xdc: {  	v34 =	vld [tilespmem:s26+$0x9000]  }
0xdd: {  	v35 =	vld [tilespmem:s26+$0x5000]  }
0xde: {  	v36 =	vld [tilespmem:s26+$0x5010]  }
0xdf: {  	v37 =	vld [tilespmem:s26+$0x9010]  }
0xe0: {  	v38 =	vld [tilespmem:s26+$0x5030]  }
0xe1: {  	v39 =	vld [tilespmem:s26+$0x9030]  }
0xe2: {  	v40 =	vld [tilespmem:s26+$0x5050]  }
0xe3: {  	v41 =	vld [tilespmem:s26+$0x9050]  }
0xe4: {  	v54 =	vld [tilespmem:s26+$0x5070];
	v34 =	vmul.f32 v34, v35;
	v53 =	vmul.f32 v37, v36  }
0xe5: {  	v55 =	vld [tilespmem:s26+$0x9070];
	v32 =	vmul.f32 v33, v32  }
0xe6: {  	v57 =	vld [tilespmem:s26+$0x5410];
	v56 =	vmul.f32 v39, v38;
	v34 =	vadd.f32 $0.0e+00, v34;
	v35 =	vadd.f32 $0.0e+00, v53  }
0xe7: {  	v30 =	vmul.f32 v31, v30;
	v31 =	vld [tilespmem:s26+$0x9410]  }
0xe8: {  	v60 =	vld [tilespmem:s26+$0x5430];
	v59 =	vmul.f32 v41, v40;
	v32 =	vadd.f32 v32, v34;
	v58 =	vadd.f32 v56, v35  }
0xe9: {  	v28 =	vmul.f32 v29, v28;
	v29 =	vld [tilespmem:s26+$0x9430]  }
0xea: {  	v62 =	vld [tilespmem:s26+$0x5450];
	v33 =	vmul.f32 v55, v54;
	v30 =	vadd.f32 v30, v32;
	v61 =	vadd.f32 v59, v58  }
0xeb: {  	v26 =	vmul.f32 v27, v26;
	v27 =	vld [tilespmem:s26+$0x9450]  }
0xec: {  	v63 =	vld [tilespmem:s26+$0x5470];
	v31 =	vmul.f32 v31, v57;
	v28 =	vadd.f32 v28, v30;
	v30 =	vadd.f32 v33, v61  }
0xed: {  	v24 =	vmul.f32 v25, v24;
	v25 =	vld [tilespmem:s26+$0x9470]  }
0xee: {  	v29 =	vmul.f32 v29, v60;
	v26 =	vadd.f32 v26, v28;
	v28 =	vadd.f32 v31, v30  }
0xef: {  	v22 =	vmul.f32 v23, v22  }
0xf0: {  	v23 =	vadd.f32 v24, v26;
	v24 =	vadd.f32 v29, v28;
	v26 =	vmul.f32 v27, v62  }
0xf1: {  	v20 =	vmul.f32 v21, v20  }
0xf2: {  	v21 =	vadd.f32 v22, v23;
	v22 =	vadd.f32 v26, v24;
	v23 =	vmul.f32 v25, v63;
	_ =	sdelay $0x1  }
0xf3: {  	v20 =	vadd.f32 v20, v21;
	v21 =	vadd.f32 v23, v22;
	_ =	sdelay $0x1  }
0xf4: {  	s0 =	simm.s32 $0x80;
	s30 =	sadd.s32 $0x100, s24;
	v20 =	vadd.f32 v21, v20  }
0xf5: {  	s28 =	simm.s32 $0x17800;
	s29 =	sand.u32 $0x3800, s30;
	s26 =	sand.u32 $0x380, s0  }
0xf6: {  	s29 =	sor.u32 s26, s29;
	[tilespmem:s28+$0x0] =	vst v20  }
0xf7: {  	v20 =	vld [tilespmem:s29+$0x5460]  }
0xf8: {  	v21 =	vld [tilespmem:s29+$0x9460]  }
0xf9: {  	v22 =	vld [tilespmem:s29+$0x5440]  }
0xfa: {  	v23 =	vld [tilespmem:s29+$0x9440]  }
0xfb: {  	v24 =	vld [tilespmem:s29+$0x5420]  }
0xfc: {  	v25 =	vld [tilespmem:s29+$0x9420]  }
0xfd: {  	v26 =	vld [tilespmem:s29+$0x5400]  }
0xfe: {  	v27 =	vld [tilespmem:s29+$0x9400]  }
0xff: {  	v28 =	vld [tilespmem:s29+$0x5060]  }
0x100: {  	v29 =	vld [tilespmem:s29+$0x9060]  }
0x101: {  	v30 =	vld [tilespmem:s29+$0x5040]  }
0x102: {  	v31 =	vld [tilespmem:s29+$0x9040]  }
0x103: {  	v32 =	vld [tilespmem:s29+$0x5020]  }
0x104: {  	v33 =	vld [tilespmem:s29+$0x9020]  }
0x105: {  	v34 =	vld [tilespmem:s29+$0x9000]  }
0x106: {  	s31 =	simm.s32 $0x100;
	s26 =	sshll.u32 s25, $0x4;
	v35 =	vld [tilespmem:s29+$0x5000]  }
.LBB2_4:
0x107: {  	p0 =	sne.s32 s31, $0x780;
	v36 =	vld [tilespmem:s29+$0x5010]  }
0x108: {  	v37 =	vld [tilespmem:s29+$0x9010]  }
0x109: {  	v38 =	vld [tilespmem:s29+$0x5030]  }
0x10a: {  	v39 =	vld [tilespmem:s29+$0x9030]  }
0x10b: {  	v40 =	vld [tilespmem:s29+$0x5050]  }
0x10c: {  	v41 =	vld [tilespmem:s29+$0x9050]  }
0x10d: {  	v34 =	vmul.f32 v34, v35;
	v35 =	vmul.f32 v37, v36;
	v36 =	vld [tilespmem:s29+$0x5070]  }
0x10e: {  	v32 =	vmul.f32 v33, v32;
	v33 =	vld [tilespmem:s29+$0x9070]  }
0x10f: {  	v34 =	vadd.f32 $0.0e+00, v34;
	v35 =	vadd.f32 $0.0e+00, v35;
	v37 =	vmul.f32 v39, v38;
	v38 =	vld [tilespmem:s29+$0x5410]  }
0x110: {  	v30 =	vmul.f32 v31, v30;
	v31 =	vld [tilespmem:s29+$0x9410]  }
0x111: {  	v32 =	vadd.f32 v32, v34;
	v34 =	vadd.f32 v37, v35;
	v35 =	vmul.f32 v41, v40;
	v37 =	vld [tilespmem:s29+$0x5430]  }
0x112: {  	v28 =	vmul.f32 v29, v28;
	v29 =	vld [tilespmem:s29+$0x9430]  }
0x113: {  	v30 =	vadd.f32 v30, v32;
	v32 =	vadd.f32 v35, v34;
	v33 =	vmul.f32 v33, v36;
	v34 =	vld [tilespmem:s29+$0x5450]  }
0x114: {  	v26 =	vmul.f32 v27, v26;
	v27 =	vld [tilespmem:s29+$0x9450]  }
0x115: {  	v28 =	vadd.f32 v28, v30;
	v30 =	vadd.f32 v33, v32;
	v31 =	vmul.f32 v31, v38;
	v32 =	vld [tilespmem:s29+$0x5470]  }
0x116: {  	v24 =	vmul.f32 v25, v24;
	v25 =	vld [tilespmem:s29+$0x9470]  }
0x117: {  	v26 =	vadd.f32 v26, v28;
	v28 =	vadd.f32 v31, v30;
	v29 =	vmul.f32 v29, v37  }
0x118: {  	v22 =	vmul.f32 v23, v22  }
0x119: {  	v23 =	vadd.f32 v24, v26;
	v24 =	vadd.f32 v29, v28;
	v26 =	vmul.f32 v27, v34  }
0x11a: {  	v20 =	vmul.f32 v21, v20  }
0x11b: {  	v21 =	vadd.f32 v22, v23;
	v22 =	vadd.f32 v26, v24;
	v23 =	vmul.f32 v25, v32;
	_ =	sdelay $0x1  }
0x11c: {  	v20 =	vadd.f32 v20, v21;
	v21 =	vadd.f32 v23, v22;
	_ =	sdelay $0x1  }
0x11d: {  	s30 =	sadd.s32 $0x100, s30;
	v20 =	vadd.f32 v21, v20  }
0x11e: {  	s0 =	sand.u32 $0x380, s31;
	s28 =	sadd.s32 $0x80, s28;
	s29 =	sand.u32 $0x3800, s30  }
0x11f: {  	s29 =	sor.u32 s0, s29;
	[tilespmem:s28+$0x0] =	vst v20  }
0x120: {  	v20 =	vld [tilespmem:s29+$0x5460]  }
0x121: {  	v21 =	vld [tilespmem:s29+$0x9460]  }
0x122: {  	v22 =	vld [tilespmem:s29+$0x5440]  }
0x123: {  	v23 =	vld [tilespmem:s29+$0x9440]  }
0x124: {  	v24 =	vld [tilespmem:s29+$0x5420]  }
0x125: {  	v25 =	vld [tilespmem:s29+$0x9420]  }
0x126: {  	v26 =	vld [tilespmem:s29+$0x5400]  }
0x127: {  	v27 =	vld [tilespmem:s29+$0x9400]  }
0x128: {  	v28 =	vld [tilespmem:s29+$0x5060]  }
0x129: {  	v29 =	vld [tilespmem:s29+$0x9060]  }
0x12a: {  	v30 =	vld [tilespmem:s29+$0x5040]  }
.Ltmp0:
0x12b: {  	v31 =	vld [tilespmem:s29+$0x9040];
	(pc) =	sbr.rel @p0 .LBB2_4-.Ltmp0, $4  }
0x12c: {  	v32 =	vld [tilespmem:s29+$0x5020]  }
0x12d: {  	v33 =	vld [tilespmem:s29+$0x9020]  }
0x12e: {  	v34 =	vld [tilespmem:s29+$0x9000]  }
0x12f: {  	s31 =	sadd.s32 $0x80, s31;
	v35 =	vld [tilespmem:s29+$0x5000]  }
0x130: {  	v36 =	vld [tilespmem:s29+$0x5010]  }
0x131: {  	v37 =	vld [tilespmem:s29+$0x9010]  }
0x132: {  	v38 =	vld [tilespmem:s29+$0x5030]  }
0x133: {  	v39 =	vld [tilespmem:s29+$0x9030]  }
0x134: {  	v40 =	vld [tilespmem:s29+$0x5050]  }
0x135: {  	v41 =	vld [tilespmem:s29+$0x9050]  }
0x136: {  	v52 =	vld [tilespmem:s29+$0x5070];
	v34 =	vmul.f32 v34, v35;
	v51 =	vmul.f32 v37, v36  }
0x137: {  	v53 =	vld [tilespmem:s29+$0x9070];
	v32 =	vmul.f32 v33, v32  }
0x138: {  	v55 =	vld [tilespmem:s29+$0x5410];
	v54 =	vmul.f32 v39, v38;
	v34 =	vadd.f32 $0.0e+00, v34;
	v35 =	vadd.f32 $0.0e+00, v51  }
0x139: {  	v30 =	vmul.f32 v31, v30;
	v56 =	vld [tilespmem:s29+$0x9410]  }
0x13a: {  	v59 =	vld [tilespmem:s29+$0x5430];
	v58 =	vmul.f32 v41, v40;
	v32 =	vadd.f32 v32, v34;
	v57 =	vadd.f32 v54, v35  }
0x13b: {  	v28 =	vmul.f32 v29, v28;
	v60 =	vld [tilespmem:s29+$0x9430]  }
0x13c: {  	v62 =	vld [tilespmem:s29+$0x5450];
	v33 =	vmul.f32 v53, v52;
	v30 =	vadd.f32 v30, v32;
	v61 =	vadd.f32 v58, v57  }
0x13d: {  	v26 =	vmul.f32 v27, v26;
	v63 =	vld [tilespmem:s29+$0x9450]  }
0x13e: {  	v31 =	vmul.f32 v56, v55;
	v39 =	vld [tilespmem:s29+$0x5470];
	v28 =	vadd.f32 v28, v30;
	v36 =	vadd.f32 v33, v61  }
0x13f: {  	v24 =	vmul.f32 v25, v24;
	v40 =	vld [tilespmem:s29+$0x9470]  }
0x140: {  	v29 =	vmul.f32 v60, v59;
	v26 =	vadd.f32 v26, v28;
	v41 =	vadd.f32 v31, v36  }
0x141: {  	v22 =	vmul.f32 v23, v22  }
0x142: {  	v44 =	vmul.f32 v63, v62;
	v42 =	vadd.f32 v24, v26;
	v43 =	vadd.f32 v29, v41  }
0x143: {  	v20 =	vmul.f32 v21, v20  }
0x144: {  	v47 =	vmul.f32 v40, v39;
	v45 =	vadd.f32 v22, v42;
	v46 =	vadd.f32 v44, v43;
	_ =	sdelay $0x1  }
0x145: {  	v20 =	vadd.f32 v20, v45;
	v48 =	vadd.f32 v47, v46;
	_ =	sdelay $0x1  }
0x146: {  	v20 =	vadd.f32 v48, v20  }
0x147: {  	s0 =	sadd.s32 $0x80, s28  }
0x148: {  	[tilespmem:s0+$0x0] =	vst v20  }
0x149: {  	v20 =	vld.idx.msk [tilespmem:v1+s17+$0x0], $0xffff;
	_ =	sdelay $0x1  }
0x14a: {  	v49 =	vld.idx.msk [tilespmem:v4+s17+$0x0], $0xffff;
	_ =	sdelay $0x1  }
0x14b: {  	v50 =	vld.idx.msk [tilespmem:v5+s17+$0x0], $0xffff  }
0x14c: {  	v20 =	vadd.f32 $0.0e+00, v20  }
0x14d: {  	v51 =	vld.idx.msk [tilespmem:v6+s17+$0x0], $0xffff  }
0x14e: {  	v20 =	vadd.f32 v49, v20  }
0x14f: {  	v52 =	vld.idx.msk [tilespmem:v7+s17+$0x0], $0xffff  }
0x150: {  	v20 =	vadd.f32 v50, v20  }
0x151: {  	v53 =	vld.idx.msk [tilespmem:v8+s17+$0x0], $0xffff  }
0x152: {  	v20 =	vadd.f32 v51, v20  }
0x153: {  	v54 =	vld.idx.msk [tilespmem:v9+s17+$0x0], $0xffff  }
0x154: {  	v20 =	vadd.f32 v52, v20  }
0x155: {  	v55 =	vld.idx.msk [tilespmem:v10+s17+$0x0], $0xffff  }
0x156: {  	v20 =	vadd.f32 v53, v20  }
0x157: {  	v56 =	vld.idx.msk [tilespmem:v11+s17+$0x0], $0xffff  }
0x158: {  	v20 =	vadd.f32 v54, v20  }
0x159: {  	v57 =	vld.idx.msk [tilespmem:v12+s17+$0x0], $0xffff  }
0x15a: {  	v20 =	vadd.f32 v55, v20  }
0x15b: {  	v58 =	vld.idx.msk [tilespmem:v13+s17+$0x0], $0xffff  }
0x15c: {  	v20 =	vadd.f32 v56, v20  }
0x15d: {  	v59 =	vld.idx.msk [tilespmem:v14+s17+$0x0], $0xffff  }
0x15e: {  	v20 =	vadd.f32 v57, v20  }
0x15f: {  	v60 =	vld.idx.msk [tilespmem:v15+s17+$0x0], $0xffff  }
0x160: {  	v20 =	vadd.f32 v58, v20  }
0x161: {  	v61 =	vld.idx.msk [tilespmem:v16+s17+$0x0], $0xffff  }
0x162: {  	v20 =	vadd.f32 v59, v20  }
0x163: {  	v62 =	vld.idx.msk [tilespmem:v17+s17+$0x0], $0xffff  }
0x164: {  	v20 =	vadd.f32 v60, v20  }
0x165: {  	v63 =	vld.idx.msk [tilespmem:v18+s17+$0x0], $0xffff  }
0x166: {  	s25 =	sadd.s32 $0x1, s25;
	v20 =	vadd.f32 v61, v20  }
0x167: {  	p0 =	sne.s32 s25, $0x4  }
.Ltmp1:
0x168: {  	v20 =	vadd.f32 v62, v20;
	(pc) =	sbr.rel @p0 .LBB2_3-.Ltmp1, $3  }
0x169: {  	_ = 	snop  }
0x16a: {  	v20 =	vadd.f32 v63, v20;
	_ =	sdelay $0x1  }
0x16b: {  	s24 =	sadd.s32 $0x1000, s24;
	[tilespmem:v19+s26+$0x0 ss:$0x1] =	vst.idx.msk $0xffff, v20  }
0x16c: {  	p0 =	seq.s32 s20, $0x27  }
.Ltmp2:
0x16d: {  	_ = 	snop;
	(pc) =	sbr.rel @p0 .LBB2_8-.Ltmp2, $1  }
0x16e: {  	_ =	sdelay $0x3  }
0x16f: {  	v19 =	vld [tilespmem:s21+$0x100];
	_ =	sdelay $0x4  }
0x170: {  	v20 =	vshll.u32 v19, $0x1  }
0x171: {  	v19 =	vand.u32 $0x7, v19;
	v20 =	vand.u32 $0xFFFFFFF0, v20  }
0x172: {  	v19 =	vor.u32 v19, v20  }
0x173: {  	v20 =	vperm.xlane v19, v0;
	_ =	sdelay $0x1  }
0x174: {  	v19 =	vperm.xlane v19, v3;
	v20 =	vadd.s32 v2, v20;
	_ =	sdelay $0x1  }
0x175: {  	v19 =	vadd.s32 v2, v19;
	_ =	sdelay $0x1  }
0x176: {  	s0 =	simm.s32 $0x5000  }
0x177: {  	[tilespmem:s0], [sflag:$0x1] =	stream.indirect_vreg.gather [hbm4b:s3+s2], $0x80, v20, vm0, $0xb8;
	[tilespmem:$0x18000] =	vst v63  }
0x178: {  	s24 =	simm.s32 $0x5800  }
0x179: {  	[tilespmem:s24], [sflag:$0x1] =	stream.indirect_vreg.gather [hbm4b:s3+s2], $0x80, v19, vm0, $0xb8;
	[tilespmem:$0x18000] =	vst v63  }
0x17a: {  	v19 =	vld [tilespmem:s21+$0x110];
	_ =	sdelay $0x4  }
0x17b: {  	v20 =	vshll.u32 v19, $0x1  }
0x17c: {  	v19 =	vand.u32 $0x7, v19;
	v20 =	vand.u32 $0xFFFFFFF0, v20  }
0x17d: {  	v19 =	vor.u32 v19, v20  }
0x17e: {  	v20 =	vperm.xlane v19, v0;
	_ =	sdelay $0x1  }
0x17f: {  	v19 =	vperm.xlane v19, v3;
	v20 =	vadd.s32 v2, v20;
	_ =	sdelay $0x1  }
0x180: {  	v19 =	vadd.s32 v2, v19;
	_ =	sdelay $0x1  }
0x181: {  	s25 =	simm.s32 $0x6000  }
0x182: {  	[tilespmem:s25], [sflag:$0x1] =	stream.indirect_vreg.gather [hbm4b:s3+s2], $0x80, v20, vm0, $0xb8;
	[tilespmem:$0x18000] =	vst v63  }
0x183: {  	s26 =	simm.s32 $0x6800  }
0x184: {  	[tilespmem:s26], [sflag:$0x1] =	stream.indirect_vreg.gather [hbm4b:s3+s2], $0x80, v19, vm0, $0xb8;
	[tilespmem:$0x18000] =	vst v63  }
0x185: {  	v19 =	vld [tilespmem:s21+$0x120];
	_ =	sdelay $0x4  }
0x186: {  	v20 =	vshll.u32 v19, $0x1  }
0x187: {  	v19 =	vand.u32 $0x7, v19;
	v20 =	vand.u32 $0xFFFFFFF0, v20  }
0x188: {  	v19 =	vor.u32 v19, v20  }
0x189: {  	v20 =	vperm.xlane v19, v0;
	_ =	sdelay $0x1  }
0x18a: {  	v19 =	vperm.xlane v19, v3;
	v20 =	vadd.s32 v2, v20;
	_ =	sdelay $0x1  }
0x18b: {  	v19 =	vadd.s32 v2, v19;
	_ =	sdelay $0x1  }
0x18c: {  	s28 =	simm.s32 $0x7000  }
0x18d: {  	[tilespmem:s28], [sflag:$0x1] =	stream.indirect_vreg.gather [hbm4b:s3+s2], $0x80, v20, vm0, $0xb8;
	[tilespmem:$0x18000] =	vst v63  }
0x18e: {  	s29 =	simm.s32 $0x7800  }
0x18f: {  	[tilespmem:s29], [sflag:$0x1] =	stream.indirect_vreg.gather [hbm4b:s3+s2], $0x80, v19, vm0, $0xb8;
	[tilespmem:$0x18000] =	vst v63  }
0x190: {  	v19 =	vld [tilespmem:s21+$0x130];
	_ =	sdelay $0x4  }
0x191: {  	v20 =	vshll.u32 v19, $0x1  }
0x192: {  	v19 =	vand.u32 $0x7, v19;
	v20 =	vand.u32 $0xFFFFFFF0, v20  }
0x193: {  	v19 =	vor.u32 v19, v20  }
0x194: {  	v20 =	vperm.xlane v19, v0;
	_ =	sdelay $0x1  }
0x195: {  	v19 =	vperm.xlane v19, v3;
	v20 =	vadd.s32 v2, v20;
	_ =	sdelay $0x1  }
0x196: {  	v19 =	vadd.s32 v2, v19;
	_ =	sdelay $0x1  }
0x197: {  	s30 =	simm.s32 $0x8000  }
0x198: {  	[tilespmem:s30], [sflag:$0x1] =	stream.indirect_vreg.gather [hbm4b:s3+s2], $0x80, v20, vm0, $0xb8;
	[tilespmem:$0x18000] =	vst v63  }
0x199: {  	s31 =	simm.s32 $0x8800  }
0x19a: {  	[tilespmem:s31], [sflag:$0x1] =	stream.indirect_vreg.gather [hbm4b:s3+s2], $0x80, v19, vm0, $0xb8;
	[tilespmem:$0x18000] =	vst v63  }
0x19b: {  	v19 =	vld [tilespmem:s21+$0x2900];
	_ =	sdelay $0x4  }
0x19c: {  	v20 =	vshll.u32 v19, $0x1  }
0x19d: {  	v19 =	vand.u32 $0x7, v19;
	v20 =	vand.u32 $0xFFFFFFF0, v20  }
0x19e: {  	v19 =	vor.u32 v19, v20  }
0x19f: {  	v20 =	vperm.xlane v19, v0;
	_ =	sdelay $0x1  }
0x1a0: {  	v19 =	vperm.xlane v19, v3;
	v20 =	vadd.s32 v2, v20;
	_ =	sdelay $0x1  }
0x1a1: {  	v19 =	vadd.s32 v2, v19;
	_ =	sdelay $0x1  }
0x1a2: {  	s23 =	simm.s32 $0x9000  }
0x1a3: {  	[tilespmem:s23], [sflag:$0x2] =	stream.indirect_vreg.gather [hbm4b:s4+s2], $0x80, v20, vm0, $0xb8;
	[tilespmem:$0x18000] =	vst v63  }
0x1a4: {  	s24 =	simm.s32 $0x9800  }
0x1a5: {  	[tilespmem:s24], [sflag:$0x2] =	stream.indirect_vreg.gather [hbm4b:s4+s2], $0x80, v19, vm0, $0xb8;
	[tilespmem:$0x18000] =	vst v63  }
0x1a6: {  	v19 =	vld [tilespmem:s21+$0x2910];
	_ =	sdelay $0x4  }
0x1a7: {  	v20 =	vshll.u32 v19, $0x1  }
0x1a8: {  	v19 =	vand.u32 $0x7, v19;
	v20 =	vand.u32 $0xFFFFFFF0, v20  }
0x1a9: {  	v19 =	vor.u32 v19, v20  }
0x1aa: {  	v20 =	vperm.xlane v19, v0;
	_ =	sdelay $0x1  }
0x1ab: {  	v19 =	vperm.xlane v19, v3;
	v20 =	vadd.s32 v2, v20;
	_ =	sdelay $0x1  }
0x1ac: {  	v19 =	vadd.s32 v2, v19;
	_ =	sdelay $0x1  }
0x1ad: {  	s25 =	simm.s32 $0xA000  }
0x1ae: {  	[tilespmem:s25], [sflag:$0x2] =	stream.indirect_vreg.gather [hbm4b:s4+s2], $0x80, v20, vm0, $0xb8;
	[tilespmem:$0x18000] =	vst v63  }
0x1af: {  	s26 =	simm.s32 $0xA800  }
0x1b0: {  	[tilespmem:s26], [sflag:$0x2] =	stream.indirect_vreg.gather [hbm4b:s4+s2], $0x80, v19, vm0, $0xb8;
	[tilespmem:$0x18000] =	vst v63  }
0x1b1: {  	v19 =	vld [tilespmem:s21+$0x2920];
	_ =	sdelay $0x4  }
0x1b2: {  	v20 =	vshll.u32 v19, $0x1  }
0x1b3: {  	v19 =	vand.u32 $0x7, v19;
	v20 =	vand.u32 $0xFFFFFFF0, v20  }
0x1b4: {  	v19 =	vor.u32 v19, v20  }
0x1b5: {  	v20 =	vperm.xlane v19, v0;
	_ =	sdelay $0x1  }
0x1b6: {  	v19 =	vperm.xlane v19, v3;
	v20 =	vadd.s32 v2, v20;
	_ =	sdelay $0x1  }
0x1b7: {  	v19 =	vadd.s32 v2, v19;
	_ =	sdelay $0x1  }
0x1b8: {  	s28 =	simm.s32 $0xB000  }
0x1b9: {  	[tilespmem:s28], [sflag:$0x2] =	stream.indirect_vreg.gather [hbm4b:s4+s2], $0x80, v20, vm0, $0xb8;
	[tilespmem:$0x18000] =	vst v63  }
0x1ba: {  	s29 =	simm.s32 $0xB800  }
0x1bb: {  	[tilespmem:s29], [sflag:$0x2] =	stream.indirect_vreg.gather [hbm4b:s4+s2], $0x80, v19, vm0, $0xb8;
	[tilespmem:$0x18000] =	vst v63  }
0x1bc: {  	v19 =	vld [tilespmem:s21+$0x2930];
	_ =	sdelay $0x4  }
0x1bd: {  	v20 =	vshll.u32 v19, $0x1  }
0x1be: {  	v19 =	vand.u32 $0x7, v19;
	v20 =	vand.u32 $0xFFFFFFF0, v20  }
0x1bf: {  	v19 =	vor.u32 v19, v20  }
0x1c0: {  	v20 =	vperm.xlane v19, v0;
	_ =	sdelay $0x1  }
0x1c1: {  	v19 =	vperm.xlane v19, v3;
	v20 =	vadd.s32 v2, v20;
	_ =	sdelay $0x1  }
0x1c2: {  	v19 =	vadd.s32 v2, v19;
	_ =	sdelay $0x1  }
0x1c3: {  	s30 =	simm.s32 $0xC000  }
0x1c4: {  	[tilespmem:s30], [sflag:$0x2] =	stream.indirect_vreg.gather [hbm4b:s4+s2], $0x80, v20, vm0, $0xb8;
	[tilespmem:$0x18000] =	vst v63  }
0x1c5: {  	s31 =	simm.s32 $0xC800  }
0x1c6: {  	[tilespmem:s31], [sflag:$0x2] =	stream.indirect_vreg.gather [hbm4b:s4+s2], $0x80, v19, vm0, $0xb8;
	[tilespmem:$0x18000] =	vst v63  }
.LBB2_8:
0x1c7: {  	_ =	swait.ge [sflag:s18], $0x4000  }
0x1c8: {  	[sflag:s18] =	ssyncset.done $0x0  }
0x1c9: {  	[sflag:s18] =	ssyncadd.s32 $0xFFFFC000  }
0x1ca: {  	_ =	swait.ge [sflag:s19], $0x4000  }
0x1cb: {  	s0 =	sadd.s32 $0x15000, s22;
	s21 =	simm.s32 $0x0;
	[sflag:s19] =	ssyncset.done $0x0  }
0x1cc: {  	s22 =	simm.s32 $0x0;
	s23 =	simm.s32 $0x0;
	v19 =	vmov s0;
	[sflag:s19] =	ssyncadd.s32 $0xFFFFC000  }
.LBB2_9:
0x1cd: {  	s0 =	sand.u32 $0x3800, s22;
	s24 =	sand.u32 $0x380, s21  }
0x1ce: {  	s0 =	sor.u32 s24, s0  }
0x1cf: {  	v20 =	vld [tilespmem:s0+$0xD460]  }
0x1d0: {  	v21 =	vld [tilespmem:s0+$0x11460]  }
0x1d1: {  	v22 =	vld [tilespmem:s0+$0xD440]  }
0x1d2: {  	v23 =	vld [tilespmem:s0+$0x11440]  }
0x1d3: {  	v24 =	vld [tilespmem:s0+$0xD420]  }
0x1d4: {  	v25 =	vld [tilespmem:s0+$0x11420]  }
0x1d5: {  	v26 =	vld [tilespmem:s0+$0xD400]  }
0x1d6: {  	v27 =	vld [tilespmem:s0+$0x11400]  }
0x1d7: {  	v28 =	vld [tilespmem:s0+$0xD060]  }
0x1d8: {  	v29 =	vld [tilespmem:s0+$0x11060]  }
0x1d9: {  	v30 =	vld [tilespmem:s0+$0xD040]  }
0x1da: {  	v31 =	vld [tilespmem:s0+$0x11040]  }
0x1db: {  	v32 =	vld [tilespmem:s0+$0xD020]  }
0x1dc: {  	v33 =	vld [tilespmem:s0+$0x11020]  }
0x1dd: {  	v34 =	vld [tilespmem:s0+$0x11000]  }
0x1de: {  	v35 =	vld [tilespmem:s0+$0xD000]  }
0x1df: {  	v36 =	vld [tilespmem:s0+$0xD010]  }
0x1e0: {  	v37 =	vld [tilespmem:s0+$0x11010]  }
0x1e1: {  	v38 =	vld [tilespmem:s0+$0xD030]  }
0x1e2: {  	v39 =	vld [tilespmem:s0+$0x11030]  }
0x1e3: {  	v40 =	vld [tilespmem:s0+$0xD050]  }
0x1e4: {  	v41 =	vld [tilespmem:s0+$0x11050]  }
0x1e5: {  	v54 =	vld [tilespmem:s0+$0xD070];
	v34 =	vmul.f32 v34, v35;
	v53 =	vmul.f32 v37, v36  }
0x1e6: {  	v55 =	vld [tilespmem:s0+$0x11070];
	v32 =	vmul.f32 v33, v32  }
0x1e7: {  	v57 =	vld [tilespmem:s0+$0xD410];
	v56 =	vmul.f32 v39, v38;
	v34 =	vadd.f32 $0.0e+00, v34;
	v35 =	vadd.f32 $0.0e+00, v53  }
0x1e8: {  	v30 =	vmul.f32 v31, v30;
	v31 =	vld [tilespmem:s0+$0x11410]  }
0x1e9: {  	v60 =	vld [tilespmem:s0+$0xD430];
	v59 =	vmul.f32 v41, v40;
	v32 =	vadd.f32 v32, v34;
	v58 =	vadd.f32 v56, v35  }
0x1ea: {  	v28 =	vmul.f32 v29, v28;
	v29 =	vld [tilespmem:s0+$0x11430]  }
0x1eb: {  	v62 =	vld [tilespmem:s0+$0xD450];
	v33 =	vmul.f32 v55, v54;
	v30 =	vadd.f32 v30, v32;
	v61 =	vadd.f32 v59, v58  }
0x1ec: {  	v26 =	vmul.f32 v27, v26;
	v27 =	vld [tilespmem:s0+$0x11450]  }
0x1ed: {  	v63 =	vld [tilespmem:s0+$0xD470];
	v31 =	vmul.f32 v31, v57;
	v28 =	vadd.f32 v28, v30;
	v30 =	vadd.f32 v33, v61  }
0x1ee: {  	v24 =	vmul.f32 v25, v24;
	v25 =	vld [tilespmem:s0+$0x11470]  }
0x1ef: {  	v29 =	vmul.f32 v29, v60;
	v26 =	vadd.f32 v26, v28;
	v28 =	vadd.f32 v31, v30  }
0x1f0: {  	v22 =	vmul.f32 v23, v22  }
0x1f1: {  	v23 =	vadd.f32 v24, v26;
	v24 =	vadd.f32 v29, v28;
	v26 =	vmul.f32 v27, v62  }
0x1f2: {  	v20 =	vmul.f32 v21, v20  }
0x1f3: {  	v21 =	vadd.f32 v22, v23;
	v22 =	vadd.f32 v26, v24;
	v23 =	vmul.f32 v25, v63;
	_ =	sdelay $0x1  }
0x1f4: {  	v20 =	vadd.f32 v20, v21;
	v21 =	vadd.f32 v23, v22;
	_ =	sdelay $0x1  }
0x1f5: {  	s30 =	simm.s32 $0x80;
	s28 =	sadd.s32 $0x100, s22;
	v20 =	vadd.f32 v21, v20  }
0x1f6: {  	s25 =	simm.s32 $0x17800;
	s31 =	sand.u32 $0x3800, s28;
	s0 =	sand.u32 $0x380, s30  }
0x1f7: {  	s26 =	sor.u32 s0, s31;
	[tilespmem:s25+$0x0] =	vst v20  }
0x1f8: {  	v20 =	vld [tilespmem:s26+$0xD460]  }
0x1f9: {  	v21 =	vld [tilespmem:s26+$0x11460]  }
0x1fa: {  	v22 =	vld [tilespmem:s26+$0xD440]  }
0x1fb: {  	v23 =	vld [tilespmem:s26+$0x11440]  }
0x1fc: {  	v24 =	vld [tilespmem:s26+$0xD420]  }
0x1fd: {  	v25 =	vld [tilespmem:s26+$0x11420]  }
0x1fe: {  	v26 =	vld [tilespmem:s26+$0xD400]  }
0x1ff: {  	v27 =	vld [tilespmem:s26+$0x11400]  }
0x200: {  	v28 =	vld [tilespmem:s26+$0xD060]  }
0x201: {  	v29 =	vld [tilespmem:s26+$0x11060]  }
0x202: {  	v30 =	vld [tilespmem:s26+$0xD040]  }
0x203: {  	v31 =	vld [tilespmem:s26+$0x11040]  }
0x204: {  	v32 =	vld [tilespmem:s26+$0xD020]  }
0x205: {  	v33 =	vld [tilespmem:s26+$0x11020]  }
0x206: {  	v34 =	vld [tilespmem:s26+$0x11000]  }
0x207: {  	s29 =	simm.s32 $0x100;
	s24 =	sshll.u32 s23, $0x4;
	v35 =	vld [tilespmem:s26+$0xD000]  }
.LBB2_10:
0x208: {  	p0 =	sne.s32 s29, $0x780;
	v36 =	vld [tilespmem:s26+$0xD010]  }
0x209: {  	v37 =	vld [tilespmem:s26+$0x11010]  }
0x20a: {  	v38 =	vld [tilespmem:s26+$0xD030]  }
0x20b: {  	v39 =	vld [tilespmem:s26+$0x11030]  }
0x20c: {  	v40 =	vld [tilespmem:s26+$0xD050]  }
0x20d: {  	v41 =	vld [tilespmem:s26+$0x11050]  }
0x20e: {  	v34 =	vmul.f32 v34, v35;
	v35 =	vmul.f32 v37, v36;
	v36 =	vld [tilespmem:s26+$0xD070]  }
0x20f: {  	v32 =	vmul.f32 v33, v32;
	v33 =	vld [tilespmem:s26+$0x11070]  }
0x210: {  	v34 =	vadd.f32 $0.0e+00, v34;
	v35 =	vadd.f32 $0.0e+00, v35;
	v37 =	vmul.f32 v39, v38;
	v38 =	vld [tilespmem:s26+$0xD410]  }
0x211: {  	v30 =	vmul.f32 v31, v30;
	v31 =	vld [tilespmem:s26+$0x11410]  }
0x212: {  	v32 =	vadd.f32 v32, v34;
	v34 =	vadd.f32 v37, v35;
	v35 =	vmul.f32 v41, v40;
	v37 =	vld [tilespmem:s26+$0xD430]  }
0x213: {  	v28 =	vmul.f32 v29, v28;
	v29 =	vld [tilespmem:s26+$0x11430]  }
0x214: {  	v30 =	vadd.f32 v30, v32;
	v32 =	vadd.f32 v35, v34;
	v33 =	vmul.f32 v33, v36;
	v34 =	vld [tilespmem:s26+$0xD450]  }
0x215: {  	v26 =	vmul.f32 v27, v26;
	v27 =	vld [tilespmem:s26+$0x11450]  }
0x216: {  	v28 =	vadd.f32 v28, v30;
	v30 =	vadd.f32 v33, v32;
	v31 =	vmul.f32 v31, v38;
	v32 =	vld [tilespmem:s26+$0xD470]  }
0x217: {  	v24 =	vmul.f32 v25, v24;
	v25 =	vld [tilespmem:s26+$0x11470]  }
0x218: {  	v26 =	vadd.f32 v26, v28;
	v28 =	vadd.f32 v31, v30;
	v29 =	vmul.f32 v29, v37  }
0x219: {  	v22 =	vmul.f32 v23, v22  }
0x21a: {  	v23 =	vadd.f32 v24, v26;
	v24 =	vadd.f32 v29, v28;
	v26 =	vmul.f32 v27, v34  }
0x21b: {  	v20 =	vmul.f32 v21, v20  }
0x21c: {  	v21 =	vadd.f32 v22, v23;
	v22 =	vadd.f32 v26, v24;
	v23 =	vmul.f32 v25, v32;
	_ =	sdelay $0x1  }
0x21d: {  	v20 =	vadd.f32 v20, v21;
	v21 =	vadd.f32 v23, v22;
	_ =	sdelay $0x1  }
0x21e: {  	s28 =	sadd.s32 $0x100, s28;
	v20 =	vadd.f32 v21, v20  }
0x21f: {  	s25 =	sadd.s32 $0x80, s25;
	s0 =	sand.u32 $0x3800, s28;
	s26 =	sand.u32 $0x380, s29  }
0x220: {  	s26 =	sor.u32 s26, s0;
	[tilespmem:s25+$0x0] =	vst v20  }
0x221: {  	v20 =	vld [tilespmem:s26+$0xD460]  }
0x222: {  	v21 =	vld [tilespmem:s26+$0x11460]  }
0x223: {  	v22 =	vld [tilespmem:s26+$0xD440]  }
0x224: {  	v23 =	vld [tilespmem:s26+$0x11440]  }
0x225: {  	v24 =	vld [tilespmem:s26+$0xD420]  }
0x226: {  	v25 =	vld [tilespmem:s26+$0x11420]  }
0x227: {  	v26 =	vld [tilespmem:s26+$0xD400]  }
0x228: {  	v27 =	vld [tilespmem:s26+$0x11400]  }
0x229: {  	v28 =	vld [tilespmem:s26+$0xD060]  }
0x22a: {  	v29 =	vld [tilespmem:s26+$0x11060]  }
0x22b: {  	v30 =	vld [tilespmem:s26+$0xD040]  }
.Ltmp3:
0x22c: {  	v31 =	vld [tilespmem:s26+$0x11040];
	(pc) =	sbr.rel @p0 .LBB2_10-.Ltmp3, $4  }
0x22d: {  	v32 =	vld [tilespmem:s26+$0xD020]  }
0x22e: {  	v33 =	vld [tilespmem:s26+$0x11020]  }
0x22f: {  	v34 =	vld [tilespmem:s26+$0x11000]  }
0x230: {  	s29 =	sadd.s32 $0x80, s29;
	v35 =	vld [tilespmem:s26+$0xD000]  }
0x231: {  	v36 =	vld [tilespmem:s26+$0xD010]  }
0x232: {  	v37 =	vld [tilespmem:s26+$0x11010]  }
0x233: {  	v38 =	vld [tilespmem:s26+$0xD030]  }
0x234: {  	v39 =	vld [tilespmem:s26+$0x11030]  }
0x235: {  	v40 =	vld [tilespmem:s26+$0xD050]  }
0x236: {  	v41 =	vld [tilespmem:s26+$0x11050]  }
0x237: {  	v52 =	vld [tilespmem:s26+$0xD070];
	v34 =	vmul.f32 v34, v35;
	v51 =	vmul.f32 v37, v36  }
0x238: {  	v53 =	vld [tilespmem:s26+$0x11070];
	v32 =	vmul.f32 v33, v32  }
0x239: {  	v55 =	vld [tilespmem:s26+$0xD410];
	v54 =	vmul.f32 v39, v38;
	v34 =	vadd.f32 $0.0e+00, v34;
	v35 =	vadd.f32 $0.0e+00, v51  }
0x23a: {  	v30 =	vmul.f32 v31, v30;
	v56 =	vld [tilespmem:s26+$0x11410]  }
0x23b: {  	v59 =	vld [tilespmem:s26+$0xD430];
	v58 =	vmul.f32 v41, v40;
	v32 =	vadd.f32 v32, v34;
	v57 =	vadd.f32 v54, v35  }
0x23c: {  	v28 =	vmul.f32 v29, v28;
	v60 =	vld [tilespmem:s26+$0x11430]  }
0x23d: {  	v62 =	vld [tilespmem:s26+$0xD450];
	v33 =	vmul.f32 v53, v52;
	v30 =	vadd.f32 v30, v32;
	v61 =	vadd.f32 v58, v57  }
0x23e: {  	v26 =	vmul.f32 v27, v26;
	v63 =	vld [tilespmem:s26+$0x11450]  }
0x23f: {  	v31 =	vmul.f32 v56, v55;
	v39 =	vld [tilespmem:s26+$0xD470];
	v28 =	vadd.f32 v28, v30;
	v36 =	vadd.f32 v33, v61  }
0x240: {  	v24 =	vmul.f32 v25, v24;
	v40 =	vld [tilespmem:s26+$0x11470]  }
0x241: {  	v29 =	vmul.f32 v60, v59;
	v26 =	vadd.f32 v26, v28;
	v41 =	vadd.f32 v31, v36  }
0x242: {  	v22 =	vmul.f32 v23, v22  }
0x243: {  	v44 =	vmul.f32 v63, v62;
	v42 =	vadd.f32 v24, v26;
	v43 =	vadd.f32 v29, v41  }
0x244: {  	v20 =	vmul.f32 v21, v20  }
0x245: {  	v47 =	vmul.f32 v40, v39;
	v45 =	vadd.f32 v22, v42;
	v46 =	vadd.f32 v44, v43;
	_ =	sdelay $0x1  }
0x246: {  	v20 =	vadd.f32 v20, v45;
	v48 =	vadd.f32 v47, v46;
	_ =	sdelay $0x1  }
0x247: {  	v20 =	vadd.f32 v48, v20  }
0x248: {  	s0 =	sadd.s32 $0x80, s25  }
0x249: {  	[tilespmem:s0+$0x0] =	vst v20  }
0x24a: {  	v20 =	vld.idx.msk [tilespmem:v1+s17+$0x0], $0xffff;
	_ =	sdelay $0x1  }
0x24b: {  	v49 =	vld.idx.msk [tilespmem:v4+s17+$0x0], $0xffff;
	_ =	sdelay $0x1  }
0x24c: {  	v50 =	vld.idx.msk [tilespmem:v5+s17+$0x0], $0xffff  }
0x24d: {  	v20 =	vadd.f32 $0.0e+00, v20  }
0x24e: {  	v51 =	vld.idx.msk [tilespmem:v6+s17+$0x0], $0xffff  }
0x24f: {  	v20 =	vadd.f32 v49, v20  }
0x250: {  	v52 =	vld.idx.msk [tilespmem:v7+s17+$0x0], $0xffff  }
0x251: {  	v20 =	vadd.f32 v50, v20  }
0x252: {  	v53 =	vld.idx.msk [tilespmem:v8+s17+$0x0], $0xffff  }
0x253: {  	v20 =	vadd.f32 v51, v20  }
0x254: {  	v54 =	vld.idx.msk [tilespmem:v9+s17+$0x0], $0xffff  }
0x255: {  	v20 =	vadd.f32 v52, v20  }
0x256: {  	v55 =	vld.idx.msk [tilespmem:v10+s17+$0x0], $0xffff  }
0x257: {  	v20 =	vadd.f32 v53, v20  }
0x258: {  	v56 =	vld.idx.msk [tilespmem:v11+s17+$0x0], $0xffff  }
0x259: {  	v20 =	vadd.f32 v54, v20  }
0x25a: {  	v57 =	vld.idx.msk [tilespmem:v12+s17+$0x0], $0xffff  }
0x25b: {  	v20 =	vadd.f32 v55, v20  }
0x25c: {  	v58 =	vld.idx.msk [tilespmem:v13+s17+$0x0], $0xffff  }
0x25d: {  	v20 =	vadd.f32 v56, v20  }
0x25e: {  	v59 =	vld.idx.msk [tilespmem:v14+s17+$0x0], $0xffff  }
0x25f: {  	v20 =	vadd.f32 v57, v20  }
0x260: {  	v60 =	vld.idx.msk [tilespmem:v15+s17+$0x0], $0xffff  }
0x261: {  	v20 =	vadd.f32 v58, v20  }
0x262: {  	v61 =	vld.idx.msk [tilespmem:v16+s17+$0x0], $0xffff  }
0x263: {  	v20 =	vadd.f32 v59, v20  }
0x264: {  	v62 =	vld.idx.msk [tilespmem:v17+s17+$0x0], $0xffff  }
0x265: {  	v20 =	vadd.f32 v60, v20  }
0x266: {  	v63 =	vld.idx.msk [tilespmem:v18+s17+$0x0], $0xffff  }
0x267: {  	s23 =	sadd.s32 $0x1, s23;
	v20 =	vadd.f32 v61, v20  }
0x268: {  	p0 =	sne.s32 s23, $0x4  }
.Ltmp4:
0x269: {  	v20 =	vadd.f32 v62, v20;
	(pc) =	sbr.rel @p0 .LBB2_9-.Ltmp4, $3  }
0x26a: {  	_ = 	snop  }
0x26b: {  	v20 =	vadd.f32 v63, v20;
	_ =	sdelay $0x1  }
0x26c: {  	s22 =	sadd.s32 $0x1000, s22;
	[tilespmem:v19+s24+$0x0 ss:$0x1] =	vst.idx.msk $0xffff, v20  }
0x26d: {  	s20 =	sadd.s32 $0x1, s20  }
0x26e: {  	p0 =	sne.s32 s20, $0x28  }
.Ltmp5:
0x26f: {  	_ = 	snop;
	(pc) =	sbr.rel @p0 .LBB2_2-.Ltmp5, $1  }
0x270: {  	_ =	sdelay $0x3  }
0x271: {  	s0 =	rddreg [dreg:$0x4];
	s20 =	simm.s32 $0x15000  }
0x272: {  	[hbm4b:s0+s2] =	stream.linear.scatter [tilespmem:s20], [sflag:$0x5], $0x2800, $0x38;
	[tilespmem:$0x18000] =	vst v63  }
0x273: {  	s20 =	simm.s32 $0x5  }
0x274: {  	_ =	swait.ge [sflag:s20], $0x2800  }
0x275: {  	s21 =	rddreg [dreg:$0x6]  }
0x276: {  	s31 =	rddreg [dreg:$0x5];
	s21 =	sadd.s32 $0x1, s21  }
0x277: {  	p0 =	sne.s32 s21, s31  }
.Ltmp6:
0x278: {  	_ = 	snop;
	(pc) =	sbr.rel @p0 .LBB2_1-.Ltmp6, $3  }
0x279: {  	_ =	sdelay $0x1  }
0x27a: {  	[sflag:s20] =	ssyncset.done $0x0  }
0x27b: {  	[sflag:s20] =	ssyncadd.s32 $0xFFFFD800  }
0x27c: {  	_ =	sfence.sel $0x180000  }
0x27d: {  	[bflag:$0x0] =	sbarrier.arrive $0xFFFF  }
0x27e: {  	_ =	strace $0x9000004D  }
0x27f: {  	s0 =	stileid.u32;
	[bflag:$0x2] =	sbarrier.arrive $0xFFFF  }
0x280: {  	p0 =	sne.s32 s0, $0x0;
	s0 =	rddreg [dreg:$0x1]  }
0x281: {  	s0 =	sadd.s32 @!p0 $0x100000, s0  }
0x282: {  	[sflag:s0] =	ssyncadd.tile.s32 @!p0 $0x1;
	_ =	shalt  }
.Lfunc_end2:
_tile_overlayer_lowered:
.L_overlay_start_2:
0x283: {  	(tag) =	ssettag $0x2  }
0x284: {  	s0 =	rddreg [dreg:$0x0];
	s2 =	stileid.u32  }
0x285: {  	s1 =	rddreg [dreg:$0x1];
	p0 =	sne.s32 s2, $0x0  }
0x286: {  	s3 =	rddreg [dreg:$0x2];
	[bflag:$0x3] =	sbarrier.arrive $0xFFFF;
	s2 =	simm.s32 @!p0 $0x1C05  }
0x287: {  	[timem:s3], [sflag:s2] =	dma.local @!p0 [hbm:s0], s1  }
0x288: {  	s0 =	simm.s32 @!p0 $0x5  }
0x289: {  	_ =	swait.ge @!p0 [sflag:s0], s1  }
0x28a: {  	s1 =	ssub.s32 @!p0 $0x0, s1;
	[sflag:s0] =	ssyncset.done @!p0 $0x0  }
0x28b: {  	[sflag:s0] =	ssyncadd.s32 @!p0 s1  }
0x28c: {  	[bflag:$0x3] =	sbarrier.arrive $0xFFFF  }
0x28d: {  	_ =	shalt  }

// kernel: kernel.7.cloned.1.call-start
scs
__scs_entry_jumppad:
0x0: {  	(pc) =	sbr.rel $0x88, $3  }
0x1: {  	(tag) =	ssettag $0x0;
	lr =	simm.s32 $0x1  }
0x2: {  	[smem:$0x3F96] =	sst lr;
	_ =	strace $0xD0000000  }
0x3: {  	_ = 	snop  }
0x4: {  	_ = 	snop  }
0x5: {  	_ = 	snop  }
0x6: {  	_ = 	snop  }
0x7: {  	_ = 	snop  }
__scs_overlays_trampoline_lowered:
0x8: {  	[smem:$0x3FA5] =	sst s0  }
0x9: {  	[smem:$0x3FA6] =	sst s1  }
0xa: {  	[smem:$0x3FA7] =	sst s2  }
0xb: {  	[smem:$0x3FA8] =	sst s3  }
0xc: {  	[smem:$0x3FA9] =	sst s4  }
0xd: {  	[smem:$0x3FAA] =	sst s5  }
0xe: {  	[smem:$0x3FAB] =	sst s6  }
0xf: {  	[smem:$0x3FAC] =	sst s7  }
0x10: {  	[smem:$0x3FAD] =	sst s8  }
0x11: {  	[smem:$0x3FAE] =	sst s9;
	s0 =	simm.s32 @!p0 $0x0  }
0x12: {  	s1 =	sld [smem:$0x3F94];
	s0 =	simm.s32 @p0 $0x1  }
0x13: {  	[smem:$0x3FAF] =	sst s0;
	s0 =	simm.s32 @!p1 $0x0  }
0x14: {  	s2 =	sld [smem:$0x3F93];
	s0 =	simm.s32 @p1 $0x1  }
0x15: {  	[smem:$0x3FB0] =	sst s0;
	s0 =	simm.s32 @!p2 $0x0  }
0x16: {  	s3 =	sld [smem:$0x3FDB];
	s0 =	simm.s32 @p2 $0x1  }
0x17: {  	s4 =	simm.s32 $0x1BF5;
	[smem:$0x3FB2] =	sst s0  }
0x18: {  	s0 =	sld [smem:$0x3F95];
	_ =	swait.ge [sflag:s4], $0x0  }
0x19: {  	s7 =	sld [smem:$0x3F96]  }
0x1a: {  	s8 =	sadd.s32 $0xFFFFE003, lr  }
0x1b: {  	s9 =	sadd.s32 $0xFFFFFEF7, lr;
	s5 =	simm.s32 $0xFFFFFFFF;
	p2 =	slt.u32 s8, $0xFFFFF086  }
0x1c: {  	p1 =	slt.u32 s9, $0xF7A;
	s5 =	simm.s32 @!p2 $0x0  }
0x1d: {  	s5 =	simm.s32 @p1 $0x1;
	p0 =	seq.s32 s7, s2  }
0x1e: {  	s7 =	smul.u32 @!p0 $0xF7A, s2;
	p2 =	seq.s32 @!p0 s5, $0x0  }
0x1f: {  	s9 =	smul.u32 $0xF7A, s1;
	s8 =	simm.s32 @!p0 $0x1BF5;
	p2 =	por !p2, p0  }
0x20: {  	[sflag:s8] =	ssyncset.s32 @!p0 $0xFFFFF086;
	s6 =	sadd.s32 @!p0 s3, s7;
	s7 =	simm.s32 @!p0 $0x108  }
0x21: {  	s3 =	sadd.s32 s3, s9;
	s6 =	sadd.s32 @!p0 $0x88, s6;
	s7 =	simm.s32 @p2 $0x1082  }
0x22: {  	[simem:s7], [sflag:s8] =	dma.local @!p0 [hbm:s6], $0xF7A  }
0x23: {  	s9 =	sor.u32 $0xD0000000, s2;
	s6 =	simm.s32 $0x108;
	_ =	swait.ge @!p0 [sflag:s8], $0x0  }
0x24: {  	s3 =	sadd.s32 $0x88, s3;
	s6 =	simm.s32 @!p1 $0x1082;
	[sflag:s4] =	ssyncset.s32 $0xFFFFF086  }
0x25: {  	[simem:s6], [sflag:s4] =	dma.local [hbm:s3], $0xF7A  }
0x26: {  	[smem:$0x3F96] =	sst s1;
	(tag) =	ssettag s2;
	_ =	strace s9  }
0x27: {  	s1 =	sld [smem:$0x3FA6]  }
0x28: {  	s2 =	sld [smem:$0x3FA7]  }
0x29: {  	s4 =	sld [smem:$0x3FA9]  }
0x2a: {  	p0 =	seq.s32 s5, $0x0;
	s5 =	sld [smem:$0x3FAA]  }
0x2b: {  	s6 =	sld [smem:$0x3FAB]  }
0x2c: {  	s7 =	sld [smem:$0x3FAC]  }
0x2d: {  	s3 =	simm.s32 $0x108;
	s8 =	sld [smem:$0x3FAD]  }
0x2e: {  	s3 =	simm.s32 @!p0 $0x1082;
	s9 =	sld [smem:$0x3FAE]  }
0x2f: {  	lr =	sadd.s32 s0, s3;
	s0 =	sld [smem:$0x3FA5]  }
0x30: {  	s3 =	sld [smem:$0x3FA8]  }
0x31: {  	[smem:$0x3FB1] =	sst s10  }
0x32: {  	s10 =	sld [smem:$0x3FAF];
	_ =	sdelay $0x3  }
0x33: {  	p0 =	seq.s32 s10, $0x1;
	s10 =	sld [smem:$0x3FB1];
	_ =	sdelay $0x3  }
0x34: {  	[smem:$0x3FB1] =	sst s10  }
0x35: {  	s10 =	sld [smem:$0x3FB0];
	_ =	sdelay $0x3  }
0x36: {  	p1 =	seq.s32 s10, $0x1;
	s10 =	sld [smem:$0x3FB1];
	_ =	sdelay $0x3  }
0x37: {  	[smem:$0x3FB1] =	sst s10  }
0x38: {  	s10 =	sld [smem:$0x3FB2]  }
0x39: {  	_ = 	snop;
	(pc) =	sbr.ind lr, $3  }
0x3a: {  	_ = 	snop  }
0x3b: {  	_ = 	snop  }
0x3c: {  	p2 =	seq.s32 s10, $0x1;
	s10 =	sld [smem:$0x3FB1]  }
0x3d: {  	_ =	shalt  }
0x3e: {  	_ =	shalt  }
0x3f: {  	_ =	shalt  }
0x40: {  	_ =	shalt  }
0x41: {  	_ =	shalt  }
0x42: {  	_ =	shalt  }
0x43: {  	_ =	shalt  }
0x44: {  	_ =	shalt  }
0x45: {  	_ =	shalt  }
0x46: {  	_ =	shalt  }
0x47: {  	_ =	shalt  }
0x48: {  	_ =	shalt  }
0x49: {  	_ =	shalt  }
0x4a: {  	_ =	shalt  }
0x4b: {  	_ =	shalt  }
0x4c: {  	_ =	shalt  }
0x4d: {  	_ =	shalt  }
0x4e: {  	_ =	shalt  }
0x4f: {  	_ =	shalt  }
0x50: {  	_ =	shalt  }
0x51: {  	_ =	shalt  }
0x52: {  	_ =	shalt  }
0x53: {  	_ =	shalt  }
0x54: {  	_ =	shalt  }
0x55: {  	_ =	shalt  }
0x56: {  	_ =	shalt  }
0x57: {  	_ =	shalt  }
0x58: {  	_ =	shalt  }
0x59: {  	_ =	shalt  }
0x5a: {  	_ =	shalt  }
0x5b: {  	_ =	shalt  }
0x5c: {  	_ =	shalt  }
0x5d: {  	_ =	shalt  }
0x5e: {  	_ =	shalt  }
0x5f: {  	_ =	shalt  }
0x60: {  	_ =	shalt  }
0x61: {  	_ =	shalt  }
0x62: {  	_ =	shalt  }
0x63: {  	_ =	shalt  }
0x64: {  	_ =	shalt  }
0x65: {  	_ =	shalt  }
0x66: {  	_ =	shalt  }
0x67: {  	_ =	shalt  }
0x68: {  	_ =	shalt  }
0x69: {  	_ =	shalt  }
0x6a: {  	_ =	shalt  }
0x6b: {  	_ =	shalt  }
0x6c: {  	_ =	shalt  }
0x6d: {  	_ =	shalt  }
0x6e: {  	_ =	shalt  }
0x6f: {  	_ =	shalt  }
0x70: {  	_ =	shalt  }
0x71: {  	_ =	shalt  }
0x72: {  	_ =	shalt  }
0x73: {  	_ =	shalt  }
0x74: {  	_ =	shalt  }
0x75: {  	_ =	shalt  }
0x76: {  	_ =	shalt  }
0x77: {  	_ =	shalt  }
0x78: {  	_ =	shalt  }
0x79: {  	_ =	shalt  }
0x7a: {  	_ =	shalt  }
0x7b: {  	_ =	shalt  }
0x7c: {  	_ =	shalt  }
0x7d: {  	_ =	shalt  }
0x7e: {  	_ =	shalt  }
0x7f: {  	_ =	shalt  }
0x80: {  	_ =	shalt  }
0x81: {  	_ =	shalt  }
0x82: {  	_ =	shalt  }
0x83: {  	_ =	shalt  }
0x84: {  	_ =	shalt  }
0x85: {  	_ =	shalt  }
0x86: {  	_ =	shalt  }
0x87: {  	_ =	shalt  }
.Lfunc_end0:
.L_simem_size_0:
called_computation_lowered:
.L_overlay_start_0:
0x88: {  	s2 =	sld [smem:$0x3FD9]  }
0x89: {  	s3 =	sld [smem:$0x3FFE];
	_ =	sdelay $0x1  }
0x8a: {  	s1 =	srdreg.scid  }
0x8b: {  	s0 =	sand.u32 $0x1, s1  }
0x8c: {  	s14 =	sshll.u32 s0, $0xA;
	s2 =	sadd.s32 s3, s2  }
0x8d: {  	s2 =	sadd.s32 s2, s14  }
0x8e: {  	[smem:$0x3FBD] =	sst s2  }
0x8f: {  	_ = 	snop  }
0x90: {  	s2 =	sld [smem:$0x3FD0];
	_ =	sdelay $0x2  }
0x91: {  	s15 =	simm.s32 $0xA;
	s4 =	simm.s32 $0x10  }
0x92: {  	[smem:s4], [sflag:s15] =	dma.local [hbm:s2], $0x1  }
0x93: {  	_ =	swait.eq [sflag:s15], $0x1  }
0x94: {  	[sflag:s15] =	ssyncset.done $0x0  }
0x95: {  	s16 =	sld [smem:$0x10];
	[sflag:s15] =	ssyncadd.s32 $0xFFFFFFFF  }
0x96: {  	s17 =	sld [smem:$0x11];
	(tm) =	ssettm $0x1  }
0x97: {  	s18 =	sld [smem:$0x3FFB];
	_ =	sdelay $0x3  }
0x98: {  	_ =	strace s18  }
0x99: {  	s4 =	sld [smem:$0x3FFC];
	_ =	sdelay $0x3  }
0x9a: {  	_ =	strace s4  }
0x9b: {  	s4 =	sld [smem:$0x3FFD];
	_ =	sdelay $0x3  }
0x9c: {  	_ =	strace s4  }
0x9d: {  	_ =	strace $0x8FFFFFFF  }
0x9e: {  	s19 =	sld [smem:$0x3FDB];
	_ =	sdelay $0x1  }
0x9f: {  	s5 =	simm.s32 $_scs_section_size  }
0xa0: {  	s6 =	simm.s32 $_size__tile_overlayer_lowered;
	s7 =	simm.s32 $_tile_overlayer_lowered  }
0xa1: {  	s22 =	simm.s32 $0x1BFF;
	s21 =	sshll.u32 s7, $0x1;
	s4 =	sadd.s32 s5, s19  }
0xa2: {  	s8 =	simm.s32 $0x0;
	s20 =	sshll.u32 s6, $0x1;
	s6 =	sadd.s32 s21, s4  }
0xa3: {  	[timem:s8], [sflag:s22] =	dma.local [hbm:s6], s20  }
0xa4: {  	_ =	swait.ge [sflag:s22], s20  }
0xa5: {  	s5 =	ssub.s32 $0x0, s20;
	[sflag:s22] =	ssyncset.done $0x0  }
0xa6: {  	[sflag:s22] =	ssyncadd.s32 s5;
	_ =	sdelay $0x1  }
0xa7: {  	s23 =	simm.s32 $0x1B8B  }
0xa8: {  	_ =	swait.ge [sflag:s23], $0x1  }
0xa9: {  	[sflag:s23] =	ssyncset.done $0x0  }
0xaa: {  	s25 =	simm.s32 $0x1B8E;
	s24 =	sld [smem:$0x3FFE];
	[sflag:s23] =	ssyncadd.s32 $0xFFFFFFFF  }
0xab: {  	s26 =	simm.s32 $execute0_lowered;
	[smem:$0x3FD2] =	sst s25  }
0xac: {  	s6 =	sshll.u32 s26, $0x1;
	_ =	strace $0x80000046;
	[dreg:$0x1] =	wrdreg $0xFFFFFFFF  }
0xad: {  	s28 =	simm.s32 $_size_execute0_lowered;
	s4 =	sadd.s32 s4, s6;
	[dreg:$0x0] =	wrdreg $0x0  }
0xae: {  	s6 =	sshll.u32 s28, $0x1;
	[dreg:$0x2] =	wrdreg s4  }
0xaf: {  	[dreg:$0x3] =	wrdreg s6  }
0xb0: {  	[dreg:$0x4] =	wrdreg $0xC0  }
0xb1: {  	_ =	task [dreg:s8], $0x5FFFF  }
0xb2: {  	[dreg:$0x1] =	wrdreg $0xFFFFFFFF  }
0xb3: {  	[dreg:$0x0] =	wrdreg $0x60  }
0xb4: {  	[dreg:$0x2] =	wrdreg s24  }
0xb5: {  	[dreg:$0x3] =	wrdreg s17  }
0xb6: {  	[dreg:$0x4] =	wrdreg s16  }
0xb7: {  	[dreg:$0x5] =	wrdreg $0xB7800  }
0xb8: {  	[dreg:$0x6] =	wrdreg $0x9  }
0xb9: {  	_ =	task.clear_ibuf [dreg:s8], $0x7FFFF;
	_ =	strace $0x90000046  }
0xba: {  	s29 =	simm.s32 $0x9;
	_ =	strace $0x80000048  }
0xbb: {  	_ =	swait.ge [sflag:s29], $0x1  }
0xbc: {  	[sflag:s29] =	ssyncadd.s32 $0xFFFFFFFF  }
0xbd: {  	_ =	strace $0x90000048  }
0xbe: {  	_ =	sfence  }
0xbf: {  	s30 =	sld [smem:$0x0];
	_ =	sdelay $0x2  }
0xc0: {  	s31 =	sshll.u32 s1, $0xD;
	s1 =	sshrl.u32 s1, $0x2  }
0xc1: {  	s3 =	sand.u32 $0x4000, s31;
	s1 =	sadd.s32 s1, s30  }
0xc2: {  	s0 =	sor.u32 s3, s0;
	s1 =	sshll.u32 s1, $0x11  }
0xc3: {  	s0 =	sor.u32 s1, s0  }
0xc4: {  	s0 =	sadd.s32 $0x8F2B, s0  }
0xc5: {  	[sflag:s0] =	ssyncadd.remote.s32 $0x1  }
0xc6: {  	_ =	sfence.sel $0xFFFF  }
0xc7: {  	[dreg:$0x0] =	wrdreg $0xFFFFFFFF;
	(pc) =	sbr.abs _section_cstart, $3  }
0xc8: {  	[dreg:$0x1] =	wrdreg $0xFFFFFFFF  }
0xc9: {  	_ =	task.clear_ibuf [dreg:s8], $0x2FFFF;
	_ =	strace $0x9FFFFFFF  }
0xca: {  	(tm) =	ssettm $0x7FFFFFFF  }
0xcb: {  	_ =	shalt  }
tec
execute0_lowered:
.L_overlay_start_1:
0x0: {  	(tag) =	ssettag $0x1  }
0x1: {  	s4 =	rddreg [dreg:$0x0]  }
0x2: {  	s8 =	rddreg [dreg:$0x1]  }
0x3: {  	s10 =	rddreg [dreg:$0x2];
	s0 =	stileid.u32  }
0x4: {  	s1 =	srdreg.scid;
	s5 =	smul.u32 $0x50, s0  }
0x5: {  	s2 =	rddreg [dreg:$0x3];
	s3 =	simm.s32 $0x0;
	s12 =	smul.u32 $0x500, s0  }
0x6: {  	s19 =	simm.s32 $0x5000;
	s9 =	sand.u32 $0x1, s1;
	s26 =	smul.u32 $0xA00, s0  }
0x7: {  	s20 =	simm.s32 $0x7880;
	s1 =	rddreg [dreg:$0x4];
	s6 =	smul.u32 $0x28, s9  }
0x8: {  	s11 =	sshrl.u32 s0, $0x3;
	[smem:$0x7FF] =	sst s3;
	s7 =	smul.u32 $0x28000, s9  }
0x9: {  	s13 =	sshll.u32 s0, $0x7;
	s11 =	smul.u32 $0x14000, s11;
	_ =	strace $0x80000047  }
0xa: {  	s22 =	sand.u32 $0x380, s13;
	s25 =	ssub.s32 $0x2, s9;
	s18 =	smul.u32 $0xFFFFEC78, s9  }
0xb: {  	s17 =	sshll.u32 s9, $0x7;
	s31 =	smul.u32 $0x5000, s9;
	s13 =	simm.s32 $0xB500  }
0xc: {  	s23 =	sadd.s32 s12, s4;
	s28 =	sshrl.u32 s25, $0x1;
	s29 =	sshrl.u32 s26, $0x2  }
0xd: {  	s30 =	sor.u32 s17, s12;
	s17 =	simm.s32 $0x80;
	s5 =	sadd.s32 s6, s5  }
0xe: {  	s21 =	sadd.s32 s7, s11;
	s16 =	ssub.s32 s25, s28;
	s11 =	sshrl.u32 s30, $0x3  }
0xf: {  	s12 =	sshrl.u32 s31, $0x2;
	v0 =	vmov s18;
	s18 =	simm.s32 $0x400;
	s5 =	sshll.u32 s5, $0x4  }
0x10: {  	s6 =	sor.u32 s22, s21;
	s10 =	sadd.s32 s10, s11;
	s11 =	smax.u32 s16, $0x1  }
0x11: {  	s16 =	simm.s32 $0xA100;
	s21 =	simm.s32 $0x20;
	s22 =	simm.s32 $0x10  }
0x12: {  	s24 =	sshrl.u32 s6, $0x3;
	s14 =	sadd.s32 s5, s4;
	s5 =	sadd.s32 $0xC200, s23  }
0x13: {  	s6 =	sadd.s32 $0x7200, s23;
	s23 =	simm.s32 $0x0;
	s15 =	sadd.s32 s24, s4  }
0x14: {  	s4 =	sadd.s32 s29, s2;
	s7 =	sadd.s32 $0x2200, s14;
	s8 =	sadd.s32 s8, s24  }
0x15: {  	v1 =	vimm.f32 $0.0e+00;
	v2 =	vimm.s32 $0x0;
	v3 =	vimm.s32 $0x1388;
	s14 =	simm.s32 $0x1;
	s9 =	sadd.s32 $0x11200, s15;
	s15 =	simm.s32 $0x2800  }
.LBB2_1:
0x16: {  	[tilespmem:$0xB500] =	vst v1  }
0x17: {  	[tilespmem:$0xB510] =	vst v1  }
0x18: {  	[tilespmem:$0xB520] =	vst v1  }
0x19: {  	[tilespmem:$0xB530] =	vst v1  }
0x1a: {  	[tilespmem:$0xB540] =	vst v1  }
0x1b: {  	[tilespmem:$0xB550] =	vst v1  }
0x1c: {  	[tilespmem:$0xB560] =	vst v1  }
0x1d: {  	[tilespmem:$0xB570] =	vst v1  }
0x1e: {  	[tilespmem:$0xB580] =	vst v1  }
0x1f: {  	[tilespmem:$0xB590] =	vst v1  }
0x20: {  	[tilespmem:$0xB5A0] =	vst v1  }
0x21: {  	[tilespmem:$0xB5B0] =	vst v1  }
0x22: {  	[tilespmem:$0xB5C0] =	vst v1  }
0x23: {  	[tilespmem:$0xB5D0] =	vst v1  }
0x24: {  	[tilespmem:$0xB5E0] =	vst v1  }
0x25: {  	[tilespmem:$0xB5F0] =	vst v1  }
0x26: {  	[tilespmem:$0xB600] =	vst v1  }
0x27: {  	[tilespmem:$0xB610] =	vst v1  }
0x28: {  	[tilespmem:$0xB620] =	vst v1  }
0x29: {  	[tilespmem:$0xB630] =	vst v1  }
0x2a: {  	[tilespmem:$0xB640] =	vst v1  }
0x2b: {  	[tilespmem:$0xB650] =	vst v1  }
0x2c: {  	[tilespmem:$0xB660] =	vst v1  }
0x2d: {  	[tilespmem:$0xB670] =	vst v1  }
0x2e: {  	[tilespmem:$0xB680] =	vst v1  }
0x2f: {  	[tilespmem:$0xB690] =	vst v1  }
0x30: {  	[tilespmem:$0xB6A0] =	vst v1  }
0x31: {  	[tilespmem:$0xB6B0] =	vst v1  }
0x32: {  	[tilespmem:$0xB6C0] =	vst v1  }
0x33: {  	[tilespmem:$0xB6D0] =	vst v1  }
0x34: {  	[tilespmem:$0xB6E0] =	vst v1  }
0x35: {  	[tilespmem:$0xB6F0] =	vst v1  }
0x36: {  	[tilespmem:$0xB700] =	vst v1  }
0x37: {  	[tilespmem:$0xB710] =	vst v1  }
0x38: {  	[tilespmem:$0xB720] =	vst v1  }
0x39: {  	[tilespmem:$0xB730] =	vst v1  }
0x3a: {  	[tilespmem:$0xB740] =	vst v1  }
0x3b: {  	[tilespmem:$0xB750] =	vst v1  }
0x3c: {  	[tilespmem:$0xB760] =	vst v1  }
0x3d: {  	[tilespmem:$0xB770] =	vst v1  }
0x3e: {  	[spmem:s4] =	stream.linear.scatter [tilespmem:s13], [sflag:$0x1], $0x280, $0x38;
	[tilespmem:$0xBA00] =	vst v63  }
0x3f: {  	_ =	swait.ge [sflag:s14], $0x280  }
0x40: {  	[sflag:s14] =	ssyncset.done $0x0  }
0x41: {  	[sflag:s14] =	ssyncadd.s32 $0xFFFFFD80  }
0x42: {  	[tilespmem:s3], [sflag:$0x1] =	stream.linear.gather [hbm4b:s5+s3], $0x2800, $0x38;
	[tilespmem:$0xBA00] =	vst v63  }
0x43: {  	_ =	swait.ge [sflag:s14], $0x2800  }
0x44: {  	[sflag:s14] =	ssyncset.done $0x0  }
0x45: {  	[sflag:s14] =	ssyncadd.s32 $0xFFFFD800  }
0x46: {  	[tilespmem:s15], [sflag:$0x1] =	stream.linear.gather [hbm4b:s6+s3], $0x2800, $0x38;
	[tilespmem:$0xBA00] =	vst v63  }
0x47: {  	_ =	swait.ge [sflag:s14], $0x2800  }
0x48: {  	[sflag:s14] =	ssyncset.done $0x0  }
0x49: {  	[sflag:s14] =	ssyncadd.s32 $0xFFFFD800  }
0x4a: {  	[tilespmem:s16], [sflag:$0x1] =	stream.linear.gather [hbm4b:s7+s3], $0x1400, $0x38;
	[tilespmem:$0xBA00] =	vst v63  }
0x4b: {  	_ =	swait.ge [sflag:s14], $0x1400  }
0x4c: {  	[sflag:s14] =	ssyncset.done $0x0  }
0x4d: {  	[sflag:s14] =	ssyncadd.s32 $0xFFFFEC00  }
0x4e: {  	s24 =	simm.s32 $0xA100;
	s25 =	sadd.s32 $0x0, s12;
	[bflag:$0x0] =	sbarrier.arrive $0xFFFF  }
0x4f: {  	[spmem:s2] =	stream.indirect.scatter.add.f32 [tilespmem:s24], [sflag:$0x1], $0x1, s25, s17, $0xb8;
	[tilespmem:$0xBA00] =	vst v63  }
0x50: {  	s24 =	simm.s32 $0x200;
	_ =	swait.ge [sflag:s14], $0x80  }
.LBB2_2:
0x51: {  	s25 =	sshra.s32 s24, $0x2  }
0x52: {  	[sflag:s14] =	ssyncset.done $0x0;
	p0 =	sne.s32 s24, $0x4E00;
	s26 =	sadd.s32 $0xA100, s25  }
.Ltmp0:
0x53: {  	s25 =	sadd.s32 s25, s12;
	[sflag:s14] =	ssyncadd.s32 $0xFFFFFF80;
	(pc) =	sbr.rel @p0 .LBB2_2-.Ltmp0, $3  }
0x54: {  	[spmem:s2] =	stream.indirect.scatter.add.f32 [tilespmem:s26], [sflag:$0x1], $0x1, s25, s17, $0xb8;
	[tilespmem:$0xBA00] =	vst v63  }
0x55: {  	s24 =	sadd.s32 $0x200, s24;
	_ =	sdelay $0x1  }
0x56: {  	_ =	swait.ge [sflag:s14], $0x80  }
0x57: {  	[sflag:s14] =	ssyncset.done $0x0;
	s25 =	simm.s32 $0x0  }
0x58: {  	s24 =	simm.s32 $0x40;
	s26 =	simm.s32 $0x0;
	[sflag:s14] =	ssyncadd.s32 $0xFFFFFF80  }
.LBB2_4:
0x59: {  	p0 =	sne.s32 s24, $0xA1C0;
	[tilespmem:s26+$0x5000] =	vst v2;
	s28 =	smov.u32 s24;
	s24 =	sadd.s32 $0x40, s24  }
.Ltmp1:
0x5a: {  	[tilespmem:s26+$0x7880] =	vst v3;
	(pc) =	sbr.rel @p0 .LBB2_4-.Ltmp1, $2  }
0x5b: {  	_ =	sdelay $0x2  }
0x5c: {  	s26 =	sshra.s32 s28, $0x2  }
0x5d: {  	[tilespmem:s26+$0x5000] =	vst v2  }
0x5e: {  	[tilespmem:s26+$0x7880] =	vst v3;
	s24 =	simm.s32 $0x0  }
0x5f: {  	v4 =	vld [tilespmem:s24+$0x2800];
	_ =	sdelay $0x1  }
0x60: {  	v5 =	vld [tilespmem:s24+$0x0];
	_ =	sdelay $0x2  }
0x61: {  	v4 =	vadd.s32 v0, v4  }
0x62: {  	vm0 =	vlt.u32 v4, $0x1388  }
0x63: {  	[tilespmem:s25+$0x5000] =	vst.msk vm0, v5;
	v5 =	vsel vm0, $0x1, v2  }
0x64: {  	[tilespmem:s25+$0x7880] =	vst.msk vm0, v4;
	(xrf0) =	vadd.scan.msk.s32 $0xffff, v5  }
0x65: {  	v4 =	vld [tilespmem:s24+$0x2810];
	_ =	sdelay $0x4  }
0x66: {  	v4 =	vadd.s32 v0, v4;
	v5, _, _ =	vpop (xrf0)  }
0x67: {  	vm9 =	vlt.u32 v4, $0x1388;
	(v2sf) =	vpush v5, $0xF  }
0x68: {  	v5 =	vsel vm9, $0x1, v2  }
0x69: {  	(xrf0) =	vadd.scan.msk.s32 $0xffff, v5;
	_ =	sdelay $0x5  }
0x6a: {  	v5, _, _ =	vpop (xrf0)  }
0x6b: {  	(v2sf) =	vpush v5, $0xF;
	_ =	sdelay $0x2  }
0x6c: {  	v5 =	vld [tilespmem:s24+$0x10];
	_ =	sdelay $0x2  }
0x6d: {  	s26 =	spop (v2sf)  }
0x6e: {  	s25 =	sadd.s32 $0x0, s26  }
0x6f: {  	[tilespmem:s25+$0x5000] =	vst.msk vm9, v5  }
0x70: {  	[tilespmem:s25+$0x7880] =	vst.msk vm9, v4  }
0x71: {  	v4 =	vld [tilespmem:s24+$0x2820];
	_ =	sdelay $0x1  }
0x72: {  	v5 =	vld [tilespmem:s24+$0x20];
	_ =	sdelay $0x2  }
0x73: {  	v4 =	vadd.s32 v0, v4;
	s29 =	spop (v2sf)  }
0x74: {  	s25 =	sadd.s32 s25, s29;
	vm10 =	vlt.u32 v4, $0x1388  }
0x75: {  	[tilespmem:s25+$0x5000] =	vst.msk vm10, v5;
	v5 =	vsel vm10, $0x1, v2  }
0x76: {  	[tilespmem:s25+$0x7880] =	vst.msk vm10, v4;
	(xrf0) =	vadd.scan.msk.s32 $0xffff, v5  }
0x77: {  	v4 =	vld [tilespmem:s24+$0x2830];
	_ =	sdelay $0x4  }
0x78: {  	v4 =	vadd.s32 v0, v4;
	v5, _, _ =	vpop (xrf0)  }
0x79: {  	vm11 =	vlt.u32 v4, $0x1388;
	(v2sf) =	vpush v5, $0xF  }
0x7a: {  	v5 =	vsel vm11, $0x1, v2  }
0x7b: {  	(xrf0) =	vadd.scan.msk.s32 $0xffff, v5;
	_ =	sdelay $0x5  }
0x7c: {  	v5, _, _ =	vpop (xrf0)  }
0x7d: {  	(v2sf) =	vpush v5, $0xF;
	_ =	sdelay $0x2  }
0x7e: {  	v5 =	vld [tilespmem:s24+$0x30];
	_ =	sdelay $0x2  }
0x7f: {  	s30 =	spop (v2sf)  }
0x80: {  	s25 =	sadd.s32 s25, s30  }
0x81: {  	[tilespmem:s25+$0x5000] =	vst.msk vm11, v5  }
0x82: {  	[tilespmem:s25+$0x7880] =	vst.msk vm11, v4  }
0x83: {  	v4 =	vld [tilespmem:s24+$0x2840];
	_ =	sdelay $0x1  }
0x84: {  	v5 =	vld [tilespmem:s24+$0x40];
	_ =	sdelay $0x2  }
0x85: {  	v4 =	vadd.s32 v0, v4;
	s31 =	spop (v2sf)  }
0x86: {  	s25 =	sadd.s32 s25, s31;
	vm12 =	vlt.u32 v4, $0x1388  }
0x87: {  	[tilespmem:s25+$0x5000] =	vst.msk vm12, v5;
	v5 =	vsel vm12, $0x1, v2  }
0x88: {  	[tilespmem:s25+$0x7880] =	vst.msk vm12, v4;
	(xrf0) =	vadd.scan.msk.s32 $0xffff, v5  }
0x89: {  	v4 =	vld [tilespmem:s24+$0x2850];
	_ =	sdelay $0x4  }
0x8a: {  	v4 =	vadd.s32 v0, v4;
	v5, _, _ =	vpop (xrf0)  }
0x8b: {  	vm13 =	vlt.u32 v4, $0x1388;
	(v2sf) =	vpush v5, $0xF  }
0x8c: {  	v5 =	vsel vm13, $0x1, v2  }
0x8d: {  	(xrf0) =	vadd.scan.msk.s32 $0xffff, v5;
	_ =	sdelay $0x5  }
0x8e: {  	v5, _, _ =	vpop (xrf0)  }
0x8f: {  	(v2sf) =	vpush v5, $0xF;
	_ =	sdelay $0x2  }
0x90: {  	v5 =	vld [tilespmem:s24+$0x50];
	_ =	sdelay $0x2  }
0x91: {  	s29 =	spop (v2sf)  }
0x92: {  	s25 =	sadd.s32 s25, s29  }
0x93: {  	[tilespmem:s25+$0x5000] =	vst.msk vm13, v5  }
0x94: {  	[tilespmem:s25+$0x7880] =	vst.msk vm13, v4  }
0x95: {  	v4 =	vld [tilespmem:s24+$0x2860];
	_ =	sdelay $0x1  }
0x96: {  	v5 =	vld [tilespmem:s24+$0x60];
	_ =	sdelay $0x2  }
0x97: {  	v4 =	vadd.s32 v0, v4;
	s30 =	spop (v2sf)  }
0x98: {  	s25 =	sadd.s32 s25, s30;
	vm14 =	vlt.u32 v4, $0x1388  }
0x99: {  	[tilespmem:s25+$0x5000] =	vst.msk vm14, v5;
	v5 =	vsel vm14, $0x1, v2  }
0x9a: {  	[tilespmem:s25+$0x7880] =	vst.msk vm14, v4;
	(xrf0) =	vadd.scan.msk.s32 $0xffff, v5  }
0x9b: {  	v4 =	vld [tilespmem:s24+$0x2870];
	_ =	sdelay $0x4  }
0x9c: {  	v4 =	vadd.s32 v0, v4;
	v5, _, _ =	vpop (xrf0)  }
0x9d: {  	vm15 =	vlt.u32 v4, $0x1388;
	(v2sf) =	vpush v5, $0xF  }
0x9e: {  	v5 =	vsel vm15, $0x1, v2  }
0x9f: {  	(xrf0) =	vadd.scan.msk.s32 $0xffff, v5;
	_ =	sdelay $0x5  }
0xa0: {  	v5, _, _ =	vpop (xrf0)  }
0xa1: {  	(v2sf) =	vpush v5, $0xF;
	_ =	sdelay $0x2  }
0xa2: {  	v5 =	vld [tilespmem:s24+$0x70];
	_ =	sdelay $0x2  }
0xa3: {  	s31 =	spop (v2sf)  }
0xa4: {  	s28 =	sadd.s32 s25, s31  }
0xa5: {  	[tilespmem:s28+$0x5000] =	vst.msk vm15, v5  }
0xa6: {  	s24 =	simm.s32 $0x80;
	[tilespmem:s28+$0x7880] =	vst.msk vm15, v4  }
0xa7: {  	v4 =	vld [tilespmem:s24+$0x2800];
	_ =	sdelay $0x2  }
0xa8: {  	v5 =	vld [tilespmem:s24+$0x0];
	_ =	sdelay $0x1  }
0xa9: {  	s25 =	simm.s32 $0x400;
	v4 =	vadd.s32 v0, v4;
	s26 =	spop (v2sf)  }
.LBB2_6:
0xaa: {  	p0 =	sne.s32 s25, $0x9E00  }
0xab: {  	vm0 =	vlt.u32 v4, $0x1388;
	s28 =	sadd.s32 s28, s26;
	s26 =	smov.u32 s25;
	s25 =	sadd.s32 $0x200, s25  }
0xac: {  	[tilespmem:s28+$0x5000] =	vst.msk vm0, v5;
	v5 =	vsel vm0, $0x1, v2  }
0xad: {  	[tilespmem:s28+$0x7880] =	vst.msk vm0, v4;
	(xrf0) =	vadd.scan.msk.s32 $0xffff, v5  }
0xae: {  	v4 =	vld [tilespmem:s24+$0x2810];
	_ =	sdelay $0x4  }
0xaf: {  	v4 =	vadd.s32 v0, v4;
	v5, _, _ =	vpop (xrf0)  }
0xb0: {  	vm0 =	vlt.u32 v4, $0x1388;
	(v2sf) =	vpush v5, $0xF  }
0xb1: {  	v5 =	vsel vm0, $0x1, v2  }
0xb2: {  	(xrf0) =	vadd.scan.msk.s32 $0xffff, v5;
	_ =	sdelay $0x5  }
0xb3: {  	v5, _, _ =	vpop (xrf0)  }
0xb4: {  	(v2sf) =	vpush v5, $0xF;
	_ =	sdelay $0x2  }
0xb5: {  	v5 =	vld [tilespmem:s24+$0x10];
	_ =	sdelay $0x2  }
0xb6: {  	s29 =	spop (v2sf)  }
0xb7: {  	s28 =	sadd.s32 s28, s29  }
0xb8: {  	[tilespmem:s28+$0x5000] =	vst.msk vm0, v5  }
0xb9: {  	[tilespmem:s28+$0x7880] =	vst.msk vm0, v4  }
0xba: {  	v4 =	vld [tilespmem:s24+$0x2820];
	_ =	sdelay $0x1  }
0xbb: {  	v5 =	vld [tilespmem:s24+$0x20];
	_ =	sdelay $0x2  }
0xbc: {  	v4 =	vadd.s32 v0, v4;
	s29 =	spop (v2sf)  }
0xbd: {  	s28 =	sadd.s32 s28, s29;
	vm0 =	vlt.u32 v4, $0x1388  }
0xbe: {  	[tilespmem:s28+$0x5000] =	vst.msk vm0, v5;
	v5 =	vsel vm0, $0x1, v2  }
0xbf: {  	[tilespmem:s28+$0x7880] =	vst.msk vm0, v4;
	(xrf0) =	vadd.scan.msk.s32 $0xffff, v5  }
0xc0: {  	v4 =	vld [tilespmem:s24+$0x2830];
	_ =	sdelay $0x4  }
0xc1: {  	v4 =	vadd.s32 v0, v4;
	v5, _, _ =	vpop (xrf0)  }
0xc2: {  	vm0 =	vlt.u32 v4, $0x1388;
	(v2sf) =	vpush v5, $0xF  }
0xc3: {  	v5 =	vsel vm0, $0x1, v2  }
0xc4: {  	(xrf0) =	vadd.scan.msk.s32 $0xffff, v5;
	_ =	sdelay $0x5  }
0xc5: {  	v5, _, _ =	vpop (xrf0)  }
0xc6: {  	(v2sf) =	vpush v5, $0xF;
	_ =	sdelay $0x2  }
0xc7: {  	v5 =	vld [tilespmem:s24+$0x30];
	_ =	sdelay $0x2  }
0xc8: {  	s29 =	spop (v2sf)  }
0xc9: {  	s28 =	sadd.s32 s28, s29  }
0xca: {  	[tilespmem:s28+$0x5000] =	vst.msk vm0, v5  }
0xcb: {  	[tilespmem:s28+$0x7880] =	vst.msk vm0, v4  }
0xcc: {  	v4 =	vld [tilespmem:s24+$0x2840];
	_ =	sdelay $0x1  }
0xcd: {  	v5 =	vld [tilespmem:s24+$0x40];
	_ =	sdelay $0x2  }
0xce: {  	v4 =	vadd.s32 v0, v4;
	s29 =	spop (v2sf)  }
0xcf: {  	s28 =	sadd.s32 s28, s29;
	vm0 =	vlt.u32 v4, $0x1388  }
0xd0: {  	[tilespmem:s28+$0x5000] =	vst.msk vm0, v5;
	v5 =	vsel vm0, $0x1, v2  }
0xd1: {  	[tilespmem:s28+$0x7880] =	vst.msk vm0, v4;
	(xrf0) =	vadd.scan.msk.s32 $0xffff, v5  }
0xd2: {  	v4 =	vld [tilespmem:s24+$0x2850]  }
0xd3: {  	v5 =	vld [tilespmem:s24+$0x50];
	_ =	sdelay $0x3  }
0xd4: {  	v4 =	vadd.s32 v0, v4;
	v6, _, _ =	vpop (xrf0)  }
0xd5: {  	vm0 =	vlt.u32 v4, $0x1388;
	(v2sf) =	vpush v6, $0xF  }
0xd6: {  	v6 =	vsel vm0, $0x1, v2  }
0xd7: {  	(xrf0) =	vadd.scan.msk.s32 $0xffff, v6;
	_ =	sdelay $0x5  }
0xd8: {  	v6, _, _ =	vpop (xrf0)  }
0xd9: {  	(v2sf) =	vpush v6, $0xF;
	_ =	sdelay $0x5  }
0xda: {  	s29 =	spop (v2sf)  }
0xdb: {  	s28 =	sadd.s32 s28, s29  }
0xdc: {  	[tilespmem:s28+$0x5000] =	vst.msk vm0, v5  }
0xdd: {  	[tilespmem:s28+$0x7880] =	vst.msk vm0, v4  }
0xde: {  	v4 =	vld [tilespmem:s24+$0x2860]  }
0xdf: {  	v5 =	vld [tilespmem:s24+$0x60];
	_ =	sdelay $0x3  }
0xe0: {  	v4 =	vadd.s32 v0, v4;
	s29 =	spop (v2sf)  }
0xe1: {  	s28 =	sadd.s32 s28, s29;
	vm0 =	vlt.u32 v4, $0x1388  }
0xe2: {  	[tilespmem:s28+$0x5000] =	vst.msk vm0, v5;
	v5 =	vsel vm0, $0x1, v2  }
0xe3: {  	[tilespmem:s28+$0x7880] =	vst.msk vm0, v4;
	(xrf0) =	vadd.scan.msk.s32 $0xffff, v5  }
0xe4: {  	v4 =	vld [tilespmem:s24+$0x2870]  }
0xe5: {  	v5 =	vld [tilespmem:s24+$0x70];
	_ =	sdelay $0x3  }
0xe6: {  	v4 =	vadd.s32 v0, v4;
	v6, _, _ =	vpop (xrf0)  }
0xe7: {  	vm0 =	vlt.u32 v4, $0x1388;
	(v2sf) =	vpush v6, $0xF  }
0xe8: {  	v6 =	vsel vm0, $0x1, v2  }
0xe9: {  	(xrf0) =	vadd.scan.msk.s32 $0xffff, v6;
	_ =	sdelay $0x5  }
0xea: {  	v6, _, _ =	vpop (xrf0)  }
0xeb: {  	(v2sf) =	vpush v6, $0xF;
	_ =	sdelay $0x5  }
0xec: {  	s24 =	spop (v2sf)  }
0xed: {  	s28 =	sadd.s32 s28, s24  }
0xee: {  	[tilespmem:s28+$0x5000] =	vst.msk vm0, v5  }
0xef: {  	s24 =	sshra.s32 s26, $0x2;
	[tilespmem:s28+$0x7880] =	vst.msk vm0, v4  }
0xf0: {  	v4 =	vld [tilespmem:s24+$0x2800]  }
.Ltmp2:
0xf1: {  	(pc) =	sbr.rel @p0 .LBB2_6-.Ltmp2, $2  }
0xf2: {  	v5 =	vld [tilespmem:s24+$0x0];
	_ =	sdelay $0x2  }
0xf3: {  	v4 =	vadd.s32 v0, v4;
	s26 =	spop (v2sf)  }
0xf4: {  	vm0 =	vlt.u32 v4, $0x1388;
	s25 =	sadd.s32 s28, s26  }
0xf5: {  	[tilespmem:s25+$0x5000] =	vst.msk vm0, v5;
	v5 =	vsel vm0, $0x1, v2  }
0xf6: {  	[tilespmem:s25+$0x7880] =	vst.msk vm0, v4;
	(xrf0) =	vadd.scan.msk.s32 $0xffff, v5  }
0xf7: {  	v4 =	vld [tilespmem:s24+$0x2810];
	_ =	sdelay $0x4  }
0xf8: {  	v4 =	vadd.s32 v0, v4;
	v5, _, _ =	vpop (xrf0)  }
0xf9: {  	vm9 =	vlt.u32 v4, $0x1388;
	(v2sf) =	vpush v5, $0xF  }
0xfa: {  	v5 =	vsel vm9, $0x1, v2  }
0xfb: {  	(xrf0) =	vadd.scan.msk.s32 $0xffff, v5;
	_ =	sdelay $0x5  }
0xfc: {  	v5, _, _ =	vpop (xrf0)  }
0xfd: {  	(v2sf) =	vpush v5, $0xF;
	_ =	sdelay $0x2  }
0xfe: {  	v5 =	vld [tilespmem:s24+$0x10];
	_ =	sdelay $0x2  }
0xff: {  	s31 =	spop (v2sf)  }
0x100: {  	s25 =	sadd.s32 s25, s31  }
0x101: {  	[tilespmem:s25+$0x5000] =	vst.msk vm9, v5  }
0x102: {  	[tilespmem:s25+$0x7880] =	vst.msk vm9, v4  }
0x103: {  	v4 =	vld [tilespmem:s24+$0x2820];
	_ =	sdelay $0x1  }
0x104: {  	v5 =	vld [tilespmem:s24+$0x20];
	_ =	sdelay $0x2  }
0x105: {  	v4 =	vadd.s32 v0, v4;
	s28 =	spop (v2sf)  }
0x106: {  	s25 =	sadd.s32 s25, s28;
	vm10 =	vlt.u32 v4, $0x1388  }
0x107: {  	[tilespmem:s25+$0x5000] =	vst.msk vm10, v5;
	v5 =	vsel vm10, $0x1, v2  }
0x108: {  	[tilespmem:s25+$0x7880] =	vst.msk vm10, v4;
	(xrf0) =	vadd.scan.msk.s32 $0xffff, v5  }
0x109: {  	v4 =	vld [tilespmem:s24+$0x2830];
	_ =	sdelay $0x4  }
0x10a: {  	v4 =	vadd.s32 v0, v4;
	v5, _, _ =	vpop (xrf0)  }
0x10b: {  	vm11 =	vlt.u32 v4, $0x1388;
	(v2sf) =	vpush v5, $0xF  }
0x10c: {  	v5 =	vsel vm11, $0x1, v2  }
0x10d: {  	(xrf0) =	vadd.scan.msk.s32 $0xffff, v5;
	_ =	sdelay $0x5  }
0x10e: {  	v5, _, _ =	vpop (xrf0)  }
0x10f: {  	(v2sf) =	vpush v5, $0xF;
	_ =	sdelay $0x2  }
0x110: {  	v5 =	vld [tilespmem:s24+$0x30];
	_ =	sdelay $0x2  }
0x111: {  	s29 =	spop (v2sf)  }
0x112: {  	s25 =	sadd.s32 s25, s29  }
0x113: {  	[tilespmem:s25+$0x5000] =	vst.msk vm11, v5  }
0x114: {  	[tilespmem:s25+$0x7880] =	vst.msk vm11, v4  }
0x115: {  	v4 =	vld [tilespmem:s24+$0x2840];
	_ =	sdelay $0x1  }
0x116: {  	v5 =	vld [tilespmem:s24+$0x40];
	_ =	sdelay $0x2  }
0x117: {  	v4 =	vadd.s32 v0, v4;
	s30 =	spop (v2sf)  }
0x118: {  	s25 =	sadd.s32 s25, s30;
	vm12 =	vlt.u32 v4, $0x1388  }
0x119: {  	[tilespmem:s25+$0x5000] =	vst.msk vm12, v5;
	v5 =	vsel vm12, $0x1, v2  }
0x11a: {  	[tilespmem:s25+$0x7880] =	vst.msk vm12, v4;
	(xrf0) =	vadd.scan.msk.s32 $0xffff, v5  }
0x11b: {  	v4 =	vld [tilespmem:s24+$0x2850];
	_ =	sdelay $0x4  }
0x11c: {  	v4 =	vadd.s32 v0, v4;
	v5, _, _ =	vpop (xrf0)  }
0x11d: {  	vm13 =	vlt.u32 v4, $0x1388;
	(v2sf) =	vpush v5, $0xF  }
0x11e: {  	v5 =	vsel vm13, $0x1, v2  }
0x11f: {  	(xrf0) =	vadd.scan.msk.s32 $0xffff, v5;
	_ =	sdelay $0x5  }
0x120: {  	v5, _, _ =	vpop (xrf0)  }
0x121: {  	(v2sf) =	vpush v5, $0xF;
	_ =	sdelay $0x2  }
0x122: {  	v5 =	vld [tilespmem:s24+$0x50];
	_ =	sdelay $0x2  }
0x123: {  	s31 =	spop (v2sf)  }
0x124: {  	s25 =	sadd.s32 s25, s31  }
0x125: {  	[tilespmem:s25+$0x5000] =	vst.msk vm13, v5  }
0x126: {  	[tilespmem:s25+$0x7880] =	vst.msk vm13, v4  }
0x127: {  	v4 =	vld [tilespmem:s24+$0x2860];
	_ =	sdelay $0x1  }
0x128: {  	v5 =	vld [tilespmem:s24+$0x60];
	_ =	sdelay $0x2  }
0x129: {  	v4 =	vadd.s32 v0, v4;
	s28 =	spop (v2sf)  }
0x12a: {  	s25 =	sadd.s32 s25, s28;
	vm14 =	vlt.u32 v4, $0x1388  }
0x12b: {  	[tilespmem:s25+$0x5000] =	vst.msk vm14, v5  }
0x12c: {  	[tilespmem:s25+$0x7880] =	vst.msk vm14, v4  }
0x12d: {  	v4 =	vld [tilespmem:s24+$0x2870];
	_ =	sdelay $0x3  }
0x12e: {  	v5 =	vsel vm14, $0x1, v2  }
0x12f: {  	(xrf0) =	vadd.scan.msk.s32 $0xffff, v5;
	v4 =	vadd.s32 v0, v4  }
0x130: {  	vm15 =	vlt.u32 v4, $0x1388  }
0x131: {  	v5 =	vsel vm15, $0x1, v2  }
0x132: {  	(xrf0) =	vadd.scan.msk.s32 $0xffff, v5;
	_ =	sdelay $0x2  }
0x133: {  	v5, _, _ =	vpop (xrf0)  }
0x134: {  	(v2sf) =	vpush v5, $0xF;
	_ =	sdelay $0x1  }
0x135: {  	v5, _, _ =	vpop (xrf0)  }
0x136: {  	(v2sf) =	vpush v5, $0xF;
	_ =	sdelay $0x8  }
0x137: {  	v5 =	vld [tilespmem:s24+$0x70];
	_ =	sdelay $0x2  }
0x138: {  	s29 =	spop (v2sf)  }
0x139: {  	s24 =	sadd.s32 s25, s29  }
0x13a: {  	[tilespmem:s24+$0x5000] =	vst.msk vm15, v5  }
0x13b: {  	[tilespmem:s24+$0x7880] =	vst.msk vm15, v4;
	s30 =	spop (v2sf)  }
0x13c: {  	[hbm4b:s8+s17] =	stream.strided.scatter [tilespmem:s19], [sflag:$0x1], $0x2800, s18, s17, $0x38;
	[tilespmem:$0xBA00] =	vst v63  }
0x13d: {  	_ =	swait.ge [sflag:s14], $0x2800  }
0x13e: {  	[sflag:s14] =	ssyncset.done $0x0  }
0x13f: {  	[sflag:s14] =	ssyncadd.s32 $0xFFFFD800  }
0x140: {  	[hbm4b:s9+s17] =	stream.strided.scatter [tilespmem:s20], [sflag:$0x1], $0x2800, s18, s17, $0x38;
	[tilespmem:$0xBA00] =	vst v63  }
0x141: {  	s23 =	sadd.s32 $0x1, s23;
	_ =	swait.ge [sflag:s14], $0x2800  }
0x142: {  	p0 =	sne.s32 s23, s11;
	[sflag:s14] =	ssyncset.done $0x0  }
0x143: {  	s31 =	sshrl.u32 s4, $0x3;
	s24 =	sshll.u32 s0, $0x6;
	[sflag:s14] =	ssyncadd.s32 $0xFFFFD800  }
.Ltmp3:
0x144: {  	s24 =	sor.u32 $0x1C01, s24;
	[bflag:$0x0] =	sbarrier.arrive $0xFFFF;
	(pc) =	sbr.rel @p0 .LBB2_1-.Ltmp3, $4  }
0x145: {  	[hbm:s10@s21], [sflag:s24] =	dma.strided [spmem:s31@s22], $0x50, s14, $0x10   }
0x146: {  	_ =	swait.ge [sflag:s14], $0x50  }
0x147: {  	[sflag:s14] =	ssyncset.done $0x0  }
0x148: {  	[sflag:s14] =	ssyncadd.s32 $0xFFFFFFB0  }
0x149: {  	_ =	sfence.sel $0x180000  }
0x14a: {  	[bflag:$0x0] =	sbarrier.arrive $0xFFFF  }
0x14b: {  	p0 =	sne.s32 s0, $0x0;
	_ =	strace $0x90000047  }
0x14c: {  	s0 =	sadd.s32 @!p0 $0x100000, s1;
	[bflag:$0x2] =	sbarrier.arrive $0xFFFF  }
0x14d: {  	[sflag:s0] =	ssyncadd.tile.s32 @!p0 $0x1;
	_ =	shalt  }
.Lfunc_end2:
_tile_overlayer_lowered:
.L_overlay_start_2:
0x14e: {  	(tag) =	ssettag $0x2  }
0x14f: {  	s0 =	rddreg [dreg:$0x0];
	s2 =	stileid.u32  }
0x150: {  	s1 =	rddreg [dreg:$0x1];
	p0 =	sne.s32 s2, $0x0  }
0x151: {  	s3 =	rddreg [dreg:$0x2];
	[bflag:$0x3] =	sbarrier.arrive $0xFFFF;
	s2 =	simm.s32 @!p0 $0x1C01  }
0x152: {  	[timem:s3], [sflag:s2] =	dma.local @!p0 [hbm:s0], s1  }
0x153: {  	s0 =	simm.s32 @!p0 $0x1  }
0x154: {  	_ =	swait.ge @!p0 [sflag:s0], s1  }
0x155: {  	s1 =	ssub.s32 @!p0 $0x0, s1;
	[sflag:s0] =	ssyncset.done @!p0 $0x0  }
0x156: {  	[sflag:s0] =	ssyncadd.s32 @!p0 s1  }
0x157: {  	[bflag:$0x3] =	sbarrier.arrive $0xFFFF  }
0x158: {  	_ =	shalt  }

</sc_bundles>
